<compile_context>
chip_gen: v7x
topology: tpu7x:2x2x1
jax: 0.10.2.dev20260603
libtpu: 0.0.44.dev20260713+nightly
codegen_flags: <defaults>
</compile_context>

<pallas_src>
import functools

import jax
import jax.numpy as jnp
from jax import lax
from jax.experimental import pallas as pl
from jax.experimental.pallas import tpu as pltpu
from jax.experimental.pallas import tpu_sc as plsc

N = 10000
E = 320000
F = 128
D = 128

NC = 2
NS = 16
K = 128
ER = E // K
NPAD = 10240
SL = NPAD // NS


_ROWS1 = ER // NS
_EXTRA1 = ER - _ROWS1 * NS
_FD = 12


def _deg_body(dst_hbm, zvec_hbm, deg_out, idxb, ones_v, zv, deg_sh, sem):
    sid = lax.axis_index("s")

    pltpu.sync_copy(zvec_hbm, zv)
    pltpu.sync_copy(zv, deg_sh.at[pl.ds(sid * SL, SL)])

    for i in range(K // 16):
        ones_v[pl.ds(i * 16, 16)] = jnp.ones((16,), jnp.float32)

    pltpu.sync_copy(dst_hbm.at[pl.ds(sid * _ROWS1, _ROWS1)],
                    idxb.at[pl.ds(0, _ROWS1)])

    @pl.when(sid < _EXTRA1 // 2)
    def _():
        pltpu.sync_copy(dst_hbm.at[pl.ds(ER - _EXTRA1 + 2 * sid, 2)],
                        idxb.at[pl.ds(_ROWS1, 2)])

    plsc.subcore_barrier()

    def blk(t, _):
        descs = [
            pltpu.async_copy(ones_v, deg_sh.at[idxb.at[t * _FD + j, 0]], sem,
                             add=True)
            for j in range(_FD)
        ]
        for d in descs:
            d.wait()
        return ()

    lax.fori_loop(0, _ROWS1 // _FD, blk, (), unroll=False)

    @pl.when(sid < _EXTRA1 // 2)
    def _():
        pltpu.sync_copy(ones_v, deg_sh.at[idxb.at[_ROWS1, 0]], add=True)
        pltpu.sync_copy(ones_v, deg_sh.at[idxb.at[_ROWS1 + 1, 0]], add=True)

    plsc.subcore_barrier()

    pltpu.sync_copy(deg_sh.at[pl.ds(sid * SL, SL)], zv)
    pltpu.sync_copy(zv, deg_out.at[pl.ds(sid * SL, SL)])


@functools.cache
def _deg_kernel():
    return functools.partial(
        pl.kernel,
        out_type=jax.ShapeDtypeStruct((NPAD,), jnp.float32),
        mesh=plsc.VectorSubcoreMesh(
            core_axis_name="c", subcore_axis_name="s", num_cores=1),
        scratch_types=[
            pltpu.VMEM((_ROWS1 + 2, 1, K), jnp.int32),
            pltpu.VMEM((K,), jnp.float32),
            pltpu.VMEM((SL,), jnp.float32),
            pltpu.MemorySpace.VMEM_SHARED((NPAD,), jnp.float32),
            pltpu.SemaphoreType.DMA,
        ],
    )(_deg_body)



NW = NC * NS
_ROWS2 = ER // NW
_EXTRA2 = ER - _ROWS2 * NW
_BR = 26
_NB = _ROWS2 // _BR
_BP = _BR // 2


def _agg_body(src_hbm, dst_hbm, feat_hbm, deg_hbm, zvec_hbm, zrows_hbm,
              agg_out, c_out, idxs0, idxd0, idxs1, idxd1, idxsx, idxdx,
              rows0, rows1, degv0, degv1, wv0, wv1, zv, agg_sh, c_sh,
              gsem0, gsem1, dsem0, dsem1, ssem0, ssem1, csem0, csem1,
              ibsem0, ibsem1):
    cid = lax.axis_index("c")
    sid = lax.axis_index("s")
    wid = sid * NC + cid
    base = wid * _ROWS2

    pltpu.sync_copy(src_hbm.at[pl.ds(base, _BR)], idxs0)
    pltpu.sync_copy(dst_hbm.at[pl.ds(base, _BR)], idxd0)
    pltpu.async_copy(feat_hbm.at[idxs0.at[0, 0]], rows0, gsem0)
    pltpu.async_copy(deg_hbm.at[idxd0.at[0, 0]], degv0, dsem0)
    pltpu.async_copy(src_hbm.at[pl.ds(base + _BR, _BR)], idxs1, ibsem1)
    pltpu.async_copy(dst_hbm.at[pl.ds(base + _BR, _BR)], idxd1, ibsem1)

    @pl.when(wid < _EXTRA2 // 2)
    def _():
        pltpu.sync_copy(src_hbm.at[pl.ds(ER - _EXTRA2 + 2 * wid, 2)], idxsx)
        pltpu.sync_copy(dst_hbm.at[pl.ds(ER - _EXTRA2 + 2 * wid, 2)], idxdx)

    pltpu.sync_copy(zrows_hbm, rows1)
    for k in range(SL // K):
        pltpu.sync_copy(rows1, agg_sh.at[pl.ds(sid * SL + k * K, K)])
    pltpu.sync_copy(zvec_hbm, zv)
    pltpu.sync_copy(zv, c_sh.at[pl.ds(sid * SL, SL)])

    plsc.subcore_barrier()

    def recip(degv, wv):
        for i in range(K // 16):
            dv = degv[pl.ds(i * 16, 16)]
            wv[pl.ds(i * 16, 16)] = 1.0 / jnp.maximum(dv, 1.0)

    def wait_g(rows_v, gsem):
        pltpu.make_async_copy(feat_hbm.at[pl.ds(0, K)], rows_v, gsem).wait()

    def wait_d(degv, dsem):
        pltpu.make_async_copy(deg_hbm.at[pl.ds(0, K)], degv, dsem).wait()

    def wait_s(rows_v, ssem):
        pltpu.make_async_copy(rows_v, agg_sh.at[pl.ds(0, K)], ssem).wait()

    def wait_c(wv, csem):
        pltpu.make_async_copy(wv, c_sh.at[pl.ds(0, K)], csem).wait()

    def wait_ib(idxs_b, idxd_b, ibsem):
        pltpu.make_async_copy(src_hbm.at[pl.ds(0, _BR)], idxs_b, ibsem).wait()
        pltpu.make_async_copy(dst_hbm.at[pl.ds(0, _BR)], idxd_b, ibsem).wait()

    def run_block(idxs_b, idxd_b, prologue=True):
        def g_start(slot, rows_v, gsem, degv, dsem):
            pltpu.async_copy(feat_hbm.at[idxs_b.at[slot, 0]], rows_v, gsem)
            pltpu.async_copy(deg_hbm.at[idxd_b.at[slot, 0]], degv, dsem)

        if prologue:
            g_start(0, rows0, gsem0, degv0, dsem0)

        def step(t, _):
            a = 2 * t
            b = a + 1
            wait_g(rows0, gsem0)

            @pl.when(t > 0)
            def _():
                wait_s(rows1, ssem1)

            g_start(b, rows1, gsem1, degv1, dsem1)
            pltpu.async_copy(rows0, agg_sh.at[idxd_b.at[a, 0]], ssem0,
                             add=True)
            wait_d(degv0, dsem0)

            @pl.when(t > 0)
            def _():
                wait_c(wv0, csem0)

            recip(degv0, wv0)
            pltpu.async_copy(wv0, c_sh.at[idxs_b.at[a, 0]], csem0, add=True)

            wait_g(rows1, gsem1)
            wait_s(rows0, ssem0)

            @pl.when(t < _BP - 1)
            def _():
                g_start(a + 2, rows0, gsem0, degv0, dsem0)

            pltpu.async_copy(rows1, agg_sh.at[idxd_b.at[b, 0]], ssem1,
                             add=True)
            wait_d(degv1, dsem1)

            @pl.when(t > 0)
            def _():
                wait_c(wv1, csem1)

            recip(degv1, wv1)
            pltpu.async_copy(wv1, c_sh.at[idxs_b.at[b, 0]], csem1, add=True)
            return ()

        lax.fori_loop(0, _BP, step, (), unroll=False)
        wait_s(rows1, ssem1)
        wait_c(wv0, csem0)
        wait_c(wv1, csem1)

    run_block(idxs0, idxd0, prologue=False)
    pltpu.async_copy(src_hbm.at[pl.ds(base + 2 * _BR, _BR)], idxs0, ibsem0)
    pltpu.async_copy(dst_hbm.at[pl.ds(base + 2 * _BR, _BR)], idxd0, ibsem0)
    wait_ib(idxs1, idxd1, ibsem1)
    run_block(idxs1, idxd1)
    wait_ib(idxs0, idxd0, ibsem0)
    run_block(idxs0, idxd0)

    @pl.when(wid < _EXTRA2 // 2)
    def _():
        for r in range(2):
            pltpu.async_copy(feat_hbm.at[idxsx.at[r, 0]], rows0, gsem0)
            pltpu.async_copy(deg_hbm.at[idxdx.at[r, 0]], degv0, dsem0)
            wait_g(rows0, gsem0)
            pltpu.sync_copy(rows0, agg_sh.at[idxdx.at[r, 0]], add=True)
            wait_d(degv0, dsem0)
            recip(degv0, wv0)
            pltpu.sync_copy(wv0, c_sh.at[idxsx.at[r, 0]], add=True)

    plsc.subcore_barrier()

    for k in range(SL // K):
        pltpu.sync_copy(agg_sh.at[pl.ds(sid * SL + k * K, K)], rows0)
        pltpu.sync_copy(rows0, agg_out.at[cid, pl.ds(sid * SL + k * K, K)])
    pltpu.sync_copy(c_sh.at[pl.ds(sid * SL, SL)], zv)
    pltpu.sync_copy(zv, c_out.at[pl.ds(cid * NPAD + sid * SL, SL)])


@functools.cache
def _agg_kernel():
    return functools.partial(
        pl.kernel,
        out_type=[
            jax.ShapeDtypeStruct((NC, NPAD, F), jnp.float32),
            jax.ShapeDtypeStruct((NC * NPAD,), jnp.float32),
        ],
        mesh=plsc.VectorSubcoreMesh(core_axis_name="c", subcore_axis_name="s"),
        scratch_types=[
            pltpu.VMEM((_BR, 1, K), jnp.int32),
            pltpu.VMEM((_BR, 1, K), jnp.int32),
            pltpu.VMEM((_BR, 1, K), jnp.int32),
            pltpu.VMEM((_BR, 1, K), jnp.int32),
            pltpu.VMEM((2, 1, K), jnp.int32),
            pltpu.VMEM((2, 1, K), jnp.int32),
            pltpu.VMEM((K, F), jnp.float32),
            pltpu.VMEM((K, F), jnp.float32),
            pltpu.VMEM((K,), jnp.float32),
            pltpu.VMEM((K,), jnp.float32),
            pltpu.VMEM((K,), jnp.float32),
            pltpu.VMEM((K,), jnp.float32),
            pltpu.VMEM((SL,), jnp.float32),
            pltpu.MemorySpace.VMEM_SHARED((NPAD, F), jnp.float32),
            pltpu.MemorySpace.VMEM_SHARED((NPAD,), jnp.float32),
            pltpu.SemaphoreType.DMA,
            pltpu.SemaphoreType.DMA,
            pltpu.SemaphoreType.DMA,
            pltpu.SemaphoreType.DMA,
            pltpu.SemaphoreType.DMA,
            pltpu.SemaphoreType.DMA,
            pltpu.SemaphoreType.DMA,
            pltpu.SemaphoreType.DMA,
            pltpu.SemaphoreType.DMA,
            pltpu.SemaphoreType.DMA,
        ],
    )(_agg_body)



BN = 1024
GN = NPAD // BN


def _tc_body(feat, aggp, deg2, cp0, cp1, w1s, w1n, w2s, w2n, wfc, out, s0, s1):
    i = pl.program_id(0)

    @pl.when(i == 0)
    def _():
        s0[...] = jnp.zeros_like(s0)
        s1[...] = jnp.zeros_like(s1)

    agg = aggp[0] + aggp[1]
    deg = jnp.maximum(deg2[...], 1.0)
    h = agg / deg
    x1 = jnp.maximum(
        jnp.dot(feat[...], w1s[...], preferred_element_type=jnp.float32)
        + jnp.dot(h, w1n[...], preferred_element_type=jnp.float32), 0.0)
    cv = cp0[...] + cp1[...]
    s0[...] += jnp.sum(x1, axis=0, keepdims=True)
    s1[...] += jnp.dot(cv, x1, preferred_element_type=jnp.float32)

    @pl.when(i == GN - 1)
    def _():
        g = (jnp.dot(s0[...], w2s[...], preferred_element_type=jnp.float32)
             + jnp.dot(s1[...], w2n[...], preferred_element_type=jnp.float32)
             ) * (1.0 / N)
        out[...] = jax.nn.sigmoid(
            jnp.dot(g, wfc[...], preferred_element_type=jnp.float32))


_tc_kernel = pl.pallas_call(
    _tc_body,
    grid=(GN,),
    in_specs=[
        pl.BlockSpec((BN, F), lambda i: (i, 0)),
        pl.BlockSpec((NC, BN, F), lambda i: (0, i, 0)),
        pl.BlockSpec((BN, 1), lambda i: (i, 0)),
        pl.BlockSpec((1, BN), lambda i: (0, i)),
        pl.BlockSpec((1, BN), lambda i: (0, i)),
        pl.BlockSpec((F, D), lambda i: (0, 0)),
        pl.BlockSpec((F, D), lambda i: (0, 0)),
        pl.BlockSpec((D, D), lambda i: (0, 0)),
        pl.BlockSpec((D, D), lambda i: (0, 0)),
        pl.BlockSpec((D, 1), lambda i: (0, 0)),
    ],
    out_specs=pl.BlockSpec((1, 1), lambda i: (0, 0)),
    out_shape=jax.ShapeDtypeStruct((1, 1), jnp.float32),
    scratch_shapes=[
        pltpu.VMEM((1, D), jnp.float32),
        pltpu.VMEM((1, D), jnp.float32),
    ],
)


def kernel(features, edge_index, W1_self, W1_neigh, W2_self, W2_neigh, W_fc):
    src2 = edge_index[0].reshape(ER, 1, K)
    dst2 = edge_index[1].reshape(ER, 1, K)
    zvec = jnp.zeros((SL,), jnp.float32)
    zrows = jnp.zeros((K, F), jnp.float32)

    deg = _deg_kernel()(dst2, zvec)
    aggp, cp = _agg_kernel()(src2, dst2, features, deg, zvec, zrows)

    featp = jnp.zeros((NPAD, F), jnp.float32).at[:N].set(features)
    deg2 = deg.reshape(NPAD, 1)
    cp0 = cp[:NPAD].reshape(1, NPAD)
    cp1 = cp[NPAD:].reshape(1, NPAD)
    return _tc_kernel(featp, aggp, deg2, cp0, cp1,
                      W1_self, W1_neigh, W2_self, W2_neigh, W_fc)

# --- scband reference (transcript-rebuilt; emitter-appended) ---
"""Pipeline reference for scband-net-graph-sage-74801150427783 (READ-ONLY COPY).

The authoritative reference and input builder live on the scoring server;
editing this copy changes nothing except your own understanding.
"""

import jax, jax.numpy as jnp
import numpy as np

N, E, F, D = 10000, 320000, 128, 128

def setup_inputs(seed: int = 0) -> dict:
    key = jax.random.key(seed)
    ks = jax.random.split(key, 8)
    features = jax.random.normal(ks[0], (N, F), dtype=jnp.float32)
    edge_index = jax.random.randint(ks[1], (2, E), 0, N, dtype=jnp.int32)
    s = lambda fan_in: 1.0 / np.sqrt(fan_in)
    W1_self = jax.random.normal(ks[2], (F, D), dtype=jnp.float32) * s(F)
    W1_neigh = jax.random.normal(ks[3], (F, D), dtype=jnp.float32) * s(F)
    W2_self = jax.random.normal(ks[4], (D, D), dtype=jnp.float32) * s(D)
    W2_neigh = jax.random.normal(ks[5], (D, D), dtype=jnp.float32) * s(D)
    W_fc = jax.random.normal(ks[6], (D, 1), dtype=jnp.float32) * s(D)
    return {"features": features, "edge_index": edge_index,
            "W1_self": W1_self, "W1_neigh": W1_neigh,
            "W2_self": W2_self, "W2_neigh": W2_neigh, "W_fc": W_fc}

def _sage_conv(x, src, dst, W_self, W_neigh, n_nodes):
    # DGL SAGEConv, aggregator_type='mean', bias=False:
    # h_neigh[v] = mean over incoming edges of x[src]; out = x @ W_self + h_neigh @ W_neigh
    deg = jnp.zeros((n_nodes,), dtype=x.dtype).at[dst].add(1.0)
    agg = jnp.zeros((n_nodes, x.shape[1]), dtype=x.dtype).at[dst].add(jnp.take(x, src, axis=0))
    h_neigh = agg / jnp.maximum(deg, 1.0)[:, None]
    return x @ W_self + h_neigh @ W_neigh

def reference(features, edge_index, W1_self, W1_neigh, W2_self, W2_neigh, W_fc):
    src = edge_index[0]
    dst = edge_index[1]
    n_nodes = features.shape[0]
    x = jax.nn.relu(_sage_conv(features, src, dst, W1_self, W1_neigh, n_nodes))
    x = _sage_conv(x, src, dst, W2_self, W2_neigh, n_nodes)
    # dgl.mean_nodes over a single graph -> mean over all nodes -> [1, D]
    g = jnp.mean(x, axis=0, keepdims=True)
    out = jax.nn.sigmoid(g @ W_fc)
    return out

if __name__ == "__main__":
    import jax
    _d = setup_inputs()
    print(jax.jit(kernel)(*tuple(_d.values())))

</pallas_src>

<mosaic_0001>
#map = affine_map<(d0, d1) -> (0, 0, 0)>
#map1 = affine_map<(d0, d1) -> (0)>
module attributes {stable_mosaic.version = 14 : i64} {
  func.func @_deg_body(%arg0: i32, %arg1: i32, %arg2: memref<2500x1x128xi32, #tpu.memory_space<hbm>>, %arg3: memref<640xf32, #tpu.memory_space<hbm>>, %arg4: memref<10240xf32, #tpu.memory_space<hbm>>, %arg5: memref<158x1x128xi32, #tpu.memory_space<vmem>>, %arg6: memref<128xf32, #tpu.memory_space<vmem>>, %arg7: memref<640xf32, #tpu.memory_space<vmem>>, %arg8: memref<10240xf32, #tpu.memory_space<vmem_shared>>, %arg9: memref<!tpu.dma_semaphore, #tpu.memory_space<semaphore_mem>>) attributes {dimension_semantics = [#tpu.dimension_semantics<core_parallel>, #tpu.dimension_semantics<subcore_parallel>], iteration_bounds = array<i64: 1, 16>, scalar_prefetch = 0 : i64, scratch_operands = 5 : i64, tpu.core_type = #tpu.core_type<sc_vector_subcore>, window_params = [{transform_indices = #map}, {transform_indices = #map1}, {transform_indices = #map1}]} {
    "tpu.region"() ({
      %run_scoped3A = tpu.sem_alloc : memref<!tpu.dma_semaphore, #tpu.memory_space<semaphore_mem>>
      tpu.enqueue_dma source(%arg3 : memref<640xf32, #tpu.memory_space<hbm>>) target(%arg7 : memref<640xf32, #tpu.memory_space<vmem>>) target_semaphore(%run_scoped3A : memref<!tpu.dma_semaphore, #tpu.memory_space<semaphore_mem>>)
      tpu.wait_dma2 semaphore(%run_scoped3A : memref<!tpu.dma_semaphore, #tpu.memory_space<semaphore_mem>>) src(%arg3 : memref<640xf32, #tpu.memory_space<hbm>>) dst(%arg7 : memref<640xf32, #tpu.memory_space<vmem>>)
      tpu.yield
    }) : () -> ()
    %mul3A = arith.constant 640 : i32
    %mul3A_0 = arith.muli %arg1, %mul3A : i32
    "tpu.region"() ({
      %run_scoped3A = tpu.sem_alloc : memref<!tpu.dma_semaphore, #tpu.memory_space<semaphore_mem>>
      %dma_start3A = tpu.memref_slice %arg8[%mul3A_0] : memref<10240xf32, #tpu.memory_space<vmem_shared>> -> memref<640xf32, #tpu.memory_space<vmem_shared>>
      %dma_start3A_65 = tpu.memref_slice %arg8[%mul3A_0] : memref<10240xf32, #tpu.memory_space<vmem_shared>> -> memref<640xf32, #tpu.memory_space<vmem_shared>>
      tpu.enqueue_dma source(%arg7 : memref<640xf32, #tpu.memory_space<vmem>>) target(%dma_start3A_65 : memref<640xf32, #tpu.memory_space<vmem_shared>>) target_semaphore(%run_scoped3A : memref<!tpu.dma_semaphore, #tpu.memory_space<semaphore_mem>>)
      %dma_wait3A = tpu.memref_slice %arg8[%mul3A_0] : memref<10240xf32, #tpu.memory_space<vmem_shared>> -> memref<640xf32, #tpu.memory_space<vmem_shared>>
      %dma_wait3A_66 = tpu.memref_slice %arg8[%mul3A_0] : memref<10240xf32, #tpu.memory_space<vmem_shared>> -> memref<640xf32, #tpu.memory_space<vmem_shared>>
      tpu.wait_dma2 semaphore(%run_scoped3A : memref<!tpu.dma_semaphore, #tpu.memory_space<semaphore_mem>>) src(%arg7 : memref<640xf32, #tpu.memory_space<vmem>>) dst(%dma_wait3A_66 : memref<640xf32, #tpu.memory_space<vmem_shared>>)
      tpu.yield
    }) : () -> ()
    %broadcast_in_dim3A = arith.constant 1.000000e+00 : f32
    %broadcast_in_dim3A_1 = vector.broadcast %broadcast_in_dim3A : f32 to vector<16xf32>
    %swap3A = arith.constant 0 : index
    %swap3A_2 = tpu.vector_load %arg6[%swap3A] {strides = array<i32>} : memref<128xf32, #tpu.memory_space<vmem>>, vector<16xf32>,
    %swap3A_3 = vector.shape_cast %swap3A_2 : vector<16xf32> to vector<16xf32>
    %swap3A_4 = vector.shape_cast %broadcast_in_dim3A_1 : vector<16xf32> to vector<16xf32>
    tpu.vector_store %arg6[%swap3A], %swap3A_4 {strides = array<i32>} : memref<128xf32, #tpu.memory_space<vmem>>, vector<16xf32>,
    %broadcast_in_dim3A_5 = arith.constant 1.000000e+00 : f32
    %broadcast_in_dim3A_6 = vector.broadcast %broadcast_in_dim3A_5 : f32 to vector<16xf32>
    %swap3A_7 = arith.constant 16 : index
    %swap3A_8 = tpu.vector_load %arg6[%swap3A_7] {strides = array<i32>} : memref<128xf32, #tpu.memory_space<vmem>>, vector<16xf32>,
    %swap3A_9 = vector.shape_cast %swap3A_8 : vector<16xf32> to vector<16xf32>
    %swap3A_10 = vector.shape_cast %broadcast_in_dim3A_6 : vector<16xf32> to vector<16xf32>
    tpu.vector_store %arg6[%swap3A_7], %swap3A_10 {strides = array<i32>} : memref<128xf32, #tpu.memory_space<vmem>>, vector<16xf32>,
    %broadcast_in_dim3A_11 = arith.constant 1.000000e+00 : f32
    %broadcast_in_dim3A_12 = vector.broadcast %broadcast_in_dim3A_11 : f32 to vector<16xf32>
    %swap3A_13 = arith.constant 32 : index
    %swap3A_14 = tpu.vector_load %arg6[%swap3A_13] {strides = array<i32>} : memref<128xf32, #tpu.memory_space<vmem>>, vector<16xf32>,
    %swap3A_15 = vector.shape_cast %swap3A_14 : vector<16xf32> to vector<16xf32>
    %swap3A_16 = vector.shape_cast %broadcast_in_dim3A_12 : vector<16xf32> to vector<16xf32>
    tpu.vector_store %arg6[%swap3A_13], %swap3A_16 {strides = array<i32>} : memref<128xf32, #tpu.memory_space<vmem>>, vector<16xf32>,
    %broadcast_in_dim3A_17 = arith.constant 1.000000e+00 : f32
    %broadcast_in_dim3A_18 = vector.broadcast %broadcast_in_dim3A_17 : f32 to vector<16xf32>
    %swap3A_19 = arith.constant 48 : index
    %swap3A_20 = tpu.vector_load %arg6[%swap3A_19] {strides = array<i32>} : memref<128xf32, #tpu.memory_space<vmem>>, vector<16xf32>,
    %swap3A_21 = vector.shape_cast %swap3A_20 : vector<16xf32> to vector<16xf32>
    %swap3A_22 = vector.shape_cast %broadcast_in_dim3A_18 : vector<16xf32> to vector<16xf32>
    tpu.vector_store %arg6[%swap3A_19], %swap3A_22 {strides = array<i32>} : memref<128xf32, #tpu.memory_space<vmem>>, vector<16xf32>,
    %broadcast_in_dim3A_23 = arith.constant 1.000000e+00 : f32
    %broadcast_in_dim3A_24 = vector.broadcast %broadcast_in_dim3A_23 : f32 to vector<16xf32>
    %swap3A_25 = arith.constant 64 : index
    %swap3A_26 = tpu.vector_load %arg6[%swap3A_25] {strides = array<i32>} : memref<128xf32, #tpu.memory_space<vmem>>, vector<16xf32>,
    %swap3A_27 = vector.shape_cast %swap3A_26 : vector<16xf32> to vector<16xf32>
    %swap3A_28 = vector.shape_cast %broadcast_in_dim3A_24 : vector<16xf32> to vector<16xf32>
    tpu.vector_store %arg6[%swap3A_25], %swap3A_28 {strides = array<i32>} : memref<128xf32, #tpu.memory_space<vmem>>, vector<16xf32>,
    %broadcast_in_dim3A_29 = arith.constant 1.000000e+00 : f32
    %broadcast_in_dim3A_30 = vector.broadcast %broadcast_in_dim3A_29 : f32 to vector<16xf32>
    %swap3A_31 = arith.constant 80 : index
    %swap3A_32 = tpu.vector_load %arg6[%swap3A_31] {strides = array<i32>} : memref<128xf32, #tpu.memory_space<vmem>>, vector<16xf32>,
    %swap3A_33 = vector.shape_cast %swap3A_32 : vector<16xf32> to vector<16xf32>
    %swap3A_34 = vector.shape_cast %broadcast_in_dim3A_30 : vector<16xf32> to vector<16xf32>
    tpu.vector_store %arg6[%swap3A_31], %swap3A_34 {strides = array<i32>} : memref<128xf32, #tpu.memory_space<vmem>>, vector<16xf32>,
    %broadcast_in_dim3A_35 = arith.constant 1.000000e+00 : f32
    %broadcast_in_dim3A_36 = vector.broadcast %broadcast_in_dim3A_35 : f32 to vector<16xf32>
    %swap3A_37 = arith.constant 96 : index
    %swap3A_38 = tpu.vector_load %arg6[%swap3A_37] {strides = array<i32>} : memref<128xf32, #tpu.memory_space<vmem>>, vector<16xf32>,
    %swap3A_39 = vector.shape_cast %swap3A_38 : vector<16xf32> to vector<16xf32>
    %swap3A_40 = vector.shape_cast %broadcast_in_dim3A_36 : vector<16xf32> to vector<16xf32>
    tpu.vector_store %arg6[%swap3A_37], %swap3A_40 {strides = array<i32>} : memref<128xf32, #tpu.memory_space<vmem>>, vector<16xf32>,
    %broadcast_in_dim3A_41 = arith.constant 1.000000e+00 : f32
    %broadcast_in_dim3A_42 = vector.broadcast %broadcast_in_dim3A_41 : f32 to vector<16xf32>
    %swap3A_43 = arith.constant 112 : index
    %swap3A_44 = tpu.vector_load %arg6[%swap3A_43] {strides = array<i32>} : memref<128xf32, #tpu.memory_space<vmem>>, vector<16xf32>,
    %swap3A_45 = vector.shape_cast %swap3A_44 : vector<16xf32> to vector<16xf32>
    %swap3A_46 = vector.shape_cast %broadcast_in_dim3A_42 : vector<16xf32> to vector<16xf32>
    tpu.vector_store %arg6[%swap3A_43], %swap3A_46 {strides = array<i32>} : memref<128xf32, #tpu.memory_space<vmem>>, vector<16xf32>,
    %mul3A_47 = arith.constant 156 : i32
    %mul3A_48 = arith.muli %arg1, %mul3A_47 : i32
    "tpu.region"() ({
      %run_scoped3A = tpu.sem_alloc : memref<!tpu.dma_semaphore, #tpu.memory_space<semaphore_mem>>
      %dma_start3A = arith.constant 0 : i32
      %dma_start3A_65 = arith.constant 0 : i32
      %dma_start3A_66 = arith.constant 0 : i32
      %dma_start3A_67 = tpu.memref_slice %arg5[%dma_start3A, %dma_start3A_65, %dma_start3A_66] : memref<158x1x128xi32, #tpu.memory_space<vmem>> -> memref<156x1x128xi32, #tpu.memory_space<vmem>>
      %dma_start3A_68 = arith.constant 0 : i32
      %dma_start3A_69 = arith.constant 0 : i32
      %dma_start3A_70 = tpu.memref_slice %arg2[%mul3A_48, %dma_start3A_68, %dma_start3A_69] : memref<2500x1x128xi32, #tpu.memory_space<hbm>> -> memref<156x1x128xi32, #tpu.memory_space<hbm>>
      %dma_start3A_71 = arith.constant 0 : i32
      %dma_start3A_72 = arith.constant 0 : i32
      %dma_start3A_73 = arith.constant 0 : i32
      %dma_start3A_74 = tpu.memref_slice %arg5[%dma_start3A_71, %dma_start3A_72, %dma_start3A_73] : memref<158x1x128xi32, #tpu.memory_space<vmem>> -> memref<156x1x128xi32, #tpu.memory_space<vmem>>
      %dma_start3A_75 = arith.constant 0 : i32
      %dma_start3A_76 = arith.constant 0 : i32
      %dma_start3A_77 = tpu.memref_slice %arg2[%mul3A_48, %dma_start3A_75, %dma_start3A_76] : memref<2500x1x128xi32, #tpu.memory_space<hbm>> -> memref<156x1x128xi32, #tpu.memory_space<hbm>>
      tpu.enqueue_dma source(%dma_start3A_77 : memref<156x1x128xi32, #tpu.memory_space<hbm>>) target(%dma_start3A_74 : memref<156x1x128xi32, #tpu.memory_space<vmem>>) target_semaphore(%run_scoped3A : memref<!tpu.dma_semaphore, #tpu.memory_space<semaphore_mem>>)
      %dma_wait3A = arith.constant 0 : i32
      %dma_wait3A_78 = arith.constant 0 : i32
      %dma_wait3A_79 = arith.constant 0 : i32
      %dma_wait3A_80 = tpu.memref_slice %arg5[%dma_wait3A, %dma_wait3A_78, %dma_wait3A_79] : memref<158x1x128xi32, #tpu.memory_space<vmem>> -> memref<156x1x128xi32, #tpu.memory_space<vmem>>
      %dma_wait3A_81 = arith.constant 0 : i32
      %dma_wait3A_82 = arith.constant 0 : i32
      %dma_wait3A_83 = tpu.memref_slice %arg2[%mul3A_48, %dma_wait3A_81, %dma_wait3A_82] : memref<2500x1x128xi32, #tpu.memory_space<hbm>> -> memref<156x1x128xi32, #tpu.memory_space<hbm>>
      %dma_wait3A_84 = arith.constant 0 : i32
      %dma_wait3A_85 = arith.constant 0 : i32
      %dma_wait3A_86 = arith.constant 0 : i32
      %dma_wait3A_87 = tpu.memref_slice %arg5[%dma_wait3A_84, %dma_wait3A_85, %dma_wait3A_86] : memref<158x1x128xi32, #tpu.memory_space<vmem>> -> memref<156x1x128xi32, #tpu.memory_space<vmem>>
      %dma_wait3A_88 = arith.constant 0 : i32
      %dma_wait3A_89 = arith.constant 0 : i32
      %dma_wait3A_90 = tpu.memref_slice %arg2[%mul3A_48, %dma_wait3A_88, %dma_wait3A_89] : memref<2500x1x128xi32, #tpu.memory_space<hbm>> -> memref<156x1x128xi32, #tpu.memory_space<hbm>>
      tpu.wait_dma2 semaphore(%run_scoped3A : memref<!tpu.dma_semaphore, #tpu.memory_space<semaphore_mem>>) src(%dma_wait3A_90 : memref<156x1x128xi32, #tpu.memory_space<hbm>>) dst(%dma_wait3A_87 : memref<156x1x128xi32, #tpu.memory_space<vmem>>)
      tpu.yield
    }) : () -> ()
    %lt3A = arith.constant 2 : i32
    %lt3A_49 = arith.cmpi slt, %arg1, %lt3A : i32
    %convert_element_type3A = arith.extui %lt3A_49 : i1 to i32
    %cond3A = arith.constant 0 : i32
    %cond3A_50 = arith.cmpi ne, %convert_element_type3A, %cond3A : i32
    scf.if %cond3A_50 {
      %mul3A_65 = arith.constant 2 : i32
      %mul3A_66 = arith.muli %mul3A_65, %arg1 : i32
      %add3A = arith.constant 2496 : i32
      %add3A_67 = arith.addi %add3A, %mul3A_66 : i32
      "tpu.region"() ({
        %run_scoped3A = tpu.sem_alloc : memref<!tpu.dma_semaphore, #tpu.memory_space<semaphore_mem>>
        %dma_start3A = arith.constant 156 : i32
        %dma_start3A_68 = arith.constant 0 : i32
        %dma_start3A_69 = arith.constant 0 : i32
        %dma_start3A_70 = tpu.memref_slice %arg5[%dma_start3A, %dma_start3A_68, %dma_start3A_69] : memref<158x1x128xi32, #tpu.memory_space<vmem>> -> memref<2x1x128xi32, #tpu.memory_space<vmem>>
        %dma_start3A_71 = arith.constant 0 : i32
        %dma_start3A_72 = arith.constant 0 : i32
        %dma_start3A_73 = tpu.memref_slice %arg2[%add3A_67, %dma_start3A_71, %dma_start3A_72] : memref<2500x1x128xi32, #tpu.memory_space<hbm>> -> memref<2x1x128xi32, #tpu.memory_space<hbm>>
        %dma_start3A_74 = arith.constant 156 : i32
        %dma_start3A_75 = arith.constant 0 : i32
        %dma_start3A_76 = arith.constant 0 : i32
        %dma_start3A_77 = tpu.memref_slice %arg5[%dma_start3A_74, %dma_start3A_75, %dma_start3A_76] : memref<158x1x128xi32, #tpu.memory_space<vmem>> -> memref<2x1x128xi32, #tpu.memory_space<vmem>>
        %dma_start3A_78 = arith.constant 0 : i32
        %dma_start3A_79 = arith.constant 0 : i32
        %dma_start3A_80 = tpu.memref_slice %arg2[%add3A_67, %dma_start3A_78, %dma_start3A_79] : memref<2500x1x128xi32, #tpu.memory_space<hbm>> -> memref<2x1x128xi32, #tpu.memory_space<hbm>>
        tpu.enqueue_dma source(%dma_start3A_80 : memref<2x1x128xi32, #tpu.memory_space<hbm>>) target(%dma_start3A_77 : memref<2x1x128xi32, #tpu.memory_space<vmem>>) target_semaphore(%run_scoped3A : memref<!tpu.dma_semaphore, #tpu.memory_space<semaphore_mem>>)
        %dma_wait3A = arith.constant 156 : i32
        %dma_wait3A_81 = arith.constant 0 : i32
        %dma_wait3A_82 = arith.constant 0 : i32
        %dma_wait3A_83 = tpu.memref_slice %arg5[%dma_wait3A, %dma_wait3A_81, %dma_wait3A_82] : memref<158x1x128xi32, #tpu.memory_space<vmem>> -> memref<2x1x128xi32, #tpu.memory_space<vmem>>
        %dma_wait3A_84 = arith.constant 0 : i32
        %dma_wait3A_85 = arith.constant 0 : i32
        %dma_wait3A_86 = tpu.memref_slice %arg2[%add3A_67, %dma_wait3A_84, %dma_wait3A_85] : memref<2500x1x128xi32, #tpu.memory_space<hbm>> -> memref<2x1x128xi32, #tpu.memory_space<hbm>>
        %dma_wait3A_87 = arith.constant 156 : i32
        %dma_wait3A_88 = arith.constant 0 : i32
        %dma_wait3A_89 = arith.constant 0 : i32
        %dma_wait3A_90 = tpu.memref_slice %arg5[%dma_wait3A_87, %dma_wait3A_88, %dma_wait3A_89] : memref<158x1x128xi32, #tpu.memory_space<vmem>> -> memref<2x1x128xi32, #tpu.memory_space<vmem>>
        %dma_wait3A_91 = arith.constant 0 : i32
        %dma_wait3A_92 = arith.constant 0 : i32
        %dma_wait3A_93 = tpu.memref_slice %arg2[%add3A_67, %dma_wait3A_91, %dma_wait3A_92] : memref<2500x1x128xi32, #tpu.memory_space<hbm>> -> memref<2x1x128xi32, #tpu.memory_space<hbm>>
        tpu.wait_dma2 semaphore(%run_scoped3A : memref<!tpu.dma_semaphore, #tpu.memory_space<semaphore_mem>>) src(%dma_wait3A_93 : memref<2x1x128xi32, #tpu.memory_space<hbm>>) dst(%dma_wait3A_90 : memref<2x1x128xi32, #tpu.memory_space<vmem>>)
        tpu.yield
      }) : () -> ()
    } else {
    }
    %barrier3A = arith.constant 0 : index
    tpu.barrier barrier_id(%barrier3A)
    %scan3A = arith.constant 0 : i32
    %scan3A_51 = arith.constant 13 : i32
    %scan3A_52 = arith.addi %scan3A, %scan3A_51 : i32
    %scan3A_53 = arith.constant 1 : i32
    scf.for %scan3A_65 = %scan3A to %scan3A_52 step %scan3A_53  : i32 {
      %mul3A_66 = arith.constant 12 : i32
      %mul3A_67 = arith.muli %scan3A_65, %mul3A_66 : i32
      %add3A = arith.constant 0 : i32
      %add3A_68 = arith.addi %mul3A_67, %add3A : i32
      %dma_start3A = arith.constant 0 : i32
      %dma_start3A_69 = arith.constant 0 : i32
      %dma_start3A_70 = tpu.memref_slice %arg5[%add3A_68, %dma_start3A, %dma_start3A_69] : memref<158x1x128xi32, #tpu.memory_space<vmem>> -> memref<1x1x128xi32, #tpu.memory_space<vmem>>
      %dma_start3A_71 = tpu.memref_squeeze %dma_start3A_70 : memref<1x1x128xi32, #tpu.memory_space<vmem>> -> memref<128xi32, #tpu.memory_space<vmem>>
      %dma_start3A_72 = arith.constant 0 : i32
      %dma_start3A_73 = tpu.memref_slice %arg8[%dma_start3A_72] : memref<10240xf32, #tpu.memory_space<vmem_shared>> -> memref<10240xf32, #tpu.memory_space<vmem_shared>>
      tpu.enqueue_indirect_dma source(%arg6 : memref<128xf32, #tpu.memory_space<vmem>>) target(%dma_start3A_73 : memref<10240xf32, #tpu.memory_space<vmem_shared>>) offsets(%dma_start3A_71 : memref<128xi32, #tpu.memory_space<vmem>>) semaphore(%arg9 : memref<!tpu.dma_semaphore, #tpu.memory_space<semaphore_mem>>) {add = true}
      %mul3A_74 = arith.constant 12 : i32
      %mul3A_75 = arith.muli %scan3A_65, %mul3A_74 : i32
      %add3A_76 = arith.constant 1 : i32
      %add3A_77 = arith.addi %mul3A_75, %add3A_76 : i32
      %dma_start3A_78 = arith.constant 0 : i32
      %dma_start3A_79 = arith.constant 0 : i32
      %dma_start3A_80 = tpu.memref_slice %arg5[%add3A_77, %dma_start3A_78, %dma_start3A_79] : memref<158x1x128xi32, #tpu.memory_space<vmem>> -> memref<1x1x128xi32, #tpu.memory_space<vmem>>
      %dma_start3A_81 = tpu.memref_squeeze %dma_start3A_80 : memref<1x1x128xi32, #tpu.memory_space<vmem>> -> memref<128xi32, #tpu.memory_space<vmem>>
      %dma_start3A_82 = arith.constant 0 : i32
      %dma_start3A_83 = tpu.memref_slice %arg8[%dma_start3A_82] : memref<10240xf32, #tpu.memory_space<vmem_shared>> -> memref<10240xf32, #tpu.memory_space<vmem_shared>>
      tpu.enqueue_indirect_dma source(%arg6 : memref<128xf32, #tpu.memory_space<vmem>>) target(%dma_start3A_83 : memref<10240xf32, #tpu.memory_space<vmem_shared>>) offsets(%dma_start3A_81 : memref<128xi32, #tpu.memory_space<vmem>>) semaphore(%arg9 : memref<!tpu.dma_semaphore, #tpu.memory_space<semaphore_mem>>) {add = true}
      %mul3A_84 = arith.constant 12 : i32
      %mul3A_85 = arith.muli %scan3A_65, %mul3A_84 : i32
      %add3A_86 = arith.constant 2 : i32
      %add3A_87 = arith.addi %mul3A_85, %add3A_86 : i32
      %dma_start3A_88 = arith.constant 0 : i32
      %dma_start3A_89 = arith.constant 0 : i32
      %dma_start3A_90 = tpu.memref_slice %arg5[%add3A_87, %dma_start3A_88, %dma_start3A_89] : memref<158x1x128xi32, #tpu.memory_space<vmem>> -> memref<1x1x128xi32, #tpu.memory_space<vmem>>
      %dma_start3A_91 = tpu.memref_squeeze %dma_start3A_90 : memref<1x1x128xi32, #tpu.memory_space<vmem>> -> memref<128xi32, #tpu.memory_space<vmem>>
      %dma_start3A_92 = arith.constant 0 : i32
      %dma_start3A_93 = tpu.memref_slice %arg8[%dma_start3A_92] : memref<10240xf32, #tpu.memory_space<vmem_shared>> -> memref<10240xf32, #tpu.memory_space<vmem_shared>>
      tpu.enqueue_indirect_dma source(%arg6 : memref<128xf32, #tpu.memory_space<vmem>>) target(%dma_start3A_93 : memref<10240xf32, #tpu.memory_space<vmem_shared>>) offsets(%dma_start3A_91 : memref<128xi32, #tpu.memory_space<vmem>>) semaphore(%arg9 : memref<!tpu.dma_semaphore, #tpu.memory_space<semaphore_mem>>) {add = true}
      %mul3A_94 = arith.constant 12 : i32
      %mul3A_95 = arith.muli %scan3A_65, %mul3A_94 : i32
      %add3A_96 = arith.constant 3 : i32
      %add3A_97 = arith.addi %mul3A_95, %add3A_96 : i32
      %dma_start3A_98 = arith.constant 0 : i32
      %dma_start3A_99 = arith.constant 0 : i32
      %dma_start3A_100 = tpu.memref_slice %arg5[%add3A_97, %dma_start3A_98, %dma_start3A_99] : memref<158x1x128xi32, #tpu.memory_space<vmem>> -> memref<1x1x128xi32, #tpu.memory_space<vmem>>
      %dma_start3A_101 = tpu.memref_squeeze %dma_start3A_100 : memref<1x1x128xi32, #tpu.memory_space<vmem>> -> memref<128xi32, #tpu.memory_space<vmem>>
      %dma_start3A_102 = arith.constant 0 : i32
      %dma_start3A_103 = tpu.memref_slice %arg8[%dma_start3A_102] : memref<10240xf32, #tpu.memory_space<vmem_shared>> -> memref<10240xf32, #tpu.memory_space<vmem_shared>>
      tpu.enqueue_indirect_dma source(%arg6 : memref<128xf32, #tpu.memory_space<vmem>>) target(%dma_start3A_103 : memref<10240xf32, #tpu.memory_space<vmem_shared>>) offsets(%dma_start3A_101 : memref<128xi32, #tpu.memory_space<vmem>>) semaphore(%arg9 : memref<!tpu.dma_semaphore, #tpu.memory_space<semaphore_mem>>) {add = true}
      %mul3A_104 = arith.constant 12 : i32
      %mul3A_105 = arith.muli %scan3A_65, %mul3A_104 : i32
      %add3A_106 = arith.constant 4 : i32
      %add3A_107 = arith.addi %mul3A_105, %add3A_106 : i32
      %dma_start3A_108 = arith.constant 0 : i32
      %dma_start3A_109 = arith.constant 0 : i32
      %dma_start3A_110 = tpu.memref_slice %arg5[%add3A_107, %dma_start3A_108, %dma_start3A_109] : memref<158x1x128xi32, #tpu.memory_space<vmem>> -> memref<1x1x128xi32, #tpu.memory_space<vmem>>
      %dma_start3A_111 = tpu.memref_squeeze %dma_start3A_110 : memref<1x1x128xi32, #tpu.memory_space<vmem>> -> memref<128xi32, #tpu.memory_space<vmem>>
      %dma_start3A_112 = arith.constant 0 : i32
      %dma_start3A_113 = tpu.memref_slice %arg8[%dma_start3A_112] : memref<10240xf32, #tpu.memory_space<vmem_shared>> -> memref<10240xf32, #tpu.memory_space<vmem_shared>>
      tpu.enqueue_indirect_dma source(%arg6 : memref<128xf32, #tpu.memory_space<vmem>>) target(%dma_start3A_113 : memref<10240xf32, #tpu.memory_space<vmem_shared>>) offsets(%dma_start3A_111 : memref<128xi32, #tpu.memory_space<vmem>>) semaphore(%arg9 : memref<!tpu.dma_semaphore, #tpu.memory_space<semaphore_mem>>) {add = true}
      %mul3A_114 = arith.constant 12 : i32
      %mul3A_115 = arith.muli %scan3A_65, %mul3A_114 : i32
      %add3A_116 = arith.constant 5 : i32
      %add3A_117 = arith.addi %mul3A_115, %add3A_116 : i32
      %dma_start3A_118 = arith.constant 0 : i32
      %dma_start3A_119 = arith.constant 0 : i32
      %dma_start3A_120 = tpu.memref_slice %arg5[%add3A_117, %dma_start3A_118, %dma_start3A_119] : memref<158x1x128xi32, #tpu.memory_space<vmem>> -> memref<1x1x128xi32, #tpu.memory_space<vmem>>
      %dma_start3A_121 = tpu.memref_squeeze %dma_start3A_120 : memref<1x1x128xi32, #tpu.memory_space<vmem>> -> memref<128xi32, #tpu.memory_space<vmem>>
      %dma_start3A_122 = arith.constant 0 : i32
      %dma_start3A_123 = tpu.memref_slice %arg8[%dma_start3A_122] : memref<10240xf32, #tpu.memory_space<vmem_shared>> -> memref<10240xf32, #tpu.memory_space<vmem_shared>>
      tpu.enqueue_indirect_dma source(%arg6 : memref<128xf32, #tpu.memory_space<vmem>>) target(%dma_start3A_123 : memref<10240xf32, #tpu.memory_space<vmem_shared>>) offsets(%dma_start3A_121 : memref<128xi32, #tpu.memory_space<vmem>>) semaphore(%arg9 : memref<!tpu.dma_semaphore, #tpu.memory_space<semaphore_mem>>) {add = true}
      %mul3A_124 = arith.constant 12 : i32
      %mul3A_125 = arith.muli %scan3A_65, %mul3A_124 : i32
      %add3A_126 = arith.constant 6 : i32
      %add3A_127 = arith.addi %mul3A_125, %add3A_126 : i32
      %dma_start3A_128 = arith.constant 0 : i32
      %dma_start3A_129 = arith.constant 0 : i32
      %dma_start3A_130 = tpu.memref_slice %arg5[%add3A_127, %dma_start3A_128, %dma_start3A_129] : memref<158x1x128xi32, #tpu.memory_space<vmem>> -> memref<1x1x128xi32, #tpu.memory_space<vmem>>
      %dma_start3A_131 = tpu.memref_squeeze %dma_start3A_130 : memref<1x1x128xi32, #tpu.memory_space<vmem>> -> memref<128xi32, #tpu.memory_space<vmem>>
      %dma_start3A_132 = arith.constant 0 : i32
      %dma_start3A_133 = tpu.memref_slice %arg8[%dma_start3A_132] : memref<10240xf32, #tpu.memory_space<vmem_shared>> -> memref<10240xf32, #tpu.memory_space<vmem_shared>>
      tpu.enqueue_indirect_dma source(%arg6 : memref<128xf32, #tpu.memory_space<vmem>>) target(%dma_start3A_133 : memref<10240xf32, #tpu.memory_space<vmem_shared>>) offsets(%dma_start3A_131 : memref<128xi32, #tpu.memory_space<vmem>>) semaphore(%arg9 : memref<!tpu.dma_semaphore, #tpu.memory_space<semaphore_mem>>) {add = true}
      %mul3A_134 = arith.constant 12 : i32
      %mul3A_135 = arith.muli %scan3A_65, %mul3A_134 : i32
      %add3A_136 = arith.constant 7 : i32
      %add3A_137 = arith.addi %mul3A_135, %add3A_136 : i32
      %dma_start3A_138 = arith.constant 0 : i32
      %dma_start3A_139 = arith.constant 0 : i32
      %dma_start3A_140 = tpu.memref_slice %arg5[%add3A_137, %dma_start3A_138, %dma_start3A_139] : memref<158x1x128xi32, #tpu.memory_space<vmem>> -> memref<1x1x128xi32, #tpu.memory_space<vmem>>
      %dma_start3A_141 = tpu.memref_squeeze %dma_start3A_140 : memref<1x1x128xi32, #tpu.memory_space<vmem>> -> memref<128xi32, #tpu.memory_space<vmem>>
      %dma_start3A_142 = arith.constant 0 : i32
      %dma_start3A_143 = tpu.memref_slice %arg8[%dma_start3A_142] : memref<10240xf32, #tpu.memory_space<vmem_shared>> -> memref<10240xf32, #tpu.memory_space<vmem_shared>>
      tpu.enqueue_indirect_dma source(%arg6 : memref<128xf32, #tpu.memory_space<vmem>>) target(%dma_start3A_143 : memref<10240xf32, #tpu.memory_space<vmem_shared>>) offsets(%dma_start3A_141 : memref<128xi32, #tpu.memory_space<vmem>>) semaphore(%arg9 : memref<!tpu.dma_semaphore, #tpu.memory_space<semaphore_mem>>) {add = true}
      %mul3A_144 = arith.constant 12 : i32
      %mul3A_145 = arith.muli %scan3A_65, %mul3A_144 : i32
      %add3A_146 = arith.constant 8 : i32
      %add3A_147 = arith.addi %mul3A_145, %add3A_146 : i32
      %dma_start3A_148 = arith.constant 0 : i32
      %dma_start3A_149 = arith.constant 0 : i32
      %dma_start3A_150 = tpu.memref_slice %arg5[%add3A_147, %dma_start3A_148, %dma_start3A_149] : memref<158x1x128xi32, #tpu.memory_space<vmem>> -> memref<1x1x128xi32, #tpu.memory_space<vmem>>
      %dma_start3A_151 = tpu.memref_squeeze %dma_start3A_150 : memref<1x1x128xi32, #tpu.memory_space<vmem>> -> memref<128xi32, #tpu.memory_space<vmem>>
      %dma_start3A_152 = arith.constant 0 : i32
      %dma_start3A_153 = tpu.memref_slice %arg8[%dma_start3A_152] : memref<10240xf32, #tpu.memory_space<vmem_shared>> -> memref<10240xf32, #tpu.memory_space<vmem_shared>>
      tpu.enqueue_indirect_dma source(%arg6 : memref<128xf32, #tpu.memory_space<vmem>>) target(%dma_start3A_153 : memref<10240xf32, #tpu.memory_space<vmem_shared>>) offsets(%dma_start3A_151 : memref<128xi32, #tpu.memory_space<vmem>>) semaphore(%arg9 : memref<!tpu.dma_semaphore, #tpu.memory_space<semaphore_mem>>) {add = true}
      %mul3A_154 = arith.constant 12 : i32
      %mul3A_155 = arith.muli %scan3A_65, %mul3A_154 : i32
      %add3A_156 = arith.constant 9 : i32
      %add3A_157 = arith.addi %mul3A_155, %add3A_156 : i32
      %dma_start3A_158 = arith.constant 0 : i32
      %dma_start3A_159 = arith.constant 0 : i32
      %dma_start3A_160 = tpu.memref_slice %arg5[%add3A_157, %dma_start3A_158, %dma_start3A_159] : memref<158x1x128xi32, #tpu.memory_space<vmem>> -> memref<1x1x128xi32, #tpu.memory_space<vmem>>
      %dma_start3A_161 = tpu.memref_squeeze %dma_start3A_160 : memref<1x1x128xi32, #tpu.memory_space<vmem>> -> memref<128xi32, #tpu.memory_space<vmem>>
      %dma_start3A_162 = arith.constant 0 : i32
      %dma_start3A_163 = tpu.memref_slice %arg8[%dma_start3A_162] : memref<10240xf32, #tpu.memory_space<vmem_shared>> -> memref<10240xf32, #tpu.memory_space<vmem_shared>>
      tpu.enqueue_indirect_dma source(%arg6 : memref<128xf32, #tpu.memory_space<vmem>>) target(%dma_start3A_163 : memref<10240xf32, #tpu.memory_space<vmem_shared>>) offsets(%dma_start3A_161 : memref<128xi32, #tpu.memory_space<vmem>>) semaphore(%arg9 : memref<!tpu.dma_semaphore, #tpu.memory_space<semaphore_mem>>) {add = true}
      %mul3A_164 = arith.constant 12 : i32
      %mul3A_165 = arith.muli %scan3A_65, %mul3A_164 : i32
      %add3A_166 = arith.constant 10 : i32
      %add3A_167 = arith.addi %mul3A_165, %add3A_166 : i32
      %dma_start3A_168 = arith.constant 0 : i32
      %dma_start3A_169 = arith.constant 0 : i32
      %dma_start3A_170 = tpu.memref_slice %arg5[%add3A_167, %dma_start3A_168, %dma_start3A_169] : memref<158x1x128xi32, #tpu.memory_space<vmem>> -> memref<1x1x128xi32, #tpu.memory_space<vmem>>
      %dma_start3A_171 = tpu.memref_squeeze %dma_start3A_170 : memref<1x1x128xi32, #tpu.memory_space<vmem>> -> memref<128xi32, #tpu.memory_space<vmem>>
      %dma_start3A_172 = arith.constant 0 : i32
      %dma_start3A_173 = tpu.memref_slice %arg8[%dma_start3A_172] : memref<10240xf32, #tpu.memory_space<vmem_shared>> -> memref<10240xf32, #tpu.memory_space<vmem_shared>>
      tpu.enqueue_indirect_dma source(%arg6 : memref<128xf32, #tpu.memory_space<vmem>>) target(%dma_start3A_173 : memref<10240xf32, #tpu.memory_space<vmem_shared>>) offsets(%dma_start3A_171 : memref<128xi32, #tpu.memory_space<vmem>>) semaphore(%arg9 : memref<!tpu.dma_semaphore, #tpu.memory_space<semaphore_mem>>) {add = true}
      %mul3A_174 = arith.constant 12 : i32
      %mul3A_175 = arith.muli %scan3A_65, %mul3A_174 : i32
      %add3A_176 = arith.constant 11 : i32
      %add3A_177 = arith.addi %mul3A_175, %add3A_176 : i32
      %dma_start3A_178 = arith.constant 0 : i32
      %dma_start3A_179 = arith.constant 0 : i32
      %dma_start3A_180 = tpu.memref_slice %arg5[%add3A_177, %dma_start3A_178, %dma_start3A_179] : memref<158x1x128xi32, #tpu.memory_space<vmem>> -> memref<1x1x128xi32, #tpu.memory_space<vmem>>
      %dma_start3A_181 = tpu.memref_squeeze %dma_start3A_180 : memref<1x1x128xi32, #tpu.memory_space<vmem>> -> memref<128xi32, #tpu.memory_space<vmem>>
      %dma_start3A_182 = arith.constant 0 : i32
      %dma_start3A_183 = tpu.memref_slice %arg8[%dma_start3A_182] : memref<10240xf32, #tpu.memory_space<vmem_shared>> -> memref<10240xf32, #tpu.memory_space<vmem_shared>>
      tpu.enqueue_indirect_dma source(%arg6 : memref<128xf32, #tpu.memory_space<vmem>>) target(%dma_start3A_183 : memref<10240xf32, #tpu.memory_space<vmem_shared>>) offsets(%dma_start3A_181 : memref<128xi32, #tpu.memory_space<vmem>>) semaphore(%arg9 : memref<!tpu.dma_semaphore, #tpu.memory_space<semaphore_mem>>) {add = true}
      %dma_wait3A = arith.constant 0 : i32
      %dma_wait3A_184 = arith.constant 0 : i32
      %dma_wait3A_185 = tpu.memref_slice %arg5[%add3A_68, %dma_wait3A, %dma_wait3A_184] : memref<158x1x128xi32, #tpu.memory_space<vmem>> -> memref<1x1x128xi32, #tpu.memory_space<vmem>>
      %dma_wait3A_186 = tpu.memref_squeeze %dma_wait3A_185 : memref<1x1x128xi32, #tpu.memory_space<vmem>> -> memref<128xi32, #tpu.memory_space<vmem>>
      %dma_wait3A_187 = arith.constant 0 : i32
      %dma_wait3A_188 = tpu.memref_slice %arg8[%dma_wait3A_187] : memref<10240xf32, #tpu.memory_space<vmem_shared>> -> memref<10240xf32, #tpu.memory_space<vmem_shared>>
      tpu.wait_indirect_dma semaphore(%arg9 : memref<!tpu.dma_semaphore, #tpu.memory_space<semaphore_mem>>) src(%arg6 : memref<128xf32, #tpu.memory_space<vmem>>) dst(%dma_wait3A_188 : memref<10240xf32, #tpu.memory_space<vmem_shared>>)
      %dma_wait3A_189 = arith.constant 0 : i32
      %dma_wait3A_190 = arith.constant 0 : i32
      %dma_wait3A_191 = tpu.memref_slice %arg5[%add3A_77, %dma_wait3A_189, %dma_wait3A_190] : memref<158x1x128xi32, #tpu.memory_space<vmem>> -> memref<1x1x128xi32, #tpu.memory_space<vmem>>
      %dma_wait3A_192 = tpu.memref_squeeze %dma_wait3A_191 : memref<1x1x128xi32, #tpu.memory_space<vmem>> -> memref<128xi32, #tpu.memory_space<vmem>>
      %dma_wait3A_193 = arith.constant 0 : i32
      %dma_wait3A_194 = tpu.memref_slice %arg8[%dma_wait3A_193] : memref<10240xf32, #tpu.memory_space<vmem_shared>> -> memref<10240xf32, #tpu.memory_space<vmem_shared>>
      tpu.wait_indirect_dma semaphore(%arg9 : memref<!tpu.dma_semaphore, #tpu.memory_space<semaphore_mem>>) src(%arg6 : memref<128xf32, #tpu.memory_space<vmem>>) dst(%dma_wait3A_194 : memref<10240xf32, #tpu.memory_space<vmem_shared>>)
      %dma_wait3A_195 = arith.constant 0 : i32
      %dma_wait3A_196 = arith.constant 0 : i32
      %dma_wait3A_197 = tpu.memref_slice %arg5[%add3A_87, %dma_wait3A_195, %dma_wait3A_196] : memref<158x1x128xi32, #tpu.memory_space<vmem>> -> memref<1x1x128xi32, #tpu.memory_space<vmem>>
      %dma_wait3A_198 = tpu.memref_squeeze %dma_wait3A_197 : memref<1x1x128xi32, #tpu.memory_space<vmem>> -> memref<128xi32, #tpu.memory_space<vmem>>
      %dma_wait3A_199 = arith.constant 0 : i32
      %dma_wait3A_200 = tpu.memref_slice %arg8[%dma_wait3A_199] : memref<10240xf32, #tpu.memory_space<vmem_shared>> -> memref<10240xf32, #tpu.memory_space<vmem_shared>>
      tpu.wait_indirect_dma semaphore(%arg9 : memref<!tpu.dma_semaphore, #tpu.memory_space<semaphore_mem>>) src(%arg6 : memref<128xf32, #tpu.memory_space<vmem>>) dst(%dma_wait3A_200 : memref<10240xf32, #tpu.memory_space<vmem_shared>>)
      %dma_wait3A_201 = arith.constant 0 : i32
      %dma_wait3A_202 = arith.constant 0 : i32
      %dma_wait3A_203 = tpu.memref_slice %arg5[%add3A_97, %dma_wait3A_201, %dma_wait3A_202] : memref<158x1x128xi32, #tpu.memory_space<vmem>> -> memref<1x1x128xi32, #tpu.memory_space<vmem>>
      %dma_wait3A_204 = tpu.memref_squeeze %dma_wait3A_203 : memref<1x1x128xi32, #tpu.memory_space<vmem>> -> memref<128xi32, #tpu.memory_space<vmem>>
      %dma_wait3A_205 = arith.constant 0 : i32
      %dma_wait3A_206 = tpu.memref_slice %arg8[%dma_wait3A_205] : memref<10240xf32, #tpu.memory_space<vmem_shared>> -> memref<10240xf32, #tpu.memory_space<vmem_shared>>
      tpu.wait_indirect_dma semaphore(%arg9 : memref<!tpu.dma_semaphore, #tpu.memory_space<semaphore_mem>>) src(%arg6 : memref<128xf32, #tpu.memory_space<vmem>>) dst(%dma_wait3A_206 : memref<10240xf32, #tpu.memory_space<vmem_shared>>)
      %dma_wait3A_207 = arith.constant 0 : i32
      %dma_wait3A_208 = arith.constant 0 : i32
      %dma_wait3A_209 = tpu.memref_slice %arg5[%add3A_107, %dma_wait3A_207, %dma_wait3A_208] : memref<158x1x128xi32, #tpu.memory_space<vmem>> -> memref<1x1x128xi32, #tpu.memory_space<vmem>>
      %dma_wait3A_210 = tpu.memref_squeeze %dma_wait3A_209 : memref<1x1x128xi32, #tpu.memory_space<vmem>> -> memref<128xi32, #tpu.memory_space<vmem>>
      %dma_wait3A_211 = arith.constant 0 : i32
      %dma_wait3A_212 = tpu.memref_slice %arg8[%dma_wait3A_211] : memref<10240xf32, #tpu.memory_space<vmem_shared>> -> memref<10240xf32, #tpu.memory_space<vmem_shared>>
      tpu.wait_indirect_dma semaphore(%arg9 : memref<!tpu.dma_semaphore, #tpu.memory_space<semaphore_mem>>) src(%arg6 : memref<128xf32, #tpu.memory_space<vmem>>) dst(%dma_wait3A_212 : memref<10240xf32, #tpu.memory_space<vmem_shared>>)
      %dma_wait3A_213 = arith.constant 0 : i32
      %dma_wait3A_214 = arith.constant 0 : i32
      %dma_wait3A_215 = tpu.memref_slice %arg5[%add3A_117, %dma_wait3A_213, %dma_wait3A_214] : memref<158x1x128xi32, #tpu.memory_space<vmem>> -> memref<1x1x128xi32, #tpu.memory_space<vmem>>
      %dma_wait3A_216 = tpu.memref_squeeze %dma_wait3A_215 : memref<1x1x128xi32, #tpu.memory_space<vmem>> -> memref<128xi32, #tpu.memory_space<vmem>>
      %dma_wait3A_217 = arith.constant 0 : i32
      %dma_wait3A_218 = tpu.memref_slice %arg8[%dma_wait3A_217] : memref<10240xf32, #tpu.memory_space<vmem_shared>> -> memref<10240xf32, #tpu.memory_space<vmem_shared>>
      tpu.wait_indirect_dma semaphore(%arg9 : memref<!tpu.dma_semaphore, #tpu.memory_space<semaphore_mem>>) src(%arg6 : memref<128xf32, #tpu.memory_space<vmem>>) dst(%dma_wait3A_218 : memref<10240xf32, #tpu.memory_space<vmem_shared>>)
      %dma_wait3A_219 = arith.constant 0 : i32
      %dma_wait3A_220 = arith.constant 0 : i32
      %dma_wait3A_221 = tpu.memref_slice %arg5[%add3A_127, %dma_wait3A_219, %dma_wait3A_220] : memref<158x1x128xi32, #tpu.memory_space<vmem>> -> memref<1x1x128xi32, #tpu.memory_space<vmem>>
      %dma_wait3A_222 = tpu.memref_squeeze %dma_wait3A_221 : memref<1x1x128xi32, #tpu.memory_space<vmem>> -> memref<128xi32, #tpu.memory_space<vmem>>
      %dma_wait3A_223 = arith.constant 0 : i32
      %dma_wait3A_224 = tpu.memref_slice %arg8[%dma_wait3A_223] : memref<10240xf32, #tpu.memory_space<vmem_shared>> -> memref<10240xf32, #tpu.memory_space<vmem_shared>>
      tpu.wait_indirect_dma semaphore(%arg9 : memref<!tpu.dma_semaphore, #tpu.memory_space<semaphore_mem>>) src(%arg6 : memref<128xf32, #tpu.memory_space<vmem>>) dst(%dma_wait3A_224 : memref<10240xf32, #tpu.memory_space<vmem_shared>>)
      %dma_wait3A_225 = arith.constant 0 : i32
      %dma_wait3A_226 = arith.constant 0 : i32
      %dma_wait3A_227 = tpu.memref_slice %arg5[%add3A_137, %dma_wait3A_225, %dma_wait3A_226] : memref<158x1x128xi32, #tpu.memory_space<vmem>> -> memref<1x1x128xi32, #tpu.memory_space<vmem>>
      %dma_wait3A_228 = tpu.memref_squeeze %dma_wait3A_227 : memref<1x1x128xi32, #tpu.memory_space<vmem>> -> memref<128xi32, #tpu.memory_space<vmem>>
      %dma_wait3A_229 = arith.constant 0 : i32
      %dma_wait3A_230 = tpu.memref_slice %arg8[%dma_wait3A_229] : memref<10240xf32, #tpu.memory_space<vmem_shared>> -> memref<10240xf32, #tpu.memory_space<vmem_shared>>
      tpu.wait_indirect_dma semaphore(%arg9 : memref<!tpu.dma_semaphore, #tpu.memory_space<semaphore_mem>>) src(%arg6 : memref<128xf32, #tpu.memory_space<vmem>>) dst(%dma_wait3A_230 : memref<10240xf32, #tpu.memory_space<vmem_shared>>)
      %dma_wait3A_231 = arith.constant 0 : i32
      %dma_wait3A_232 = arith.constant 0 : i32
      %dma_wait3A_233 = tpu.memref_slice %arg5[%add3A_147, %dma_wait3A_231, %dma_wait3A_232] : memref<158x1x128xi32, #tpu.memory_space<vmem>> -> memref<1x1x128xi32, #tpu.memory_space<vmem>>
      %dma_wait3A_234 = tpu.memref_squeeze %dma_wait3A_233 : memref<1x1x128xi32, #tpu.memory_space<vmem>> -> memref<128xi32, #tpu.memory_space<vmem>>
      %dma_wait3A_235 = arith.constant 0 : i32
      %dma_wait3A_236 = tpu.memref_slice %arg8[%dma_wait3A_235] : memref<10240xf32, #tpu.memory_space<vmem_shared>> -> memref<10240xf32, #tpu.memory_space<vmem_shared>>
      tpu.wait_indirect_dma semaphore(%arg9 : memref<!tpu.dma_semaphore, #tpu.memory_space<semaphore_mem>>) src(%arg6 : memref<128xf32, #tpu.memory_space<vmem>>) dst(%dma_wait3A_236 : memref<10240xf32, #tpu.memory_space<vmem_shared>>)
      %dma_wait3A_237 = arith.constant 0 : i32
      %dma_wait3A_238 = arith.constant 0 : i32
      %dma_wait3A_239 = tpu.memref_slice %arg5[%add3A_157, %dma_wait3A_237, %dma_wait3A_238] : memref<158x1x128xi32, #tpu.memory_space<vmem>> -> memref<1x1x128xi32, #tpu.memory_space<vmem>>
      %dma_wait3A_240 = tpu.memref_squeeze %dma_wait3A_239 : memref<1x1x128xi32, #tpu.memory_space<vmem>> -> memref<128xi32, #tpu.memory_space<vmem>>
      %dma_wait3A_241 = arith.constant 0 : i32
      %dma_wait3A_242 = tpu.memref_slice %arg8[%dma_wait3A_241] : memref<10240xf32, #tpu.memory_space<vmem_shared>> -> memref<10240xf32, #tpu.memory_space<vmem_shared>>
      tpu.wait_indirect_dma semaphore(%arg9 : memref<!tpu.dma_semaphore, #tpu.memory_space<semaphore_mem>>) src(%arg6 : memref<128xf32, #tpu.memory_space<vmem>>) dst(%dma_wait3A_242 : memref<10240xf32, #tpu.memory_space<vmem_shared>>)
      %dma_wait3A_243 = arith.constant 0 : i32
      %dma_wait3A_244 = arith.constant 0 : i32
      %dma_wait3A_245 = tpu.memref_slice %arg5[%add3A_167, %dma_wait3A_243, %dma_wait3A_244] : memref<158x1x128xi32, #tpu.memory_space<vmem>> -> memref<1x1x128xi32, #tpu.memory_space<vmem>>
      %dma_wait3A_246 = tpu.memref_squeeze %dma_wait3A_245 : memref<1x1x128xi32, #tpu.memory_space<vmem>> -> memref<128xi32, #tpu.memory_space<vmem>>
      %dma_wait3A_247 = arith.constant 0 : i32
      %dma_wait3A_248 = tpu.memref_slice %arg8[%dma_wait3A_247] : memref<10240xf32, #tpu.memory_space<vmem_shared>> -> memref<10240xf32, #tpu.memory_space<vmem_shared>>
      tpu.wait_indirect_dma semaphore(%arg9 : memref<!tpu.dma_semaphore, #tpu.memory_space<semaphore_mem>>) src(%arg6 : memref<128xf32, #tpu.memory_space<vmem>>) dst(%dma_wait3A_248 : memref<10240xf32, #tpu.memory_space<vmem_shared>>)
      %dma_wait3A_249 = arith.constant 0 : i32
      %dma_wait3A_250 = arith.constant 0 : i32
      %dma_wait3A_251 = tpu.memref_slice %arg5[%add3A_177, %dma_wait3A_249, %dma_wait3A_250] : memref<158x1x128xi32, #tpu.memory_space<vmem>> -> memref<1x1x128xi32, #tpu.memory_space<vmem>>
      %dma_wait3A_252 = tpu.memref_squeeze %dma_wait3A_251 : memref<1x1x128xi32, #tpu.memory_space<vmem>> -> memref<128xi32, #tpu.memory_space<vmem>>
      %dma_wait3A_253 = arith.constant 0 : i32
      %dma_wait3A_254 = tpu.memref_slice %arg8[%dma_wait3A_253] : memref<10240xf32, #tpu.memory_space<vmem_shared>> -> memref<10240xf32, #tpu.memory_space<vmem_shared>>
      tpu.wait_indirect_dma semaphore(%arg9 : memref<!tpu.dma_semaphore, #tpu.memory_space<semaphore_mem>>) src(%arg6 : memref<128xf32, #tpu.memory_space<vmem>>) dst(%dma_wait3A_254 : memref<10240xf32, #tpu.memory_space<vmem_shared>>)
    }
    %scan3A_54 = arith.constant 13 : i32
    %lt3A_55 = arith.constant 2 : i32
    %lt3A_56 = arith.cmpi slt, %arg1, %lt3A_55 : i32
    %convert_element_type3A_57 = arith.extui %lt3A_56 : i1 to i32
    %cond3A_58 = arith.constant 0 : i32
    %cond3A_59 = arith.cmpi ne, %convert_element_type3A_57, %cond3A_58 : i32
    scf.if %cond3A_59 {
      %run_scoped3A = arith.constant 156 : i32
      %run_scoped3A_65 = arith.constant 0 : i32
      "tpu.region"() ({
        %run_scoped3A_68 = tpu.sem_alloc : memref<!tpu.dma_semaphore, #tpu.memory_space<semaphore_mem>>
        %dma_start3A = arith.constant 0 : i32
        %dma_start3A_69 = tpu.memref_slice %arg5[%run_scoped3A, %run_scoped3A_65, %dma_start3A] : memref<158x1x128xi32, #tpu.memory_space<vmem>> -> memref<1x1x128xi32, #tpu.memory_space<vmem>>
        %dma_start3A_70 = tpu.memref_squeeze %dma_start3A_69 : memref<1x1x128xi32, #tpu.memory_space<vmem>> -> memref<128xi32, #tpu.memory_space<vmem>>
        %dma_start3A_71 = arith.constant 0 : i32
        %dma_start3A_72 = tpu.memref_slice %arg8[%dma_start3A_71] : memref<10240xf32, #tpu.memory_space<vmem_shared>> -> memref<10240xf32, #tpu.memory_space<vmem_shared>>
        tpu.enqueue_indirect_dma source(%arg6 : memref<128xf32, #tpu.memory_space<vmem>>) target(%dma_start3A_72 : memref<10240xf32, #tpu.memory_space<vmem_shared>>) offsets(%dma_start3A_70 : memref<128xi32, #tpu.memory_space<vmem>>) semaphore(%run_scoped3A_68 : memref<!tpu.dma_semaphore, #tpu.memory_space<semaphore_mem>>) {add = true}
        %dma_wait3A = arith.constant 0 : i32
        %dma_wait3A_73 = tpu.memref_slice %arg5[%run_scoped3A, %run_scoped3A_65, %dma_wait3A] : memref<158x1x128xi32, #tpu.memory_space<vmem>> -> memref<1x1x128xi32, #tpu.memory_space<vmem>>
        %dma_wait3A_74 = tpu.memref_squeeze %dma_wait3A_73 : memref<1x1x128xi32, #tpu.memory_space<vmem>> -> memref<128xi32, #tpu.memory_space<vmem>>
        %dma_wait3A_75 = arith.constant 0 : i32
        %dma_wait3A_76 = tpu.memref_slice %arg8[%dma_wait3A_75] : memref<10240xf32, #tpu.memory_space<vmem_shared>> -> memref<10240xf32, #tpu.memory_space<vmem_shared>>
        tpu.wait_indirect_dma semaphore(%run_scoped3A_68 : memref<!tpu.dma_semaphore, #tpu.memory_space<semaphore_mem>>) src(%arg6 : memref<128xf32, #tpu.memory_space<vmem>>) dst(%dma_wait3A_76 : memref<10240xf32, #tpu.memory_space<vmem_shared>>)
        tpu.yield
      }) : () -> ()
      %run_scoped3A_66 = arith.constant 157 : i32
      %run_scoped3A_67 = arith.constant 0 : i32
      "tpu.region"() ({
        %run_scoped3A_68 = tpu.sem_alloc : memref<!tpu.dma_semaphore, #tpu.memory_space<semaphore_mem>>
        %dma_start3A = arith.constant 0 : i32
        %dma_start3A_69 = tpu.memref_slice %arg5[%run_scoped3A_66, %run_scoped3A_67, %dma_start3A] : memref<158x1x128xi32, #tpu.memory_space<vmem>> -> memref<1x1x128xi32, #tpu.memory_space<vmem>>
        %dma_start3A_70 = tpu.memref_squeeze %dma_start3A_69 : memref<1x1x128xi32, #tpu.memory_space<vmem>> -> memref<128xi32, #tpu.memory_space<vmem>>
        %dma_start3A_71 = arith.constant 0 : i32
        %dma_start3A_72 = tpu.memref_slice %arg8[%dma_start3A_71] : memref<10240xf32, #tpu.memory_space<vmem_shared>> -> memref<10240xf32, #tpu.memory_space<vmem_shared>>
        tpu.enqueue_indirect_dma source(%arg6 : memref<128xf32, #tpu.memory_space<vmem>>) target(%dma_start3A_72 : memref<10240xf32, #tpu.memory_space<vmem_shared>>) offsets(%dma_start3A_70 : memref<128xi32, #tpu.memory_space<vmem>>) semaphore(%run_scoped3A_68 : memref<!tpu.dma_semaphore, #tpu.memory_space<semaphore_mem>>) {add = true}
        %dma_wait3A = arith.constant 0 : i32
        %dma_wait3A_73 = tpu.memref_slice %arg5[%run_scoped3A_66, %run_scoped3A_67, %dma_wait3A] : memref<158x1x128xi32, #tpu.memory_space<vmem>> -> memref<1x1x128xi32, #tpu.memory_space<vmem>>
        %dma_wait3A_74 = tpu.memref_squeeze %dma_wait3A_73 : memref<1x1x128xi32, #tpu.memory_space<vmem>> -> memref<128xi32, #tpu.memory_space<vmem>>
        %dma_wait3A_75 = arith.constant 0 : i32
        %dma_wait3A_76 = tpu.memref_slice %arg8[%dma_wait3A_75] : memref<10240xf32, #tpu.memory_space<vmem_shared>> -> memref<10240xf32, #tpu.memory_space<vmem_shared>>
        tpu.wait_indirect_dma semaphore(%run_scoped3A_68 : memref<!tpu.dma_semaphore, #tpu.memory_space<semaphore_mem>>) src(%arg6 : memref<128xf32, #tpu.memory_space<vmem>>) dst(%dma_wait3A_76 : memref<10240xf32, #tpu.memory_space<vmem_shared>>)
        tpu.yield
      }) : () -> ()
    } else {
    }
    %barrier3A_60 = arith.constant 0 : index
    tpu.barrier barrier_id(%barrier3A_60)
    %mul3A_61 = arith.constant 640 : i32
    %mul3A_62 = arith.muli %arg1, %mul3A_61 : i32
    "tpu.region"() ({
      %run_scoped3A = tpu.sem_alloc : memref<!tpu.dma_semaphore, #tpu.memory_space<semaphore_mem>>
      %dma_start3A = tpu.memref_slice %arg8[%mul3A_62] : memref<10240xf32, #tpu.memory_space<vmem_shared>> -> memref<640xf32, #tpu.memory_space<vmem_shared>>
      %dma_start3A_65 = tpu.memref_slice %arg8[%mul3A_62] : memref<10240xf32, #tpu.memory_space<vmem_shared>> -> memref<640xf32, #tpu.memory_space<vmem_shared>>
      tpu.enqueue_dma source(%dma_start3A_65 : memref<640xf32, #tpu.memory_space<vmem_shared>>) target(%arg7 : memref<640xf32, #tpu.memory_space<vmem>>) target_semaphore(%run_scoped3A : memref<!tpu.dma_semaphore, #tpu.memory_space<semaphore_mem>>)
      %dma_wait3A = tpu.memref_slice %arg8[%mul3A_62] : memref<10240xf32, #tpu.memory_space<vmem_shared>> -> memref<640xf32, #tpu.memory_space<vmem_shared>>
      %dma_wait3A_66 = tpu.memref_slice %arg8[%mul3A_62] : memref<10240xf32, #tpu.memory_space<vmem_shared>> -> memref<640xf32, #tpu.memory_space<vmem_shared>>
      tpu.wait_dma2 semaphore(%run_scoped3A : memref<!tpu.dma_semaphore, #tpu.memory_space<semaphore_mem>>) src(%dma_wait3A_66 : memref<640xf32, #tpu.memory_space<vmem_shared>>) dst(%arg7 : memref<640xf32, #tpu.memory_space<vmem>>)
      tpu.yield
    }) : () -> ()
    %mul3A_63 = arith.constant 640 : i32
    %mul3A_64 = arith.muli %arg1, %mul3A_63 : i32
    "tpu.region"() ({
      %run_scoped3A = tpu.sem_alloc : memref<!tpu.dma_semaphore, #tpu.memory_space<semaphore_mem>>
      %dma_start3A = tpu.memref_slice %arg4[%mul3A_64] : memref<10240xf32, #tpu.memory_space<hbm>> -> memref<640xf32, #tpu.memory_space<hbm>>
      %dma_start3A_65 = tpu.memref_slice %arg4[%mul3A_64] : memref<10240xf32, #tpu.memory_space<hbm>> -> memref<640xf32, #tpu.memory_space<hbm>>
      tpu.enqueue_dma source(%arg7 : memref<640xf32, #tpu.memory_space<vmem>>) target(%dma_start3A_65 : memref<640xf32, #tpu.memory_space<hbm>>) target_semaphore(%run_scoped3A : memref<!tpu.dma_semaphore, #tpu.memory_space<semaphore_mem>>)
      %dma_wait3A = tpu.memref_slice %arg4[%mul3A_64] : memref<10240xf32, #tpu.memory_space<hbm>> -> memref<640xf32, #tpu.memory_space<hbm>>
      %dma_wait3A_66 = tpu.memref_slice %arg4[%mul3A_64] : memref<10240xf32, #tpu.memory_space<hbm>> -> memref<640xf32, #tpu.memory_space<hbm>>
      tpu.wait_dma2 semaphore(%run_scoped3A : memref<!tpu.dma_semaphore, #tpu.memory_space<semaphore_mem>>) src(%arg7 : memref<640xf32, #tpu.memory_space<vmem>>) dst(%dma_wait3A_66 : memref<640xf32, #tpu.memory_space<hbm>>)
      tpu.yield
    }) : () -> ()
    return
  }
}

#map = affine_map<(d0, d1) -> (0, 0, 0)>
#map1 = affine_map<(d0, d1) -> (0, 0)>
#map2 = affine_map<(d0, d1) -> (0)>
module attributes {stable_mosaic.version = 14 : i64} {
  func.func @_agg_body(%arg0: i32, %arg1: i32, %arg2: memref<2500x1x128xi32, #tpu.memory_space<hbm>>, %arg3: memref<2500x1x128xi32, #tpu.memory_space<hbm>>, %arg4: memref<10000x128xf32, #tpu.memory_space<hbm>>, %arg5: memref<10240xf32, #tpu.memory_space<hbm>>, %arg6: memref<640xf32, #tpu.memory_space<hbm>>, %arg7: memref<128x128xf32, #tpu.memory_space<hbm>>, %arg8: memref<2x10240x128xf32, #tpu.memory_space<hbm>>, %arg9: memref<20480xf32, #tpu.memory_space<hbm>>, %arg10: memref<26x1x128xi32, #tpu.memory_space<vmem>>, %arg11: memref<26x1x128xi32, #tpu.memory_space<vmem>>, %arg12: memref<26x1x128xi32, #tpu.memory_space<vmem>>, %arg13: memref<26x1x128xi32, #tpu.memory_space<vmem>>, %arg14: memref<2x1x128xi32, #tpu.memory_space<vmem>>, %arg15: memref<2x1x128xi32, #tpu.memory_space<vmem>>, %arg16: memref<128x128xf32, #tpu.memory_space<vmem>>, %arg17: memref<128x128xf32, #tpu.memory_space<vmem>>, %arg18: memref<128xf32, #tpu.memory_space<vmem>>, %arg19: memref<128xf32, #tpu.memory_space<vmem>>, %arg20: memref<128xf32, #tpu.memory_space<vmem>>, %arg21: memref<128xf32, #tpu.memory_space<vmem>>, %arg22: memref<640xf32, #tpu.memory_space<vmem>>, %arg23: memref<10240x128xf32, #tpu.memory_space<vmem_shared>>, %arg24: memref<10240xf32, #tpu.memory_space<vmem_shared>>, %arg25: memref<!tpu.dma_semaphore, #tpu.memory_space<semaphore_mem>>, %arg26: memref<!tpu.dma_semaphore, #tpu.memory_space<semaphore_mem>>, %arg27: memref<!tpu.dma_semaphore, #tpu.memory_space<semaphore_mem>>, %arg28: memref<!tpu.dma_semaphore, #tpu.memory_space<semaphore_mem>>, %arg29: memref<!tpu.dma_semaphore, #tpu.memory_space<semaphore_mem>>, %arg30: memref<!tpu.dma_semaphore, #tpu.memory_space<semaphore_mem>>, %arg31: memref<!tpu.dma_semaphore, #tpu.memory_space<semaphore_mem>>, %arg32: memref<!tpu.dma_semaphore, #tpu.memory_space<semaphore_mem>>, %arg33: memref<!tpu.dma_semaphore, #tpu.memory_space<semaphore_mem>>, %arg34: memref<!tpu.dma_semaphore, #tpu.memory_space<semaphore_mem>>) attributes {dimension_semantics = [#tpu.dimension_semantics<core_parallel>, #tpu.dimension_semantics<subcore_parallel>], iteration_bounds = array<i64: 2, 16>, scalar_prefetch = 0 : i64, scratch_operands = 25 : i64, tpu.core_type = #tpu.core_type<sc_vector_subcore>, window_params = [{transform_indices = #map}, {transform_indices = #map}, {transform_indices = #map1}, {transform_indices = #map2}, {transform_indices = #map2}, {transform_indices = #map1}, {transform_indices = #map}, {transform_indices = #map2}]} {
    %mul3A = arith.constant 2 : i32
    %mul3A_0 = arith.muli %arg1, %mul3A : i32
    %add3A = arith.addi %mul3A_0, %arg0 : i32
    %mul3A_1 = arith.constant 78 : i32
    %mul3A_2 = arith.muli %add3A, %mul3A_1 : i32
    "tpu.region"() ({
      %run_scoped3A = tpu.sem_alloc : memref<!tpu.dma_semaphore, #tpu.memory_space<semaphore_mem>>
      %dma_start3A_243 = arith.constant 0 : i32
      %dma_start3A_244 = arith.constant 0 : i32
      %dma_start3A_245 = tpu.memref_slice %arg2[%mul3A_2, %dma_start3A_243, %dma_start3A_244] : memref<2500x1x128xi32, #tpu.memory_space<hbm>> -> memref<26x1x128xi32, #tpu.memory_space<hbm>>
      %dma_start3A_246 = arith.constant 0 : i32
      %dma_start3A_247 = arith.constant 0 : i32
      %dma_start3A_248 = tpu.memref_slice %arg2[%mul3A_2, %dma_start3A_246, %dma_start3A_247] : memref<2500x1x128xi32, #tpu.memory_space<hbm>> -> memref<26x1x128xi32, #tpu.memory_space<hbm>>
      tpu.enqueue_dma source(%dma_start3A_248 : memref<26x1x128xi32, #tpu.memory_space<hbm>>) target(%arg10 : memref<26x1x128xi32, #tpu.memory_space<vmem>>) target_semaphore(%run_scoped3A : memref<!tpu.dma_semaphore, #tpu.memory_space<semaphore_mem>>)
      %dma_wait3A_249 = arith.constant 0 : i32
      %dma_wait3A_250 = arith.constant 0 : i32
      %dma_wait3A_251 = tpu.memref_slice %arg2[%mul3A_2, %dma_wait3A_249, %dma_wait3A_250] : memref<2500x1x128xi32, #tpu.memory_space<hbm>> -> memref<26x1x128xi32, #tpu.memory_space<hbm>>
      %dma_wait3A_252 = arith.constant 0 : i32
      %dma_wait3A_253 = arith.constant 0 : i32
      %dma_wait3A_254 = tpu.memref_slice %arg2[%mul3A_2, %dma_wait3A_252, %dma_wait3A_253] : memref<2500x1x128xi32, #tpu.memory_space<hbm>> -> memref<26x1x128xi32, #tpu.memory_space<hbm>>
      tpu.wait_dma2 semaphore(%run_scoped3A : memref<!tpu.dma_semaphore, #tpu.memory_space<semaphore_mem>>) src(%dma_wait3A_254 : memref<26x1x128xi32, #tpu.memory_space<hbm>>) dst(%arg10 : memref<26x1x128xi32, #tpu.memory_space<vmem>>)
      tpu.yield
    }) : () -> ()
    "tpu.region"() ({
      %run_scoped3A = tpu.sem_alloc : memref<!tpu.dma_semaphore, #tpu.memory_space<semaphore_mem>>
      %dma_start3A_243 = arith.constant 0 : i32
      %dma_start3A_244 = arith.constant 0 : i32
      %dma_start3A_245 = tpu.memref_slice %arg3[%mul3A_2, %dma_start3A_243, %dma_start3A_244] : memref<2500x1x128xi32, #tpu.memory_space<hbm>> -> memref<26x1x128xi32, #tpu.memory_space<hbm>>
      %dma_start3A_246 = arith.constant 0 : i32
      %dma_start3A_247 = arith.constant 0 : i32
      %dma_start3A_248 = tpu.memref_slice %arg3[%mul3A_2, %dma_start3A_246, %dma_start3A_247] : memref<2500x1x128xi32, #tpu.memory_space<hbm>> -> memref<26x1x128xi32, #tpu.memory_space<hbm>>
      tpu.enqueue_dma source(%dma_start3A_248 : memref<26x1x128xi32, #tpu.memory_space<hbm>>) target(%arg11 : memref<26x1x128xi32, #tpu.memory_space<vmem>>) target_semaphore(%run_scoped3A : memref<!tpu.dma_semaphore, #tpu.memory_space<semaphore_mem>>)
      %dma_wait3A_249 = arith.constant 0 : i32
      %dma_wait3A_250 = arith.constant 0 : i32
      %dma_wait3A_251 = tpu.memref_slice %arg3[%mul3A_2, %dma_wait3A_249, %dma_wait3A_250] : memref<2500x1x128xi32, #tpu.memory_space<hbm>> -> memref<26x1x128xi32, #tpu.memory_space<hbm>>
      %dma_wait3A_252 = arith.constant 0 : i32
      %dma_wait3A_253 = arith.constant 0 : i32
      %dma_wait3A_254 = tpu.memref_slice %arg3[%mul3A_2, %dma_wait3A_252, %dma_wait3A_253] : memref<2500x1x128xi32, #tpu.memory_space<hbm>> -> memref<26x1x128xi32, #tpu.memory_space<hbm>>
      tpu.wait_dma2 semaphore(%run_scoped3A : memref<!tpu.dma_semaphore, #tpu.memory_space<semaphore_mem>>) src(%dma_wait3A_254 : memref<26x1x128xi32, #tpu.memory_space<hbm>>) dst(%arg11 : memref<26x1x128xi32, #tpu.memory_space<vmem>>)
      tpu.yield
    }) : () -> ()
    %dma_start3A = arith.constant 0 : i32
    %dma_start3A_3 = arith.constant 0 : i32
    %dma_start3A_4 = arith.constant 0 : i32
    %dma_start3A_5 = tpu.memref_slice %arg10[%dma_start3A, %dma_start3A_3, %dma_start3A_4] : memref<26x1x128xi32, #tpu.memory_space<vmem>> -> memref<1x1x128xi32, #tpu.memory_space<vmem>>
    %dma_start3A_6 = tpu.memref_squeeze %dma_start3A_5 : memref<1x1x128xi32, #tpu.memory_space<vmem>> -> memref<128xi32, #tpu.memory_space<vmem>>
    %dma_start3A_7 = arith.constant 0 : i32
    %dma_start3A_8 = arith.constant 0 : i32
    %dma_start3A_9 = tpu.memref_slice %arg4[%dma_start3A_7, %dma_start3A_8] : memref<10000x128xf32, #tpu.memory_space<hbm>> -> memref<10000x128xf32, #tpu.memory_space<hbm>>
    tpu.enqueue_indirect_dma source(%dma_start3A_9 : memref<10000x128xf32, #tpu.memory_space<hbm>>) target(%arg16 : memref<128x128xf32, #tpu.memory_space<vmem>>) offsets(%dma_start3A_6 : memref<128xi32, #tpu.memory_space<vmem>>) semaphore(%arg25 : memref<!tpu.dma_semaphore, #tpu.memory_space<semaphore_mem>>)
    %dma_start3A_10 = arith.constant 0 : i32
    %dma_start3A_11 = arith.constant 0 : i32
    %dma_start3A_12 = arith.constant 0 : i32
    %dma_start3A_13 = tpu.memref_slice %arg11[%dma_start3A_10, %dma_start3A_11, %dma_start3A_12] : memref<26x1x128xi32, #tpu.memory_space<vmem>> -> memref<1x1x128xi32, #tpu.memory_space<vmem>>
    %dma_start3A_14 = tpu.memref_squeeze %dma_start3A_13 : memref<1x1x128xi32, #tpu.memory_space<vmem>> -> memref<128xi32, #tpu.memory_space<vmem>>
    %dma_start3A_15 = arith.constant 0 : i32
    %dma_start3A_16 = tpu.memref_slice %arg5[%dma_start3A_15] : memref<10240xf32, #tpu.memory_space<hbm>> -> memref<10240xf32, #tpu.memory_space<hbm>>
    tpu.enqueue_indirect_dma source(%dma_start3A_16 : memref<10240xf32, #tpu.memory_space<hbm>>) target(%arg18 : memref<128xf32, #tpu.memory_space<vmem>>) offsets(%dma_start3A_14 : memref<128xi32, #tpu.memory_space<vmem>>) semaphore(%arg27 : memref<!tpu.dma_semaphore, #tpu.memory_space<semaphore_mem>>)
    %add3A_17 = arith.constant 26 : i32
    %add3A_18 = arith.addi %mul3A_2, %add3A_17 : i32
    %dma_start3A_19 = arith.constant 0 : i32
    %dma_start3A_20 = arith.constant 0 : i32
    %dma_start3A_21 = tpu.memref_slice %arg2[%add3A_18, %dma_start3A_19, %dma_start3A_20] : memref<2500x1x128xi32, #tpu.memory_space<hbm>> -> memref<26x1x128xi32, #tpu.memory_space<hbm>>
    %dma_start3A_22 = arith.constant 0 : i32
    %dma_start3A_23 = arith.constant 0 : i32
    %dma_start3A_24 = tpu.memref_slice %arg2[%add3A_18, %dma_start3A_22, %dma_start3A_23] : memref<2500x1x128xi32, #tpu.memory_space<hbm>> -> memref<26x1x128xi32, #tpu.memory_space<hbm>>
    tpu.enqueue_dma source(%dma_start3A_24 : memref<26x1x128xi32, #tpu.memory_space<hbm>>) target(%arg12 : memref<26x1x128xi32, #tpu.memory_space<vmem>>) target_semaphore(%arg34 : memref<!tpu.dma_semaphore, #tpu.memory_space<semaphore_mem>>)
    %add3A_25 = arith.constant 26 : i32
    %add3A_26 = arith.addi %mul3A_2, %add3A_25 : i32
    %dma_start3A_27 = arith.constant 0 : i32
    %dma_start3A_28 = arith.constant 0 : i32
    %dma_start3A_29 = tpu.memref_slice %arg3[%add3A_26, %dma_start3A_27, %dma_start3A_28] : memref<2500x1x128xi32, #tpu.memory_space<hbm>> -> memref<26x1x128xi32, #tpu.memory_space<hbm>>
    %dma_start3A_30 = arith.constant 0 : i32
    %dma_start3A_31 = arith.constant 0 : i32
    %dma_start3A_32 = tpu.memref_slice %arg3[%add3A_26, %dma_start3A_30, %dma_start3A_31] : memref<2500x1x128xi32, #tpu.memory_space<hbm>> -> memref<26x1x128xi32, #tpu.memory_space<hbm>>
    tpu.enqueue_dma source(%dma_start3A_32 : memref<26x1x128xi32, #tpu.memory_space<hbm>>) target(%arg13 : memref<26x1x128xi32, #tpu.memory_space<vmem>>) target_semaphore(%arg34 : memref<!tpu.dma_semaphore, #tpu.memory_space<semaphore_mem>>)
    %lt3A = arith.constant 2 : i32
    %lt3A_33 = arith.cmpi slt, %add3A, %lt3A : i32
    %convert_element_type3A = arith.extui %lt3A_33 : i1 to i32
    %cond3A = arith.constant 0 : i32
    %cond3A_34 = arith.cmpi ne, %convert_element_type3A, %cond3A : i32
    scf.if %cond3A_34 {
      %mul3A_243 = arith.constant 2 : i32
      %mul3A_244 = arith.muli %mul3A_243, %add3A : i32
      %add3A_245 = arith.constant 2496 : i32
      %add3A_246 = arith.addi %add3A_245, %mul3A_244 : i32
      "tpu.region"() ({
        %run_scoped3A = tpu.sem_alloc : memref<!tpu.dma_semaphore, #tpu.memory_space<semaphore_mem>>
        %dma_start3A_251 = arith.constant 0 : i32
        %dma_start3A_252 = arith.constant 0 : i32
        %dma_start3A_253 = tpu.memref_slice %arg2[%add3A_246, %dma_start3A_251, %dma_start3A_252] : memref<2500x1x128xi32, #tpu.memory_space<hbm>> -> memref<2x1x128xi32, #tpu.memory_space<hbm>>
        %dma_start3A_254 = arith.constant 0 : i32
        %dma_start3A_255 = arith.constant 0 : i32
        %dma_start3A_256 = tpu.memref_slice %arg2[%add3A_246, %dma_start3A_254, %dma_start3A_255] : memref<2500x1x128xi32, #tpu.memory_space<hbm>> -> memref<2x1x128xi32, #tpu.memory_space<hbm>>
        tpu.enqueue_dma source(%dma_start3A_256 : memref<2x1x128xi32, #tpu.memory_space<hbm>>) target(%arg14 : memref<2x1x128xi32, #tpu.memory_space<vmem>>) target_semaphore(%run_scoped3A : memref<!tpu.dma_semaphore, #tpu.memory_space<semaphore_mem>>)
        %dma_wait3A_257 = arith.constant 0 : i32
        %dma_wait3A_258 = arith.constant 0 : i32
        %dma_wait3A_259 = tpu.memref_slice %arg2[%add3A_246, %dma_wait3A_257, %dma_wait3A_258] : memref<2500x1x128xi32, #tpu.memory_space<hbm>> -> memref<2x1x128xi32, #tpu.memory_space<hbm>>
        %dma_wait3A_260 = arith.constant 0 : i32
        %dma_wait3A_261 = arith.constant 0 : i32
        %dma_wait3A_262 = tpu.memref_slice %arg2[%add3A_246, %dma_wait3A_260, %dma_wait3A_261] : memref<2500x1x128xi32, #tpu.memory_space<hbm>> -> memref<2x1x128xi32, #tpu.memory_space<hbm>>
        tpu.wait_dma2 semaphore(%run_scoped3A : memref<!tpu.dma_semaphore, #tpu.memory_space<semaphore_mem>>) src(%dma_wait3A_262 : memref<2x1x128xi32, #tpu.memory_space<hbm>>) dst(%arg14 : memref<2x1x128xi32, #tpu.memory_space<vmem>>)
        tpu.yield
      }) : () -> ()
      %mul3A_247 = arith.constant 2 : i32
      %mul3A_248 = arith.muli %mul3A_247, %add3A : i32
      %add3A_249 = arith.constant 2496 : i32
      %add3A_250 = arith.addi %add3A_249, %mul3A_248 : i32
      "tpu.region"() ({
        %run_scoped3A = tpu.sem_alloc : memref<!tpu.dma_semaphore, #tpu.memory_space<semaphore_mem>>
        %dma_start3A_251 = arith.constant 0 : i32
        %dma_start3A_252 = arith.constant 0 : i32
        %dma_start3A_253 = tpu.memref_slice %arg3[%add3A_250, %dma_start3A_251, %dma_start3A_252] : memref<2500x1x128xi32, #tpu.memory_space<hbm>> -> memref<2x1x128xi32, #tpu.memory_space<hbm>>
        %dma_start3A_254 = arith.constant 0 : i32
        %dma_start3A_255 = arith.constant 0 : i32
        %dma_start3A_256 = tpu.memref_slice %arg3[%add3A_250, %dma_start3A_254, %dma_start3A_255] : memref<2500x1x128xi32, #tpu.memory_space<hbm>> -> memref<2x1x128xi32, #tpu.memory_space<hbm>>
        tpu.enqueue_dma source(%dma_start3A_256 : memref<2x1x128xi32, #tpu.memory_space<hbm>>) target(%arg15 : memref<2x1x128xi32, #tpu.memory_space<vmem>>) target_semaphore(%run_scoped3A : memref<!tpu.dma_semaphore, #tpu.memory_space<semaphore_mem>>)
        %dma_wait3A_257 = arith.constant 0 : i32
        %dma_wait3A_258 = arith.constant 0 : i32
        %dma_wait3A_259 = tpu.memref_slice %arg3[%add3A_250, %dma_wait3A_257, %dma_wait3A_258] : memref<2500x1x128xi32, #tpu.memory_space<hbm>> -> memref<2x1x128xi32, #tpu.memory_space<hbm>>
        %dma_wait3A_260 = arith.constant 0 : i32
        %dma_wait3A_261 = arith.constant 0 : i32
        %dma_wait3A_262 = tpu.memref_slice %arg3[%add3A_250, %dma_wait3A_260, %dma_wait3A_261] : memref<2500x1x128xi32, #tpu.memory_space<hbm>> -> memref<2x1x128xi32, #tpu.memory_space<hbm>>
        tpu.wait_dma2 semaphore(%run_scoped3A : memref<!tpu.dma_semaphore, #tpu.memory_space<semaphore_mem>>) src(%dma_wait3A_262 : memref<2x1x128xi32, #tpu.memory_space<hbm>>) dst(%arg15 : memref<2x1x128xi32, #tpu.memory_space<vmem>>)
        tpu.yield
      }) : () -> ()
    } else {
    }
    "tpu.region"() ({
      %run_scoped3A = tpu.sem_alloc : memref<!tpu.dma_semaphore, #tpu.memory_space<semaphore_mem>>
      tpu.enqueue_dma source(%arg7 : memref<128x128xf32, #tpu.memory_space<hbm>>) target(%arg17 : memref<128x128xf32, #tpu.memory_space<vmem>>) target_semaphore(%run_scoped3A : memref<!tpu.dma_semaphore, #tpu.memory_space<semaphore_mem>>)
      tpu.wait_dma2 semaphore(%run_scoped3A : memref<!tpu.dma_semaphore, #tpu.memory_space<semaphore_mem>>) src(%arg7 : memref<128x128xf32, #tpu.memory_space<hbm>>) dst(%arg17 : memref<128x128xf32, #tpu.memory_space<vmem>>)
      tpu.yield
    }) : () -> ()
    %mul3A_35 = arith.constant 640 : i32
    %mul3A_36 = arith.muli %arg1, %mul3A_35 : i32
    %add3A_37 = arith.constant 0 : i32
    %add3A_38 = arith.addi %mul3A_36, %add3A_37 : i32
    "tpu.region"() ({
      %run_scoped3A = tpu.sem_alloc : memref<!tpu.dma_semaphore, #tpu.memory_space<semaphore_mem>>
      %dma_start3A_243 = arith.constant 0 : i32
      %dma_start3A_244 = tpu.memref_slice %arg23[%add3A_38, %dma_start3A_243] : memref<10240x128xf32, #tpu.memory_space<vmem_shared>> -> memref<128x128xf32, #tpu.memory_space<vmem_shared>>
      %dma_start3A_245 = arith.constant 0 : i32
      %dma_start3A_246 = tpu.memref_slice %arg23[%add3A_38, %dma_start3A_245] : memref<10240x128xf32, #tpu.memory_space<vmem_shared>> -> memref<128x128xf32, #tpu.memory_space<vmem_shared>>
      tpu.enqueue_dma source(%arg17 : memref<128x128xf32, #tpu.memory_space<vmem>>) target(%dma_start3A_246 : memref<128x128xf32, #tpu.memory_space<vmem_shared>>) target_semaphore(%run_scoped3A : memref<!tpu.dma_semaphore, #tpu.memory_space<semaphore_mem>>)
      %dma_wait3A_247 = arith.constant 0 : i32
      %dma_wait3A_248 = tpu.memref_slice %arg23[%add3A_38, %dma_wait3A_247] : memref<10240x128xf32, #tpu.memory_space<vmem_shared>> -> memref<128x128xf32, #tpu.memory_space<vmem_shared>>
      %dma_wait3A_249 = arith.constant 0 : i32
      %dma_wait3A_250 = tpu.memref_slice %arg23[%add3A_38, %dma_wait3A_249] : memref<10240x128xf32, #tpu.memory_space<vmem_shared>> -> memref<128x128xf32, #tpu.memory_space<vmem_shared>>
      tpu.wait_dma2 semaphore(%run_scoped3A : memref<!tpu.dma_semaphore, #tpu.memory_space<semaphore_mem>>) src(%arg17 : memref<128x128xf32, #tpu.memory_space<vmem>>) dst(%dma_wait3A_250 : memref<128x128xf32, #tpu.memory_space<vmem_shared>>)
      tpu.yield
    }) : () -> ()
    %mul3A_39 = arith.constant 640 : i32
    %mul3A_40 = arith.muli %arg1, %mul3A_39 : i32
    %add3A_41 = arith.constant 128 : i32
    %add3A_42 = arith.addi %mul3A_40, %add3A_41 : i32
    "tpu.region"() ({
      %run_scoped3A = tpu.sem_alloc : memref<!tpu.dma_semaphore, #tpu.memory_space<semaphore_mem>>
      %dma_start3A_243 = arith.constant 0 : i32
      %dma_start3A_244 = tpu.memref_slice %arg23[%add3A_42, %dma_start3A_243] : memref<10240x128xf32, #tpu.memory_space<vmem_shared>> -> memref<128x128xf32, #tpu.memory_space<vmem_shared>>
      %dma_start3A_245 = arith.constant 0 : i32
      %dma_start3A_246 = tpu.memref_slice %arg23[%add3A_42, %dma_start3A_245] : memref<10240x128xf32, #tpu.memory_space<vmem_shared>> -> memref<128x128xf32, #tpu.memory_space<vmem_shared>>
      tpu.enqueue_dma source(%arg17 : memref<128x128xf32, #tpu.memory_space<vmem>>) target(%dma_start3A_246 : memref<128x128xf32, #tpu.memory_space<vmem_shared>>) target_semaphore(%run_scoped3A : memref<!tpu.dma_semaphore, #tpu.memory_space<semaphore_mem>>)
      %dma_wait3A_247 = arith.constant 0 : i32
      %dma_wait3A_248 = tpu.memref_slice %arg23[%add3A_42, %dma_wait3A_247] : memref<10240x128xf32, #tpu.memory_space<vmem_shared>> -> memref<128x128xf32, #tpu.memory_space<vmem_shared>>
      %dma_wait3A_249 = arith.constant 0 : i32
      %dma_wait3A_250 = tpu.memref_slice %arg23[%add3A_42, %dma_wait3A_249] : memref<10240x128xf32, #tpu.memory_space<vmem_shared>> -> memref<128x128xf32, #tpu.memory_space<vmem_shared>>
      tpu.wait_dma2 semaphore(%run_scoped3A : memref<!tpu.dma_semaphore, #tpu.memory_space<semaphore_mem>>) src(%arg17 : memref<128x128xf32, #tpu.memory_space<vmem>>) dst(%dma_wait3A_250 : memref<128x128xf32, #tpu.memory_space<vmem_shared>>)
      tpu.yield
    }) : () -> ()
    %mul3A_43 = arith.constant 640 : i32
    %mul3A_44 = arith.muli %arg1, %mul3A_43 : i32
    %add3A_45 = arith.constant 256 : i32
    %add3A_46 = arith.addi %mul3A_44, %add3A_45 : i32
    "tpu.region"() ({
      %run_scoped3A = tpu.sem_alloc : memref<!tpu.dma_semaphore, #tpu.memory_space<semaphore_mem>>
      %dma_start3A_243 = arith.constant 0 : i32
      %dma_start3A_244 = tpu.memref_slice %arg23[%add3A_46, %dma_start3A_243] : memref<10240x128xf32, #tpu.memory_space<vmem_shared>> -> memref<128x128xf32, #tpu.memory_space<vmem_shared>>
      %dma_start3A_245 = arith.constant 0 : i32
      %dma_start3A_246 = tpu.memref_slice %arg23[%add3A_46, %dma_start3A_245] : memref<10240x128xf32, #tpu.memory_space<vmem_shared>> -> memref<128x128xf32, #tpu.memory_space<vmem_shared>>
      tpu.enqueue_dma source(%arg17 : memref<128x128xf32, #tpu.memory_space<vmem>>) target(%dma_start3A_246 : memref<128x128xf32, #tpu.memory_space<vmem_shared>>) target_semaphore(%run_scoped3A : memref<!tpu.dma_semaphore, #tpu.memory_space<semaphore_mem>>)
      %dma_wait3A_247 = arith.constant 0 : i32
      %dma_wait3A_248 = tpu.memref_slice %arg23[%add3A_46, %dma_wait3A_247] : memref<10240x128xf32, #tpu.memory_space<vmem_shared>> -> memref<128x128xf32, #tpu.memory_space<vmem_shared>>
      %dma_wait3A_249 = arith.constant 0 : i32
      %dma_wait3A_250 = tpu.memref_slice %arg23[%add3A_46, %dma_wait3A_249] : memref<10240x128xf32, #tpu.memory_space<vmem_shared>> -> memref<128x128xf32, #tpu.memory_space<vmem_shared>>
      tpu.wait_dma2 semaphore(%run_scoped3A : memref<!tpu.dma_semaphore, #tpu.memory_space<semaphore_mem>>) src(%arg17 : memref<128x128xf32, #tpu.memory_space<vmem>>) dst(%dma_wait3A_250 : memref<128x128xf32, #tpu.memory_space<vmem_shared>>)
      tpu.yield
    }) : () -> ()
    %mul3A_47 = arith.constant 640 : i32
    %mul3A_48 = arith.muli %arg1, %mul3A_47 : i32
    %add3A_49 = arith.constant 384 : i32
    %add3A_50 = arith.addi %mul3A_48, %add3A_49 : i32
    "tpu.region"() ({
      %run_scoped3A = tpu.sem_alloc : memref<!tpu.dma_semaphore, #tpu.memory_space<semaphore_mem>>
      %dma_start3A_243 = arith.constant 0 : i32
      %dma_start3A_244 = tpu.memref_slice %arg23[%add3A_50, %dma_start3A_243] : memref<10240x128xf32, #tpu.memory_space<vmem_shared>> -> memref<128x128xf32, #tpu.memory_space<vmem_shared>>
      %dma_start3A_245 = arith.constant 0 : i32
      %dma_start3A_246 = tpu.memref_slice %arg23[%add3A_50, %dma_start3A_245] : memref<10240x128xf32, #tpu.memory_space<vmem_shared>> -> memref<128x128xf32, #tpu.memory_space<vmem_shared>>
      tpu.enqueue_dma source(%arg17 : memref<128x128xf32, #tpu.memory_space<vmem>>) target(%dma_start3A_246 : memref<128x128xf32, #tpu.memory_space<vmem_shared>>) target_semaphore(%run_scoped3A : memref<!tpu.dma_semaphore, #tpu.memory_space<semaphore_mem>>)
      %dma_wait3A_247 = arith.constant 0 : i32
      %dma_wait3A_248 = tpu.memref_slice %arg23[%add3A_50, %dma_wait3A_247] : memref<10240x128xf32, #tpu.memory_space<vmem_shared>> -> memref<128x128xf32, #tpu.memory_space<vmem_shared>>
      %dma_wait3A_249 = arith.constant 0 : i32
      %dma_wait3A_250 = tpu.memref_slice %arg23[%add3A_50, %dma_wait3A_249] : memref<10240x128xf32, #tpu.memory_space<vmem_shared>> -> memref<128x128xf32, #tpu.memory_space<vmem_shared>>
      tpu.wait_dma2 semaphore(%run_scoped3A : memref<!tpu.dma_semaphore, #tpu.memory_space<semaphore_mem>>) src(%arg17 : memref<128x128xf32, #tpu.memory_space<vmem>>) dst(%dma_wait3A_250 : memref<128x128xf32, #tpu.memory_space<vmem_shared>>)
      tpu.yield
    }) : () -> ()
    %mul3A_51 = arith.constant 640 : i32
    %mul3A_52 = arith.muli %arg1, %mul3A_51 : i32
    %add3A_53 = arith.constant 512 : i32
    %add3A_54 = arith.addi %mul3A_52, %add3A_53 : i32
    "tpu.region"() ({
      %run_scoped3A = tpu.sem_alloc : memref<!tpu.dma_semaphore, #tpu.memory_space<semaphore_mem>>
      %dma_start3A_243 = arith.constant 0 : i32
      %dma_start3A_244 = tpu.memref_slice %arg23[%add3A_54, %dma_start3A_243] : memref<10240x128xf32, #tpu.memory_space<vmem_shared>> -> memref<128x128xf32, #tpu.memory_space<vmem_shared>>
      %dma_start3A_245 = arith.constant 0 : i32
      %dma_start3A_246 = tpu.memref_slice %arg23[%add3A_54, %dma_start3A_245] : memref<10240x128xf32, #tpu.memory_space<vmem_shared>> -> memref<128x128xf32, #tpu.memory_space<vmem_shared>>
      tpu.enqueue_dma source(%arg17 : memref<128x128xf32, #tpu.memory_space<vmem>>) target(%dma_start3A_246 : memref<128x128xf32, #tpu.memory_space<vmem_shared>>) target_semaphore(%run_scoped3A : memref<!tpu.dma_semaphore, #tpu.memory_space<semaphore_mem>>)
      %dma_wait3A_247 = arith.constant 0 : i32
      %dma_wait3A_248 = tpu.memref_slice %arg23[%add3A_54, %dma_wait3A_247] : memref<10240x128xf32, #tpu.memory_space<vmem_shared>> -> memref<128x128xf32, #tpu.memory_space<vmem_shared>>
      %dma_wait3A_249 = arith.constant 0 : i32
      %dma_wait3A_250 = tpu.memref_slice %arg23[%add3A_54, %dma_wait3A_249] : memref<10240x128xf32, #tpu.memory_space<vmem_shared>> -> memref<128x128xf32, #tpu.memory_space<vmem_shared>>
      tpu.wait_dma2 semaphore(%run_scoped3A : memref<!tpu.dma_semaphore, #tpu.memory_space<semaphore_mem>>) src(%arg17 : memref<128x128xf32, #tpu.memory_space<vmem>>) dst(%dma_wait3A_250 : memref<128x128xf32, #tpu.memory_space<vmem_shared>>)
      tpu.yield
    }) : () -> ()
    "tpu.region"() ({
      %run_scoped3A = tpu.sem_alloc : memref<!tpu.dma_semaphore, #tpu.memory_space<semaphore_mem>>
      tpu.enqueue_dma source(%arg6 : memref<640xf32, #tpu.memory_space<hbm>>) target(%arg22 : memref<640xf32, #tpu.memory_space<vmem>>) target_semaphore(%run_scoped3A : memref<!tpu.dma_semaphore, #tpu.memory_space<semaphore_mem>>)
      tpu.wait_dma2 semaphore(%run_scoped3A : memref<!tpu.dma_semaphore, #tpu.memory_space<semaphore_mem>>) src(%arg6 : memref<640xf32, #tpu.memory_space<hbm>>) dst(%arg22 : memref<640xf32, #tpu.memory_space<vmem>>)
      tpu.yield
    }) : () -> ()
    %mul3A_55 = arith.constant 640 : i32
    %mul3A_56 = arith.muli %arg1, %mul3A_55 : i32
    "tpu.region"() ({
      %run_scoped3A = tpu.sem_alloc : memref<!tpu.dma_semaphore, #tpu.memory_space<semaphore_mem>>
      %dma_start3A_243 = tpu.memref_slice %arg24[%mul3A_56] : memref<10240xf32, #tpu.memory_space<vmem_shared>> -> memref<640xf32, #tpu.memory_space<vmem_shared>>
      %dma_start3A_244 = tpu.memref_slice %arg24[%mul3A_56] : memref<10240xf32, #tpu.memory_space<vmem_shared>> -> memref<640xf32, #tpu.memory_space<vmem_shared>>
      tpu.enqueue_dma source(%arg22 : memref<640xf32, #tpu.memory_space<vmem>>) target(%dma_start3A_244 : memref<640xf32, #tpu.memory_space<vmem_shared>>) target_semaphore(%run_scoped3A : memref<!tpu.dma_semaphore, #tpu.memory_space<semaphore_mem>>)
      %dma_wait3A_245 = tpu.memref_slice %arg24[%mul3A_56] : memref<10240xf32, #tpu.memory_space<vmem_shared>> -> memref<640xf32, #tpu.memory_space<vmem_shared>>
      %dma_wait3A_246 = tpu.memref_slice %arg24[%mul3A_56] : memref<10240xf32, #tpu.memory_space<vmem_shared>> -> memref<640xf32, #tpu.memory_space<vmem_shared>>
      tpu.wait_dma2 semaphore(%run_scoped3A : memref<!tpu.dma_semaphore, #tpu.memory_space<semaphore_mem>>) src(%arg22 : memref<640xf32, #tpu.memory_space<vmem>>) dst(%dma_wait3A_246 : memref<640xf32, #tpu.memory_space<vmem_shared>>)
      tpu.yield
    }) : () -> ()
    %barrier3A = arith.constant 0 : index
    tpu.barrier barrier_id(%barrier3A)
    %scan3A = arith.constant 0 : i32
    %scan3A_57 = arith.constant 13 : i32
    %scan3A_58 = arith.addi %scan3A, %scan3A_57 : i32
    %scan3A_59 = arith.constant 1 : i32
    scf.for %scan3A_243 = %scan3A to %scan3A_58 step %scan3A_59  : i32 {
      %mul3A_244 = arith.constant 2 : i32
      %mul3A_245 = arith.muli %mul3A_244, %scan3A_243 : i32
      %add3A_246 = arith.constant 1 : i32
      %add3A_247 = arith.addi %mul3A_245, %add3A_246 : i32
      %dma_wait3A_248 = arith.constant 0 : i32
      %dma_wait3A_249 = arith.constant 0 : i32
      %dma_wait3A_250 = tpu.memref_slice %arg4[%dma_wait3A_248, %dma_wait3A_249] : memref<10000x128xf32, #tpu.memory_space<hbm>> -> memref<128x128xf32, #tpu.memory_space<hbm>>
      %dma_wait3A_251 = arith.constant 0 : i32
      %dma_wait3A_252 = arith.constant 0 : i32
      %dma_wait3A_253 = tpu.memref_slice %arg4[%dma_wait3A_251, %dma_wait3A_252] : memref<10000x128xf32, #tpu.memory_space<hbm>> -> memref<128x128xf32, #tpu.memory_space<hbm>>
      tpu.wait_dma2 semaphore(%arg25 : memref<!tpu.dma_semaphore, #tpu.memory_space<semaphore_mem>>) src(%dma_wait3A_253 : memref<128x128xf32, #tpu.memory_space<hbm>>) dst(%arg16 : memref<128x128xf32, #tpu.memory_space<vmem>>)
      %gt3A = arith.constant 0 : i32
      %gt3A_254 = arith.cmpi sgt, %scan3A_243, %gt3A : i32
      %convert_element_type3A_255 = arith.extui %gt3A_254 : i1 to i32
      %cond3A_256 = arith.constant 0 : i32
      %cond3A_257 = arith.cmpi ne, %convert_element_type3A_255, %cond3A_256 : i32
      scf.if %cond3A_257 {
        %dma_wait3A_536 = arith.constant 0 : i32
        %dma_wait3A_537 = arith.constant 0 : i32
        %dma_wait3A_538 = tpu.memref_slice %arg23[%dma_wait3A_536, %dma_wait3A_537] : memref<10240x128xf32, #tpu.memory_space<vmem_shared>> -> memref<128x128xf32, #tpu.memory_space<vmem_shared>>
        %dma_wait3A_539 = arith.constant 0 : i32
        %dma_wait3A_540 = arith.constant 0 : i32
        %dma_wait3A_541 = tpu.memref_slice %arg23[%dma_wait3A_539, %dma_wait3A_540] : memref<10240x128xf32, #tpu.memory_space<vmem_shared>> -> memref<128x128xf32, #tpu.memory_space<vmem_shared>>
        tpu.wait_dma2 semaphore(%arg30 : memref<!tpu.dma_semaphore, #tpu.memory_space<semaphore_mem>>) src(%arg17 : memref<128x128xf32, #tpu.memory_space<vmem>>) dst(%dma_wait3A_541 : memref<128x128xf32, #tpu.memory_space<vmem_shared>>)
      } else {
      }
      %dma_start3A_258 = arith.constant 0 : i32
      %dma_start3A_259 = arith.constant 0 : i32
      %dma_start3A_260 = tpu.memref_slice %arg10[%add3A_247, %dma_start3A_258, %dma_start3A_259] : memref<26x1x128xi32, #tpu.memory_space<vmem>> -> memref<1x1x128xi32, #tpu.memory_space<vmem>>
      %dma_start3A_261 = tpu.memref_squeeze %dma_start3A_260 : memref<1x1x128xi32, #tpu.memory_space<vmem>> -> memref<128xi32, #tpu.memory_space<vmem>>
      %dma_start3A_262 = arith.constant 0 : i32
      %dma_start3A_263 = arith.constant 0 : i32
      %dma_start3A_264 = tpu.memref_slice %arg4[%dma_start3A_262, %dma_start3A_263] : memref<10000x128xf32, #tpu.memory_space<hbm>> -> memref<10000x128xf32, #tpu.memory_space<hbm>>
      tpu.enqueue_indirect_dma source(%dma_start3A_264 : memref<10000x128xf32, #tpu.memory_space<hbm>>) target(%arg17 : memref<128x128xf32, #tpu.memory_space<vmem>>) offsets(%dma_start3A_261 : memref<128xi32, #tpu.memory_space<vmem>>) semaphore(%arg26 : memref<!tpu.dma_semaphore, #tpu.memory_space<semaphore_mem>>)
      %dma_start3A_265 = arith.constant 0 : i32
      %dma_start3A_266 = arith.constant 0 : i32
      %dma_start3A_267 = tpu.memref_slice %arg11[%add3A_247, %dma_start3A_265, %dma_start3A_266] : memref<26x1x128xi32, #tpu.memory_space<vmem>> -> memref<1x1x128xi32, #tpu.memory_space<vmem>>
      %dma_start3A_268 = tpu.memref_squeeze %dma_start3A_267 : memref<1x1x128xi32, #tpu.memory_space<vmem>> -> memref<128xi32, #tpu.memory_space<vmem>>
      %dma_start3A_269 = arith.constant 0 : i32
      %dma_start3A_270 = tpu.memref_slice %arg5[%dma_start3A_269] : memref<10240xf32, #tpu.memory_space<hbm>> -> memref<10240xf32, #tpu.memory_space<hbm>>
      tpu.enqueue_indirect_dma source(%dma_start3A_270 : memref<10240xf32, #tpu.memory_space<hbm>>) target(%arg19 : memref<128xf32, #tpu.memory_space<vmem>>) offsets(%dma_start3A_268 : memref<128xi32, #tpu.memory_space<vmem>>) semaphore(%arg28 : memref<!tpu.dma_semaphore, #tpu.memory_space<semaphore_mem>>)
      %dma_start3A_271 = arith.constant 0 : i32
      %dma_start3A_272 = arith.constant 0 : i32
      %dma_start3A_273 = tpu.memref_slice %arg11[%mul3A_245, %dma_start3A_271, %dma_start3A_272] : memref<26x1x128xi32, #tpu.memory_space<vmem>> -> memref<1x1x128xi32, #tpu.memory_space<vmem>>
      %dma_start3A_274 = tpu.memref_squeeze %dma_start3A_273 : memref<1x1x128xi32, #tpu.memory_space<vmem>> -> memref<128xi32, #tpu.memory_space<vmem>>
      %dma_start3A_275 = arith.constant 0 : i32
      %dma_start3A_276 = arith.constant 0 : i32
      %dma_start3A_277 = tpu.memref_slice %arg23[%dma_start3A_275, %dma_start3A_276] : memref<10240x128xf32, #tpu.memory_space<vmem_shared>> -> memref<10240x128xf32, #tpu.memory_space<vmem_shared>>
      tpu.enqueue_indirect_dma source(%arg16 : memref<128x128xf32, #tpu.memory_space<vmem>>) target(%dma_start3A_277 : memref<10240x128xf32, #tpu.memory_space<vmem_shared>>) offsets(%dma_start3A_274 : memref<128xi32, #tpu.memory_space<vmem>>) semaphore(%arg29 : memref<!tpu.dma_semaphore, #tpu.memory_space<semaphore_mem>>) {add = true}
      %dma_wait3A_278 = arith.constant 0 : i32
      %dma_wait3A_279 = tpu.memref_slice %arg5[%dma_wait3A_278] : memref<10240xf32, #tpu.memory_space<hbm>> -> memref<128xf32, #tpu.memory_space<hbm>>
      %dma_wait3A_280 = arith.constant 0 : i32
      %dma_wait3A_281 = tpu.memref_slice %arg5[%dma_wait3A_280] : memref<10240xf32, #tpu.memory_space<hbm>> -> memref<128xf32, #tpu.memory_space<hbm>>
      tpu.wait_dma2 semaphore(%arg27 : memref<!tpu.dma_semaphore, #tpu.memory_space<semaphore_mem>>) src(%dma_wait3A_281 : memref<128xf32, #tpu.memory_space<hbm>>) dst(%arg18 : memref<128xf32, #tpu.memory_space<vmem>>)
      %gt3A_282 = arith.constant 0 : i32
      %gt3A_283 = arith.cmpi sgt, %scan3A_243, %gt3A_282 : i32
      %convert_element_type3A_284 = arith.extui %gt3A_283 : i1 to i32
      %cond3A_285 = arith.constant 0 : i32
      %cond3A_286 = arith.cmpi ne, %convert_element_type3A_284, %cond3A_285 : i32
      scf.if %cond3A_286 {
        %dma_wait3A_536 = arith.constant 0 : i32
        %dma_wait3A_537 = tpu.memref_slice %arg24[%dma_wait3A_536] : memref<10240xf32, #tpu.memory_space<vmem_shared>> -> memref<128xf32, #tpu.memory_space<vmem_shared>>
        %dma_wait3A_538 = arith.constant 0 : i32
        %dma_wait3A_539 = tpu.memref_slice %arg24[%dma_wait3A_538] : memref<10240xf32, #tpu.memory_space<vmem_shared>> -> memref<128xf32, #tpu.memory_space<vmem_shared>>
        tpu.wait_dma2 semaphore(%arg31 : memref<!tpu.dma_semaphore, #tpu.memory_space<semaphore_mem>>) src(%arg20 : memref<128xf32, #tpu.memory_space<vmem>>) dst(%dma_wait3A_539 : memref<128xf32, #tpu.memory_space<vmem_shared>>)
      } else {
      }
      %get3A = arith.constant 0 : index
      %get3A_287 = tpu.vector_load %arg18[%get3A] {strides = array<i32>} : memref<128xf32, #tpu.memory_space<vmem>>, vector<16xf32>,
      %get3A_288 = vector.shape_cast %get3A_287 : vector<16xf32> to vector<16xf32>
      %max3A = arith.constant 1.000000e+00 : f32
      %max3A_289 = vector.broadcast %max3A : f32 to vector<16xf32>
      %max3A_290 = arith.maximumf %get3A_288, %max3A_289 : vector<16xf32>
      %div3A = arith.constant 1.000000e+00 : f32
      %div3A_291 = vector.broadcast %div3A : f32 to vector<16xf32>
      %div3A_292 = arith.divf %div3A_291, %max3A_290 : vector<16xf32>
      %swap3A = arith.constant 0 : index
      %swap3A_293 = tpu.vector_load %arg20[%swap3A] {strides = array<i32>} : memref<128xf32, #tpu.memory_space<vmem>>, vector<16xf32>,
      %swap3A_294 = vector.shape_cast %swap3A_293 : vector<16xf32> to vector<16xf32>
      %swap3A_295 = vector.shape_cast %div3A_292 : vector<16xf32> to vector<16xf32>
      tpu.vector_store %arg20[%swap3A], %swap3A_295 {strides = array<i32>} : memref<128xf32, #tpu.memory_space<vmem>>, vector<16xf32>,
      %get3A_296 = arith.constant 16 : index
      %get3A_297 = tpu.vector_load %arg18[%get3A_296] {strides = array<i32>} : memref<128xf32, #tpu.memory_space<vmem>>, vector<16xf32>,
      %get3A_298 = vector.shape_cast %get3A_297 : vector<16xf32> to vector<16xf32>
      %max3A_299 = arith.constant 1.000000e+00 : f32
      %max3A_300 = vector.broadcast %max3A_299 : f32 to vector<16xf32>
      %max3A_301 = arith.maximumf %get3A_298, %max3A_300 : vector<16xf32>
      %div3A_302 = arith.constant 1.000000e+00 : f32
      %div3A_303 = vector.broadcast %div3A_302 : f32 to vector<16xf32>
      %div3A_304 = arith.divf %div3A_303, %max3A_301 : vector<16xf32>
      %swap3A_305 = arith.constant 16 : index
      %swap3A_306 = tpu.vector_load %arg20[%swap3A_305] {strides = array<i32>} : memref<128xf32, #tpu.memory_space<vmem>>, vector<16xf32>,
      %swap3A_307 = vector.shape_cast %swap3A_306 : vector<16xf32> to vector<16xf32>
      %swap3A_308 = vector.shape_cast %div3A_304 : vector<16xf32> to vector<16xf32>
      tpu.vector_store %arg20[%swap3A_305], %swap3A_308 {strides = array<i32>} : memref<128xf32, #tpu.memory_space<vmem>>, vector<16xf32>,
      %get3A_309 = arith.constant 32 : index
      %get3A_310 = tpu.vector_load %arg18[%get3A_309] {strides = array<i32>} : memref<128xf32, #tpu.memory_space<vmem>>, vector<16xf32>,
      %get3A_311 = vector.shape_cast %get3A_310 : vector<16xf32> to vector<16xf32>
      %max3A_312 = arith.constant 1.000000e+00 : f32
      %max3A_313 = vector.broadcast %max3A_312 : f32 to vector<16xf32>
      %max3A_314 = arith.maximumf %get3A_311, %max3A_313 : vector<16xf32>
      %div3A_315 = arith.constant 1.000000e+00 : f32
      %div3A_316 = vector.broadcast %div3A_315 : f32 to vector<16xf32>
      %div3A_317 = arith.divf %div3A_316, %max3A_314 : vector<16xf32>
      %swap3A_318 = arith.constant 32 : index
      %swap3A_319 = tpu.vector_load %arg20[%swap3A_318] {strides = array<i32>} : memref<128xf32, #tpu.memory_space<vmem>>, vector<16xf32>,
      %swap3A_320 = vector.shape_cast %swap3A_319 : vector<16xf32> to vector<16xf32>
      %swap3A_321 = vector.shape_cast %div3A_317 : vector<16xf32> to vector<16xf32>
      tpu.vector_store %arg20[%swap3A_318], %swap3A_321 {strides = array<i32>} : memref<128xf32, #tpu.memory_space<vmem>>, vector<16xf32>,
      %get3A_322 = arith.constant 48 : index
      %get3A_323 = tpu.vector_load %arg18[%get3A_322] {strides = array<i32>} : memref<128xf32, #tpu.memory_space<vmem>>, vector<16xf32>,
      %get3A_324 = vector.shape_cast %get3A_323 : vector<16xf32> to vector<16xf32>
      %max3A_325 = arith.constant 1.000000e+00 : f32
      %max3A_326 = vector.broadcast %max3A_325 : f32 to vector<16xf32>
      %max3A_327 = arith.maximumf %get3A_324, %max3A_326 : vector<16xf32>
      %div3A_328 = arith.constant 1.000000e+00 : f32
      %div3A_329 = vector.broadcast %div3A_328 : f32 to vector<16xf32>
      %div3A_330 = arith.divf %div3A_329, %max3A_327 : vector<16xf32>
      %swap3A_331 = arith.constant 48 : index
      %swap3A_332 = tpu.vector_load %arg20[%swap3A_331] {strides = array<i32>} : memref<128xf32, #tpu.memory_space<vmem>>, vector<16xf32>,
      %swap3A_333 = vector.shape_cast %swap3A_332 : vector<16xf32> to vector<16xf32>
      %swap3A_334 = vector.shape_cast %div3A_330 : vector<16xf32> to vector<16xf32>
      tpu.vector_store %arg20[%swap3A_331], %swap3A_334 {strides = array<i32>} : memref<128xf32, #tpu.memory_space<vmem>>, vector<16xf32>,
      %get3A_335 = arith.constant 64 : index
      %get3A_336 = tpu.vector_load %arg18[%get3A_335] {strides = array<i32>} : memref<128xf32, #tpu.memory_space<vmem>>, vector<16xf32>,
      %get3A_337 = vector.shape_cast %get3A_336 : vector<16xf32> to vector<16xf32>
      %max3A_338 = arith.constant 1.000000e+00 : f32
      %max3A_339 = vector.broadcast %max3A_338 : f32 to vector<16xf32>
      %max3A_340 = arith.maximumf %get3A_337, %max3A_339 : vector<16xf32>
      %div3A_341 = arith.constant 1.000000e+00 : f32
      %div3A_342 = vector.broadcast %div3A_341 : f32 to vector<16xf32>
      %div3A_343 = arith.divf %div3A_342, %max3A_340 : vector<16xf32>
      %swap3A_344 = arith.constant 64 : index
      %swap3A_345 = tpu.vector_load %arg20[%swap3A_344] {strides = array<i32>} : memref<128xf32, #tpu.memory_space<vmem>>, vector<16xf32>,
      %swap3A_346 = vector.shape_cast %swap3A_345 : vector<16xf32> to vector<16xf32>
      %swap3A_347 = vector.shape_cast %div3A_343 : vector<16xf32> to vector<16xf32>
      tpu.vector_store %arg20[%swap3A_344], %swap3A_347 {strides = array<i32>} : memref<128xf32, #tpu.memory_space<vmem>>, vector<16xf32>,
      %get3A_348 = arith.constant 80 : index
      %get3A_349 = tpu.vector_load %arg18[%get3A_348] {strides = array<i32>} : memref<128xf32, #tpu.memory_space<vmem>>, vector<16xf32>,
      %get3A_350 = vector.shape_cast %get3A_349 : vector<16xf32> to vector<16xf32>
      %max3A_351 = arith.constant 1.000000e+00 : f32
      %max3A_352 = vector.broadcast %max3A_351 : f32 to vector<16xf32>
      %max3A_353 = arith.maximumf %get3A_350, %max3A_352 : vector<16xf32>
      %div3A_354 = arith.constant 1.000000e+00 : f32
      %div3A_355 = vector.broadcast %div3A_354 : f32 to vector<16xf32>
      %div3A_356 = arith.divf %div3A_355, %max3A_353 : vector<16xf32>
      %swap3A_357 = arith.constant 80 : index
      %swap3A_358 = tpu.vector_load %arg20[%swap3A_357] {strides = array<i32>} : memref<128xf32, #tpu.memory_space<vmem>>, vector<16xf32>,
      %swap3A_359 = vector.shape_cast %swap3A_358 : vector<16xf32> to vector<16xf32>
      %swap3A_360 = vector.shape_cast %div3A_356 : vector<16xf32> to vector<16xf32>
      tpu.vector_store %arg20[%swap3A_357], %swap3A_360 {strides = array<i32>} : memref<128xf32, #tpu.memory_space<vmem>>, vector<16xf32>,
      %get3A_361 = arith.constant 96 : index
      %get3A_362 = tpu.vector_load %arg18[%get3A_361] {strides = array<i32>} : memref<128xf32, #tpu.memory_space<vmem>>, vector<16xf32>,
      %get3A_363 = vector.shape_cast %get3A_362 : vector<16xf32> to vector<16xf32>
      %max3A_364 = arith.constant 1.000000e+00 : f32
      %max3A_365 = vector.broadcast %max3A_364 : f32 to vector<16xf32>
      %max3A_366 = arith.maximumf %get3A_363, %max3A_365 : vector<16xf32>
      %div3A_367 = arith.constant 1.000000e+00 : f32
      %div3A_368 = vector.broadcast %div3A_367 : f32 to vector<16xf32>
      %div3A_369 = arith.divf %div3A_368, %max3A_366 : vector<16xf32>
      %swap3A_370 = arith.constant 96 : index
      %swap3A_371 = tpu.vector_load %arg20[%swap3A_370] {strides = array<i32>} : memref<128xf32, #tpu.memory_space<vmem>>, vector<16xf32>,
      %swap3A_372 = vector.shape_cast %swap3A_371 : vector<16xf32> to vector<16xf32>
      %swap3A_373 = vector.shape_cast %div3A_369 : vector<16xf32> to vector<16xf32>
      tpu.vector_store %arg20[%swap3A_370], %swap3A_373 {strides = array<i32>} : memref<128xf32, #tpu.memory_space<vmem>>, vector<16xf32>,
      %get3A_374 = arith.constant 112 : index
      %get3A_375 = tpu.vector_load %arg18[%get3A_374] {strides = array<i32>} : memref<128xf32, #tpu.memory_space<vmem>>, vector<16xf32>,
      %get3A_376 = vector.shape_cast %get3A_375 : vector<16xf32> to vector<16xf32>
      %max3A_377 = arith.constant 1.000000e+00 : f32
      %max3A_378 = vector.broadcast %max3A_377 : f32 to vector<16xf32>
      %max3A_379 = arith.maximumf %get3A_376, %max3A_378 : vector<16xf32>
      %div3A_380 = arith.constant 1.000000e+00 : f32
      %div3A_381 = vector.broadcast %div3A_380 : f32 to vector<16xf32>
      %div3A_382 = arith.divf %div3A_381, %max3A_379 : vector<16xf32>
      %swap3A_383 = arith.constant 112 : index
      %swap3A_384 = tpu.vector_load %arg20[%swap3A_383] {strides = array<i32>} : memref<128xf32, #tpu.memory_space<vmem>>, vector<16xf32>,
      %swap3A_385 = vector.shape_cast %swap3A_384 : vector<16xf32> to vector<16xf32>
      %swap3A_386 = vector.shape_cast %div3A_382 : vector<16xf32> to vector<16xf32>
      tpu.vector_store %arg20[%swap3A_383], %swap3A_386 {strides = array<i32>} : memref<128xf32, #tpu.memory_space<vmem>>, vector<16xf32>,
      %dma_start3A_387 = arith.constant 0 : i32
      %dma_start3A_388 = arith.constant 0 : i32
      %dma_start3A_389 = tpu.memref_slice %arg10[%mul3A_245, %dma_start3A_387, %dma_start3A_388] : memref<26x1x128xi32, #tpu.memory_space<vmem>> -> memref<1x1x128xi32, #tpu.memory_space<vmem>>
      %dma_start3A_390 = tpu.memref_squeeze %dma_start3A_389 : memref<1x1x128xi32, #tpu.memory_space<vmem>> -> memref<128xi32, #tpu.memory_space<vmem>>
      %dma_start3A_391 = arith.constant 0 : i32
      %dma_start3A_392 = tpu.memref_slice %arg24[%dma_start3A_391] : memref<10240xf32, #tpu.memory_space<vmem_shared>> -> memref<10240xf32, #tpu.memory_space<vmem_shared>>
      tpu.enqueue_indirect_dma source(%arg20 : memref<128xf32, #tpu.memory_space<vmem>>) target(%dma_start3A_392 : memref<10240xf32, #tpu.memory_space<vmem_shared>>) offsets(%dma_start3A_390 : memref<128xi32, #tpu.memory_space<vmem>>) semaphore(%arg31 : memref<!tpu.dma_semaphore, #tpu.memory_space<semaphore_mem>>) {add = true}
      %dma_wait3A_393 = arith.constant 0 : i32
      %dma_wait3A_394 = arith.constant 0 : i32
      %dma_wait3A_395 = tpu.memref_slice %arg4[%dma_wait3A_393, %dma_wait3A_394] : memref<10000x128xf32, #tpu.memory_space<hbm>> -> memref<128x128xf32, #tpu.memory_space<hbm>>
      %dma_wait3A_396 = arith.constant 0 : i32
      %dma_wait3A_397 = arith.constant 0 : i32
      %dma_wait3A_398 = tpu.memref_slice %arg4[%dma_wait3A_396, %dma_wait3A_397] : memref<10000x128xf32, #tpu.memory_space<hbm>> -> memref<128x128xf32, #tpu.memory_space<hbm>>
      tpu.wait_dma2 semaphore(%arg26 : memref<!tpu.dma_semaphore, #tpu.memory_space<semaphore_mem>>) src(%dma_wait3A_398 : memref<128x128xf32, #tpu.memory_space<hbm>>) dst(%arg17 : memref<128x128xf32, #tpu.memory_space<vmem>>)
      %dma_wait3A_399 = arith.constant 0 : i32
      %dma_wait3A_400 = arith.constant 0 : i32
      %dma_wait3A_401 = tpu.memref_slice %arg23[%dma_wait3A_399, %dma_wait3A_400] : memref<10240x128xf32, #tpu.memory_space<vmem_shared>> -> memref<128x128xf32, #tpu.memory_space<vmem_shared>>
      %dma_wait3A_402 = arith.constant 0 : i32
      %dma_wait3A_403 = arith.constant 0 : i32
      %dma_wait3A_404 = tpu.memref_slice %arg23[%dma_wait3A_402, %dma_wait3A_403] : memref<10240x128xf32, #tpu.memory_space<vmem_shared>> -> memref<128x128xf32, #tpu.memory_space<vmem_shared>>
      tpu.wait_dma2 semaphore(%arg29 : memref<!tpu.dma_semaphore, #tpu.memory_space<semaphore_mem>>) src(%arg16 : memref<128x128xf32, #tpu.memory_space<vmem>>) dst(%dma_wait3A_404 : memref<128x128xf32, #tpu.memory_space<vmem_shared>>)
      %lt3A_405 = arith.constant 12 : i32
      %lt3A_406 = arith.cmpi slt, %scan3A_243, %lt3A_405 : i32
      %convert_element_type3A_407 = arith.extui %lt3A_406 : i1 to i32
      %cond3A_408 = arith.constant 0 : i32
      %cond3A_409 = arith.cmpi ne, %convert_element_type3A_407, %cond3A_408 : i32
      scf.if %cond3A_409 {
        %add3A_536 = arith.constant 2 : i32
        %add3A_537 = arith.addi %mul3A_245, %add3A_536 : i32
        %dma_start3A_538 = arith.constant 0 : i32
        %dma_start3A_539 = arith.constant 0 : i32
        %dma_start3A_540 = tpu.memref_slice %arg10[%add3A_537, %dma_start3A_538, %dma_start3A_539] : memref<26x1x128xi32, #tpu.memory_space<vmem>> -> memref<1x1x128xi32, #tpu.memory_space<vmem>>
        %dma_start3A_541 = tpu.memref_squeeze %dma_start3A_540 : memref<1x1x128xi32, #tpu.memory_space<vmem>> -> memref<128xi32, #tpu.memory_space<vmem>>
        %dma_start3A_542 = arith.constant 0 : i32
        %dma_start3A_543 = arith.constant 0 : i32
        %dma_start3A_544 = tpu.memref_slice %arg4[%dma_start3A_542, %dma_start3A_543] : memref<10000x128xf32, #tpu.memory_space<hbm>> -> memref<10000x128xf32, #tpu.memory_space<hbm>>
        tpu.enqueue_indirect_dma source(%dma_start3A_544 : memref<10000x128xf32, #tpu.memory_space<hbm>>) target(%arg16 : memref<128x128xf32, #tpu.memory_space<vmem>>) offsets(%dma_start3A_541 : memref<128xi32, #tpu.memory_space<vmem>>) semaphore(%arg25 : memref<!tpu.dma_semaphore, #tpu.memory_space<semaphore_mem>>)
        %dma_start3A_545 = arith.constant 0 : i32
        %dma_start3A_546 = arith.constant 0 : i32
        %dma_start3A_547 = tpu.memref_slice %arg11[%add3A_537, %dma_start3A_545, %dma_start3A_546] : memref<26x1x128xi32, #tpu.memory_space<vmem>> -> memref<1x1x128xi32, #tpu.memory_space<vmem>>
        %dma_start3A_548 = tpu.memref_squeeze %dma_start3A_547 : memref<1x1x128xi32, #tpu.memory_space<vmem>> -> memref<128xi32, #tpu.memory_space<vmem>>
        %dma_start3A_549 = arith.constant 0 : i32
        %dma_start3A_550 = tpu.memref_slice %arg5[%dma_start3A_549] : memref<10240xf32, #tpu.memory_space<hbm>> -> memref<10240xf32, #tpu.memory_space<hbm>>
        tpu.enqueue_indirect_dma source(%dma_start3A_550 : memref<10240xf32, #tpu.memory_space<hbm>>) target(%arg18 : memref<128xf32, #tpu.memory_space<vmem>>) offsets(%dma_start3A_548 : memref<128xi32, #tpu.memory_space<vmem>>) semaphore(%arg27 : memref<!tpu.dma_semaphore, #tpu.memory_space<semaphore_mem>>)
      } else {
      }
      %dma_start3A_410 = arith.constant 0 : i32
      %dma_start3A_411 = arith.constant 0 : i32
      %dma_start3A_412 = tpu.memref_slice %arg11[%add3A_247, %dma_start3A_410, %dma_start3A_411] : memref<26x1x128xi32, #tpu.memory_space<vmem>> -> memref<1x1x128xi32, #tpu.memory_space<vmem>>
      %dma_start3A_413 = tpu.memref_squeeze %dma_start3A_412 : memref<1x1x128xi32, #tpu.memory_space<vmem>> -> memref<128xi32, #tpu.memory_space<vmem>>
      %dma_start3A_414 = arith.constant 0 : i32
      %dma_start3A_415 = arith.constant 0 : i32
      %dma_start3A_416 = tpu.memref_slice %arg23[%dma_start3A_414, %dma_start3A_415] : memref<10240x128xf32, #tpu.memory_space<vmem_shared>> -> memref<10240x128xf32, #tpu.memory_space<vmem_shared>>
      tpu.enqueue_indirect_dma source(%arg17 : memref<128x128xf32, #tpu.memory_space<vmem>>) target(%dma_start3A_416 : memref<10240x128xf32, #tpu.memory_space<vmem_shared>>) offsets(%dma_start3A_413 : memref<128xi32, #tpu.memory_space<vmem>>) semaphore(%arg30 : memref<!tpu.dma_semaphore, #tpu.memory_space<semaphore_mem>>) {add = true}
      %dma_wait3A_417 = arith.constant 0 : i32
      %dma_wait3A_418 = tpu.memref_slice %arg5[%dma_wait3A_417] : memref<10240xf32, #tpu.memory_space<hbm>> -> memref<128xf32, #tpu.memory_space<hbm>>
      %dma_wait3A_419 = arith.constant 0 : i32
      %dma_wait3A_420 = tpu.memref_slice %arg5[%dma_wait3A_419] : memref<10240xf32, #tpu.memory_space<hbm>> -> memref<128xf32, #tpu.memory_space<hbm>>
      tpu.wait_dma2 semaphore(%arg28 : memref<!tpu.dma_semaphore, #tpu.memory_space<semaphore_mem>>) src(%dma_wait3A_420 : memref<128xf32, #tpu.memory_space<hbm>>) dst(%arg19 : memref<128xf32, #tpu.memory_space<vmem>>)
      %gt3A_421 = arith.constant 0 : i32
      %gt3A_422 = arith.cmpi sgt, %scan3A_243, %gt3A_421 : i32
      %convert_element_type3A_423 = arith.extui %gt3A_422 : i1 to i32
      %cond3A_424 = arith.constant 0 : i32
      %cond3A_425 = arith.cmpi ne, %convert_element_type3A_423, %cond3A_424 : i32
      scf.if %cond3A_425 {
        %dma_wait3A_536 = arith.constant 0 : i32
        %dma_wait3A_537 = tpu.memref_slice %arg24[%dma_wait3A_536] : memref<10240xf32, #tpu.memory_space<vmem_shared>> -> memref<128xf32, #tpu.memory_space<vmem_shared>>
        %dma_wait3A_538 = arith.constant 0 : i32
        %dma_wait3A_539 = tpu.memref_slice %arg24[%dma_wait3A_538] : memref<10240xf32, #tpu.memory_space<vmem_shared>> -> memref<128xf32, #tpu.memory_space<vmem_shared>>
        tpu.wait_dma2 semaphore(%arg32 : memref<!tpu.dma_semaphore, #tpu.memory_space<semaphore_mem>>) src(%arg21 : memref<128xf32, #tpu.memory_space<vmem>>) dst(%dma_wait3A_539 : memref<128xf32, #tpu.memory_space<vmem_shared>>)
      } else {
      }
      %get3A_426 = arith.constant 0 : index
      %get3A_427 = tpu.vector_load %arg19[%get3A_426] {strides = array<i32>} : memref<128xf32, #tpu.memory_space<vmem>>, vector<16xf32>,
      %get3A_428 = vector.shape_cast %get3A_427 : vector<16xf32> to vector<16xf32>
      %max3A_429 = arith.constant 1.000000e+00 : f32
      %max3A_430 = vector.broadcast %max3A_429 : f32 to vector<16xf32>
      %max3A_431 = arith.maximumf %get3A_428, %max3A_430 : vector<16xf32>
      %div3A_432 = arith.constant 1.000000e+00 : f32
      %div3A_433 = vector.broadcast %div3A_432 : f32 to vector<16xf32>
      %div3A_434 = arith.divf %div3A_433, %max3A_431 : vector<16xf32>
      %swap3A_435 = arith.constant 0 : index
      %swap3A_436 = tpu.vector_load %arg21[%swap3A_435] {strides = array<i32>} : memref<128xf32, #tpu.memory_space<vmem>>, vector<16xf32>,
      %swap3A_437 = vector.shape_cast %swap3A_436 : vector<16xf32> to vector<16xf32>
      %swap3A_438 = vector.shape_cast %div3A_434 : vector<16xf32> to vector<16xf32>
      tpu.vector_store %arg21[%swap3A_435], %swap3A_438 {strides = array<i32>} : memref<128xf32, #tpu.memory_space<vmem>>, vector<16xf32>,
      %get3A_439 = arith.constant 16 : index
      %get3A_440 = tpu.vector_load %arg19[%get3A_439] {strides = array<i32>} : memref<128xf32, #tpu.memory_space<vmem>>, vector<16xf32>,
      %get3A_441 = vector.shape_cast %get3A_440 : vector<16xf32> to vector<16xf32>
      %max3A_442 = arith.constant 1.000000e+00 : f32
      %max3A_443 = vector.broadcast %max3A_442 : f32 to vector<16xf32>
      %max3A_444 = arith.maximumf %get3A_441, %max3A_443 : vector<16xf32>
      %div3A_445 = arith.constant 1.000000e+00 : f32
      %div3A_446 = vector.broadcast %div3A_445 : f32 to vector<16xf32>
      %div3A_447 = arith.divf %div3A_446, %max3A_444 : vector<16xf32>
      %swap3A_448 = arith.constant 16 : index
      %swap3A_449 = tpu.vector_load %arg21[%swap3A_448] {strides = array<i32>} : memref<128xf32, #tpu.memory_space<vmem>>, vector<16xf32>,
      %swap3A_450 = vector.shape_cast %swap3A_449 : vector<16xf32> to vector<16xf32>
      %swap3A_451 = vector.shape_cast %div3A_447 : vector<16xf32> to vector<16xf32>
      tpu.vector_store %arg21[%swap3A_448], %swap3A_451 {strides = array<i32>} : memref<128xf32, #tpu.memory_space<vmem>>, vector<16xf32>,
      %get3A_452 = arith.constant 32 : index
      %get3A_453 = tpu.vector_load %arg19[%get3A_452] {strides = array<i32>} : memref<128xf32, #tpu.memory_space<vmem>>, vector<16xf32>,
      %get3A_454 = vector.shape_cast %get3A_453 : vector<16xf32> to vector<16xf32>
      %max3A_455 = arith.constant 1.000000e+00 : f32
      %max3A_456 = vector.broadcast %max3A_455 : f32 to vector<16xf32>
      %max3A_457 = arith.maximumf %get3A_454, %max3A_456 : vector<16xf32>
      %div3A_458 = arith.constant 1.000000e+00 : f32
      %div3A_459 = vector.broadcast %div3A_458 : f32 to vector<16xf32>
      %div3A_460 = arith.divf %div3A_459, %max3A_457 : vector<16xf32>
      %swap3A_461 = arith.constant 32 : index
      %swap3A_462 = tpu.vector_load %arg21[%swap3A_461] {strides = array<i32>} : memref<128xf32, #tpu.memory_space<vmem>>, vector<16xf32>,
      %swap3A_463 = vector.shape_cast %swap3A_462 : vector<16xf32> to vector<16xf32>
      %swap3A_464 = vector.shape_cast %div3A_460 : vector<16xf32> to vector<16xf32>
      tpu.vector_store %arg21[%swap3A_461], %swap3A_464 {strides = array<i32>} : memref<128xf32, #tpu.memory_space<vmem>>, vector<16xf32>,
      %get3A_465 = arith.constant 48 : index
      %get3A_466 = tpu.vector_load %arg19[%get3A_465] {strides = array<i32>} : memref<128xf32, #tpu.memory_space<vmem>>, vector<16xf32>,
      %get3A_467 = vector.shape_cast %get3A_466 : vector<16xf32> to vector<16xf32>
      %max3A_468 = arith.constant 1.000000e+00 : f32
      %max3A_469 = vector.broadcast %max3A_468 : f32 to vector<16xf32>
      %max3A_470 = arith.maximumf %get3A_467, %max3A_469 : vector<16xf32>
      %div3A_471 = arith.constant 1.000000e+00 : f32
      %div3A_472 = vector.broadcast %div3A_471 : f32 to vector<16xf32>
      %div3A_473 = arith.divf %div3A_472, %max3A_470 : vector<16xf32>
      %swap3A_474 = arith.constant 48 : index
      %swap3A_475 = tpu.vector_load %arg21[%swap3A_474] {strides = array<i32>} : memref<128xf32, #tpu.memory_space<vmem>>, vector<16xf32>,
      %swap3A_476 = vector.shape_cast %swap3A_475 : vector<16xf32> to vector<16xf32>
      %swap3A_477 = vector.shape_cast %div3A_473 : vector<16xf32> to vector<16xf32>
      tpu.vector_store %arg21[%swap3A_474], %swap3A_477 {strides = array<i32>} : memref<128xf32, #tpu.memory_space<vmem>>, vector<16xf32>,
      %get3A_478 = arith.constant 64 : index
      %get3A_479 = tpu.vector_load %arg19[%get3A_478] {strides = array<i32>} : memref<128xf32, #tpu.memory_space<vmem>>, vector<16xf32>,
      %get3A_480 = vector.shape_cast %get3A_479 : vector<16xf32> to vector<16xf32>
      %max3A_481 = arith.constant 1.000000e+00 : f32
      %max3A_482 = vector.broadcast %max3A_481 : f32 to vector<16xf32>
      %max3A_483 = arith.maximumf %get3A_480, %max3A_482 : vector<16xf32>
      %div3A_484 = arith.constant 1.000000e+00 : f32
      %div3A_485 = vector.broadcast %div3A_484 : f32 to vector<16xf32>
      %div3A_486 = arith.divf %div3A_485, %max3A_483 : vector<16xf32>
      %swap3A_487 = arith.constant 64 : index
      %swap3A_488 = tpu.vector_load %arg21[%swap3A_487] {strides = array<i32>} : memref<128xf32, #tpu.memory_space<vmem>>, vector<16xf32>,
      %swap3A_489 = vector.shape_cast %swap3A_488 : vector<16xf32> to vector<16xf32>
      %swap3A_490 = vector.shape_cast %div3A_486 : vector<16xf32> to vector<16xf32>
      tpu.vector_store %arg21[%swap3A_487], %swap3A_490 {strides = array<i32>} : memref<128xf32, #tpu.memory_space<vmem>>, vector<16xf32>,
      %get3A_491 = arith.constant 80 : index
      %get3A_492 = tpu.vector_load %arg19[%get3A_491] {strides = array<i32>} : memref<128xf32, #tpu.memory_space<vmem>>, vector<16xf32>,
      %get3A_493 = vector.shape_cast %get3A_492 : vector<16xf32> to vector<16xf32>
      %max3A_494 = arith.constant 1.000000e+00 : f32
      %max3A_495 = vector.broadcast %max3A_494 : f32 to vector<16xf32>
      %max3A_496 = arith.maximumf %get3A_493, %max3A_495 : vector<16xf32>
      %div3A_497 = arith.constant 1.000000e+00 : f32
      %div3A_498 = vector.broadcast %div3A_497 : f32 to vector<16xf32>
      %div3A_499 = arith.divf %div3A_498, %max3A_496 : vector<16xf32>
      %swap3A_500 = arith.constant 80 : index
      %swap3A_501 = tpu.vector_load %arg21[%swap3A_500] {strides = array<i32>} : memref<128xf32, #tpu.memory_space<vmem>>, vector<16xf32>,
      %swap3A_502 = vector.shape_cast %swap3A_501 : vector<16xf32> to vector<16xf32>
      %swap3A_503 = vector.shape_cast %div3A_499 : vector<16xf32> to vector<16xf32>
      tpu.vector_store %arg21[%swap3A_500], %swap3A_503 {strides = array<i32>} : memref<128xf32, #tpu.memory_space<vmem>>, vector<16xf32>,
      %get3A_504 = arith.constant 96 : index
      %get3A_505 = tpu.vector_load %arg19[%get3A_504] {strides = array<i32>} : memref<128xf32, #tpu.memory_space<vmem>>, vector<16xf32>,
      %get3A_506 = vector.shape_cast %get3A_505 : vector<16xf32> to vector<16xf32>
      %max3A_507 = arith.constant 1.000000e+00 : f32
      %max3A_508 = vector.broadcast %max3A_507 : f32 to vector<16xf32>
      %max3A_509 = arith.maximumf %get3A_506, %max3A_508 : vector<16xf32>
      %div3A_510 = arith.constant 1.000000e+00 : f32
      %div3A_511 = vector.broadcast %div3A_510 : f32 to vector<16xf32>
      %div3A_512 = arith.divf %div3A_511, %max3A_509 : vector<16xf32>
      %swap3A_513 = arith.constant 96 : index
      %swap3A_514 = tpu.vector_load %arg21[%swap3A_513] {strides = array<i32>} : memref<128xf32, #tpu.memory_space<vmem>>, vector<16xf32>,
      %swap3A_515 = vector.shape_cast %swap3A_514 : vector<16xf32> to vector<16xf32>
      %swap3A_516 = vector.shape_cast %div3A_512 : vector<16xf32> to vector<16xf32>
      tpu.vector_store %arg21[%swap3A_513], %swap3A_516 {strides = array<i32>} : memref<128xf32, #tpu.memory_space<vmem>>, vector<16xf32>,
      %get3A_517 = arith.constant 112 : index
      %get3A_518 = tpu.vector_load %arg19[%get3A_517] {strides = array<i32>} : memref<128xf32, #tpu.memory_space<vmem>>, vector<16xf32>,
      %get3A_519 = vector.shape_cast %get3A_518 : vector<16xf32> to vector<16xf32>
      %max3A_520 = arith.constant 1.000000e+00 : f32
      %max3A_521 = vector.broadcast %max3A_520 : f32 to vector<16xf32>
      %max3A_522 = arith.maximumf %get3A_519, %max3A_521 : vector<16xf32>
      %div3A_523 = arith.constant 1.000000e+00 : f32
      %div3A_524 = vector.broadcast %div3A_523 : f32 to vector<16xf32>
      %div3A_525 = arith.divf %div3A_524, %max3A_522 : vector<16xf32>
      %swap3A_526 = arith.constant 112 : index
      %swap3A_527 = tpu.vector_load %arg21[%swap3A_526] {strides = array<i32>} : memref<128xf32, #tpu.memory_space<vmem>>, vector<16xf32>,
      %swap3A_528 = vector.shape_cast %swap3A_527 : vector<16xf32> to vector<16xf32>
      %swap3A_529 = vector.shape_cast %div3A_525 : vector<16xf32> to vector<16xf32>
      tpu.vector_store %arg21[%swap3A_526], %swap3A_529 {strides = array<i32>} : memref<128xf32, #tpu.memory_space<vmem>>, vector<16xf32>,
      %dma_start3A_530 = arith.constant 0 : i32
      %dma_start3A_531 = arith.constant 0 : i32
      %dma_start3A_532 = tpu.memref_slice %arg10[%add3A_247, %dma_start3A_530, %dma_start3A_531] : memref<26x1x128xi32, #tpu.memory_space<vmem>> -> memref<1x1x128xi32, #tpu.memory_space<vmem>>
      %dma_start3A_533 = tpu.memref_squeeze %dma_start3A_532 : memref<1x1x128xi32, #tpu.memory_space<vmem>> -> memref<128xi32, #tpu.memory_space<vmem>>
      %dma_start3A_534 = arith.constant 0 : i32
      %dma_start3A_535 = tpu.memref_slice %arg24[%dma_start3A_534] : memref<10240xf32, #tpu.memory_space<vmem_shared>> -> memref<10240xf32, #tpu.memory_space<vmem_shared>>
      tpu.enqueue_indirect_dma source(%arg21 : memref<128xf32, #tpu.memory_space<vmem>>) target(%dma_start3A_535 : memref<10240xf32, #tpu.memory_space<vmem_shared>>) offsets(%dma_start3A_533 : memref<128xi32, #tpu.memory_space<vmem>>) semaphore(%arg32 : memref<!tpu.dma_semaphore, #tpu.memory_space<semaphore_mem>>) {add = true}
    }
    %scan3A_60 = arith.constant 13 : i32
    %dma_wait3A = arith.constant 0 : i32
    %dma_wait3A_61 = arith.constant 0 : i32
    %dma_wait3A_62 = tpu.memref_slice %arg23[%dma_wait3A, %dma_wait3A_61] : memref<10240x128xf32, #tpu.memory_space<vmem_shared>> -> memref<128x128xf32, #tpu.memory_space<vmem_shared>>
    %dma_wait3A_63 = arith.constant 0 : i32
    %dma_wait3A_64 = arith.constant 0 : i32
    %dma_wait3A_65 = tpu.memref_slice %arg23[%dma_wait3A_63, %dma_wait3A_64] : memref<10240x128xf32, #tpu.memory_space<vmem_shared>> -> memref<128x128xf32, #tpu.memory_space<vmem_shared>>
    tpu.wait_dma2 semaphore(%arg30 : memref<!tpu.dma_semaphore, #tpu.memory_space<semaphore_mem>>) src(%arg17 : memref<128x128xf32, #tpu.memory_space<vmem>>) dst(%dma_wait3A_65 : memref<128x128xf32, #tpu.memory_space<vmem_shared>>)
    %dma_wait3A_66 = arith.constant 0 : i32
    %dma_wait3A_67 = tpu.memref_slice %arg24[%dma_wait3A_66] : memref<10240xf32, #tpu.memory_space<vmem_shared>> -> memref<128xf32, #tpu.memory_space<vmem_shared>>
    %dma_wait3A_68 = arith.constant 0 : i32
    %dma_wait3A_69 = tpu.memref_slice %arg24[%dma_wait3A_68] : memref<10240xf32, #tpu.memory_space<vmem_shared>> -> memref<128xf32, #tpu.memory_space<vmem_shared>>
    tpu.wait_dma2 semaphore(%arg31 : memref<!tpu.dma_semaphore, #tpu.memory_space<semaphore_mem>>) src(%arg20 : memref<128xf32, #tpu.memory_space<vmem>>) dst(%dma_wait3A_69 : memref<128xf32, #tpu.memory_space<vmem_shared>>)
    %dma_wait3A_70 = arith.constant 0 : i32
    %dma_wait3A_71 = tpu.memref_slice %arg24[%dma_wait3A_70] : memref<10240xf32, #tpu.memory_space<vmem_shared>> -> memref<128xf32, #tpu.memory_space<vmem_shared>>
    %dma_wait3A_72 = arith.constant 0 : i32
    %dma_wait3A_73 = tpu.memref_slice %arg24[%dma_wait3A_72] : memref<10240xf32, #tpu.memory_space<vmem_shared>> -> memref<128xf32, #tpu.memory_space<vmem_shared>>
    tpu.wait_dma2 semaphore(%arg32 : memref<!tpu.dma_semaphore, #tpu.memory_space<semaphore_mem>>) src(%arg21 : memref<128xf32, #tpu.memory_space<vmem>>) dst(%dma_wait3A_73 : memref<128xf32, #tpu.memory_space<vmem_shared>>)
    %add3A_74 = arith.constant 52 : i32
    %add3A_75 = arith.addi %mul3A_2, %add3A_74 : i32
    %dma_start3A_76 = arith.constant 0 : i32
    %dma_start3A_77 = arith.constant 0 : i32
    %dma_start3A_78 = tpu.memref_slice %arg2[%add3A_75, %dma_start3A_76, %dma_start3A_77] : memref<2500x1x128xi32, #tpu.memory_space<hbm>> -> memref<26x1x128xi32, #tpu.memory_space<hbm>>
    %dma_start3A_79 = arith.constant 0 : i32
    %dma_start3A_80 = arith.constant 0 : i32
    %dma_start3A_81 = tpu.memref_slice %arg2[%add3A_75, %dma_start3A_79, %dma_start3A_80] : memref<2500x1x128xi32, #tpu.memory_space<hbm>> -> memref<26x1x128xi32, #tpu.memory_space<hbm>>
    tpu.enqueue_dma source(%dma_start3A_81 : memref<26x1x128xi32, #tpu.memory_space<hbm>>) target(%arg10 : memref<26x1x128xi32, #tpu.memory_space<vmem>>) target_semaphore(%arg33 : memref<!tpu.dma_semaphore, #tpu.memory_space<semaphore_mem>>)
    %add3A_82 = arith.constant 52 : i32
    %add3A_83 = arith.addi %mul3A_2, %add3A_82 : i32
    %dma_start3A_84 = arith.constant 0 : i32
    %dma_start3A_85 = arith.constant 0 : i32
    %dma_start3A_86 = tpu.memref_slice %arg3[%add3A_83, %dma_start3A_84, %dma_start3A_85] : memref<2500x1x128xi32, #tpu.memory_space<hbm>> -> memref<26x1x128xi32, #tpu.memory_space<hbm>>
    %dma_start3A_87 = arith.constant 0 : i32
    %dma_start3A_88 = arith.constant 0 : i32
    %dma_start3A_89 = tpu.memref_slice %arg3[%add3A_83, %dma_start3A_87, %dma_start3A_88] : memref<2500x1x128xi32, #tpu.memory_space<hbm>> -> memref<26x1x128xi32, #tpu.memory_space<hbm>>
    tpu.enqueue_dma source(%dma_start3A_89 : memref<26x1x128xi32, #tpu.memory_space<hbm>>) target(%arg11 : memref<26x1x128xi32, #tpu.memory_space<vmem>>) target_semaphore(%arg33 : memref<!tpu.dma_semaphore, #tpu.memory_space<semaphore_mem>>)
    %dma_wait3A_90 = arith.constant 0 : i32
    %dma_wait3A_91 = arith.constant 0 : i32
    %dma_wait3A_92 = arith.constant 0 : i32
    %dma_wait3A_93 = tpu.memref_slice %arg2[%dma_wait3A_90, %dma_wait3A_91, %dma_wait3A_92] : memref<2500x1x128xi32, #tpu.memory_space<hbm>> -> memref<26x1x128xi32, #tpu.memory_space<hbm>>
    %dma_wait3A_94 = arith.constant 0 : i32
    %dma_wait3A_95 = arith.constant 0 : i32
    %dma_wait3A_96 = arith.constant 0 : i32
    %dma_wait3A_97 = tpu.memref_slice %arg2[%dma_wait3A_94, %dma_wait3A_95, %dma_wait3A_96] : memref<2500x1x128xi32, #tpu.memory_space<hbm>> -> memref<26x1x128xi32, #tpu.memory_space<hbm>>
    tpu.wait_dma2 semaphore(%arg34 : memref<!tpu.dma_semaphore, #tpu.memory_space<semaphore_mem>>) src(%dma_wait3A_97 : memref<26x1x128xi32, #tpu.memory_space<hbm>>) dst(%arg12 : memref<26x1x128xi32, #tpu.memory_space<vmem>>)
    %dma_wait3A_98 = arith.constant 0 : i32
    %dma_wait3A_99 = arith.constant 0 : i32
    %dma_wait3A_100 = arith.constant 0 : i32
    %dma_wait3A_101 = tpu.memref_slice %arg3[%dma_wait3A_98, %dma_wait3A_99, %dma_wait3A_100] : memref<2500x1x128xi32, #tpu.memory_space<hbm>> -> memref<26x1x128xi32, #tpu.memory_space<hbm>>
    %dma_wait3A_102 = arith.constant 0 : i32
    %dma_wait3A_103 = arith.constant 0 : i32
    %dma_wait3A_104 = arith.constant 0 : i32
    %dma_wait3A_105 = tpu.memref_slice %arg3[%dma_wait3A_102, %dma_wait3A_103, %dma_wait3A_104] : memref<2500x1x128xi32, #tpu.memory_space<hbm>> -> memref<26x1x128xi32, #tpu.memory_space<hbm>>
    tpu.wait_dma2 semaphore(%arg34 : memref<!tpu.dma_semaphore, #tpu.memory_space<semaphore_mem>>) src(%dma_wait3A_105 : memref<26x1x128xi32, #tpu.memory_space<hbm>>) dst(%arg13 : memref<26x1x128xi32, #tpu.memory_space<vmem>>)
    %dma_start3A_106 = arith.constant 0 : i32
    %dma_start3A_107 = arith.constant 0 : i32
    %dma_start3A_108 = arith.constant 0 : i32
    %dma_start3A_109 = tpu.memref_slice %arg12[%dma_start3A_106, %dma_start3A_107, %dma_start3A_108] : memref<26x1x128xi32, #tpu.memory_space<vmem>> -> memref<1x1x128xi32, #tpu.memory_space<vmem>>
    %dma_start3A_110 = tpu.memref_squeeze %dma_start3A_109 : memref<1x1x128xi32, #tpu.memory_space<vmem>> -> memref<128xi32, #tpu.memory_space<vmem>>
    %dma_start3A_111 = arith.constant 0 : i32
    %dma_start3A_112 = arith.constant 0 : i32
    %dma_start3A_113 = tpu.memref_slice %arg4[%dma_start3A_111, %dma_start3A_112] : memref<10000x128xf32, #tpu.memory_space<hbm>> -> memref<10000x128xf32, #tpu.memory_space<hbm>>
    tpu.enqueue_indirect_dma source(%dma_start3A_113 : memref<10000x128xf32, #tpu.memory_space<hbm>>) target(%arg16 : memref<128x128xf32, #tpu.memory_space<vmem>>) offsets(%dma_start3A_110 : memref<128xi32, #tpu.memory_space<vmem>>) semaphore(%arg25 : memref<!tpu.dma_semaphore, #tpu.memory_space<semaphore_mem>>)
    %dma_start3A_114 = arith.constant 0 : i32
    %dma_start3A_115 = arith.constant 0 : i32
    %dma_start3A_116 = arith.constant 0 : i32
    %dma_start3A_117 = tpu.memref_slice %arg13[%dma_start3A_114, %dma_start3A_115, %dma_start3A_116] : memref<26x1x128xi32, #tpu.memory_space<vmem>> -> memref<1x1x128xi32, #tpu.memory_space<vmem>>
    %dma_start3A_118 = tpu.memref_squeeze %dma_start3A_117 : memref<1x1x128xi32, #tpu.memory_space<vmem>> -> memref<128xi32, #tpu.memory_space<vmem>>
    %dma_start3A_119 = arith.constant 0 : i32
    %dma_start3A_120 = tpu.memref_slice %arg5[%dma_start3A_119] : memref<10240xf32, #tpu.memory_space<hbm>> -> memref<10240xf32, #tpu.memory_space<hbm>>
    tpu.enqueue_indirect_dma source(%dma_start3A_120 : memref<10240xf32, #tpu.memory_space<hbm>>) target(%arg18 : memref<128xf32, #tpu.memory_space<vmem>>) offsets(%dma_start3A_118 : memref<128xi32, #tpu.memory_space<vmem>>) semaphore(%arg27 : memref<!tpu.dma_semaphore, #tpu.memory_space<semaphore_mem>>)
    %scan3A_121 = arith.constant 0 : i32
    %scan3A_122 = arith.constant 13 : i32
    %scan3A_123 = arith.addi %scan3A_121, %scan3A_122 : i32
    %scan3A_124 = arith.constant 1 : i32
    scf.for %scan3A_243 = %scan3A_121 to %scan3A_123 step %scan3A_124  : i32 {
      %mul3A_244 = arith.constant 2 : i32
      %mul3A_245 = arith.muli %mul3A_244, %scan3A_243 : i32
      %add3A_246 = arith.constant 1 : i32
      %add3A_247 = arith.addi %mul3A_245, %add3A_246 : i32
      %dma_wait3A_248 = arith.constant 0 : i32
      %dma_wait3A_249 = arith.constant 0 : i32
      %dma_wait3A_250 = tpu.memref_slice %arg4[%dma_wait3A_248, %dma_wait3A_249] : memref<10000x128xf32, #tpu.memory_space<hbm>> -> memref<128x128xf32, #tpu.memory_space<hbm>>
      %dma_wait3A_251 = arith.constant 0 : i32
      %dma_wait3A_252 = arith.constant 0 : i32
      %dma_wait3A_253 = tpu.memref_slice %arg4[%dma_wait3A_251, %dma_wait3A_252] : memref<10000x128xf32, #tpu.memory_space<hbm>> -> memref<128x128xf32, #tpu.memory_space<hbm>>
      tpu.wait_dma2 semaphore(%arg25 : memref<!tpu.dma_semaphore, #tpu.memory_space<semaphore_mem>>) src(%dma_wait3A_253 : memref<128x128xf32, #tpu.memory_space<hbm>>) dst(%arg16 : memref<128x128xf32, #tpu.memory_space<vmem>>)
      %gt3A = arith.constant 0 : i32
      %gt3A_254 = arith.cmpi sgt, %scan3A_243, %gt3A : i32
      %convert_element_type3A_255 = arith.extui %gt3A_254 : i1 to i32
      %cond3A_256 = arith.constant 0 : i32
      %cond3A_257 = arith.cmpi ne, %convert_element_type3A_255, %cond3A_256 : i32
      scf.if %cond3A_257 {
        %dma_wait3A_536 = arith.constant 0 : i32
        %dma_wait3A_537 = arith.constant 0 : i32
        %dma_wait3A_538 = tpu.memref_slice %arg23[%dma_wait3A_536, %dma_wait3A_537] : memref<10240x128xf32, #tpu.memory_space<vmem_shared>> -> memref<128x128xf32, #tpu.memory_space<vmem_shared>>
        %dma_wait3A_539 = arith.constant 0 : i32
        %dma_wait3A_540 = arith.constant 0 : i32
        %dma_wait3A_541 = tpu.memref_slice %arg23[%dma_wait3A_539, %dma_wait3A_540] : memref<10240x128xf32, #tpu.memory_space<vmem_shared>> -> memref<128x128xf32, #tpu.memory_space<vmem_shared>>
        tpu.wait_dma2 semaphore(%arg30 : memref<!tpu.dma_semaphore, #tpu.memory_space<semaphore_mem>>) src(%arg17 : memref<128x128xf32, #tpu.memory_space<vmem>>) dst(%dma_wait3A_541 : memref<128x128xf32, #tpu.memory_space<vmem_shared>>)
      } else {
      }
      %dma_start3A_258 = arith.constant 0 : i32
      %dma_start3A_259 = arith.constant 0 : i32
      %dma_start3A_260 = tpu.memref_slice %arg12[%add3A_247, %dma_start3A_258, %dma_start3A_259] : memref<26x1x128xi32, #tpu.memory_space<vmem>> -> memref<1x1x128xi32, #tpu.memory_space<vmem>>
      %dma_start3A_261 = tpu.memref_squeeze %dma_start3A_260 : memref<1x1x128xi32, #tpu.memory_space<vmem>> -> memref<128xi32, #tpu.memory_space<vmem>>
      %dma_start3A_262 = arith.constant 0 : i32
      %dma_start3A_263 = arith.constant 0 : i32
      %dma_start3A_264 = tpu.memref_slice %arg4[%dma_start3A_262, %dma_start3A_263] : memref<10000x128xf32, #tpu.memory_space<hbm>> -> memref<10000x128xf32, #tpu.memory_space<hbm>>
      tpu.enqueue_indirect_dma source(%dma_start3A_264 : memref<10000x128xf32, #tpu.memory_space<hbm>>) target(%arg17 : memref<128x128xf32, #tpu.memory_space<vmem>>) offsets(%dma_start3A_261 : memref<128xi32, #tpu.memory_space<vmem>>) semaphore(%arg26 : memref<!tpu.dma_semaphore, #tpu.memory_space<semaphore_mem>>)
      %dma_start3A_265 = arith.constant 0 : i32
      %dma_start3A_266 = arith.constant 0 : i32
      %dma_start3A_267 = tpu.memref_slice %arg13[%add3A_247, %dma_start3A_265, %dma_start3A_266] : memref<26x1x128xi32, #tpu.memory_space<vmem>> -> memref<1x1x128xi32, #tpu.memory_space<vmem>>
      %dma_start3A_268 = tpu.memref_squeeze %dma_start3A_267 : memref<1x1x128xi32, #tpu.memory_space<vmem>> -> memref<128xi32, #tpu.memory_space<vmem>>
      %dma_start3A_269 = arith.constant 0 : i32
      %dma_start3A_270 = tpu.memref_slice %arg5[%dma_start3A_269] : memref<10240xf32, #tpu.memory_space<hbm>> -> memref<10240xf32, #tpu.memory_space<hbm>>
      tpu.enqueue_indirect_dma source(%dma_start3A_270 : memref<10240xf32, #tpu.memory_space<hbm>>) target(%arg19 : memref<128xf32, #tpu.memory_space<vmem>>) offsets(%dma_start3A_268 : memref<128xi32, #tpu.memory_space<vmem>>) semaphore(%arg28 : memref<!tpu.dma_semaphore, #tpu.memory_space<semaphore_mem>>)
      %dma_start3A_271 = arith.constant 0 : i32
      %dma_start3A_272 = arith.constant 0 : i32
      %dma_start3A_273 = tpu.memref_slice %arg13[%mul3A_245, %dma_start3A_271, %dma_start3A_272] : memref<26x1x128xi32, #tpu.memory_space<vmem>> -> memref<1x1x128xi32, #tpu.memory_space<vmem>>
      %dma_start3A_274 = tpu.memref_squeeze %dma_start3A_273 : memref<1x1x128xi32, #tpu.memory_space<vmem>> -> memref<128xi32, #tpu.memory_space<vmem>>
      %dma_start3A_275 = arith.constant 0 : i32
      %dma_start3A_276 = arith.constant 0 : i32
      %dma_start3A_277 = tpu.memref_slice %arg23[%dma_start3A_275, %dma_start3A_276] : memref<10240x128xf32, #tpu.memory_space<vmem_shared>> -> memref<10240x128xf32, #tpu.memory_space<vmem_shared>>
      tpu.enqueue_indirect_dma source(%arg16 : memref<128x128xf32, #tpu.memory_space<vmem>>) target(%dma_start3A_277 : memref<10240x128xf32, #tpu.memory_space<vmem_shared>>) offsets(%dma_start3A_274 : memref<128xi32, #tpu.memory_space<vmem>>) semaphore(%arg29 : memref<!tpu.dma_semaphore, #tpu.memory_space<semaphore_mem>>) {add = true}
      %dma_wait3A_278 = arith.constant 0 : i32
      %dma_wait3A_279 = tpu.memref_slice %arg5[%dma_wait3A_278] : memref<10240xf32, #tpu.memory_space<hbm>> -> memref<128xf32, #tpu.memory_space<hbm>>
      %dma_wait3A_280 = arith.constant 0 : i32
      %dma_wait3A_281 = tpu.memref_slice %arg5[%dma_wait3A_280] : memref<10240xf32, #tpu.memory_space<hbm>> -> memref<128xf32, #tpu.memory_space<hbm>>
      tpu.wait_dma2 semaphore(%arg27 : memref<!tpu.dma_semaphore, #tpu.memory_space<semaphore_mem>>) src(%dma_wait3A_281 : memref<128xf32, #tpu.memory_space<hbm>>) dst(%arg18 : memref<128xf32, #tpu.memory_space<vmem>>)
      %gt3A_282 = arith.constant 0 : i32
      %gt3A_283 = arith.cmpi sgt, %scan3A_243, %gt3A_282 : i32
      %convert_element_type3A_284 = arith.extui %gt3A_283 : i1 to i32
      %cond3A_285 = arith.constant 0 : i32
      %cond3A_286 = arith.cmpi ne, %convert_element_type3A_284, %cond3A_285 : i32
      scf.if %cond3A_286 {
        %dma_wait3A_536 = arith.constant 0 : i32
        %dma_wait3A_537 = tpu.memref_slice %arg24[%dma_wait3A_536] : memref<10240xf32, #tpu.memory_space<vmem_shared>> -> memref<128xf32, #tpu.memory_space<vmem_shared>>
        %dma_wait3A_538 = arith.constant 0 : i32
        %dma_wait3A_539 = tpu.memref_slice %arg24[%dma_wait3A_538] : memref<10240xf32, #tpu.memory_space<vmem_shared>> -> memref<128xf32, #tpu.memory_space<vmem_shared>>
        tpu.wait_dma2 semaphore(%arg31 : memref<!tpu.dma_semaphore, #tpu.memory_space<semaphore_mem>>) src(%arg20 : memref<128xf32, #tpu.memory_space<vmem>>) dst(%dma_wait3A_539 : memref<128xf32, #tpu.memory_space<vmem_shared>>)
      } else {
      }
      %get3A = arith.constant 0 : index
      %get3A_287 = tpu.vector_load %arg18[%get3A] {strides = array<i32>} : memref<128xf32, #tpu.memory_space<vmem>>, vector<16xf32>,
      %get3A_288 = vector.shape_cast %get3A_287 : vector<16xf32> to vector<16xf32>
      %max3A = arith.constant 1.000000e+00 : f32
      %max3A_289 = vector.broadcast %max3A : f32 to vector<16xf32>
      %max3A_290 = arith.maximumf %get3A_288, %max3A_289 : vector<16xf32>
      %div3A = arith.constant 1.000000e+00 : f32
      %div3A_291 = vector.broadcast %div3A : f32 to vector<16xf32>
      %div3A_292 = arith.divf %div3A_291, %max3A_290 : vector<16xf32>
      %swap3A = arith.constant 0 : index
      %swap3A_293 = tpu.vector_load %arg20[%swap3A] {strides = array<i32>} : memref<128xf32, #tpu.memory_space<vmem>>, vector<16xf32>,
      %swap3A_294 = vector.shape_cast %swap3A_293 : vector<16xf32> to vector<16xf32>
      %swap3A_295 = vector.shape_cast %div3A_292 : vector<16xf32> to vector<16xf32>
      tpu.vector_store %arg20[%swap3A], %swap3A_295 {strides = array<i32>} : memref<128xf32, #tpu.memory_space<vmem>>, vector<16xf32>,
      %get3A_296 = arith.constant 16 : index
      %get3A_297 = tpu.vector_load %arg18[%get3A_296] {strides = array<i32>} : memref<128xf32, #tpu.memory_space<vmem>>, vector<16xf32>,
      %get3A_298 = vector.shape_cast %get3A_297 : vector<16xf32> to vector<16xf32>
      %max3A_299 = arith.constant 1.000000e+00 : f32
      %max3A_300 = vector.broadcast %max3A_299 : f32 to vector<16xf32>
      %max3A_301 = arith.maximumf %get3A_298, %max3A_300 : vector<16xf32>
      %div3A_302 = arith.constant 1.000000e+00 : f32
      %div3A_303 = vector.broadcast %div3A_302 : f32 to vector<16xf32>
      %div3A_304 = arith.divf %div3A_303, %max3A_301 : vector<16xf32>
      %swap3A_305 = arith.constant 16 : index
      %swap3A_306 = tpu.vector_load %arg20[%swap3A_305] {strides = array<i32>} : memref<128xf32, #tpu.memory_space<vmem>>, vector<16xf32>,
      %swap3A_307 = vector.shape_cast %swap3A_306 : vector<16xf32> to vector<16xf32>
      %swap3A_308 = vector.shape_cast %div3A_304 : vector<16xf32> to vector<16xf32>
      tpu.vector_store %arg20[%swap3A_305], %swap3A_308 {strides = array<i32>} : memref<128xf32, #tpu.memory_space<vmem>>, vector<16xf32>,
      %get3A_309 = arith.constant 32 : index
      %get3A_310 = tpu.vector_load %arg18[%get3A_309] {strides = array<i32>} : memref<128xf32, #tpu.memory_space<vmem>>, vector<16xf32>,
      %get3A_311 = vector.shape_cast %get3A_310 : vector<16xf32> to vector<16xf32>
      %max3A_312 = arith.constant 1.000000e+00 : f32
      %max3A_313 = vector.broadcast %max3A_312 : f32 to vector<16xf32>
      %max3A_314 = arith.maximumf %get3A_311, %max3A_313 : vector<16xf32>
      %div3A_315 = arith.constant 1.000000e+00 : f32
      %div3A_316 = vector.broadcast %div3A_315 : f32 to vector<16xf32>
      %div3A_317 = arith.divf %div3A_316, %max3A_314 : vector<16xf32>
      %swap3A_318 = arith.constant 32 : index
      %swap3A_319 = tpu.vector_load %arg20[%swap3A_318] {strides = array<i32>} : memref<128xf32, #tpu.memory_space<vmem>>, vector<16xf32>,
      %swap3A_320 = vector.shape_cast %swap3A_319 : vector<16xf32> to vector<16xf32>
      %swap3A_321 = vector.shape_cast %div3A_317 : vector<16xf32> to vector<16xf32>
      tpu.vector_store %arg20[%swap3A_318], %swap3A_321 {strides = array<i32>} : memref<128xf32, #tpu.memory_space<vmem>>, vector<16xf32>,
      %get3A_322 = arith.constant 48 : index
      %get3A_323 = tpu.vector_load %arg18[%get3A_322] {strides = array<i32>} : memref<128xf32, #tpu.memory_space<vmem>>, vector<16xf32>,
      %get3A_324 = vector.shape_cast %get3A_323 : vector<16xf32> to vector<16xf32>
      %max3A_325 = arith.constant 1.000000e+00 : f32
      %max3A_326 = vector.broadcast %max3A_325 : f32 to vector<16xf32>
      %max3A_327 = arith.maximumf %get3A_324, %max3A_326 : vector<16xf32>
      %div3A_328 = arith.constant 1.000000e+00 : f32
      %div3A_329 = vector.broadcast %div3A_328 : f32 to vector<16xf32>
      %div3A_330 = arith.divf %div3A_329, %max3A_327 : vector<16xf32>
      %swap3A_331 = arith.constant 48 : index
      %swap3A_332 = tpu.vector_load %arg20[%swap3A_331] {strides = array<i32>} : memref<128xf32, #tpu.memory_space<vmem>>, vector<16xf32>,
      %swap3A_333 = vector.shape_cast %swap3A_332 : vector<16xf32> to vector<16xf32>
      %swap3A_334 = vector.shape_cast %div3A_330 : vector<16xf32> to vector<16xf32>
      tpu.vector_store %arg20[%swap3A_331], %swap3A_334 {strides = array<i32>} : memref<128xf32, #tpu.memory_space<vmem>>, vector<16xf32>,
      %get3A_335 = arith.constant 64 : index
      %get3A_336 = tpu.vector_load %arg18[%get3A_335] {strides = array<i32>} : memref<128xf32, #tpu.memory_space<vmem>>, vector<16xf32>,
      %get3A_337 = vector.shape_cast %get3A_336 : vector<16xf32> to vector<16xf32>
      %max3A_338 = arith.constant 1.000000e+00 : f32
      %max3A_339 = vector.broadcast %max3A_338 : f32 to vector<16xf32>
      %max3A_340 = arith.maximumf %get3A_337, %max3A_339 : vector<16xf32>
      %div3A_341 = arith.constant 1.000000e+00 : f32
      %div3A_342 = vector.broadcast %div3A_341 : f32 to vector<16xf32>
      %div3A_343 = arith.divf %div3A_342, %max3A_340 : vector<16xf32>
      %swap3A_344 = arith.constant 64 : index
      %swap3A_345 = tpu.vector_load %arg20[%swap3A_344] {strides = array<i32>} : memref<128xf32, #tpu.memory_space<vmem>>, vector<16xf32>,
      %swap3A_346 = vector.shape_cast %swap3A_345 : vector<16xf32> to vector<16xf32>
      %swap3A_347 = vector.shape_cast %div3A_343 : vector<16xf32> to vector<16xf32>
      tpu.vector_store %arg20[%swap3A_344], %swap3A_347 {strides = array<i32>} : memref<128xf32, #tpu.memory_space<vmem>>, vector<16xf32>,
      %get3A_348 = arith.constant 80 : index
      %get3A_349 = tpu.vector_load %arg18[%get3A_348] {strides = array<i32>} : memref<128xf32, #tpu.memory_space<vmem>>, vector<16xf32>,
      %get3A_350 = vector.shape_cast %get3A_349 : vector<16xf32> to vector<16xf32>
      %max3A_351 = arith.constant 1.000000e+00 : f32
      %max3A_352 = vector.broadcast %max3A_351 : f32 to vector<16xf32>
      %max3A_353 = arith.maximumf %get3A_350, %max3A_352 : vector<16xf32>
      %div3A_354 = arith.constant 1.000000e+00 : f32
      %div3A_355 = vector.broadcast %div3A_354 : f32 to vector<16xf32>
      %div3A_356 = arith.divf %div3A_355, %max3A_353 : vector<16xf32>
      %swap3A_357 = arith.constant 80 : index
      %swap3A_358 = tpu.vector_load %arg20[%swap3A_357] {strides = array<i32>} : memref<128xf32, #tpu.memory_space<vmem>>, vector<16xf32>,
      %swap3A_359 = vector.shape_cast %swap3A_358 : vector<16xf32> to vector<16xf32>
      %swap3A_360 = vector.shape_cast %div3A_356 : vector<16xf32> to vector<16xf32>
      tpu.vector_store %arg20[%swap3A_357], %swap3A_360 {strides = array<i32>} : memref<128xf32, #tpu.memory_space<vmem>>, vector<16xf32>,
      %get3A_361 = arith.constant 96 : index
      %get3A_362 = tpu.vector_load %arg18[%get3A_361] {strides = array<i32>} : memref<128xf32, #tpu.memory_space<vmem>>, vector<16xf32>,
      %get3A_363 = vector.shape_cast %get3A_362 : vector<16xf32> to vector<16xf32>
      %max3A_364 = arith.constant 1.000000e+00 : f32
      %max3A_365 = vector.broadcast %max3A_364 : f32 to vector<16xf32>
      %max3A_366 = arith.maximumf %get3A_363, %max3A_365 : vector<16xf32>
      %div3A_367 = arith.constant 1.000000e+00 : f32
      %div3A_368 = vector.broadcast %div3A_367 : f32 to vector<16xf32>
      %div3A_369 = arith.divf %div3A_368, %max3A_366 : vector<16xf32>
      %swap3A_370 = arith.constant 96 : index
      %swap3A_371 = tpu.vector_load %arg20[%swap3A_370] {strides = array<i32>} : memref<128xf32, #tpu.memory_space<vmem>>, vector<16xf32>,
      %swap3A_372 = vector.shape_cast %swap3A_371 : vector<16xf32> to vector<16xf32>
      %swap3A_373 = vector.shape_cast %div3A_369 : vector<16xf32> to vector<16xf32>
      tpu.vector_store %arg20[%swap3A_370], %swap3A_373 {strides = array<i32>} : memref<128xf32, #tpu.memory_space<vmem>>, vector<16xf32>,
      %get3A_374 = arith.constant 112 : index
      %get3A_375 = tpu.vector_load %arg18[%get3A_374] {strides = array<i32>} : memref<128xf32, #tpu.memory_space<vmem>>, vector<16xf32>,
      %get3A_376 = vector.shape_cast %get3A_375 : vector<16xf32> to vector<16xf32>
      %max3A_377 = arith.constant 1.000000e+00 : f32
      %max3A_378 = vector.broadcast %max3A_377 : f32 to vector<16xf32>
      %max3A_379 = arith.maximumf %get3A_376, %max3A_378 : vector<16xf32>
      %div3A_380 = arith.constant 1.000000e+00 : f32
      %div3A_381 = vector.broadcast %div3A_380 : f32 to vector<16xf32>
      %div3A_382 = arith.divf %div3A_381, %max3A_379 : vector<16xf32>
      %swap3A_383 = arith.constant 112 : index
      %swap3A_384 = tpu.vector_load %arg20[%swap3A_383] {strides = array<i32>} : memref<128xf32, #tpu.memory_space<vmem>>, vector<16xf32>,
      %swap3A_385 = vector.shape_cast %swap3A_384 : vector<16xf32> to vector<16xf32>
      %swap3A_386 = vector.shape_cast %div3A_382 : vector<16xf32> to vector<16xf32>
      tpu.vector_store %arg20[%swap3A_383], %swap3A_386 {strides = array<i32>} : memref<128xf32, #tpu.memory_space<vmem>>, vector<16xf32>,
      %dma_start3A_387 = arith.constant 0 : i32
      %dma_start3A_388 = arith.constant 0 : i32
      %dma_start3A_389 = tpu.memref_slice %arg12[%mul3A_245, %dma_start3A_387, %dma_start3A_388] : memref<26x1x128xi32, #tpu.memory_space<vmem>> -> memref<1x1x128xi32, #tpu.memory_space<vmem>>
      %dma_start3A_390 = tpu.memref_squeeze %dma_start3A_389 : memref<1x1x128xi32, #tpu.memory_space<vmem>> -> memref<128xi32, #tpu.memory_space<vmem>>
      %dma_start3A_391 = arith.constant 0 : i32
      %dma_start3A_392 = tpu.memref_slice %arg24[%dma_start3A_391] : memref<10240xf32, #tpu.memory_space<vmem_shared>> -> memref<10240xf32, #tpu.memory_space<vmem_shared>>
      tpu.enqueue_indirect_dma source(%arg20 : memref<128xf32, #tpu.memory_space<vmem>>) target(%dma_start3A_392 : memref<10240xf32, #tpu.memory_space<vmem_shared>>) offsets(%dma_start3A_390 : memref<128xi32, #tpu.memory_space<vmem>>) semaphore(%arg31 : memref<!tpu.dma_semaphore, #tpu.memory_space<semaphore_mem>>) {add = true}
      %dma_wait3A_393 = arith.constant 0 : i32
      %dma_wait3A_394 = arith.constant 0 : i32
      %dma_wait3A_395 = tpu.memref_slice %arg4[%dma_wait3A_393, %dma_wait3A_394] : memref<10000x128xf32, #tpu.memory_space<hbm>> -> memref<128x128xf32, #tpu.memory_space<hbm>>
      %dma_wait3A_396 = arith.constant 0 : i32
      %dma_wait3A_397 = arith.constant 0 : i32
      %dma_wait3A_398 = tpu.memref_slice %arg4[%dma_wait3A_396, %dma_wait3A_397] : memref<10000x128xf32, #tpu.memory_space<hbm>> -> memref<128x128xf32, #tpu.memory_space<hbm>>
      tpu.wait_dma2 semaphore(%arg26 : memref<!tpu.dma_semaphore, #tpu.memory_space<semaphore_mem>>) src(%dma_wait3A_398 : memref<128x128xf32, #tpu.memory_space<hbm>>) dst(%arg17 : memref<128x128xf32, #tpu.memory_space<vmem>>)
      %dma_wait3A_399 = arith.constant 0 : i32
      %dma_wait3A_400 = arith.constant 0 : i32
      %dma_wait3A_401 = tpu.memref_slice %arg23[%dma_wait3A_399, %dma_wait3A_400] : memref<10240x128xf32, #tpu.memory_space<vmem_shared>> -> memref<128x128xf32, #tpu.memory_space<vmem_shared>>
      %dma_wait3A_402 = arith.constant 0 : i32
      %dma_wait3A_403 = arith.constant 0 : i32
      %dma_wait3A_404 = tpu.memref_slice %arg23[%dma_wait3A_402, %dma_wait3A_403] : memref<10240x128xf32, #tpu.memory_space<vmem_shared>> -> memref<128x128xf32, #tpu.memory_space<vmem_shared>>
      tpu.wait_dma2 semaphore(%arg29 : memref<!tpu.dma_semaphore, #tpu.memory_space<semaphore_mem>>) src(%arg16 : memref<128x128xf32, #tpu.memory_space<vmem>>) dst(%dma_wait3A_404 : memref<128x128xf32, #tpu.memory_space<vmem_shared>>)
      %lt3A_405 = arith.constant 12 : i32
      %lt3A_406 = arith.cmpi slt, %scan3A_243, %lt3A_405 : i32
      %convert_element_type3A_407 = arith.extui %lt3A_406 : i1 to i32
      %cond3A_408 = arith.constant 0 : i32
      %cond3A_409 = arith.cmpi ne, %convert_element_type3A_407, %cond3A_408 : i32
      scf.if %cond3A_409 {
        %add3A_536 = arith.constant 2 : i32
        %add3A_537 = arith.addi %mul3A_245, %add3A_536 : i32
        %dma_start3A_538 = arith.constant 0 : i32
        %dma_start3A_539 = arith.constant 0 : i32
        %dma_start3A_540 = tpu.memref_slice %arg12[%add3A_537, %dma_start3A_538, %dma_start3A_539] : memref<26x1x128xi32, #tpu.memory_space<vmem>> -> memref<1x1x128xi32, #tpu.memory_space<vmem>>
        %dma_start3A_541 = tpu.memref_squeeze %dma_start3A_540 : memref<1x1x128xi32, #tpu.memory_space<vmem>> -> memref<128xi32, #tpu.memory_space<vmem>>
        %dma_start3A_542 = arith.constant 0 : i32
        %dma_start3A_543 = arith.constant 0 : i32
        %dma_start3A_544 = tpu.memref_slice %arg4[%dma_start3A_542, %dma_start3A_543] : memref<10000x128xf32, #tpu.memory_space<hbm>> -> memref<10000x128xf32, #tpu.memory_space<hbm>>
        tpu.enqueue_indirect_dma source(%dma_start3A_544 : memref<10000x128xf32, #tpu.memory_space<hbm>>) target(%arg16 : memref<128x128xf32, #tpu.memory_space<vmem>>) offsets(%dma_start3A_541 : memref<128xi32, #tpu.memory_space<vmem>>) semaphore(%arg25 : memref<!tpu.dma_semaphore, #tpu.memory_space<semaphore_mem>>)
        %dma_start3A_545 = arith.constant 0 : i32
        %dma_start3A_546 = arith.constant 0 : i32
        %dma_start3A_547 = tpu.memref_slice %arg13[%add3A_537, %dma_start3A_545, %dma_start3A_546] : memref<26x1x128xi32, #tpu.memory_space<vmem>> -> memref<1x1x128xi32, #tpu.memory_space<vmem>>
        %dma_start3A_548 = tpu.memref_squeeze %dma_start3A_547 : memref<1x1x128xi32, #tpu.memory_space<vmem>> -> memref<128xi32, #tpu.memory_space<vmem>>
        %dma_start3A_549 = arith.constant 0 : i32
        %dma_start3A_550 = tpu.memref_slice %arg5[%dma_start3A_549] : memref<10240xf32, #tpu.memory_space<hbm>> -> memref<10240xf32, #tpu.memory_space<hbm>>
        tpu.enqueue_indirect_dma source(%dma_start3A_550 : memref<10240xf32, #tpu.memory_space<hbm>>) target(%arg18 : memref<128xf32, #tpu.memory_space<vmem>>) offsets(%dma_start3A_548 : memref<128xi32, #tpu.memory_space<vmem>>) semaphore(%arg27 : memref<!tpu.dma_semaphore, #tpu.memory_space<semaphore_mem>>)
      } else {
      }
      %dma_start3A_410 = arith.constant 0 : i32
      %dma_start3A_411 = arith.constant 0 : i32
      %dma_start3A_412 = tpu.memref_slice %arg13[%add3A_247, %dma_start3A_410, %dma_start3A_411] : memref<26x1x128xi32, #tpu.memory_space<vmem>> -> memref<1x1x128xi32, #tpu.memory_space<vmem>>
      %dma_start3A_413 = tpu.memref_squeeze %dma_start3A_412 : memref<1x1x128xi32, #tpu.memory_space<vmem>> -> memref<128xi32, #tpu.memory_space<vmem>>
      %dma_start3A_414 = arith.constant 0 : i32
      %dma_start3A_415 = arith.constant 0 : i32
      %dma_start3A_416 = tpu.memref_slice %arg23[%dma_start3A_414, %dma_start3A_415] : memref<10240x128xf32, #tpu.memory_space<vmem_shared>> -> memref<10240x128xf32, #tpu.memory_space<vmem_shared>>
      tpu.enqueue_indirect_dma source(%arg17 : memref<128x128xf32, #tpu.memory_space<vmem>>) target(%dma_start3A_416 : memref<10240x128xf32, #tpu.memory_space<vmem_shared>>) offsets(%dma_start3A_413 : memref<128xi32, #tpu.memory_space<vmem>>) semaphore(%arg30 : memref<!tpu.dma_semaphore, #tpu.memory_space<semaphore_mem>>) {add = true}
      %dma_wait3A_417 = arith.constant 0 : i32
      %dma_wait3A_418 = tpu.memref_slice %arg5[%dma_wait3A_417] : memref<10240xf32, #tpu.memory_space<hbm>> -> memref<128xf32, #tpu.memory_space<hbm>>
      %dma_wait3A_419 = arith.constant 0 : i32
      %dma_wait3A_420 = tpu.memref_slice %arg5[%dma_wait3A_419] : memref<10240xf32, #tpu.memory_space<hbm>> -> memref<128xf32, #tpu.memory_space<hbm>>
      tpu.wait_dma2 semaphore(%arg28 : memref<!tpu.dma_semaphore, #tpu.memory_space<semaphore_mem>>) src(%dma_wait3A_420 : memref<128xf32, #tpu.memory_space<hbm>>) dst(%arg19 : memref<128xf32, #tpu.memory_space<vmem>>)
      %gt3A_421 = arith.constant 0 : i32
      %gt3A_422 = arith.cmpi sgt, %scan3A_243, %gt3A_421 : i32
      %convert_element_type3A_423 = arith.extui %gt3A_422 : i1 to i32
      %cond3A_424 = arith.constant 0 : i32
      %cond3A_425 = arith.cmpi ne, %convert_element_type3A_423, %cond3A_424 : i32
      scf.if %cond3A_425 {
        %dma_wait3A_536 = arith.constant 0 : i32
        %dma_wait3A_537 = tpu.memref_slice %arg24[%dma_wait3A_536] : memref<10240xf32, #tpu.memory_space<vmem_shared>> -> memref<128xf32, #tpu.memory_space<vmem_shared>>
        %dma_wait3A_538 = arith.constant 0 : i32
        %dma_wait3A_539 = tpu.memref_slice %arg24[%dma_wait3A_538] : memref<10240xf32, #tpu.memory_space<vmem_shared>> -> memref<128xf32, #tpu.memory_space<vmem_shared>>
        tpu.wait_dma2 semaphore(%arg32 : memref<!tpu.dma_semaphore, #tpu.memory_space<semaphore_mem>>) src(%arg21 : memref<128xf32, #tpu.memory_space<vmem>>) dst(%dma_wait3A_539 : memref<128xf32, #tpu.memory_space<vmem_shared>>)
      } else {
      }
      %get3A_426 = arith.constant 0 : index
      %get3A_427 = tpu.vector_load %arg19[%get3A_426] {strides = array<i32>} : memref<128xf32, #tpu.memory_space<vmem>>, vector<16xf32>,
      %get3A_428 = vector.shape_cast %get3A_427 : vector<16xf32> to vector<16xf32>
      %max3A_429 = arith.constant 1.000000e+00 : f32
      %max3A_430 = vector.broadcast %max3A_429 : f32 to vector<16xf32>
      %max3A_431 = arith.maximumf %get3A_428, %max3A_430 : vector<16xf32>
      %div3A_432 = arith.constant 1.000000e+00 : f32
      %div3A_433 = vector.broadcast %div3A_432 : f32 to vector<16xf32>
      %div3A_434 = arith.divf %div3A_433, %max3A_431 : vector<16xf32>
      %swap3A_435 = arith.constant 0 : index
      %swap3A_436 = tpu.vector_load %arg21[%swap3A_435] {strides = array<i32>} : memref<128xf32, #tpu.memory_space<vmem>>, vector<16xf32>,
      %swap3A_437 = vector.shape_cast %swap3A_436 : vector<16xf32> to vector<16xf32>
      %swap3A_438 = vector.shape_cast %div3A_434 : vector<16xf32> to vector<16xf32>
      tpu.vector_store %arg21[%swap3A_435], %swap3A_438 {strides = array<i32>} : memref<128xf32, #tpu.memory_space<vmem>>, vector<16xf32>,
      %get3A_439 = arith.constant 16 : index
      %get3A_440 = tpu.vector_load %arg19[%get3A_439] {strides = array<i32>} : memref<128xf32, #tpu.memory_space<vmem>>, vector<16xf32>,
      %get3A_441 = vector.shape_cast %get3A_440 : vector<16xf32> to vector<16xf32>
      %max3A_442 = arith.constant 1.000000e+00 : f32
      %max3A_443 = vector.broadcast %max3A_442 : f32 to vector<16xf32>
      %max3A_444 = arith.maximumf %get3A_441, %max3A_443 : vector<16xf32>
      %div3A_445 = arith.constant 1.000000e+00 : f32
      %div3A_446 = vector.broadcast %div3A_445 : f32 to vector<16xf32>
      %div3A_447 = arith.divf %div3A_446, %max3A_444 : vector<16xf32>
      %swap3A_448 = arith.constant 16 : index
      %swap3A_449 = tpu.vector_load %arg21[%swap3A_448] {strides = array<i32>} : memref<128xf32, #tpu.memory_space<vmem>>, vector<16xf32>,
      %swap3A_450 = vector.shape_cast %swap3A_449 : vector<16xf32> to vector<16xf32>
      %swap3A_451 = vector.shape_cast %div3A_447 : vector<16xf32> to vector<16xf32>
      tpu.vector_store %arg21[%swap3A_448], %swap3A_451 {strides = array<i32>} : memref<128xf32, #tpu.memory_space<vmem>>, vector<16xf32>,
      %get3A_452 = arith.constant 32 : index
      %get3A_453 = tpu.vector_load %arg19[%get3A_452] {strides = array<i32>} : memref<128xf32, #tpu.memory_space<vmem>>, vector<16xf32>,
      %get3A_454 = vector.shape_cast %get3A_453 : vector<16xf32> to vector<16xf32>
      %max3A_455 = arith.constant 1.000000e+00 : f32
      %max3A_456 = vector.broadcast %max3A_455 : f32 to vector<16xf32>
      %max3A_457 = arith.maximumf %get3A_454, %max3A_456 : vector<16xf32>
      %div3A_458 = arith.constant 1.000000e+00 : f32
      %div3A_459 = vector.broadcast %div3A_458 : f32 to vector<16xf32>
      %div3A_460 = arith.divf %div3A_459, %max3A_457 : vector<16xf32>
      %swap3A_461 = arith.constant 32 : index
      %swap3A_462 = tpu.vector_load %arg21[%swap3A_461] {strides = array<i32>} : memref<128xf32, #tpu.memory_space<vmem>>, vector<16xf32>,
      %swap3A_463 = vector.shape_cast %swap3A_462 : vector<16xf32> to vector<16xf32>
      %swap3A_464 = vector.shape_cast %div3A_460 : vector<16xf32> to vector<16xf32>
      tpu.vector_store %arg21[%swap3A_461], %swap3A_464 {strides = array<i32>} : memref<128xf32, #tpu.memory_space<vmem>>, vector<16xf32>,
      %get3A_465 = arith.constant 48 : index
      %get3A_466 = tpu.vector_load %arg19[%get3A_465] {strides = array<i32>} : memref<128xf32, #tpu.memory_space<vmem>>, vector<16xf32>,
      %get3A_467 = vector.shape_cast %get3A_466 : vector<16xf32> to vector<16xf32>
      %max3A_468 = arith.constant 1.000000e+00 : f32
      %max3A_469 = vector.broadcast %max3A_468 : f32 to vector<16xf32>
      %max3A_470 = arith.maximumf %get3A_467, %max3A_469 : vector<16xf32>
      %div3A_471 = arith.constant 1.000000e+00 : f32
      %div3A_472 = vector.broadcast %div3A_471 : f32 to vector<16xf32>
      %div3A_473 = arith.divf %div3A_472, %max3A_470 : vector<16xf32>
      %swap3A_474 = arith.constant 48 : index
      %swap3A_475 = tpu.vector_load %arg21[%swap3A_474] {strides = array<i32>} : memref<128xf32, #tpu.memory_space<vmem>>, vector<16xf32>,
      %swap3A_476 = vector.shape_cast %swap3A_475 : vector<16xf32> to vector<16xf32>
      %swap3A_477 = vector.shape_cast %div3A_473 : vector<16xf32> to vector<16xf32>
      tpu.vector_store %arg21[%swap3A_474], %swap3A_477 {strides = array<i32>} : memref<128xf32, #tpu.memory_space<vmem>>, vector<16xf32>,
      %get3A_478 = arith.constant 64 : index
      %get3A_479 = tpu.vector_load %arg19[%get3A_478] {strides = array<i32>} : memref<128xf32, #tpu.memory_space<vmem>>, vector<16xf32>,
      %get3A_480 = vector.shape_cast %get3A_479 : vector<16xf32> to vector<16xf32>
      %max3A_481 = arith.constant 1.000000e+00 : f32
      %max3A_482 = vector.broadcast %max3A_481 : f32 to vector<16xf32>
      %max3A_483 = arith.maximumf %get3A_480, %max3A_482 : vector<16xf32>
      %div3A_484 = arith.constant 1.000000e+00 : f32
      %div3A_485 = vector.broadcast %div3A_484 : f32 to vector<16xf32>
      %div3A_486 = arith.divf %div3A_485, %max3A_483 : vector<16xf32>
      %swap3A_487 = arith.constant 64 : index
      %swap3A_488 = tpu.vector_load %arg21[%swap3A_487] {strides = array<i32>} : memref<128xf32, #tpu.memory_space<vmem>>, vector<16xf32>,
      %swap3A_489 = vector.shape_cast %swap3A_488 : vector<16xf32> to vector<16xf32>
      %swap3A_490 = vector.shape_cast %div3A_486 : vector<16xf32> to vector<16xf32>
      tpu.vector_store %arg21[%swap3A_487], %swap3A_490 {strides = array<i32>} : memref<128xf32, #tpu.memory_space<vmem>>, vector<16xf32>,
      %get3A_491 = arith.constant 80 : index
      %get3A_492 = tpu.vector_load %arg19[%get3A_491] {strides = array<i32>} : memref<128xf32, #tpu.memory_space<vmem>>, vector<16xf32>,
      %get3A_493 = vector.shape_cast %get3A_492 : vector<16xf32> to vector<16xf32>
      %max3A_494 = arith.constant 1.000000e+00 : f32
      %max3A_495 = vector.broadcast %max3A_494 : f32 to vector<16xf32>
      %max3A_496 = arith.maximumf %get3A_493, %max3A_495 : vector<16xf32>
      %div3A_497 = arith.constant 1.000000e+00 : f32
      %div3A_498 = vector.broadcast %div3A_497 : f32 to vector<16xf32>
      %div3A_499 = arith.divf %div3A_498, %max3A_496 : vector<16xf32>
      %swap3A_500 = arith.constant 80 : index
      %swap3A_501 = tpu.vector_load %arg21[%swap3A_500] {strides = array<i32>} : memref<128xf32, #tpu.memory_space<vmem>>, vector<16xf32>,
      %swap3A_502 = vector.shape_cast %swap3A_501 : vector<16xf32> to vector<16xf32>
      %swap3A_503 = vector.shape_cast %div3A_499 : vector<16xf32> to vector<16xf32>
      tpu.vector_store %arg21[%swap3A_500], %swap3A_503 {strides = array<i32>} : memref<128xf32, #tpu.memory_space<vmem>>, vector<16xf32>,
      %get3A_504 = arith.constant 96 : index
      %get3A_505 = tpu.vector_load %arg19[%get3A_504] {strides = array<i32>} : memref<128xf32, #tpu.memory_space<vmem>>, vector<16xf32>,
      %get3A_506 = vector.shape_cast %get3A_505 : vector<16xf32> to vector<16xf32>
      %max3A_507 = arith.constant 1.000000e+00 : f32
      %max3A_508 = vector.broadcast %max3A_507 : f32 to vector<16xf32>
      %max3A_509 = arith.maximumf %get3A_506, %max3A_508 : vector<16xf32>
      %div3A_510 = arith.constant 1.000000e+00 : f32
      %div3A_511 = vector.broadcast %div3A_510 : f32 to vector<16xf32>
      %div3A_512 = arith.divf %div3A_511, %max3A_509 : vector<16xf32>
      %swap3A_513 = arith.constant 96 : index
      %swap3A_514 = tpu.vector_load %arg21[%swap3A_513] {strides = array<i32>} : memref<128xf32, #tpu.memory_space<vmem>>, vector<16xf32>,
      %swap3A_515 = vector.shape_cast %swap3A_514 : vector<16xf32> to vector<16xf32>
      %swap3A_516 = vector.shape_cast %div3A_512 : vector<16xf32> to vector<16xf32>
      tpu.vector_store %arg21[%swap3A_513], %swap3A_516 {strides = array<i32>} : memref<128xf32, #tpu.memory_space<vmem>>, vector<16xf32>,
      %get3A_517 = arith.constant 112 : index
      %get3A_518 = tpu.vector_load %arg19[%get3A_517] {strides = array<i32>} : memref<128xf32, #tpu.memory_space<vmem>>, vector<16xf32>,
      %get3A_519 = vector.shape_cast %get3A_518 : vector<16xf32> to vector<16xf32>
      %max3A_520 = arith.constant 1.000000e+00 : f32
      %max3A_521 = vector.broadcast %max3A_520 : f32 to vector<16xf32>
      %max3A_522 = arith.maximumf %get3A_519, %max3A_521 : vector<16xf32>
      %div3A_523 = arith.constant 1.000000e+00 : f32
      %div3A_524 = vector.broadcast %div3A_523 : f32 to vector<16xf32>
      %div3A_525 = arith.divf %div3A_524, %max3A_522 : vector<16xf32>
      %swap3A_526 = arith.constant 112 : index
      %swap3A_527 = tpu.vector_load %arg21[%swap3A_526] {strides = array<i32>} : memref<128xf32, #tpu.memory_space<vmem>>, vector<16xf32>,
      %swap3A_528 = vector.shape_cast %swap3A_527 : vector<16xf32> to vector<16xf32>
      %swap3A_529 = vector.shape_cast %div3A_525 : vector<16xf32> to vector<16xf32>
      tpu.vector_store %arg21[%swap3A_526], %swap3A_529 {strides = array<i32>} : memref<128xf32, #tpu.memory_space<vmem>>, vector<16xf32>,
      %dma_start3A_530 = arith.constant 0 : i32
      %dma_start3A_531 = arith.constant 0 : i32
      %dma_start3A_532 = tpu.memref_slice %arg12[%add3A_247, %dma_start3A_530, %dma_start3A_531] : memref<26x1x128xi32, #tpu.memory_space<vmem>> -> memref<1x1x128xi32, #tpu.memory_space<vmem>>
      %dma_start3A_533 = tpu.memref_squeeze %dma_start3A_532 : memref<1x1x128xi32, #tpu.memory_space<vmem>> -> memref<128xi32, #tpu.memory_space<vmem>>
      %dma_start3A_534 = arith.constant 0 : i32
      %dma_start3A_535 = tpu.memref_slice %arg24[%dma_start3A_534] : memref<10240xf32, #tpu.memory_space<vmem_shared>> -> memref<10240xf32, #tpu.memory_space<vmem_shared>>
      tpu.enqueue_indirect_dma source(%arg21 : memref<128xf32, #tpu.memory_space<vmem>>) target(%dma_start3A_535 : memref<10240xf32, #tpu.memory_space<vmem_shared>>) offsets(%dma_start3A_533 : memref<128xi32, #tpu.memory_space<vmem>>) semaphore(%arg32 : memref<!tpu.dma_semaphore, #tpu.memory_space<semaphore_mem>>) {add = true}
    }
    %scan3A_125 = arith.constant 13 : i32
    %dma_wait3A_126 = arith.constant 0 : i32
    %dma_wait3A_127 = arith.constant 0 : i32
    %dma_wait3A_128 = tpu.memref_slice %arg23[%dma_wait3A_126, %dma_wait3A_127] : memref<10240x128xf32, #tpu.memory_space<vmem_shared>> -> memref<128x128xf32, #tpu.memory_space<vmem_shared>>
    %dma_wait3A_129 = arith.constant 0 : i32
    %dma_wait3A_130 = arith.constant 0 : i32
    %dma_wait3A_131 = tpu.memref_slice %arg23[%dma_wait3A_129, %dma_wait3A_130] : memref<10240x128xf32, #tpu.memory_space<vmem_shared>> -> memref<128x128xf32, #tpu.memory_space<vmem_shared>>
    tpu.wait_dma2 semaphore(%arg30 : memref<!tpu.dma_semaphore, #tpu.memory_space<semaphore_mem>>) src(%arg17 : memref<128x128xf32, #tpu.memory_space<vmem>>) dst(%dma_wait3A_131 : memref<128x128xf32, #tpu.memory_space<vmem_shared>>)
    %dma_wait3A_132 = arith.constant 0 : i32
    %dma_wait3A_133 = tpu.memref_slice %arg24[%dma_wait3A_132] : memref<10240xf32, #tpu.memory_space<vmem_shared>> -> memref<128xf32, #tpu.memory_space<vmem_shared>>
    %dma_wait3A_134 = arith.constant 0 : i32
    %dma_wait3A_135 = tpu.memref_slice %arg24[%dma_wait3A_134] : memref<10240xf32, #tpu.memory_space<vmem_shared>> -> memref<128xf32, #tpu.memory_space<vmem_shared>>
    tpu.wait_dma2 semaphore(%arg31 : memref<!tpu.dma_semaphore, #tpu.memory_space<semaphore_mem>>) src(%arg20 : memref<128xf32, #tpu.memory_space<vmem>>) dst(%dma_wait3A_135 : memref<128xf32, #tpu.memory_space<vmem_shared>>)
    %dma_wait3A_136 = arith.constant 0 : i32
    %dma_wait3A_137 = tpu.memref_slice %arg24[%dma_wait3A_136] : memref<10240xf32, #tpu.memory_space<vmem_shared>> -> memref<128xf32, #tpu.memory_space<vmem_shared>>
    %dma_wait3A_138 = arith.constant 0 : i32
    %dma_wait3A_139 = tpu.memref_slice %arg24[%dma_wait3A_138] : memref<10240xf32, #tpu.memory_space<vmem_shared>> -> memref<128xf32, #tpu.memory_space<vmem_shared>>
    tpu.wait_dma2 semaphore(%arg32 : memref<!tpu.dma_semaphore, #tpu.memory_space<semaphore_mem>>) src(%arg21 : memref<128xf32, #tpu.memory_space<vmem>>) dst(%dma_wait3A_139 : memref<128xf32, #tpu.memory_space<vmem_shared>>)
    %dma_wait3A_140 = arith.constant 0 : i32
    %dma_wait3A_141 = arith.constant 0 : i32
    %dma_wait3A_142 = arith.constant 0 : i32
    %dma_wait3A_143 = tpu.memref_slice %arg2[%dma_wait3A_140, %dma_wait3A_141, %dma_wait3A_142] : memref<2500x1x128xi32, #tpu.memory_space<hbm>> -> memref<26x1x128xi32, #tpu.memory_space<hbm>>
    %dma_wait3A_144 = arith.constant 0 : i32
    %dma_wait3A_145 = arith.constant 0 : i32
    %dma_wait3A_146 = arith.constant 0 : i32
    %dma_wait3A_147 = tpu.memref_slice %arg2[%dma_wait3A_144, %dma_wait3A_145, %dma_wait3A_146] : memref<2500x1x128xi32, #tpu.memory_space<hbm>> -> memref<26x1x128xi32, #tpu.memory_space<hbm>>
    tpu.wait_dma2 semaphore(%arg33 : memref<!tpu.dma_semaphore, #tpu.memory_space<semaphore_mem>>) src(%dma_wait3A_147 : memref<26x1x128xi32, #tpu.memory_space<hbm>>) dst(%arg10 : memref<26x1x128xi32, #tpu.memory_space<vmem>>)
    %dma_wait3A_148 = arith.constant 0 : i32
    %dma_wait3A_149 = arith.constant 0 : i32
    %dma_wait3A_150 = arith.constant 0 : i32
    %dma_wait3A_151 = tpu.memref_slice %arg3[%dma_wait3A_148, %dma_wait3A_149, %dma_wait3A_150] : memref<2500x1x128xi32, #tpu.memory_space<hbm>> -> memref<26x1x128xi32, #tpu.memory_space<hbm>>
    %dma_wait3A_152 = arith.constant 0 : i32
    %dma_wait3A_153 = arith.constant 0 : i32
    %dma_wait3A_154 = arith.constant 0 : i32
    %dma_wait3A_155 = tpu.memref_slice %arg3[%dma_wait3A_152, %dma_wait3A_153, %dma_wait3A_154] : memref<2500x1x128xi32, #tpu.memory_space<hbm>> -> memref<26x1x128xi32, #tpu.memory_space<hbm>>
    tpu.wait_dma2 semaphore(%arg33 : memref<!tpu.dma_semaphore, #tpu.memory_space<semaphore_mem>>) src(%dma_wait3A_155 : memref<26x1x128xi32, #tpu.memory_space<hbm>>) dst(%arg11 : memref<26x1x128xi32, #tpu.memory_space<vmem>>)
    %dma_start3A_156 = arith.constant 0 : i32
    %dma_start3A_157 = arith.constant 0 : i32
    %dma_start3A_158 = arith.constant 0 : i32
    %dma_start3A_159 = tpu.memref_slice %arg10[%dma_start3A_156, %dma_start3A_157, %dma_start3A_158] : memref<26x1x128xi32, #tpu.memory_space<vmem>> -> memref<1x1x128xi32, #tpu.memory_space<vmem>>
    %dma_start3A_160 = tpu.memref_squeeze %dma_start3A_159 : memref<1x1x128xi32, #tpu.memory_space<vmem>> -> memref<128xi32, #tpu.memory_space<vmem>>
    %dma_start3A_161 = arith.constant 0 : i32
    %dma_start3A_162 = arith.constant 0 : i32
    %dma_start3A_163 = tpu.memref_slice %arg4[%dma_start3A_161, %dma_start3A_162] : memref<10000x128xf32, #tpu.memory_space<hbm>> -> memref<10000x128xf32, #tpu.memory_space<hbm>>
    tpu.enqueue_indirect_dma source(%dma_start3A_163 : memref<10000x128xf32, #tpu.memory_space<hbm>>) target(%arg16 : memref<128x128xf32, #tpu.memory_space<vmem>>) offsets(%dma_start3A_160 : memref<128xi32, #tpu.memory_space<vmem>>) semaphore(%arg25 : memref<!tpu.dma_semaphore, #tpu.memory_space<semaphore_mem>>)
    %dma_start3A_164 = arith.constant 0 : i32
    %dma_start3A_165 = arith.constant 0 : i32
    %dma_start3A_166 = arith.constant 0 : i32
    %dma_start3A_167 = tpu.memref_slice %arg11[%dma_start3A_164, %dma_start3A_165, %dma_start3A_166] : memref<26x1x128xi32, #tpu.memory_space<vmem>> -> memref<1x1x128xi32, #tpu.memory_space<vmem>>
    %dma_start3A_168 = tpu.memref_squeeze %dma_start3A_167 : memref<1x1x128xi32, #tpu.memory_space<vmem>> -> memref<128xi32, #tpu.memory_space<vmem>>
    %dma_start3A_169 = arith.constant 0 : i32
    %dma_start3A_170 = tpu.memref_slice %arg5[%dma_start3A_169] : memref<10240xf32, #tpu.memory_space<hbm>> -> memref<10240xf32, #tpu.memory_space<hbm>>
    tpu.enqueue_indirect_dma source(%dma_start3A_170 : memref<10240xf32, #tpu.memory_space<hbm>>) target(%arg18 : memref<128xf32, #tpu.memory_space<vmem>>) offsets(%dma_start3A_168 : memref<128xi32, #tpu.memory_space<vmem>>) semaphore(%arg27 : memref<!tpu.dma_semaphore, #tpu.memory_space<semaphore_mem>>)
    %scan3A_171 = arith.constant 0 : i32
    %scan3A_172 = arith.constant 13 : i32
    %scan3A_173 = arith.addi %scan3A_171, %scan3A_172 : i32
    %scan3A_174 = arith.constant 1 : i32
    scf.for %scan3A_243 = %scan3A_171 to %scan3A_173 step %scan3A_174  : i32 {
      %mul3A_244 = arith.constant 2 : i32
      %mul3A_245 = arith.muli %mul3A_244, %scan3A_243 : i32
      %add3A_246 = arith.constant 1 : i32
      %add3A_247 = arith.addi %mul3A_245, %add3A_246 : i32
      %dma_wait3A_248 = arith.constant 0 : i32
      %dma_wait3A_249 = arith.constant 0 : i32
      %dma_wait3A_250 = tpu.memref_slice %arg4[%dma_wait3A_248, %dma_wait3A_249] : memref<10000x128xf32, #tpu.memory_space<hbm>> -> memref<128x128xf32, #tpu.memory_space<hbm>>
      %dma_wait3A_251 = arith.constant 0 : i32
      %dma_wait3A_252 = arith.constant 0 : i32
      %dma_wait3A_253 = tpu.memref_slice %arg4[%dma_wait3A_251, %dma_wait3A_252] : memref<10000x128xf32, #tpu.memory_space<hbm>> -> memref<128x128xf32, #tpu.memory_space<hbm>>
      tpu.wait_dma2 semaphore(%arg25 : memref<!tpu.dma_semaphore, #tpu.memory_space<semaphore_mem>>) src(%dma_wait3A_253 : memref<128x128xf32, #tpu.memory_space<hbm>>) dst(%arg16 : memref<128x128xf32, #tpu.memory_space<vmem>>)
      %gt3A = arith.constant 0 : i32
      %gt3A_254 = arith.cmpi sgt, %scan3A_243, %gt3A : i32
      %convert_element_type3A_255 = arith.extui %gt3A_254 : i1 to i32
      %cond3A_256 = arith.constant 0 : i32
      %cond3A_257 = arith.cmpi ne, %convert_element_type3A_255, %cond3A_256 : i32
      scf.if %cond3A_257 {
        %dma_wait3A_536 = arith.constant 0 : i32
        %dma_wait3A_537 = arith.constant 0 : i32
        %dma_wait3A_538 = tpu.memref_slice %arg23[%dma_wait3A_536, %dma_wait3A_537] : memref<10240x128xf32, #tpu.memory_space<vmem_shared>> -> memref<128x128xf32, #tpu.memory_space<vmem_shared>>
        %dma_wait3A_539 = arith.constant 0 : i32
        %dma_wait3A_540 = arith.constant 0 : i32
        %dma_wait3A_541 = tpu.memref_slice %arg23[%dma_wait3A_539, %dma_wait3A_540] : memref<10240x128xf32, #tpu.memory_space<vmem_shared>> -> memref<128x128xf32, #tpu.memory_space<vmem_shared>>
        tpu.wait_dma2 semaphore(%arg30 : memref<!tpu.dma_semaphore, #tpu.memory_space<semaphore_mem>>) src(%arg17 : memref<128x128xf32, #tpu.memory_space<vmem>>) dst(%dma_wait3A_541 : memref<128x128xf32, #tpu.memory_space<vmem_shared>>)
      } else {
      }
      %dma_start3A_258 = arith.constant 0 : i32
      %dma_start3A_259 = arith.constant 0 : i32
      %dma_start3A_260 = tpu.memref_slice %arg10[%add3A_247, %dma_start3A_258, %dma_start3A_259] : memref<26x1x128xi32, #tpu.memory_space<vmem>> -> memref<1x1x128xi32, #tpu.memory_space<vmem>>
      %dma_start3A_261 = tpu.memref_squeeze %dma_start3A_260 : memref<1x1x128xi32, #tpu.memory_space<vmem>> -> memref<128xi32, #tpu.memory_space<vmem>>
      %dma_start3A_262 = arith.constant 0 : i32
      %dma_start3A_263 = arith.constant 0 : i32
      %dma_start3A_264 = tpu.memref_slice %arg4[%dma_start3A_262, %dma_start3A_263] : memref<10000x128xf32, #tpu.memory_space<hbm>> -> memref<10000x128xf32, #tpu.memory_space<hbm>>
      tpu.enqueue_indirect_dma source(%dma_start3A_264 : memref<10000x128xf32, #tpu.memory_space<hbm>>) target(%arg17 : memref<128x128xf32, #tpu.memory_space<vmem>>) offsets(%dma_start3A_261 : memref<128xi32, #tpu.memory_space<vmem>>) semaphore(%arg26 : memref<!tpu.dma_semaphore, #tpu.memory_space<semaphore_mem>>)
      %dma_start3A_265 = arith.constant 0 : i32
      %dma_start3A_266 = arith.constant 0 : i32
      %dma_start3A_267 = tpu.memref_slice %arg11[%add3A_247, %dma_start3A_265, %dma_start3A_266] : memref<26x1x128xi32, #tpu.memory_space<vmem>> -> memref<1x1x128xi32, #tpu.memory_space<vmem>>
      %dma_start3A_268 = tpu.memref_squeeze %dma_start3A_267 : memref<1x1x128xi32, #tpu.memory_space<vmem>> -> memref<128xi32, #tpu.memory_space<vmem>>
      %dma_start3A_269 = arith.constant 0 : i32
      %dma_start3A_270 = tpu.memref_slice %arg5[%dma_start3A_269] : memref<10240xf32, #tpu.memory_space<hbm>> -> memref<10240xf32, #tpu.memory_space<hbm>>
      tpu.enqueue_indirect_dma source(%dma_start3A_270 : memref<10240xf32, #tpu.memory_space<hbm>>) target(%arg19 : memref<128xf32, #tpu.memory_space<vmem>>) offsets(%dma_start3A_268 : memref<128xi32, #tpu.memory_space<vmem>>) semaphore(%arg28 : memref<!tpu.dma_semaphore, #tpu.memory_space<semaphore_mem>>)
      %dma_start3A_271 = arith.constant 0 : i32
      %dma_start3A_272 = arith.constant 0 : i32
      %dma_start3A_273 = tpu.memref_slice %arg11[%mul3A_245, %dma_start3A_271, %dma_start3A_272] : memref<26x1x128xi32, #tpu.memory_space<vmem>> -> memref<1x1x128xi32, #tpu.memory_space<vmem>>
      %dma_start3A_274 = tpu.memref_squeeze %dma_start3A_273 : memref<1x1x128xi32, #tpu.memory_space<vmem>> -> memref<128xi32, #tpu.memory_space<vmem>>
      %dma_start3A_275 = arith.constant 0 : i32
      %dma_start3A_276 = arith.constant 0 : i32
      %dma_start3A_277 = tpu.memref_slice %arg23[%dma_start3A_275, %dma_start3A_276] : memref<10240x128xf32, #tpu.memory_space<vmem_shared>> -> memref<10240x128xf32, #tpu.memory_space<vmem_shared>>
      tpu.enqueue_indirect_dma source(%arg16 : memref<128x128xf32, #tpu.memory_space<vmem>>) target(%dma_start3A_277 : memref<10240x128xf32, #tpu.memory_space<vmem_shared>>) offsets(%dma_start3A_274 : memref<128xi32, #tpu.memory_space<vmem>>) semaphore(%arg29 : memref<!tpu.dma_semaphore, #tpu.memory_space<semaphore_mem>>) {add = true}
      %dma_wait3A_278 = arith.constant 0 : i32
      %dma_wait3A_279 = tpu.memref_slice %arg5[%dma_wait3A_278] : memref<10240xf32, #tpu.memory_space<hbm>> -> memref<128xf32, #tpu.memory_space<hbm>>
      %dma_wait3A_280 = arith.constant 0 : i32
      %dma_wait3A_281 = tpu.memref_slice %arg5[%dma_wait3A_280] : memref<10240xf32, #tpu.memory_space<hbm>> -> memref<128xf32, #tpu.memory_space<hbm>>
      tpu.wait_dma2 semaphore(%arg27 : memref<!tpu.dma_semaphore, #tpu.memory_space<semaphore_mem>>) src(%dma_wait3A_281 : memref<128xf32, #tpu.memory_space<hbm>>) dst(%arg18 : memref<128xf32, #tpu.memory_space<vmem>>)
      %gt3A_282 = arith.constant 0 : i32
      %gt3A_283 = arith.cmpi sgt, %scan3A_243, %gt3A_282 : i32
      %convert_element_type3A_284 = arith.extui %gt3A_283 : i1 to i32
      %cond3A_285 = arith.constant 0 : i32
      %cond3A_286 = arith.cmpi ne, %convert_element_type3A_284, %cond3A_285 : i32
      scf.if %cond3A_286 {
        %dma_wait3A_536 = arith.constant 0 : i32
        %dma_wait3A_537 = tpu.memref_slice %arg24[%dma_wait3A_536] : memref<10240xf32, #tpu.memory_space<vmem_shared>> -> memref<128xf32, #tpu.memory_space<vmem_shared>>
        %dma_wait3A_538 = arith.constant 0 : i32
        %dma_wait3A_539 = tpu.memref_slice %arg24[%dma_wait3A_538] : memref<10240xf32, #tpu.memory_space<vmem_shared>> -> memref<128xf32, #tpu.memory_space<vmem_shared>>
        tpu.wait_dma2 semaphore(%arg31 : memref<!tpu.dma_semaphore, #tpu.memory_space<semaphore_mem>>) src(%arg20 : memref<128xf32, #tpu.memory_space<vmem>>) dst(%dma_wait3A_539 : memref<128xf32, #tpu.memory_space<vmem_shared>>)
      } else {
      }
      %get3A = arith.constant 0 : index
      %get3A_287 = tpu.vector_load %arg18[%get3A] {strides = array<i32>} : memref<128xf32, #tpu.memory_space<vmem>>, vector<16xf32>,
      %get3A_288 = vector.shape_cast %get3A_287 : vector<16xf32> to vector<16xf32>
      %max3A = arith.constant 1.000000e+00 : f32
      %max3A_289 = vector.broadcast %max3A : f32 to vector<16xf32>
      %max3A_290 = arith.maximumf %get3A_288, %max3A_289 : vector<16xf32>
      %div3A = arith.constant 1.000000e+00 : f32
      %div3A_291 = vector.broadcast %div3A : f32 to vector<16xf32>
      %div3A_292 = arith.divf %div3A_291, %max3A_290 : vector<16xf32>
      %swap3A = arith.constant 0 : index
      %swap3A_293 = tpu.vector_load %arg20[%swap3A] {strides = array<i32>} : memref<128xf32, #tpu.memory_space<vmem>>, vector<16xf32>,
      %swap3A_294 = vector.shape_cast %swap3A_293 : vector<16xf32> to vector<16xf32>
      %swap3A_295 = vector.shape_cast %div3A_292 : vector<16xf32> to vector<16xf32>
      tpu.vector_store %arg20[%swap3A], %swap3A_295 {strides = array<i32>} : memref<128xf32, #tpu.memory_space<vmem>>, vector<16xf32>,
      %get3A_296 = arith.constant 16 : index
      %get3A_297 = tpu.vector_load %arg18[%get3A_296] {strides = array<i32>} : memref<128xf32, #tpu.memory_space<vmem>>, vector<16xf32>,
      %get3A_298 = vector.shape_cast %get3A_297 : vector<16xf32> to vector<16xf32>
      %max3A_299 = arith.constant 1.000000e+00 : f32
      %max3A_300 = vector.broadcast %max3A_299 : f32 to vector<16xf32>
      %max3A_301 = arith.maximumf %get3A_298, %max3A_300 : vector<16xf32>
      %div3A_302 = arith.constant 1.000000e+00 : f32
      %div3A_303 = vector.broadcast %div3A_302 : f32 to vector<16xf32>
      %div3A_304 = arith.divf %div3A_303, %max3A_301 : vector<16xf32>
      %swap3A_305 = arith.constant 16 : index
      %swap3A_306 = tpu.vector_load %arg20[%swap3A_305] {strides = array<i32>} : memref<128xf32, #tpu.memory_space<vmem>>, vector<16xf32>,
      %swap3A_307 = vector.shape_cast %swap3A_306 : vector<16xf32> to vector<16xf32>
      %swap3A_308 = vector.shape_cast %div3A_304 : vector<16xf32> to vector<16xf32>
      tpu.vector_store %arg20[%swap3A_305], %swap3A_308 {strides = array<i32>} : memref<128xf32, #tpu.memory_space<vmem>>, vector<16xf32>,
      %get3A_309 = arith.constant 32 : index
      %get3A_310 = tpu.vector_load %arg18[%get3A_309] {strides = array<i32>} : memref<128xf32, #tpu.memory_space<vmem>>, vector<16xf32>,
      %get3A_311 = vector.shape_cast %get3A_310 : vector<16xf32> to vector<16xf32>
      %max3A_312 = arith.constant 1.000000e+00 : f32
      %max3A_313 = vector.broadcast %max3A_312 : f32 to vector<16xf32>
      %max3A_314 = arith.maximumf %get3A_311, %max3A_313 : vector<16xf32>
      %div3A_315 = arith.constant 1.000000e+00 : f32
      %div3A_316 = vector.broadcast %div3A_315 : f32 to vector<16xf32>
      %div3A_317 = arith.divf %div3A_316, %max3A_314 : vector<16xf32>
      %swap3A_318 = arith.constant 32 : index
      %swap3A_319 = tpu.vector_load %arg20[%swap3A_318] {strides = array<i32>} : memref<128xf32, #tpu.memory_space<vmem>>, vector<16xf32>,
      %swap3A_320 = vector.shape_cast %swap3A_319 : vector<16xf32> to vector<16xf32>
      %swap3A_321 = vector.shape_cast %div3A_317 : vector<16xf32> to vector<16xf32>
      tpu.vector_store %arg20[%swap3A_318], %swap3A_321 {strides = array<i32>} : memref<128xf32, #tpu.memory_space<vmem>>, vector<16xf32>,
      %get3A_322 = arith.constant 48 : index
      %get3A_323 = tpu.vector_load %arg18[%get3A_322] {strides = array<i32>} : memref<128xf32, #tpu.memory_space<vmem>>, vector<16xf32>,
      %get3A_324 = vector.shape_cast %get3A_323 : vector<16xf32> to vector<16xf32>
      %max3A_325 = arith.constant 1.000000e+00 : f32
      %max3A_326 = vector.broadcast %max3A_325 : f32 to vector<16xf32>
      %max3A_327 = arith.maximumf %get3A_324, %max3A_326 : vector<16xf32>
      %div3A_328 = arith.constant 1.000000e+00 : f32
      %div3A_329 = vector.broadcast %div3A_328 : f32 to vector<16xf32>
      %div3A_330 = arith.divf %div3A_329, %max3A_327 : vector<16xf32>
      %swap3A_331 = arith.constant 48 : index
      %swap3A_332 = tpu.vector_load %arg20[%swap3A_331] {strides = array<i32>} : memref<128xf32, #tpu.memory_space<vmem>>, vector<16xf32>,
      %swap3A_333 = vector.shape_cast %swap3A_332 : vector<16xf32> to vector<16xf32>
      %swap3A_334 = vector.shape_cast %div3A_330 : vector<16xf32> to vector<16xf32>
      tpu.vector_store %arg20[%swap3A_331], %swap3A_334 {strides = array<i32>} : memref<128xf32, #tpu.memory_space<vmem>>, vector<16xf32>,
      %get3A_335 = arith.constant 64 : index
      %get3A_336 = tpu.vector_load %arg18[%get3A_335] {strides = array<i32>} : memref<128xf32, #tpu.memory_space<vmem>>, vector<16xf32>,
      %get3A_337 = vector.shape_cast %get3A_336 : vector<16xf32> to vector<16xf32>
      %max3A_338 = arith.constant 1.000000e+00 : f32
      %max3A_339 = vector.broadcast %max3A_338 : f32 to vector<16xf32>
      %max3A_340 = arith.maximumf %get3A_337, %max3A_339 : vector<16xf32>
      %div3A_341 = arith.constant 1.000000e+00 : f32
      %div3A_342 = vector.broadcast %div3A_341 : f32 to vector<16xf32>
      %div3A_343 = arith.divf %div3A_342, %max3A_340 : vector<16xf32>
      %swap3A_344 = arith.constant 64 : index
      %swap3A_345 = tpu.vector_load %arg20[%swap3A_344] {strides = array<i32>} : memref<128xf32, #tpu.memory_space<vmem>>, vector<16xf32>,
      %swap3A_346 = vector.shape_cast %swap3A_345 : vector<16xf32> to vector<16xf32>
      %swap3A_347 = vector.shape_cast %div3A_343 : vector<16xf32> to vector<16xf32>
      tpu.vector_store %arg20[%swap3A_344], %swap3A_347 {strides = array<i32>} : memref<128xf32, #tpu.memory_space<vmem>>, vector<16xf32>,
      %get3A_348 = arith.constant 80 : index
      %get3A_349 = tpu.vector_load %arg18[%get3A_348] {strides = array<i32>} : memref<128xf32, #tpu.memory_space<vmem>>, vector<16xf32>,
      %get3A_350 = vector.shape_cast %get3A_349 : vector<16xf32> to vector<16xf32>
      %max3A_351 = arith.constant 1.000000e+00 : f32
      %max3A_352 = vector.broadcast %max3A_351 : f32 to vector<16xf32>
      %max3A_353 = arith.maximumf %get3A_350, %max3A_352 : vector<16xf32>
      %div3A_354 = arith.constant 1.000000e+00 : f32
      %div3A_355 = vector.broadcast %div3A_354 : f32 to vector<16xf32>
      %div3A_356 = arith.divf %div3A_355, %max3A_353 : vector<16xf32>
      %swap3A_357 = arith.constant 80 : index
      %swap3A_358 = tpu.vector_load %arg20[%swap3A_357] {strides = array<i32>} : memref<128xf32, #tpu.memory_space<vmem>>, vector<16xf32>,
      %swap3A_359 = vector.shape_cast %swap3A_358 : vector<16xf32> to vector<16xf32>
      %swap3A_360 = vector.shape_cast %div3A_356 : vector<16xf32> to vector<16xf32>
      tpu.vector_store %arg20[%swap3A_357], %swap3A_360 {strides = array<i32>} : memref<128xf32, #tpu.memory_space<vmem>>, vector<16xf32>,
      %get3A_361 = arith.constant 96 : index
      %get3A_362 = tpu.vector_load %arg18[%get3A_361] {strides = array<i32>} : memref<128xf32, #tpu.memory_space<vmem>>, vector<16xf32>,
      %get3A_363 = vector.shape_cast %get3A_362 : vector<16xf32> to vector<16xf32>
      %max3A_364 = arith.constant 1.000000e+00 : f32
      %max3A_365 = vector.broadcast %max3A_364 : f32 to vector<16xf32>
      %max3A_366 = arith.maximumf %get3A_363, %max3A_365 : vector<16xf32>
      %div3A_367 = arith.constant 1.000000e+00 : f32
      %div3A_368 = vector.broadcast %div3A_367 : f32 to vector<16xf32>
      %div3A_369 = arith.divf %div3A_368, %max3A_366 : vector<16xf32>
      %swap3A_370 = arith.constant 96 : index
      %swap3A_371 = tpu.vector_load %arg20[%swap3A_370] {strides = array<i32>} : memref<128xf32, #tpu.memory_space<vmem>>, vector<16xf32>,
      %swap3A_372 = vector.shape_cast %swap3A_371 : vector<16xf32> to vector<16xf32>
      %swap3A_373 = vector.shape_cast %div3A_369 : vector<16xf32> to vector<16xf32>
      tpu.vector_store %arg20[%swap3A_370], %swap3A_373 {strides = array<i32>} : memref<128xf32, #tpu.memory_space<vmem>>, vector<16xf32>,
      %get3A_374 = arith.constant 112 : index
      %get3A_375 = tpu.vector_load %arg18[%get3A_374] {strides = array<i32>} : memref<128xf32, #tpu.memory_space<vmem>>, vector<16xf32>,
      %get3A_376 = vector.shape_cast %get3A_375 : vector<16xf32> to vector<16xf32>
      %max3A_377 = arith.constant 1.000000e+00 : f32
      %max3A_378 = vector.broadcast %max3A_377 : f32 to vector<16xf32>
      %max3A_379 = arith.maximumf %get3A_376, %max3A_378 : vector<16xf32>
      %div3A_380 = arith.constant 1.000000e+00 : f32
      %div3A_381 = vector.broadcast %div3A_380 : f32 to vector<16xf32>
      %div3A_382 = arith.divf %div3A_381, %max3A_379 : vector<16xf32>
      %swap3A_383 = arith.constant 112 : index
      %swap3A_384 = tpu.vector_load %arg20[%swap3A_383] {strides = array<i32>} : memref<128xf32, #tpu.memory_space<vmem>>, vector<16xf32>,
      %swap3A_385 = vector.shape_cast %swap3A_384 : vector<16xf32> to vector<16xf32>
      %swap3A_386 = vector.shape_cast %div3A_382 : vector<16xf32> to vector<16xf32>
      tpu.vector_store %arg20[%swap3A_383], %swap3A_386 {strides = array<i32>} : memref<128xf32, #tpu.memory_space<vmem>>, vector<16xf32>,
      %dma_start3A_387 = arith.constant 0 : i32
      %dma_start3A_388 = arith.constant 0 : i32
      %dma_start3A_389 = tpu.memref_slice %arg10[%mul3A_245, %dma_start3A_387, %dma_start3A_388] : memref<26x1x128xi32, #tpu.memory_space<vmem>> -> memref<1x1x128xi32, #tpu.memory_space<vmem>>
      %dma_start3A_390 = tpu.memref_squeeze %dma_start3A_389 : memref<1x1x128xi32, #tpu.memory_space<vmem>> -> memref<128xi32, #tpu.memory_space<vmem>>
      %dma_start3A_391 = arith.constant 0 : i32
      %dma_start3A_392 = tpu.memref_slice %arg24[%dma_start3A_391] : memref<10240xf32, #tpu.memory_space<vmem_shared>> -> memref<10240xf32, #tpu.memory_space<vmem_shared>>
      tpu.enqueue_indirect_dma source(%arg20 : memref<128xf32, #tpu.memory_space<vmem>>) target(%dma_start3A_392 : memref<10240xf32, #tpu.memory_space<vmem_shared>>) offsets(%dma_start3A_390 : memref<128xi32, #tpu.memory_space<vmem>>) semaphore(%arg31 : memref<!tpu.dma_semaphore, #tpu.memory_space<semaphore_mem>>) {add = true}
      %dma_wait3A_393 = arith.constant 0 : i32
      %dma_wait3A_394 = arith.constant 0 : i32
      %dma_wait3A_395 = tpu.memref_slice %arg4[%dma_wait3A_393, %dma_wait3A_394] : memref<10000x128xf32, #tpu.memory_space<hbm>> -> memref<128x128xf32, #tpu.memory_space<hbm>>
      %dma_wait3A_396 = arith.constant 0 : i32
      %dma_wait3A_397 = arith.constant 0 : i32
      %dma_wait3A_398 = tpu.memref_slice %arg4[%dma_wait3A_396, %dma_wait3A_397] : memref<10000x128xf32, #tpu.memory_space<hbm>> -> memref<128x128xf32, #tpu.memory_space<hbm>>
      tpu.wait_dma2 semaphore(%arg26 : memref<!tpu.dma_semaphore, #tpu.memory_space<semaphore_mem>>) src(%dma_wait3A_398 : memref<128x128xf32, #tpu.memory_space<hbm>>) dst(%arg17 : memref<128x128xf32, #tpu.memory_space<vmem>>)
      %dma_wait3A_399 = arith.constant 0 : i32
      %dma_wait3A_400 = arith.constant 0 : i32
      %dma_wait3A_401 = tpu.memref_slice %arg23[%dma_wait3A_399, %dma_wait3A_400] : memref<10240x128xf32, #tpu.memory_space<vmem_shared>> -> memref<128x128xf32, #tpu.memory_space<vmem_shared>>
      %dma_wait3A_402 = arith.constant 0 : i32
      %dma_wait3A_403 = arith.constant 0 : i32
      %dma_wait3A_404 = tpu.memref_slice %arg23[%dma_wait3A_402, %dma_wait3A_403] : memref<10240x128xf32, #tpu.memory_space<vmem_shared>> -> memref<128x128xf32, #tpu.memory_space<vmem_shared>>
      tpu.wait_dma2 semaphore(%arg29 : memref<!tpu.dma_semaphore, #tpu.memory_space<semaphore_mem>>) src(%arg16 : memref<128x128xf32, #tpu.memory_space<vmem>>) dst(%dma_wait3A_404 : memref<128x128xf32, #tpu.memory_space<vmem_shared>>)
      %lt3A_405 = arith.constant 12 : i32
      %lt3A_406 = arith.cmpi slt, %scan3A_243, %lt3A_405 : i32
      %convert_element_type3A_407 = arith.extui %lt3A_406 : i1 to i32
      %cond3A_408 = arith.constant 0 : i32
      %cond3A_409 = arith.cmpi ne, %convert_element_type3A_407, %cond3A_408 : i32
      scf.if %cond3A_409 {
        %add3A_536 = arith.constant 2 : i32
        %add3A_537 = arith.addi %mul3A_245, %add3A_536 : i32
        %dma_start3A_538 = arith.constant 0 : i32
        %dma_start3A_539 = arith.constant 0 : i32
        %dma_start3A_540 = tpu.memref_slice %arg10[%add3A_537, %dma_start3A_538, %dma_start3A_539] : memref<26x1x128xi32, #tpu.memory_space<vmem>> -> memref<1x1x128xi32, #tpu.memory_space<vmem>>
        %dma_start3A_541 = tpu.memref_squeeze %dma_start3A_540 : memref<1x1x128xi32, #tpu.memory_space<vmem>> -> memref<128xi32, #tpu.memory_space<vmem>>
        %dma_start3A_542 = arith.constant 0 : i32
        %dma_start3A_543 = arith.constant 0 : i32
        %dma_start3A_544 = tpu.memref_slice %arg4[%dma_start3A_542, %dma_start3A_543] : memref<10000x128xf32, #tpu.memory_space<hbm>> -> memref<10000x128xf32, #tpu.memory_space<hbm>>
        tpu.enqueue_indirect_dma source(%dma_start3A_544 : memref<10000x128xf32, #tpu.memory_space<hbm>>) target(%arg16 : memref<128x128xf32, #tpu.memory_space<vmem>>) offsets(%dma_start3A_541 : memref<128xi32, #tpu.memory_space<vmem>>) semaphore(%arg25 : memref<!tpu.dma_semaphore, #tpu.memory_space<semaphore_mem>>)
        %dma_start3A_545 = arith.constant 0 : i32
        %dma_start3A_546 = arith.constant 0 : i32
        %dma_start3A_547 = tpu.memref_slice %arg11[%add3A_537, %dma_start3A_545, %dma_start3A_546] : memref<26x1x128xi32, #tpu.memory_space<vmem>> -> memref<1x1x128xi32, #tpu.memory_space<vmem>>
        %dma_start3A_548 = tpu.memref_squeeze %dma_start3A_547 : memref<1x1x128xi32, #tpu.memory_space<vmem>> -> memref<128xi32, #tpu.memory_space<vmem>>
        %dma_start3A_549 = arith.constant 0 : i32
        %dma_start3A_550 = tpu.memref_slice %arg5[%dma_start3A_549] : memref<10240xf32, #tpu.memory_space<hbm>> -> memref<10240xf32, #tpu.memory_space<hbm>>
        tpu.enqueue_indirect_dma source(%dma_start3A_550 : memref<10240xf32, #tpu.memory_space<hbm>>) target(%arg18 : memref<128xf32, #tpu.memory_space<vmem>>) offsets(%dma_start3A_548 : memref<128xi32, #tpu.memory_space<vmem>>) semaphore(%arg27 : memref<!tpu.dma_semaphore, #tpu.memory_space<semaphore_mem>>)
      } else {
      }
      %dma_start3A_410 = arith.constant 0 : i32
      %dma_start3A_411 = arith.constant 0 : i32
      %dma_start3A_412 = tpu.memref_slice %arg11[%add3A_247, %dma_start3A_410, %dma_start3A_411] : memref<26x1x128xi32, #tpu.memory_space<vmem>> -> memref<1x1x128xi32, #tpu.memory_space<vmem>>
      %dma_start3A_413 = tpu.memref_squeeze %dma_start3A_412 : memref<1x1x128xi32, #tpu.memory_space<vmem>> -> memref<128xi32, #tpu.memory_space<vmem>>
      %dma_start3A_414 = arith.constant 0 : i32
      %dma_start3A_415 = arith.constant 0 : i32
      %dma_start3A_416 = tpu.memref_slice %arg23[%dma_start3A_414, %dma_start3A_415] : memref<10240x128xf32, #tpu.memory_space<vmem_shared>> -> memref<10240x128xf32, #tpu.memory_space<vmem_shared>>
      tpu.enqueue_indirect_dma source(%arg17 : memref<128x128xf32, #tpu.memory_space<vmem>>) target(%dma_start3A_416 : memref<10240x128xf32, #tpu.memory_space<vmem_shared>>) offsets(%dma_start3A_413 : memref<128xi32, #tpu.memory_space<vmem>>) semaphore(%arg30 : memref<!tpu.dma_semaphore, #tpu.memory_space<semaphore_mem>>) {add = true}
      %dma_wait3A_417 = arith.constant 0 : i32
      %dma_wait3A_418 = tpu.memref_slice %arg5[%dma_wait3A_417] : memref<10240xf32, #tpu.memory_space<hbm>> -> memref<128xf32, #tpu.memory_space<hbm>>
      %dma_wait3A_419 = arith.constant 0 : i32
      %dma_wait3A_420 = tpu.memref_slice %arg5[%dma_wait3A_419] : memref<10240xf32, #tpu.memory_space<hbm>> -> memref<128xf32, #tpu.memory_space<hbm>>
      tpu.wait_dma2 semaphore(%arg28 : memref<!tpu.dma_semaphore, #tpu.memory_space<semaphore_mem>>) src(%dma_wait3A_420 : memref<128xf32, #tpu.memory_space<hbm>>) dst(%arg19 : memref<128xf32, #tpu.memory_space<vmem>>)
      %gt3A_421 = arith.constant 0 : i32
      %gt3A_422 = arith.cmpi sgt, %scan3A_243, %gt3A_421 : i32
      %convert_element_type3A_423 = arith.extui %gt3A_422 : i1 to i32
      %cond3A_424 = arith.constant 0 : i32
      %cond3A_425 = arith.cmpi ne, %convert_element_type3A_423, %cond3A_424 : i32
      scf.if %cond3A_425 {
        %dma_wait3A_536 = arith.constant 0 : i32
        %dma_wait3A_537 = tpu.memref_slice %arg24[%dma_wait3A_536] : memref<10240xf32, #tpu.memory_space<vmem_shared>> -> memref<128xf32, #tpu.memory_space<vmem_shared>>
        %dma_wait3A_538 = arith.constant 0 : i32
        %dma_wait3A_539 = tpu.memref_slice %arg24[%dma_wait3A_538] : memref<10240xf32, #tpu.memory_space<vmem_shared>> -> memref<128xf32, #tpu.memory_space<vmem_shared>>
        tpu.wait_dma2 semaphore(%arg32 : memref<!tpu.dma_semaphore, #tpu.memory_space<semaphore_mem>>) src(%arg21 : memref<128xf32, #tpu.memory_space<vmem>>) dst(%dma_wait3A_539 : memref<128xf32, #tpu.memory_space<vmem_shared>>)
      } else {
      }
      %get3A_426 = arith.constant 0 : index
      %get3A_427 = tpu.vector_load %arg19[%get3A_426] {strides = array<i32>} : memref<128xf32, #tpu.memory_space<vmem>>, vector<16xf32>,
      %get3A_428 = vector.shape_cast %get3A_427 : vector<16xf32> to vector<16xf32>
      %max3A_429 = arith.constant 1.000000e+00 : f32
      %max3A_430 = vector.broadcast %max3A_429 : f32 to vector<16xf32>
      %max3A_431 = arith.maximumf %get3A_428, %max3A_430 : vector<16xf32>
      %div3A_432 = arith.constant 1.000000e+00 : f32
      %div3A_433 = vector.broadcast %div3A_432 : f32 to vector<16xf32>
      %div3A_434 = arith.divf %div3A_433, %max3A_431 : vector<16xf32>
      %swap3A_435 = arith.constant 0 : index
      %swap3A_436 = tpu.vector_load %arg21[%swap3A_435] {strides = array<i32>} : memref<128xf32, #tpu.memory_space<vmem>>, vector<16xf32>,
      %swap3A_437 = vector.shape_cast %swap3A_436 : vector<16xf32> to vector<16xf32>
      %swap3A_438 = vector.shape_cast %div3A_434 : vector<16xf32> to vector<16xf32>
      tpu.vector_store %arg21[%swap3A_435], %swap3A_438 {strides = array<i32>} : memref<128xf32, #tpu.memory_space<vmem>>, vector<16xf32>,
      %get3A_439 = arith.constant 16 : index
      %get3A_440 = tpu.vector_load %arg19[%get3A_439] {strides = array<i32>} : memref<128xf32, #tpu.memory_space<vmem>>, vector<16xf32>,
      %get3A_441 = vector.shape_cast %get3A_440 : vector<16xf32> to vector<16xf32>
      %max3A_442 = arith.constant 1.000000e+00 : f32
      %max3A_443 = vector.broadcast %max3A_442 : f32 to vector<16xf32>
      %max3A_444 = arith.maximumf %get3A_441, %max3A_443 : vector<16xf32>
      %div3A_445 = arith.constant 1.000000e+00 : f32
      %div3A_446 = vector.broadcast %div3A_445 : f32 to vector<16xf32>
      %div3A_447 = arith.divf %div3A_446, %max3A_444 : vector<16xf32>
      %swap3A_448 = arith.constant 16 : index
      %swap3A_449 = tpu.vector_load %arg21[%swap3A_448] {strides = array<i32>} : memref<128xf32, #tpu.memory_space<vmem>>, vector<16xf32>,
      %swap3A_450 = vector.shape_cast %swap3A_449 : vector<16xf32> to vector<16xf32>
      %swap3A_451 = vector.shape_cast %div3A_447 : vector<16xf32> to vector<16xf32>
      tpu.vector_store %arg21[%swap3A_448], %swap3A_451 {strides = array<i32>} : memref<128xf32, #tpu.memory_space<vmem>>, vector<16xf32>,
      %get3A_452 = arith.constant 32 : index
      %get3A_453 = tpu.vector_load %arg19[%get3A_452] {strides = array<i32>} : memref<128xf32, #tpu.memory_space<vmem>>, vector<16xf32>,
      %get3A_454 = vector.shape_cast %get3A_453 : vector<16xf32> to vector<16xf32>
      %max3A_455 = arith.constant 1.000000e+00 : f32
      %max3A_456 = vector.broadcast %max3A_455 : f32 to vector<16xf32>
      %max3A_457 = arith.maximumf %get3A_454, %max3A_456 : vector<16xf32>
      %div3A_458 = arith.constant 1.000000e+00 : f32
      %div3A_459 = vector.broadcast %div3A_458 : f32 to vector<16xf32>
      %div3A_460 = arith.divf %div3A_459, %max3A_457 : vector<16xf32>
      %swap3A_461 = arith.constant 32 : index
      %swap3A_462 = tpu.vector_load %arg21[%swap3A_461] {strides = array<i32>} : memref<128xf32, #tpu.memory_space<vmem>>, vector<16xf32>,
      %swap3A_463 = vector.shape_cast %swap3A_462 : vector<16xf32> to vector<16xf32>
      %swap3A_464 = vector.shape_cast %div3A_460 : vector<16xf32> to vector<16xf32>
      tpu.vector_store %arg21[%swap3A_461], %swap3A_464 {strides = array<i32>} : memref<128xf32, #tpu.memory_space<vmem>>, vector<16xf32>,
      %get3A_465 = arith.constant 48 : index
      %get3A_466 = tpu.vector_load %arg19[%get3A_465] {strides = array<i32>} : memref<128xf32, #tpu.memory_space<vmem>>, vector<16xf32>,
      %get3A_467 = vector.shape_cast %get3A_466 : vector<16xf32> to vector<16xf32>
      %max3A_468 = arith.constant 1.000000e+00 : f32
      %max3A_469 = vector.broadcast %max3A_468 : f32 to vector<16xf32>
      %max3A_470 = arith.maximumf %get3A_467, %max3A_469 : vector<16xf32>
      %div3A_471 = arith.constant 1.000000e+00 : f32
      %div3A_472 = vector.broadcast %div3A_471 : f32 to vector<16xf32>
      %div3A_473 = arith.divf %div3A_472, %max3A_470 : vector<16xf32>
      %swap3A_474 = arith.constant 48 : index
      %swap3A_475 = tpu.vector_load %arg21[%swap3A_474] {strides = array<i32>} : memref<128xf32, #tpu.memory_space<vmem>>, vector<16xf32>,
      %swap3A_476 = vector.shape_cast %swap3A_475 : vector<16xf32> to vector<16xf32>
      %swap3A_477 = vector.shape_cast %div3A_473 : vector<16xf32> to vector<16xf32>
      tpu.vector_store %arg21[%swap3A_474], %swap3A_477 {strides = array<i32>} : memref<128xf32, #tpu.memory_space<vmem>>, vector<16xf32>,
      %get3A_478 = arith.constant 64 : index
      %get3A_479 = tpu.vector_load %arg19[%get3A_478] {strides = array<i32>} : memref<128xf32, #tpu.memory_space<vmem>>, vector<16xf32>,
      %get3A_480 = vector.shape_cast %get3A_479 : vector<16xf32> to vector<16xf32>
      %max3A_481 = arith.constant 1.000000e+00 : f32
      %max3A_482 = vector.broadcast %max3A_481 : f32 to vector<16xf32>
      %max3A_483 = arith.maximumf %get3A_480, %max3A_482 : vector<16xf32>
      %div3A_484 = arith.constant 1.000000e+00 : f32
      %div3A_485 = vector.broadcast %div3A_484 : f32 to vector<16xf32>
      %div3A_486 = arith.divf %div3A_485, %max3A_483 : vector<16xf32>
      %swap3A_487 = arith.constant 64 : index
      %swap3A_488 = tpu.vector_load %arg21[%swap3A_487] {strides = array<i32>} : memref<128xf32, #tpu.memory_space<vmem>>, vector<16xf32>,
      %swap3A_489 = vector.shape_cast %swap3A_488 : vector<16xf32> to vector<16xf32>
      %swap3A_490 = vector.shape_cast %div3A_486 : vector<16xf32> to vector<16xf32>
      tpu.vector_store %arg21[%swap3A_487], %swap3A_490 {strides = array<i32>} : memref<128xf32, #tpu.memory_space<vmem>>, vector<16xf32>,
      %get3A_491 = arith.constant 80 : index
      %get3A_492 = tpu.vector_load %arg19[%get3A_491] {strides = array<i32>} : memref<128xf32, #tpu.memory_space<vmem>>, vector<16xf32>,
      %get3A_493 = vector.shape_cast %get3A_492 : vector<16xf32> to vector<16xf32>
      %max3A_494 = arith.constant 1.000000e+00 : f32
      %max3A_495 = vector.broadcast %max3A_494 : f32 to vector<16xf32>
      %max3A_496 = arith.maximumf %get3A_493, %max3A_495 : vector<16xf32>
      %div3A_497 = arith.constant 1.000000e+00 : f32
      %div3A_498 = vector.broadcast %div3A_497 : f32 to vector<16xf32>
      %div3A_499 = arith.divf %div3A_498, %max3A_496 : vector<16xf32>
      %swap3A_500 = arith.constant 80 : index
      %swap3A_501 = tpu.vector_load %arg21[%swap3A_500] {strides = array<i32>} : memref<128xf32, #tpu.memory_space<vmem>>, vector<16xf32>,
      %swap3A_502 = vector.shape_cast %swap3A_501 : vector<16xf32> to vector<16xf32>
      %swap3A_503 = vector.shape_cast %div3A_499 : vector<16xf32> to vector<16xf32>
      tpu.vector_store %arg21[%swap3A_500], %swap3A_503 {strides = array<i32>} : memref<128xf32, #tpu.memory_space<vmem>>, vector<16xf32>,
      %get3A_504 = arith.constant 96 : index
      %get3A_505 = tpu.vector_load %arg19[%get3A_504] {strides = array<i32>} : memref<128xf32, #tpu.memory_space<vmem>>, vector<16xf32>,
      %get3A_506 = vector.shape_cast %get3A_505 : vector<16xf32> to vector<16xf32>
      %max3A_507 = arith.constant 1.000000e+00 : f32
      %max3A_508 = vector.broadcast %max3A_507 : f32 to vector<16xf32>
      %max3A_509 = arith.maximumf %get3A_506, %max3A_508 : vector<16xf32>
      %div3A_510 = arith.constant 1.000000e+00 : f32
      %div3A_511 = vector.broadcast %div3A_510 : f32 to vector<16xf32>
      %div3A_512 = arith.divf %div3A_511, %max3A_509 : vector<16xf32>
      %swap3A_513 = arith.constant 96 : index
      %swap3A_514 = tpu.vector_load %arg21[%swap3A_513] {strides = array<i32>} : memref<128xf32, #tpu.memory_space<vmem>>, vector<16xf32>,
      %swap3A_515 = vector.shape_cast %swap3A_514 : vector<16xf32> to vector<16xf32>
      %swap3A_516 = vector.shape_cast %div3A_512 : vector<16xf32> to vector<16xf32>
      tpu.vector_store %arg21[%swap3A_513], %swap3A_516 {strides = array<i32>} : memref<128xf32, #tpu.memory_space<vmem>>, vector<16xf32>,
      %get3A_517 = arith.constant 112 : index
      %get3A_518 = tpu.vector_load %arg19[%get3A_517] {strides = array<i32>} : memref<128xf32, #tpu.memory_space<vmem>>, vector<16xf32>,
      %get3A_519 = vector.shape_cast %get3A_518 : vector<16xf32> to vector<16xf32>
      %max3A_520 = arith.constant 1.000000e+00 : f32
      %max3A_521 = vector.broadcast %max3A_520 : f32 to vector<16xf32>
      %max3A_522 = arith.maximumf %get3A_519, %max3A_521 : vector<16xf32>
      %div3A_523 = arith.constant 1.000000e+00 : f32
      %div3A_524 = vector.broadcast %div3A_523 : f32 to vector<16xf32>
      %div3A_525 = arith.divf %div3A_524, %max3A_522 : vector<16xf32>
      %swap3A_526 = arith.constant 112 : index
      %swap3A_527 = tpu.vector_load %arg21[%swap3A_526] {strides = array<i32>} : memref<128xf32, #tpu.memory_space<vmem>>, vector<16xf32>,
      %swap3A_528 = vector.shape_cast %swap3A_527 : vector<16xf32> to vector<16xf32>
      %swap3A_529 = vector.shape_cast %div3A_525 : vector<16xf32> to vector<16xf32>
      tpu.vector_store %arg21[%swap3A_526], %swap3A_529 {strides = array<i32>} : memref<128xf32, #tpu.memory_space<vmem>>, vector<16xf32>,
      %dma_start3A_530 = arith.constant 0 : i32
      %dma_start3A_531 = arith.constant 0 : i32
      %dma_start3A_532 = tpu.memref_slice %arg10[%add3A_247, %dma_start3A_530, %dma_start3A_531] : memref<26x1x128xi32, #tpu.memory_space<vmem>> -> memref<1x1x128xi32, #tpu.memory_space<vmem>>
      %dma_start3A_533 = tpu.memref_squeeze %dma_start3A_532 : memref<1x1x128xi32, #tpu.memory_space<vmem>> -> memref<128xi32, #tpu.memory_space<vmem>>
      %dma_start3A_534 = arith.constant 0 : i32
      %dma_start3A_535 = tpu.memref_slice %arg24[%dma_start3A_534] : memref<10240xf32, #tpu.memory_space<vmem_shared>> -> memref<10240xf32, #tpu.memory_space<vmem_shared>>
      tpu.enqueue_indirect_dma source(%arg21 : memref<128xf32, #tpu.memory_space<vmem>>) target(%dma_start3A_535 : memref<10240xf32, #tpu.memory_space<vmem_shared>>) offsets(%dma_start3A_533 : memref<128xi32, #tpu.memory_space<vmem>>) semaphore(%arg32 : memref<!tpu.dma_semaphore, #tpu.memory_space<semaphore_mem>>) {add = true}
    }
    %scan3A_175 = arith.constant 13 : i32
    %dma_wait3A_176 = arith.constant 0 : i32
    %dma_wait3A_177 = arith.constant 0 : i32
    %dma_wait3A_178 = tpu.memref_slice %arg23[%dma_wait3A_176, %dma_wait3A_177] : memref<10240x128xf32, #tpu.memory_space<vmem_shared>> -> memref<128x128xf32, #tpu.memory_space<vmem_shared>>
    %dma_wait3A_179 = arith.constant 0 : i32
    %dma_wait3A_180 = arith.constant 0 : i32
    %dma_wait3A_181 = tpu.memref_slice %arg23[%dma_wait3A_179, %dma_wait3A_180] : memref<10240x128xf32, #tpu.memory_space<vmem_shared>> -> memref<128x128xf32, #tpu.memory_space<vmem_shared>>
    tpu.wait_dma2 semaphore(%arg30 : memref<!tpu.dma_semaphore, #tpu.memory_space<semaphore_mem>>) src(%arg17 : memref<128x128xf32, #tpu.memory_space<vmem>>) dst(%dma_wait3A_181 : memref<128x128xf32, #tpu.memory_space<vmem_shared>>)
    %dma_wait3A_182 = arith.constant 0 : i32
    %dma_wait3A_183 = tpu.memref_slice %arg24[%dma_wait3A_182] : memref<10240xf32, #tpu.memory_space<vmem_shared>> -> memref<128xf32, #tpu.memory_space<vmem_shared>>
    %dma_wait3A_184 = arith.constant 0 : i32
    %dma_wait3A_185 = tpu.memref_slice %arg24[%dma_wait3A_184] : memref<10240xf32, #tpu.memory_space<vmem_shared>> -> memref<128xf32, #tpu.memory_space<vmem_shared>>
    tpu.wait_dma2 semaphore(%arg31 : memref<!tpu.dma_semaphore, #tpu.memory_space<semaphore_mem>>) src(%arg20 : memref<128xf32, #tpu.memory_space<vmem>>) dst(%dma_wait3A_185 : memref<128xf32, #tpu.memory_space<vmem_shared>>)
    %dma_wait3A_186 = arith.constant 0 : i32
    %dma_wait3A_187 = tpu.memref_slice %arg24[%dma_wait3A_186] : memref<10240xf32, #tpu.memory_space<vmem_shared>> -> memref<128xf32, #tpu.memory_space<vmem_shared>>
    %dma_wait3A_188 = arith.constant 0 : i32
    %dma_wait3A_189 = tpu.memref_slice %arg24[%dma_wait3A_188] : memref<10240xf32, #tpu.memory_space<vmem_shared>> -> memref<128xf32, #tpu.memory_space<vmem_shared>>
    tpu.wait_dma2 semaphore(%arg32 : memref<!tpu.dma_semaphore, #tpu.memory_space<semaphore_mem>>) src(%arg21 : memref<128xf32, #tpu.memory_space<vmem>>) dst(%dma_wait3A_189 : memref<128xf32, #tpu.memory_space<vmem_shared>>)
    %lt3A_190 = arith.constant 2 : i32
    %lt3A_191 = arith.cmpi slt, %add3A, %lt3A_190 : i32
    %convert_element_type3A_192 = arith.extui %lt3A_191 : i1 to i32
    %cond3A_193 = arith.constant 0 : i32
    %cond3A_194 = arith.cmpi ne, %convert_element_type3A_192, %cond3A_193 : i32
    scf.if %cond3A_194 {
      %dma_start3A_243 = arith.constant 0 : i32
      %dma_start3A_244 = arith.constant 0 : i32
      %dma_start3A_245 = arith.constant 0 : i32
      %dma_start3A_246 = tpu.memref_slice %arg14[%dma_start3A_243, %dma_start3A_244, %dma_start3A_245] : memref<2x1x128xi32, #tpu.memory_space<vmem>> -> memref<1x1x128xi32, #tpu.memory_space<vmem>>
      %dma_start3A_247 = tpu.memref_squeeze %dma_start3A_246 : memref<1x1x128xi32, #tpu.memory_space<vmem>> -> memref<128xi32, #tpu.memory_space<vmem>>
      %dma_start3A_248 = arith.constant 0 : i32
      %dma_start3A_249 = arith.constant 0 : i32
      %dma_start3A_250 = tpu.memref_slice %arg4[%dma_start3A_248, %dma_start3A_249] : memref<10000x128xf32, #tpu.memory_space<hbm>> -> memref<10000x128xf32, #tpu.memory_space<hbm>>
      tpu.enqueue_indirect_dma source(%dma_start3A_250 : memref<10000x128xf32, #tpu.memory_space<hbm>>) target(%arg16 : memref<128x128xf32, #tpu.memory_space<vmem>>) offsets(%dma_start3A_247 : memref<128xi32, #tpu.memory_space<vmem>>) semaphore(%arg25 : memref<!tpu.dma_semaphore, #tpu.memory_space<semaphore_mem>>)
      %dma_start3A_251 = arith.constant 0 : i32
      %dma_start3A_252 = arith.constant 0 : i32
      %dma_start3A_253 = arith.constant 0 : i32
      %dma_start3A_254 = tpu.memref_slice %arg15[%dma_start3A_251, %dma_start3A_252, %dma_start3A_253] : memref<2x1x128xi32, #tpu.memory_space<vmem>> -> memref<1x1x128xi32, #tpu.memory_space<vmem>>
      %dma_start3A_255 = tpu.memref_squeeze %dma_start3A_254 : memref<1x1x128xi32, #tpu.memory_space<vmem>> -> memref<128xi32, #tpu.memory_space<vmem>>
      %dma_start3A_256 = arith.constant 0 : i32
      %dma_start3A_257 = tpu.memref_slice %arg5[%dma_start3A_256] : memref<10240xf32, #tpu.memory_space<hbm>> -> memref<10240xf32, #tpu.memory_space<hbm>>
      tpu.enqueue_indirect_dma source(%dma_start3A_257 : memref<10240xf32, #tpu.memory_space<hbm>>) target(%arg18 : memref<128xf32, #tpu.memory_space<vmem>>) offsets(%dma_start3A_255 : memref<128xi32, #tpu.memory_space<vmem>>) semaphore(%arg27 : memref<!tpu.dma_semaphore, #tpu.memory_space<semaphore_mem>>)
      %dma_wait3A_258 = arith.constant 0 : i32
      %dma_wait3A_259 = arith.constant 0 : i32
      %dma_wait3A_260 = tpu.memref_slice %arg4[%dma_wait3A_258, %dma_wait3A_259] : memref<10000x128xf32, #tpu.memory_space<hbm>> -> memref<128x128xf32, #tpu.memory_space<hbm>>
      %dma_wait3A_261 = arith.constant 0 : i32
      %dma_wait3A_262 = arith.constant 0 : i32
      %dma_wait3A_263 = tpu.memref_slice %arg4[%dma_wait3A_261, %dma_wait3A_262] : memref<10000x128xf32, #tpu.memory_space<hbm>> -> memref<128x128xf32, #tpu.memory_space<hbm>>
      tpu.wait_dma2 semaphore(%arg25 : memref<!tpu.dma_semaphore, #tpu.memory_space<semaphore_mem>>) src(%dma_wait3A_263 : memref<128x128xf32, #tpu.memory_space<hbm>>) dst(%arg16 : memref<128x128xf32, #tpu.memory_space<vmem>>)
      %run_scoped3A = arith.constant 0 : i32
      %run_scoped3A_264 = arith.constant 0 : i32
      "tpu.region"() ({
        %run_scoped3A_504 = tpu.sem_alloc : memref<!tpu.dma_semaphore, #tpu.memory_space<semaphore_mem>>
        %dma_start3A_505 = arith.constant 0 : i32
        %dma_start3A_506 = tpu.memref_slice %arg15[%run_scoped3A, %run_scoped3A_264, %dma_start3A_505] : memref<2x1x128xi32, #tpu.memory_space<vmem>> -> memref<1x1x128xi32, #tpu.memory_space<vmem>>
        %dma_start3A_507 = tpu.memref_squeeze %dma_start3A_506 : memref<1x1x128xi32, #tpu.memory_space<vmem>> -> memref<128xi32, #tpu.memory_space<vmem>>
        %dma_start3A_508 = arith.constant 0 : i32
        %dma_start3A_509 = arith.constant 0 : i32
        %dma_start3A_510 = tpu.memref_slice %arg23[%dma_start3A_508, %dma_start3A_509] : memref<10240x128xf32, #tpu.memory_space<vmem_shared>> -> memref<10240x128xf32, #tpu.memory_space<vmem_shared>>
        tpu.enqueue_indirect_dma source(%arg16 : memref<128x128xf32, #tpu.memory_space<vmem>>) target(%dma_start3A_510 : memref<10240x128xf32, #tpu.memory_space<vmem_shared>>) offsets(%dma_start3A_507 : memref<128xi32, #tpu.memory_space<vmem>>) semaphore(%run_scoped3A_504 : memref<!tpu.dma_semaphore, #tpu.memory_space<semaphore_mem>>) {add = true}
        %dma_wait3A_511 = arith.constant 0 : i32
        %dma_wait3A_512 = tpu.memref_slice %arg15[%run_scoped3A, %run_scoped3A_264, %dma_wait3A_511] : memref<2x1x128xi32, #tpu.memory_space<vmem>> -> memref<1x1x128xi32, #tpu.memory_space<vmem>>
        %dma_wait3A_513 = tpu.memref_squeeze %dma_wait3A_512 : memref<1x1x128xi32, #tpu.memory_space<vmem>> -> memref<128xi32, #tpu.memory_space<vmem>>
        %dma_wait3A_514 = arith.constant 0 : i32
        %dma_wait3A_515 = arith.constant 0 : i32
        %dma_wait3A_516 = tpu.memref_slice %arg23[%dma_wait3A_514, %dma_wait3A_515] : memref<10240x128xf32, #tpu.memory_space<vmem_shared>> -> memref<10240x128xf32, #tpu.memory_space<vmem_shared>>
        tpu.wait_indirect_dma semaphore(%run_scoped3A_504 : memref<!tpu.dma_semaphore, #tpu.memory_space<semaphore_mem>>) src(%arg16 : memref<128x128xf32, #tpu.memory_space<vmem>>) dst(%dma_wait3A_516 : memref<10240x128xf32, #tpu.memory_space<vmem_shared>>)
        tpu.yield
      }) : () -> ()
      %dma_wait3A_265 = arith.constant 0 : i32
      %dma_wait3A_266 = tpu.memref_slice %arg5[%dma_wait3A_265] : memref<10240xf32, #tpu.memory_space<hbm>> -> memref<128xf32, #tpu.memory_space<hbm>>
      %dma_wait3A_267 = arith.constant 0 : i32
      %dma_wait3A_268 = tpu.memref_slice %arg5[%dma_wait3A_267] : memref<10240xf32, #tpu.memory_space<hbm>> -> memref<128xf32, #tpu.memory_space<hbm>>
      tpu.wait_dma2 semaphore(%arg27 : memref<!tpu.dma_semaphore, #tpu.memory_space<semaphore_mem>>) src(%dma_wait3A_268 : memref<128xf32, #tpu.memory_space<hbm>>) dst(%arg18 : memref<128xf32, #tpu.memory_space<vmem>>)
      %get3A = arith.constant 0 : index
      %get3A_269 = tpu.vector_load %arg18[%get3A] {strides = array<i32>} : memref<128xf32, #tpu.memory_space<vmem>>, vector<16xf32>,
      %get3A_270 = vector.shape_cast %get3A_269 : vector<16xf32> to vector<16xf32>
      %max3A = arith.constant 1.000000e+00 : f32
      %max3A_271 = vector.broadcast %max3A : f32 to vector<16xf32>
      %max3A_272 = arith.maximumf %get3A_270, %max3A_271 : vector<16xf32>
      %div3A = arith.constant 1.000000e+00 : f32
      %div3A_273 = vector.broadcast %div3A : f32 to vector<16xf32>
      %div3A_274 = arith.divf %div3A_273, %max3A_272 : vector<16xf32>
      %swap3A = arith.constant 0 : index
      %swap3A_275 = tpu.vector_load %arg20[%swap3A] {strides = array<i32>} : memref<128xf32, #tpu.memory_space<vmem>>, vector<16xf32>,
      %swap3A_276 = vector.shape_cast %swap3A_275 : vector<16xf32> to vector<16xf32>
      %swap3A_277 = vector.shape_cast %div3A_274 : vector<16xf32> to vector<16xf32>
      tpu.vector_store %arg20[%swap3A], %swap3A_277 {strides = array<i32>} : memref<128xf32, #tpu.memory_space<vmem>>, vector<16xf32>,
      %get3A_278 = arith.constant 16 : index
      %get3A_279 = tpu.vector_load %arg18[%get3A_278] {strides = array<i32>} : memref<128xf32, #tpu.memory_space<vmem>>, vector<16xf32>,
      %get3A_280 = vector.shape_cast %get3A_279 : vector<16xf32> to vector<16xf32>
      %max3A_281 = arith.constant 1.000000e+00 : f32
      %max3A_282 = vector.broadcast %max3A_281 : f32 to vector<16xf32>
      %max3A_283 = arith.maximumf %get3A_280, %max3A_282 : vector<16xf32>
      %div3A_284 = arith.constant 1.000000e+00 : f32
      %div3A_285 = vector.broadcast %div3A_284 : f32 to vector<16xf32>
      %div3A_286 = arith.divf %div3A_285, %max3A_283 : vector<16xf32>
      %swap3A_287 = arith.constant 16 : index
      %swap3A_288 = tpu.vector_load %arg20[%swap3A_287] {strides = array<i32>} : memref<128xf32, #tpu.memory_space<vmem>>, vector<16xf32>,
      %swap3A_289 = vector.shape_cast %swap3A_288 : vector<16xf32> to vector<16xf32>
      %swap3A_290 = vector.shape_cast %div3A_286 : vector<16xf32> to vector<16xf32>
      tpu.vector_store %arg20[%swap3A_287], %swap3A_290 {strides = array<i32>} : memref<128xf32, #tpu.memory_space<vmem>>, vector<16xf32>,
      %get3A_291 = arith.constant 32 : index
      %get3A_292 = tpu.vector_load %arg18[%get3A_291] {strides = array<i32>} : memref<128xf32, #tpu.memory_space<vmem>>, vector<16xf32>,
      %get3A_293 = vector.shape_cast %get3A_292 : vector<16xf32> to vector<16xf32>
      %max3A_294 = arith.constant 1.000000e+00 : f32
      %max3A_295 = vector.broadcast %max3A_294 : f32 to vector<16xf32>
      %max3A_296 = arith.maximumf %get3A_293, %max3A_295 : vector<16xf32>
      %div3A_297 = arith.constant 1.000000e+00 : f32
      %div3A_298 = vector.broadcast %div3A_297 : f32 to vector<16xf32>
      %div3A_299 = arith.divf %div3A_298, %max3A_296 : vector<16xf32>
      %swap3A_300 = arith.constant 32 : index
      %swap3A_301 = tpu.vector_load %arg20[%swap3A_300] {strides = array<i32>} : memref<128xf32, #tpu.memory_space<vmem>>, vector<16xf32>,
      %swap3A_302 = vector.shape_cast %swap3A_301 : vector<16xf32> to vector<16xf32>
      %swap3A_303 = vector.shape_cast %div3A_299 : vector<16xf32> to vector<16xf32>
      tpu.vector_store %arg20[%swap3A_300], %swap3A_303 {strides = array<i32>} : memref<128xf32, #tpu.memory_space<vmem>>, vector<16xf32>,
      %get3A_304 = arith.constant 48 : index
      %get3A_305 = tpu.vector_load %arg18[%get3A_304] {strides = array<i32>} : memref<128xf32, #tpu.memory_space<vmem>>, vector<16xf32>,
      %get3A_306 = vector.shape_cast %get3A_305 : vector<16xf32> to vector<16xf32>
      %max3A_307 = arith.constant 1.000000e+00 : f32
      %max3A_308 = vector.broadcast %max3A_307 : f32 to vector<16xf32>
      %max3A_309 = arith.maximumf %get3A_306, %max3A_308 : vector<16xf32>
      %div3A_310 = arith.constant 1.000000e+00 : f32
      %div3A_311 = vector.broadcast %div3A_310 : f32 to vector<16xf32>
      %div3A_312 = arith.divf %div3A_311, %max3A_309 : vector<16xf32>
      %swap3A_313 = arith.constant 48 : index
      %swap3A_314 = tpu.vector_load %arg20[%swap3A_313] {strides = array<i32>} : memref<128xf32, #tpu.memory_space<vmem>>, vector<16xf32>,
      %swap3A_315 = vector.shape_cast %swap3A_314 : vector<16xf32> to vector<16xf32>
      %swap3A_316 = vector.shape_cast %div3A_312 : vector<16xf32> to vector<16xf32>
      tpu.vector_store %arg20[%swap3A_313], %swap3A_316 {strides = array<i32>} : memref<128xf32, #tpu.memory_space<vmem>>, vector<16xf32>,
      %get3A_317 = arith.constant 64 : index
      %get3A_318 = tpu.vector_load %arg18[%get3A_317] {strides = array<i32>} : memref<128xf32, #tpu.memory_space<vmem>>, vector<16xf32>,
      %get3A_319 = vector.shape_cast %get3A_318 : vector<16xf32> to vector<16xf32>
      %max3A_320 = arith.constant 1.000000e+00 : f32
      %max3A_321 = vector.broadcast %max3A_320 : f32 to vector<16xf32>
      %max3A_322 = arith.maximumf %get3A_319, %max3A_321 : vector<16xf32>
      %div3A_323 = arith.constant 1.000000e+00 : f32
      %div3A_324 = vector.broadcast %div3A_323 : f32 to vector<16xf32>
      %div3A_325 = arith.divf %div3A_324, %max3A_322 : vector<16xf32>
      %swap3A_326 = arith.constant 64 : index
      %swap3A_327 = tpu.vector_load %arg20[%swap3A_326] {strides = array<i32>} : memref<128xf32, #tpu.memory_space<vmem>>, vector<16xf32>,
      %swap3A_328 = vector.shape_cast %swap3A_327 : vector<16xf32> to vector<16xf32>
      %swap3A_329 = vector.shape_cast %div3A_325 : vector<16xf32> to vector<16xf32>
      tpu.vector_store %arg20[%swap3A_326], %swap3A_329 {strides = array<i32>} : memref<128xf32, #tpu.memory_space<vmem>>, vector<16xf32>,
      %get3A_330 = arith.constant 80 : index
      %get3A_331 = tpu.vector_load %arg18[%get3A_330] {strides = array<i32>} : memref<128xf32, #tpu.memory_space<vmem>>, vector<16xf32>,
      %get3A_332 = vector.shape_cast %get3A_331 : vector<16xf32> to vector<16xf32>
      %max3A_333 = arith.constant 1.000000e+00 : f32
      %max3A_334 = vector.broadcast %max3A_333 : f32 to vector<16xf32>
      %max3A_335 = arith.maximumf %get3A_332, %max3A_334 : vector<16xf32>
      %div3A_336 = arith.constant 1.000000e+00 : f32
      %div3A_337 = vector.broadcast %div3A_336 : f32 to vector<16xf32>
      %div3A_338 = arith.divf %div3A_337, %max3A_335 : vector<16xf32>
      %swap3A_339 = arith.constant 80 : index
      %swap3A_340 = tpu.vector_load %arg20[%swap3A_339] {strides = array<i32>} : memref<128xf32, #tpu.memory_space<vmem>>, vector<16xf32>,
      %swap3A_341 = vector.shape_cast %swap3A_340 : vector<16xf32> to vector<16xf32>
      %swap3A_342 = vector.shape_cast %div3A_338 : vector<16xf32> to vector<16xf32>
      tpu.vector_store %arg20[%swap3A_339], %swap3A_342 {strides = array<i32>} : memref<128xf32, #tpu.memory_space<vmem>>, vector<16xf32>,
      %get3A_343 = arith.constant 96 : index
      %get3A_344 = tpu.vector_load %arg18[%get3A_343] {strides = array<i32>} : memref<128xf32, #tpu.memory_space<vmem>>, vector<16xf32>,
      %get3A_345 = vector.shape_cast %get3A_344 : vector<16xf32> to vector<16xf32>
      %max3A_346 = arith.constant 1.000000e+00 : f32
      %max3A_347 = vector.broadcast %max3A_346 : f32 to vector<16xf32>
      %max3A_348 = arith.maximumf %get3A_345, %max3A_347 : vector<16xf32>
      %div3A_349 = arith.constant 1.000000e+00 : f32
      %div3A_350 = vector.broadcast %div3A_349 : f32 to vector<16xf32>
      %div3A_351 = arith.divf %div3A_350, %max3A_348 : vector<16xf32>
      %swap3A_352 = arith.constant 96 : index
      %swap3A_353 = tpu.vector_load %arg20[%swap3A_352] {strides = array<i32>} : memref<128xf32, #tpu.memory_space<vmem>>, vector<16xf32>,
      %swap3A_354 = vector.shape_cast %swap3A_353 : vector<16xf32> to vector<16xf32>
      %swap3A_355 = vector.shape_cast %div3A_351 : vector<16xf32> to vector<16xf32>
      tpu.vector_store %arg20[%swap3A_352], %swap3A_355 {strides = array<i32>} : memref<128xf32, #tpu.memory_space<vmem>>, vector<16xf32>,
      %get3A_356 = arith.constant 112 : index
      %get3A_357 = tpu.vector_load %arg18[%get3A_356] {strides = array<i32>} : memref<128xf32, #tpu.memory_space<vmem>>, vector<16xf32>,
      %get3A_358 = vector.shape_cast %get3A_357 : vector<16xf32> to vector<16xf32>
      %max3A_359 = arith.constant 1.000000e+00 : f32
      %max3A_360 = vector.broadcast %max3A_359 : f32 to vector<16xf32>
      %max3A_361 = arith.maximumf %get3A_358, %max3A_360 : vector<16xf32>
      %div3A_362 = arith.constant 1.000000e+00 : f32
      %div3A_363 = vector.broadcast %div3A_362 : f32 to vector<16xf32>
      %div3A_364 = arith.divf %div3A_363, %max3A_361 : vector<16xf32>
      %swap3A_365 = arith.constant 112 : index
      %swap3A_366 = tpu.vector_load %arg20[%swap3A_365] {strides = array<i32>} : memref<128xf32, #tpu.memory_space<vmem>>, vector<16xf32>,
      %swap3A_367 = vector.shape_cast %swap3A_366 : vector<16xf32> to vector<16xf32>
      %swap3A_368 = vector.shape_cast %div3A_364 : vector<16xf32> to vector<16xf32>
      tpu.vector_store %arg20[%swap3A_365], %swap3A_368 {strides = array<i32>} : memref<128xf32, #tpu.memory_space<vmem>>, vector<16xf32>,
      %run_scoped3A_369 = arith.constant 0 : i32
      %run_scoped3A_370 = arith.constant 0 : i32
      "tpu.region"() ({
        %run_scoped3A_504 = tpu.sem_alloc : memref<!tpu.dma_semaphore, #tpu.memory_space<semaphore_mem>>
        %dma_start3A_505 = arith.constant 0 : i32
        %dma_start3A_506 = tpu.memref_slice %arg14[%run_scoped3A_369, %run_scoped3A_370, %dma_start3A_505] : memref<2x1x128xi32, #tpu.memory_space<vmem>> -> memref<1x1x128xi32, #tpu.memory_space<vmem>>
        %dma_start3A_507 = tpu.memref_squeeze %dma_start3A_506 : memref<1x1x128xi32, #tpu.memory_space<vmem>> -> memref<128xi32, #tpu.memory_space<vmem>>
        %dma_start3A_508 = arith.constant 0 : i32
        %dma_start3A_509 = tpu.memref_slice %arg24[%dma_start3A_508] : memref<10240xf32, #tpu.memory_space<vmem_shared>> -> memref<10240xf32, #tpu.memory_space<vmem_shared>>
        tpu.enqueue_indirect_dma source(%arg20 : memref<128xf32, #tpu.memory_space<vmem>>) target(%dma_start3A_509 : memref<10240xf32, #tpu.memory_space<vmem_shared>>) offsets(%dma_start3A_507 : memref<128xi32, #tpu.memory_space<vmem>>) semaphore(%run_scoped3A_504 : memref<!tpu.dma_semaphore, #tpu.memory_space<semaphore_mem>>) {add = true}
        %dma_wait3A_510 = arith.constant 0 : i32
        %dma_wait3A_511 = tpu.memref_slice %arg14[%run_scoped3A_369, %run_scoped3A_370, %dma_wait3A_510] : memref<2x1x128xi32, #tpu.memory_space<vmem>> -> memref<1x1x128xi32, #tpu.memory_space<vmem>>
        %dma_wait3A_512 = tpu.memref_squeeze %dma_wait3A_511 : memref<1x1x128xi32, #tpu.memory_space<vmem>> -> memref<128xi32, #tpu.memory_space<vmem>>
        %dma_wait3A_513 = arith.constant 0 : i32
        %dma_wait3A_514 = tpu.memref_slice %arg24[%dma_wait3A_513] : memref<10240xf32, #tpu.memory_space<vmem_shared>> -> memref<10240xf32, #tpu.memory_space<vmem_shared>>
        tpu.wait_indirect_dma semaphore(%run_scoped3A_504 : memref<!tpu.dma_semaphore, #tpu.memory_space<semaphore_mem>>) src(%arg20 : memref<128xf32, #tpu.memory_space<vmem>>) dst(%dma_wait3A_514 : memref<10240xf32, #tpu.memory_space<vmem_shared>>)
        tpu.yield
      }) : () -> ()
      %dma_start3A_371 = arith.constant 1 : i32
      %dma_start3A_372 = arith.constant 0 : i32
      %dma_start3A_373 = arith.constant 0 : i32
      %dma_start3A_374 = tpu.memref_slice %arg14[%dma_start3A_371, %dma_start3A_372, %dma_start3A_373] : memref<2x1x128xi32, #tpu.memory_space<vmem>> -> memref<1x1x128xi32, #tpu.memory_space<vmem>>
      %dma_start3A_375 = tpu.memref_squeeze %dma_start3A_374 : memref<1x1x128xi32, #tpu.memory_space<vmem>> -> memref<128xi32, #tpu.memory_space<vmem>>
      %dma_start3A_376 = arith.constant 0 : i32
      %dma_start3A_377 = arith.constant 0 : i32
      %dma_start3A_378 = tpu.memref_slice %arg4[%dma_start3A_376, %dma_start3A_377] : memref<10000x128xf32, #tpu.memory_space<hbm>> -> memref<10000x128xf32, #tpu.memory_space<hbm>>
      tpu.enqueue_indirect_dma source(%dma_start3A_378 : memref<10000x128xf32, #tpu.memory_space<hbm>>) target(%arg16 : memref<128x128xf32, #tpu.memory_space<vmem>>) offsets(%dma_start3A_375 : memref<128xi32, #tpu.memory_space<vmem>>) semaphore(%arg25 : memref<!tpu.dma_semaphore, #tpu.memory_space<semaphore_mem>>)
      %dma_start3A_379 = arith.constant 1 : i32
      %dma_start3A_380 = arith.constant 0 : i32
      %dma_start3A_381 = arith.constant 0 : i32
      %dma_start3A_382 = tpu.memref_slice %arg15[%dma_start3A_379, %dma_start3A_380, %dma_start3A_381] : memref<2x1x128xi32, #tpu.memory_space<vmem>> -> memref<1x1x128xi32, #tpu.memory_space<vmem>>
      %dma_start3A_383 = tpu.memref_squeeze %dma_start3A_382 : memref<1x1x128xi32, #tpu.memory_space<vmem>> -> memref<128xi32, #tpu.memory_space<vmem>>
      %dma_start3A_384 = arith.constant 0 : i32
      %dma_start3A_385 = tpu.memref_slice %arg5[%dma_start3A_384] : memref<10240xf32, #tpu.memory_space<hbm>> -> memref<10240xf32, #tpu.memory_space<hbm>>
      tpu.enqueue_indirect_dma source(%dma_start3A_385 : memref<10240xf32, #tpu.memory_space<hbm>>) target(%arg18 : memref<128xf32, #tpu.memory_space<vmem>>) offsets(%dma_start3A_383 : memref<128xi32, #tpu.memory_space<vmem>>) semaphore(%arg27 : memref<!tpu.dma_semaphore, #tpu.memory_space<semaphore_mem>>)
      %dma_wait3A_386 = arith.constant 0 : i32
      %dma_wait3A_387 = arith.constant 0 : i32
      %dma_wait3A_388 = tpu.memref_slice %arg4[%dma_wait3A_386, %dma_wait3A_387] : memref<10000x128xf32, #tpu.memory_space<hbm>> -> memref<128x128xf32, #tpu.memory_space<hbm>>
      %dma_wait3A_389 = arith.constant 0 : i32
      %dma_wait3A_390 = arith.constant 0 : i32
      %dma_wait3A_391 = tpu.memref_slice %arg4[%dma_wait3A_389, %dma_wait3A_390] : memref<10000x128xf32, #tpu.memory_space<hbm>> -> memref<128x128xf32, #tpu.memory_space<hbm>>
      tpu.wait_dma2 semaphore(%arg25 : memref<!tpu.dma_semaphore, #tpu.memory_space<semaphore_mem>>) src(%dma_wait3A_391 : memref<128x128xf32, #tpu.memory_space<hbm>>) dst(%arg16 : memref<128x128xf32, #tpu.memory_space<vmem>>)
      %run_scoped3A_392 = arith.constant 1 : i32
      %run_scoped3A_393 = arith.constant 0 : i32
      "tpu.region"() ({
        %run_scoped3A_504 = tpu.sem_alloc : memref<!tpu.dma_semaphore, #tpu.memory_space<semaphore_mem>>
        %dma_start3A_505 = arith.constant 0 : i32
        %dma_start3A_506 = tpu.memref_slice %arg15[%run_scoped3A_392, %run_scoped3A_393, %dma_start3A_505] : memref<2x1x128xi32, #tpu.memory_space<vmem>> -> memref<1x1x128xi32, #tpu.memory_space<vmem>>
        %dma_start3A_507 = tpu.memref_squeeze %dma_start3A_506 : memref<1x1x128xi32, #tpu.memory_space<vmem>> -> memref<128xi32, #tpu.memory_space<vmem>>
        %dma_start3A_508 = arith.constant 0 : i32
        %dma_start3A_509 = arith.constant 0 : i32
        %dma_start3A_510 = tpu.memref_slice %arg23[%dma_start3A_508, %dma_start3A_509] : memref<10240x128xf32, #tpu.memory_space<vmem_shared>> -> memref<10240x128xf32, #tpu.memory_space<vmem_shared>>
        tpu.enqueue_indirect_dma source(%arg16 : memref<128x128xf32, #tpu.memory_space<vmem>>) target(%dma_start3A_510 : memref<10240x128xf32, #tpu.memory_space<vmem_shared>>) offsets(%dma_start3A_507 : memref<128xi32, #tpu.memory_space<vmem>>) semaphore(%run_scoped3A_504 : memref<!tpu.dma_semaphore, #tpu.memory_space<semaphore_mem>>) {add = true}
        %dma_wait3A_511 = arith.constant 0 : i32
        %dma_wait3A_512 = tpu.memref_slice %arg15[%run_scoped3A_392, %run_scoped3A_393, %dma_wait3A_511] : memref<2x1x128xi32, #tpu.memory_space<vmem>> -> memref<1x1x128xi32, #tpu.memory_space<vmem>>
        %dma_wait3A_513 = tpu.memref_squeeze %dma_wait3A_512 : memref<1x1x128xi32, #tpu.memory_space<vmem>> -> memref<128xi32, #tpu.memory_space<vmem>>
        %dma_wait3A_514 = arith.constant 0 : i32
        %dma_wait3A_515 = arith.constant 0 : i32
        %dma_wait3A_516 = tpu.memref_slice %arg23[%dma_wait3A_514, %dma_wait3A_515] : memref<10240x128xf32, #tpu.memory_space<vmem_shared>> -> memref<10240x128xf32, #tpu.memory_space<vmem_shared>>
        tpu.wait_indirect_dma semaphore(%run_scoped3A_504 : memref<!tpu.dma_semaphore, #tpu.memory_space<semaphore_mem>>) src(%arg16 : memref<128x128xf32, #tpu.memory_space<vmem>>) dst(%dma_wait3A_516 : memref<10240x128xf32, #tpu.memory_space<vmem_shared>>)
        tpu.yield
      }) : () -> ()
      %dma_wait3A_394 = arith.constant 0 : i32
      %dma_wait3A_395 = tpu.memref_slice %arg5[%dma_wait3A_394] : memref<10240xf32, #tpu.memory_space<hbm>> -> memref<128xf32, #tpu.memory_space<hbm>>
      %dma_wait3A_396 = arith.constant 0 : i32
      %dma_wait3A_397 = tpu.memref_slice %arg5[%dma_wait3A_396] : memref<10240xf32, #tpu.memory_space<hbm>> -> memref<128xf32, #tpu.memory_space<hbm>>
      tpu.wait_dma2 semaphore(%arg27 : memref<!tpu.dma_semaphore, #tpu.memory_space<semaphore_mem>>) src(%dma_wait3A_397 : memref<128xf32, #tpu.memory_space<hbm>>) dst(%arg18 : memref<128xf32, #tpu.memory_space<vmem>>)
      %get3A_398 = arith.constant 0 : index
      %get3A_399 = tpu.vector_load %arg18[%get3A_398] {strides = array<i32>} : memref<128xf32, #tpu.memory_space<vmem>>, vector<16xf32>,
      %get3A_400 = vector.shape_cast %get3A_399 : vector<16xf32> to vector<16xf32>
      %max3A_401 = arith.constant 1.000000e+00 : f32
      %max3A_402 = vector.broadcast %max3A_401 : f32 to vector<16xf32>
      %max3A_403 = arith.maximumf %get3A_400, %max3A_402 : vector<16xf32>
      %div3A_404 = arith.constant 1.000000e+00 : f32
      %div3A_405 = vector.broadcast %div3A_404 : f32 to vector<16xf32>
      %div3A_406 = arith.divf %div3A_405, %max3A_403 : vector<16xf32>
      %swap3A_407 = arith.constant 0 : index
      %swap3A_408 = tpu.vector_load %arg20[%swap3A_407] {strides = array<i32>} : memref<128xf32, #tpu.memory_space<vmem>>, vector<16xf32>,
      %swap3A_409 = vector.shape_cast %swap3A_408 : vector<16xf32> to vector<16xf32>
      %swap3A_410 = vector.shape_cast %div3A_406 : vector<16xf32> to vector<16xf32>
      tpu.vector_store %arg20[%swap3A_407], %swap3A_410 {strides = array<i32>} : memref<128xf32, #tpu.memory_space<vmem>>, vector<16xf32>,
      %get3A_411 = arith.constant 16 : index
      %get3A_412 = tpu.vector_load %arg18[%get3A_411] {strides = array<i32>} : memref<128xf32, #tpu.memory_space<vmem>>, vector<16xf32>,
      %get3A_413 = vector.shape_cast %get3A_412 : vector<16xf32> to vector<16xf32>
      %max3A_414 = arith.constant 1.000000e+00 : f32
      %max3A_415 = vector.broadcast %max3A_414 : f32 to vector<16xf32>
      %max3A_416 = arith.maximumf %get3A_413, %max3A_415 : vector<16xf32>
      %div3A_417 = arith.constant 1.000000e+00 : f32
      %div3A_418 = vector.broadcast %div3A_417 : f32 to vector<16xf32>
      %div3A_419 = arith.divf %div3A_418, %max3A_416 : vector<16xf32>
      %swap3A_420 = arith.constant 16 : index
      %swap3A_421 = tpu.vector_load %arg20[%swap3A_420] {strides = array<i32>} : memref<128xf32, #tpu.memory_space<vmem>>, vector<16xf32>,
      %swap3A_422 = vector.shape_cast %swap3A_421 : vector<16xf32> to vector<16xf32>
      %swap3A_423 = vector.shape_cast %div3A_419 : vector<16xf32> to vector<16xf32>
      tpu.vector_store %arg20[%swap3A_420], %swap3A_423 {strides = array<i32>} : memref<128xf32, #tpu.memory_space<vmem>>, vector<16xf32>,
      %get3A_424 = arith.constant 32 : index
      %get3A_425 = tpu.vector_load %arg18[%get3A_424] {strides = array<i32>} : memref<128xf32, #tpu.memory_space<vmem>>, vector<16xf32>,
      %get3A_426 = vector.shape_cast %get3A_425 : vector<16xf32> to vector<16xf32>
      %max3A_427 = arith.constant 1.000000e+00 : f32
      %max3A_428 = vector.broadcast %max3A_427 : f32 to vector<16xf32>
      %max3A_429 = arith.maximumf %get3A_426, %max3A_428 : vector<16xf32>
      %div3A_430 = arith.constant 1.000000e+00 : f32
      %div3A_431 = vector.broadcast %div3A_430 : f32 to vector<16xf32>
      %div3A_432 = arith.divf %div3A_431, %max3A_429 : vector<16xf32>
      %swap3A_433 = arith.constant 32 : index
      %swap3A_434 = tpu.vector_load %arg20[%swap3A_433] {strides = array<i32>} : memref<128xf32, #tpu.memory_space<vmem>>, vector<16xf32>,
      %swap3A_435 = vector.shape_cast %swap3A_434 : vector<16xf32> to vector<16xf32>
      %swap3A_436 = vector.shape_cast %div3A_432 : vector<16xf32> to vector<16xf32>
      tpu.vector_store %arg20[%swap3A_433], %swap3A_436 {strides = array<i32>} : memref<128xf32, #tpu.memory_space<vmem>>, vector<16xf32>,
      %get3A_437 = arith.constant 48 : index
      %get3A_438 = tpu.vector_load %arg18[%get3A_437] {strides = array<i32>} : memref<128xf32, #tpu.memory_space<vmem>>, vector<16xf32>,
      %get3A_439 = vector.shape_cast %get3A_438 : vector<16xf32> to vector<16xf32>
      %max3A_440 = arith.constant 1.000000e+00 : f32
      %max3A_441 = vector.broadcast %max3A_440 : f32 to vector<16xf32>
      %max3A_442 = arith.maximumf %get3A_439, %max3A_441 : vector<16xf32>
      %div3A_443 = arith.constant 1.000000e+00 : f32
      %div3A_444 = vector.broadcast %div3A_443 : f32 to vector<16xf32>
      %div3A_445 = arith.divf %div3A_444, %max3A_442 : vector<16xf32>
      %swap3A_446 = arith.constant 48 : index
      %swap3A_447 = tpu.vector_load %arg20[%swap3A_446] {strides = array<i32>} : memref<128xf32, #tpu.memory_space<vmem>>, vector<16xf32>,
      %swap3A_448 = vector.shape_cast %swap3A_447 : vector<16xf32> to vector<16xf32>
      %swap3A_449 = vector.shape_cast %div3A_445 : vector<16xf32> to vector<16xf32>
      tpu.vector_store %arg20[%swap3A_446], %swap3A_449 {strides = array<i32>} : memref<128xf32, #tpu.memory_space<vmem>>, vector<16xf32>,
      %get3A_450 = arith.constant 64 : index
      %get3A_451 = tpu.vector_load %arg18[%get3A_450] {strides = array<i32>} : memref<128xf32, #tpu.memory_space<vmem>>, vector<16xf32>,
      %get3A_452 = vector.shape_cast %get3A_451 : vector<16xf32> to vector<16xf32>
      %max3A_453 = arith.constant 1.000000e+00 : f32
      %max3A_454 = vector.broadcast %max3A_453 : f32 to vector<16xf32>
      %max3A_455 = arith.maximumf %get3A_452, %max3A_454 : vector<16xf32>
      %div3A_456 = arith.constant 1.000000e+00 : f32
      %div3A_457 = vector.broadcast %div3A_456 : f32 to vector<16xf32>
      %div3A_458 = arith.divf %div3A_457, %max3A_455 : vector<16xf32>
      %swap3A_459 = arith.constant 64 : index
      %swap3A_460 = tpu.vector_load %arg20[%swap3A_459] {strides = array<i32>} : memref<128xf32, #tpu.memory_space<vmem>>, vector<16xf32>,
      %swap3A_461 = vector.shape_cast %swap3A_460 : vector<16xf32> to vector<16xf32>
      %swap3A_462 = vector.shape_cast %div3A_458 : vector<16xf32> to vector<16xf32>
      tpu.vector_store %arg20[%swap3A_459], %swap3A_462 {strides = array<i32>} : memref<128xf32, #tpu.memory_space<vmem>>, vector<16xf32>,
      %get3A_463 = arith.constant 80 : index
      %get3A_464 = tpu.vector_load %arg18[%get3A_463] {strides = array<i32>} : memref<128xf32, #tpu.memory_space<vmem>>, vector<16xf32>,
      %get3A_465 = vector.shape_cast %get3A_464 : vector<16xf32> to vector<16xf32>
      %max3A_466 = arith.constant 1.000000e+00 : f32
      %max3A_467 = vector.broadcast %max3A_466 : f32 to vector<16xf32>
      %max3A_468 = arith.maximumf %get3A_465, %max3A_467 : vector<16xf32>
      %div3A_469 = arith.constant 1.000000e+00 : f32
      %div3A_470 = vector.broadcast %div3A_469 : f32 to vector<16xf32>
      %div3A_471 = arith.divf %div3A_470, %max3A_468 : vector<16xf32>
      %swap3A_472 = arith.constant 80 : index
      %swap3A_473 = tpu.vector_load %arg20[%swap3A_472] {strides = array<i32>} : memref<128xf32, #tpu.memory_space<vmem>>, vector<16xf32>,
      %swap3A_474 = vector.shape_cast %swap3A_473 : vector<16xf32> to vector<16xf32>
      %swap3A_475 = vector.shape_cast %div3A_471 : vector<16xf32> to vector<16xf32>
      tpu.vector_store %arg20[%swap3A_472], %swap3A_475 {strides = array<i32>} : memref<128xf32, #tpu.memory_space<vmem>>, vector<16xf32>,
      %get3A_476 = arith.constant 96 : index
      %get3A_477 = tpu.vector_load %arg18[%get3A_476] {strides = array<i32>} : memref<128xf32, #tpu.memory_space<vmem>>, vector<16xf32>,
      %get3A_478 = vector.shape_cast %get3A_477 : vector<16xf32> to vector<16xf32>
      %max3A_479 = arith.constant 1.000000e+00 : f32
      %max3A_480 = vector.broadcast %max3A_479 : f32 to vector<16xf32>
      %max3A_481 = arith.maximumf %get3A_478, %max3A_480 : vector<16xf32>
      %div3A_482 = arith.constant 1.000000e+00 : f32
      %div3A_483 = vector.broadcast %div3A_482 : f32 to vector<16xf32>
      %div3A_484 = arith.divf %div3A_483, %max3A_481 : vector<16xf32>
      %swap3A_485 = arith.constant 96 : index
      %swap3A_486 = tpu.vector_load %arg20[%swap3A_485] {strides = array<i32>} : memref<128xf32, #tpu.memory_space<vmem>>, vector<16xf32>,
      %swap3A_487 = vector.shape_cast %swap3A_486 : vector<16xf32> to vector<16xf32>
      %swap3A_488 = vector.shape_cast %div3A_484 : vector<16xf32> to vector<16xf32>
      tpu.vector_store %arg20[%swap3A_485], %swap3A_488 {strides = array<i32>} : memref<128xf32, #tpu.memory_space<vmem>>, vector<16xf32>,
      %get3A_489 = arith.constant 112 : index
      %get3A_490 = tpu.vector_load %arg18[%get3A_489] {strides = array<i32>} : memref<128xf32, #tpu.memory_space<vmem>>, vector<16xf32>,
      %get3A_491 = vector.shape_cast %get3A_490 : vector<16xf32> to vector<16xf32>
      %max3A_492 = arith.constant 1.000000e+00 : f32
      %max3A_493 = vector.broadcast %max3A_492 : f32 to vector<16xf32>
      %max3A_494 = arith.maximumf %get3A_491, %max3A_493 : vector<16xf32>
      %div3A_495 = arith.constant 1.000000e+00 : f32
      %div3A_496 = vector.broadcast %div3A_495 : f32 to vector<16xf32>
      %div3A_497 = arith.divf %div3A_496, %max3A_494 : vector<16xf32>
      %swap3A_498 = arith.constant 112 : index
      %swap3A_499 = tpu.vector_load %arg20[%swap3A_498] {strides = array<i32>} : memref<128xf32, #tpu.memory_space<vmem>>, vector<16xf32>,
      %swap3A_500 = vector.shape_cast %swap3A_499 : vector<16xf32> to vector<16xf32>
      %swap3A_501 = vector.shape_cast %div3A_497 : vector<16xf32> to vector<16xf32>
      tpu.vector_store %arg20[%swap3A_498], %swap3A_501 {strides = array<i32>} : memref<128xf32, #tpu.memory_space<vmem>>, vector<16xf32>,
      %run_scoped3A_502 = arith.constant 1 : i32
      %run_scoped3A_503 = arith.constant 0 : i32
      "tpu.region"() ({
        %run_scoped3A_504 = tpu.sem_alloc : memref<!tpu.dma_semaphore, #tpu.memory_space<semaphore_mem>>
        %dma_start3A_505 = arith.constant 0 : i32
        %dma_start3A_506 = tpu.memref_slice %arg14[%run_scoped3A_502, %run_scoped3A_503, %dma_start3A_505] : memref<2x1x128xi32, #tpu.memory_space<vmem>> -> memref<1x1x128xi32, #tpu.memory_space<vmem>>
        %dma_start3A_507 = tpu.memref_squeeze %dma_start3A_506 : memref<1x1x128xi32, #tpu.memory_space<vmem>> -> memref<128xi32, #tpu.memory_space<vmem>>
        %dma_start3A_508 = arith.constant 0 : i32
        %dma_start3A_509 = tpu.memref_slice %arg24[%dma_start3A_508] : memref<10240xf32, #tpu.memory_space<vmem_shared>> -> memref<10240xf32, #tpu.memory_space<vmem_shared>>
        tpu.enqueue_indirect_dma source(%arg20 : memref<128xf32, #tpu.memory_space<vmem>>) target(%dma_start3A_509 : memref<10240xf32, #tpu.memory_space<vmem_shared>>) offsets(%dma_start3A_507 : memref<128xi32, #tpu.memory_space<vmem>>) semaphore(%run_scoped3A_504 : memref<!tpu.dma_semaphore, #tpu.memory_space<semaphore_mem>>) {add = true}
        %dma_wait3A_510 = arith.constant 0 : i32
        %dma_wait3A_511 = tpu.memref_slice %arg14[%run_scoped3A_502, %run_scoped3A_503, %dma_wait3A_510] : memref<2x1x128xi32, #tpu.memory_space<vmem>> -> memref<1x1x128xi32, #tpu.memory_space<vmem>>
        %dma_wait3A_512 = tpu.memref_squeeze %dma_wait3A_511 : memref<1x1x128xi32, #tpu.memory_space<vmem>> -> memref<128xi32, #tpu.memory_space<vmem>>
        %dma_wait3A_513 = arith.constant 0 : i32
        %dma_wait3A_514 = tpu.memref_slice %arg24[%dma_wait3A_513] : memref<10240xf32, #tpu.memory_space<vmem_shared>> -> memref<10240xf32, #tpu.memory_space<vmem_shared>>
        tpu.wait_indirect_dma semaphore(%run_scoped3A_504 : memref<!tpu.dma_semaphore, #tpu.memory_space<semaphore_mem>>) src(%arg20 : memref<128xf32, #tpu.memory_space<vmem>>) dst(%dma_wait3A_514 : memref<10240xf32, #tpu.memory_space<vmem_shared>>)
        tpu.yield
      }) : () -> ()
    } else {
    }
    %barrier3A_195 = arith.constant 0 : index
    tpu.barrier barrier_id(%barrier3A_195)
    %mul3A_196 = arith.constant 640 : i32
    %mul3A_197 = arith.muli %arg1, %mul3A_196 : i32
    %add3A_198 = arith.constant 0 : i32
    %add3A_199 = arith.addi %mul3A_197, %add3A_198 : i32
    "tpu.region"() ({
      %run_scoped3A = tpu.sem_alloc : memref<!tpu.dma_semaphore, #tpu.memory_space<semaphore_mem>>
      %dma_start3A_243 = arith.constant 0 : i32
      %dma_start3A_244 = tpu.memref_slice %arg23[%add3A_199, %dma_start3A_243] : memref<10240x128xf32, #tpu.memory_space<vmem_shared>> -> memref<128x128xf32, #tpu.memory_space<vmem_shared>>
      %dma_start3A_245 = arith.constant 0 : i32
      %dma_start3A_246 = tpu.memref_slice %arg23[%add3A_199, %dma_start3A_245] : memref<10240x128xf32, #tpu.memory_space<vmem_shared>> -> memref<128x128xf32, #tpu.memory_space<vmem_shared>>
      tpu.enqueue_dma source(%dma_start3A_246 : memref<128x128xf32, #tpu.memory_space<vmem_shared>>) target(%arg16 : memref<128x128xf32, #tpu.memory_space<vmem>>) target_semaphore(%run_scoped3A : memref<!tpu.dma_semaphore, #tpu.memory_space<semaphore_mem>>)
      %dma_wait3A_247 = arith.constant 0 : i32
      %dma_wait3A_248 = tpu.memref_slice %arg23[%add3A_199, %dma_wait3A_247] : memref<10240x128xf32, #tpu.memory_space<vmem_shared>> -> memref<128x128xf32, #tpu.memory_space<vmem_shared>>
      %dma_wait3A_249 = arith.constant 0 : i32
      %dma_wait3A_250 = tpu.memref_slice %arg23[%add3A_199, %dma_wait3A_249] : memref<10240x128xf32, #tpu.memory_space<vmem_shared>> -> memref<128x128xf32, #tpu.memory_space<vmem_shared>>
      tpu.wait_dma2 semaphore(%run_scoped3A : memref<!tpu.dma_semaphore, #tpu.memory_space<semaphore_mem>>) src(%dma_wait3A_250 : memref<128x128xf32, #tpu.memory_space<vmem_shared>>) dst(%arg16 : memref<128x128xf32, #tpu.memory_space<vmem>>)
      tpu.yield
    }) : () -> ()
    %mul3A_200 = arith.constant 640 : i32
    %mul3A_201 = arith.muli %arg1, %mul3A_200 : i32
    %add3A_202 = arith.constant 0 : i32
    %add3A_203 = arith.addi %mul3A_201, %add3A_202 : i32
    "tpu.region"() ({
      %run_scoped3A = tpu.sem_alloc : memref<!tpu.dma_semaphore, #tpu.memory_space<semaphore_mem>>
      %dma_start3A_243 = arith.constant 0 : i32
      %dma_start3A_244 = tpu.memref_slice %arg8[%arg0, %add3A_203, %dma_start3A_243] : memref<2x10240x128xf32, #tpu.memory_space<hbm>> -> memref<1x128x128xf32, #tpu.memory_space<hbm>>
      %dma_start3A_245 = tpu.memref_squeeze %dma_start3A_244 : memref<1x128x128xf32, #tpu.memory_space<hbm>> -> memref<128x128xf32, #tpu.memory_space<hbm>>
      %dma_start3A_246 = arith.constant 0 : i32
      %dma_start3A_247 = tpu.memref_slice %arg8[%arg0, %add3A_203, %dma_start3A_246] : memref<2x10240x128xf32, #tpu.memory_space<hbm>> -> memref<1x128x128xf32, #tpu.memory_space<hbm>>
      %dma_start3A_248 = tpu.memref_squeeze %dma_start3A_247 : memref<1x128x128xf32, #tpu.memory_space<hbm>> -> memref<128x128xf32, #tpu.memory_space<hbm>>
      tpu.enqueue_dma source(%arg16 : memref<128x128xf32, #tpu.memory_space<vmem>>) target(%dma_start3A_248 : memref<128x128xf32, #tpu.memory_space<hbm>>) target_semaphore(%run_scoped3A : memref<!tpu.dma_semaphore, #tpu.memory_space<semaphore_mem>>)
      %dma_wait3A_249 = arith.constant 0 : i32
      %dma_wait3A_250 = tpu.memref_slice %arg8[%arg0, %add3A_203, %dma_wait3A_249] : memref<2x10240x128xf32, #tpu.memory_space<hbm>> -> memref<1x128x128xf32, #tpu.memory_space<hbm>>
      %dma_wait3A_251 = tpu.memref_squeeze %dma_wait3A_250 : memref<1x128x128xf32, #tpu.memory_space<hbm>> -> memref<128x128xf32, #tpu.memory_space<hbm>>
      %dma_wait3A_252 = arith.constant 0 : i32
      %dma_wait3A_253 = tpu.memref_slice %arg8[%arg0, %add3A_203, %dma_wait3A_252] : memref<2x10240x128xf32, #tpu.memory_space<hbm>> -> memref<1x128x128xf32, #tpu.memory_space<hbm>>
      %dma_wait3A_254 = tpu.memref_squeeze %dma_wait3A_253 : memref<1x128x128xf32, #tpu.memory_space<hbm>> -> memref<128x128xf32, #tpu.memory_space<hbm>>
      tpu.wait_dma2 semaphore(%run_scoped3A : memref<!tpu.dma_semaphore, #tpu.memory_space<semaphore_mem>>) src(%arg16 : memref<128x128xf32, #tpu.memory_space<vmem>>) dst(%dma_wait3A_254 : memref<128x128xf32, #tpu.memory_space<hbm>>)
      tpu.yield
    }) : () -> ()
    %mul3A_204 = arith.constant 640 : i32
    %mul3A_205 = arith.muli %arg1, %mul3A_204 : i32
    %add3A_206 = arith.constant 128 : i32
    %add3A_207 = arith.addi %mul3A_205, %add3A_206 : i32
    "tpu.region"() ({
      %run_scoped3A = tpu.sem_alloc : memref<!tpu.dma_semaphore, #tpu.memory_space<semaphore_mem>>
      %dma_start3A_243 = arith.constant 0 : i32
      %dma_start3A_244 = tpu.memref_slice %arg23[%add3A_207, %dma_start3A_243] : memref<10240x128xf32, #tpu.memory_space<vmem_shared>> -> memref<128x128xf32, #tpu.memory_space<vmem_shared>>
      %dma_start3A_245 = arith.constant 0 : i32
      %dma_start3A_246 = tpu.memref_slice %arg23[%add3A_207, %dma_start3A_245] : memref<10240x128xf32, #tpu.memory_space<vmem_shared>> -> memref<128x128xf32, #tpu.memory_space<vmem_shared>>
      tpu.enqueue_dma source(%dma_start3A_246 : memref<128x128xf32, #tpu.memory_space<vmem_shared>>) target(%arg16 : memref<128x128xf32, #tpu.memory_space<vmem>>) target_semaphore(%run_scoped3A : memref<!tpu.dma_semaphore, #tpu.memory_space<semaphore_mem>>)
      %dma_wait3A_247 = arith.constant 0 : i32
      %dma_wait3A_248 = tpu.memref_slice %arg23[%add3A_207, %dma_wait3A_247] : memref<10240x128xf32, #tpu.memory_space<vmem_shared>> -> memref<128x128xf32, #tpu.memory_space<vmem_shared>>
      %dma_wait3A_249 = arith.constant 0 : i32
      %dma_wait3A_250 = tpu.memref_slice %arg23[%add3A_207, %dma_wait3A_249] : memref<10240x128xf32, #tpu.memory_space<vmem_shared>> -> memref<128x128xf32, #tpu.memory_space<vmem_shared>>
      tpu.wait_dma2 semaphore(%run_scoped3A : memref<!tpu.dma_semaphore, #tpu.memory_space<semaphore_mem>>) src(%dma_wait3A_250 : memref<128x128xf32, #tpu.memory_space<vmem_shared>>) dst(%arg16 : memref<128x128xf32, #tpu.memory_space<vmem>>)
      tpu.yield
    }) : () -> ()
    %mul3A_208 = arith.constant 640 : i32
    %mul3A_209 = arith.muli %arg1, %mul3A_208 : i32
    %add3A_210 = arith.constant 128 : i32
    %add3A_211 = arith.addi %mul3A_209, %add3A_210 : i32
    "tpu.region"() ({
      %run_scoped3A = tpu.sem_alloc : memref<!tpu.dma_semaphore, #tpu.memory_space<semaphore_mem>>
      %dma_start3A_243 = arith.constant 0 : i32
      %dma_start3A_244 = tpu.memref_slice %arg8[%arg0, %add3A_211, %dma_start3A_243] : memref<2x10240x128xf32, #tpu.memory_space<hbm>> -> memref<1x128x128xf32, #tpu.memory_space<hbm>>
      %dma_start3A_245 = tpu.memref_squeeze %dma_start3A_244 : memref<1x128x128xf32, #tpu.memory_space<hbm>> -> memref<128x128xf32, #tpu.memory_space<hbm>>
      %dma_start3A_246 = arith.constant 0 : i32
      %dma_start3A_247 = tpu.memref_slice %arg8[%arg0, %add3A_211, %dma_start3A_246] : memref<2x10240x128xf32, #tpu.memory_space<hbm>> -> memref<1x128x128xf32, #tpu.memory_space<hbm>>
      %dma_start3A_248 = tpu.memref_squeeze %dma_start3A_247 : memref<1x128x128xf32, #tpu.memory_space<hbm>> -> memref<128x128xf32, #tpu.memory_space<hbm>>
      tpu.enqueue_dma source(%arg16 : memref<128x128xf32, #tpu.memory_space<vmem>>) target(%dma_start3A_248 : memref<128x128xf32, #tpu.memory_space<hbm>>) target_semaphore(%run_scoped3A : memref<!tpu.dma_semaphore, #tpu.memory_space<semaphore_mem>>)
      %dma_wait3A_249 = arith.constant 0 : i32
      %dma_wait3A_250 = tpu.memref_slice %arg8[%arg0, %add3A_211, %dma_wait3A_249] : memref<2x10240x128xf32, #tpu.memory_space<hbm>> -> memref<1x128x128xf32, #tpu.memory_space<hbm>>
      %dma_wait3A_251 = tpu.memref_squeeze %dma_wait3A_250 : memref<1x128x128xf32, #tpu.memory_space<hbm>> -> memref<128x128xf32, #tpu.memory_space<hbm>>
      %dma_wait3A_252 = arith.constant 0 : i32
      %dma_wait3A_253 = tpu.memref_slice %arg8[%arg0, %add3A_211, %dma_wait3A_252] : memref<2x10240x128xf32, #tpu.memory_space<hbm>> -> memref<1x128x128xf32, #tpu.memory_space<hbm>>
      %dma_wait3A_254 = tpu.memref_squeeze %dma_wait3A_253 : memref<1x128x128xf32, #tpu.memory_space<hbm>> -> memref<128x128xf32, #tpu.memory_space<hbm>>
      tpu.wait_dma2 semaphore(%run_scoped3A : memref<!tpu.dma_semaphore, #tpu.memory_space<semaphore_mem>>) src(%arg16 : memref<128x128xf32, #tpu.memory_space<vmem>>) dst(%dma_wait3A_254 : memref<128x128xf32, #tpu.memory_space<hbm>>)
      tpu.yield
    }) : () -> ()
    %mul3A_212 = arith.constant 640 : i32
    %mul3A_213 = arith.muli %arg1, %mul3A_212 : i32
    %add3A_214 = arith.constant 256 : i32
    %add3A_215 = arith.addi %mul3A_213, %add3A_214 : i32
    "tpu.region"() ({
      %run_scoped3A = tpu.sem_alloc : memref<!tpu.dma_semaphore, #tpu.memory_space<semaphore_mem>>
      %dma_start3A_243 = arith.constant 0 : i32
      %dma_start3A_244 = tpu.memref_slice %arg23[%add3A_215, %dma_start3A_243] : memref<10240x128xf32, #tpu.memory_space<vmem_shared>> -> memref<128x128xf32, #tpu.memory_space<vmem_shared>>
      %dma_start3A_245 = arith.constant 0 : i32
      %dma_start3A_246 = tpu.memref_slice %arg23[%add3A_215, %dma_start3A_245] : memref<10240x128xf32, #tpu.memory_space<vmem_shared>> -> memref<128x128xf32, #tpu.memory_space<vmem_shared>>
      tpu.enqueue_dma source(%dma_start3A_246 : memref<128x128xf32, #tpu.memory_space<vmem_shared>>) target(%arg16 : memref<128x128xf32, #tpu.memory_space<vmem>>) target_semaphore(%run_scoped3A : memref<!tpu.dma_semaphore, #tpu.memory_space<semaphore_mem>>)
      %dma_wait3A_247 = arith.constant 0 : i32
      %dma_wait3A_248 = tpu.memref_slice %arg23[%add3A_215, %dma_wait3A_247] : memref<10240x128xf32, #tpu.memory_space<vmem_shared>> -> memref<128x128xf32, #tpu.memory_space<vmem_shared>>
      %dma_wait3A_249 = arith.constant 0 : i32
      %dma_wait3A_250 = tpu.memref_slice %arg23[%add3A_215, %dma_wait3A_249] : memref<10240x128xf32, #tpu.memory_space<vmem_shared>> -> memref<128x128xf32, #tpu.memory_space<vmem_shared>>
      tpu.wait_dma2 semaphore(%run_scoped3A : memref<!tpu.dma_semaphore, #tpu.memory_space<semaphore_mem>>) src(%dma_wait3A_250 : memref<128x128xf32, #tpu.memory_space<vmem_shared>>) dst(%arg16 : memref<128x128xf32, #tpu.memory_space<vmem>>)
      tpu.yield
    }) : () -> ()
    %mul3A_216 = arith.constant 640 : i32
    %mul3A_217 = arith.muli %arg1, %mul3A_216 : i32
    %add3A_218 = arith.constant 256 : i32
    %add3A_219 = arith.addi %mul3A_217, %add3A_218 : i32
    "tpu.region"() ({
      %run_scoped3A = tpu.sem_alloc : memref<!tpu.dma_semaphore, #tpu.memory_space<semaphore_mem>>
      %dma_start3A_243 = arith.constant 0 : i32
      %dma_start3A_244 = tpu.memref_slice %arg8[%arg0, %add3A_219, %dma_start3A_243] : memref<2x10240x128xf32, #tpu.memory_space<hbm>> -> memref<1x128x128xf32, #tpu.memory_space<hbm>>
      %dma_start3A_245 = tpu.memref_squeeze %dma_start3A_244 : memref<1x128x128xf32, #tpu.memory_space<hbm>> -> memref<128x128xf32, #tpu.memory_space<hbm>>
      %dma_start3A_246 = arith.constant 0 : i32
      %dma_start3A_247 = tpu.memref_slice %arg8[%arg0, %add3A_219, %dma_start3A_246] : memref<2x10240x128xf32, #tpu.memory_space<hbm>> -> memref<1x128x128xf32, #tpu.memory_space<hbm>>
      %dma_start3A_248 = tpu.memref_squeeze %dma_start3A_247 : memref<1x128x128xf32, #tpu.memory_space<hbm>> -> memref<128x128xf32, #tpu.memory_space<hbm>>
      tpu.enqueue_dma source(%arg16 : memref<128x128xf32, #tpu.memory_space<vmem>>) target(%dma_start3A_248 : memref<128x128xf32, #tpu.memory_space<hbm>>) target_semaphore(%run_scoped3A : memref<!tpu.dma_semaphore, #tpu.memory_space<semaphore_mem>>)
      %dma_wait3A_249 = arith.constant 0 : i32
      %dma_wait3A_250 = tpu.memref_slice %arg8[%arg0, %add3A_219, %dma_wait3A_249] : memref<2x10240x128xf32, #tpu.memory_space<hbm>> -> memref<1x128x128xf32, #tpu.memory_space<hbm>>
      %dma_wait3A_251 = tpu.memref_squeeze %dma_wait3A_250 : memref<1x128x128xf32, #tpu.memory_space<hbm>> -> memref<128x128xf32, #tpu.memory_space<hbm>>
      %dma_wait3A_252 = arith.constant 0 : i32
      %dma_wait3A_253 = tpu.memref_slice %arg8[%arg0, %add3A_219, %dma_wait3A_252] : memref<2x10240x128xf32, #tpu.memory_space<hbm>> -> memref<1x128x128xf32, #tpu.memory_space<hbm>>
      %dma_wait3A_254 = tpu.memref_squeeze %dma_wait3A_253 : memref<1x128x128xf32, #tpu.memory_space<hbm>> -> memref<128x128xf32, #tpu.memory_space<hbm>>
      tpu.wait_dma2 semaphore(%run_scoped3A : memref<!tpu.dma_semaphore, #tpu.memory_space<semaphore_mem>>) src(%arg16 : memref<128x128xf32, #tpu.memory_space<vmem>>) dst(%dma_wait3A_254 : memref<128x128xf32, #tpu.memory_space<hbm>>)
      tpu.yield
    }) : () -> ()
    %mul3A_220 = arith.constant 640 : i32
    %mul3A_221 = arith.muli %arg1, %mul3A_220 : i32
    %add3A_222 = arith.constant 384 : i32
    %add3A_223 = arith.addi %mul3A_221, %add3A_222 : i32
    "tpu.region"() ({
      %run_scoped3A = tpu.sem_alloc : memref<!tpu.dma_semaphore, #tpu.memory_space<semaphore_mem>>
      %dma_start3A_243 = arith.constant 0 : i32
      %dma_start3A_244 = tpu.memref_slice %arg23[%add3A_223, %dma_start3A_243] : memref<10240x128xf32, #tpu.memory_space<vmem_shared>> -> memref<128x128xf32, #tpu.memory_space<vmem_shared>>
      %dma_start3A_245 = arith.constant 0 : i32
      %dma_start3A_246 = tpu.memref_slice %arg23[%add3A_223, %dma_start3A_245] : memref<10240x128xf32, #tpu.memory_space<vmem_shared>> -> memref<128x128xf32, #tpu.memory_space<vmem_shared>>
      tpu.enqueue_dma source(%dma_start3A_246 : memref<128x128xf32, #tpu.memory_space<vmem_shared>>) target(%arg16 : memref<128x128xf32, #tpu.memory_space<vmem>>) target_semaphore(%run_scoped3A : memref<!tpu.dma_semaphore, #tpu.memory_space<semaphore_mem>>)
      %dma_wait3A_247 = arith.constant 0 : i32
      %dma_wait3A_248 = tpu.memref_slice %arg23[%add3A_223, %dma_wait3A_247] : memref<10240x128xf32, #tpu.memory_space<vmem_shared>> -> memref<128x128xf32, #tpu.memory_space<vmem_shared>>
      %dma_wait3A_249 = arith.constant 0 : i32
      %dma_wait3A_250 = tpu.memref_slice %arg23[%add3A_223, %dma_wait3A_249] : memref<10240x128xf32, #tpu.memory_space<vmem_shared>> -> memref<128x128xf32, #tpu.memory_space<vmem_shared>>
      tpu.wait_dma2 semaphore(%run_scoped3A : memref<!tpu.dma_semaphore, #tpu.memory_space<semaphore_mem>>) src(%dma_wait3A_250 : memref<128x128xf32, #tpu.memory_space<vmem_shared>>) dst(%arg16 : memref<128x128xf32, #tpu.memory_space<vmem>>)
      tpu.yield
    }) : () -> ()
    %mul3A_224 = arith.constant 640 : i32
    %mul3A_225 = arith.muli %arg1, %mul3A_224 : i32
    %add3A_226 = arith.constant 384 : i32
    %add3A_227 = arith.addi %mul3A_225, %add3A_226 : i32
    "tpu.region"() ({
      %run_scoped3A = tpu.sem_alloc : memref<!tpu.dma_semaphore, #tpu.memory_space<semaphore_mem>>
      %dma_start3A_243 = arith.constant 0 : i32
      %dma_start3A_244 = tpu.memref_slice %arg8[%arg0, %add3A_227, %dma_start3A_243] : memref<2x10240x128xf32, #tpu.memory_space<hbm>> -> memref<1x128x128xf32, #tpu.memory_space<hbm>>
      %dma_start3A_245 = tpu.memref_squeeze %dma_start3A_244 : memref<1x128x128xf32, #tpu.memory_space<hbm>> -> memref<128x128xf32, #tpu.memory_space<hbm>>
      %dma_start3A_246 = arith.constant 0 : i32
      %dma_start3A_247 = tpu.memref_slice %arg8[%arg0, %add3A_227, %dma_start3A_246] : memref<2x10240x128xf32, #tpu.memory_space<hbm>> -> memref<1x128x128xf32, #tpu.memory_space<hbm>>
      %dma_start3A_248 = tpu.memref_squeeze %dma_start3A_247 : memref<1x128x128xf32, #tpu.memory_space<hbm>> -> memref<128x128xf32, #tpu.memory_space<hbm>>
      tpu.enqueue_dma source(%arg16 : memref<128x128xf32, #tpu.memory_space<vmem>>) target(%dma_start3A_248 : memref<128x128xf32, #tpu.memory_space<hbm>>) target_semaphore(%run_scoped3A : memref<!tpu.dma_semaphore, #tpu.memory_space<semaphore_mem>>)
      %dma_wait3A_249 = arith.constant 0 : i32
      %dma_wait3A_250 = tpu.memref_slice %arg8[%arg0, %add3A_227, %dma_wait3A_249] : memref<2x10240x128xf32, #tpu.memory_space<hbm>> -> memref<1x128x128xf32, #tpu.memory_space<hbm>>
      %dma_wait3A_251 = tpu.memref_squeeze %dma_wait3A_250 : memref<1x128x128xf32, #tpu.memory_space<hbm>> -> memref<128x128xf32, #tpu.memory_space<hbm>>
      %dma_wait3A_252 = arith.constant 0 : i32
      %dma_wait3A_253 = tpu.memref_slice %arg8[%arg0, %add3A_227, %dma_wait3A_252] : memref<2x10240x128xf32, #tpu.memory_space<hbm>> -> memref<1x128x128xf32, #tpu.memory_space<hbm>>
      %dma_wait3A_254 = tpu.memref_squeeze %dma_wait3A_253 : memref<1x128x128xf32, #tpu.memory_space<hbm>> -> memref<128x128xf32, #tpu.memory_space<hbm>>
      tpu.wait_dma2 semaphore(%run_scoped3A : memref<!tpu.dma_semaphore, #tpu.memory_space<semaphore_mem>>) src(%arg16 : memref<128x128xf32, #tpu.memory_space<vmem>>) dst(%dma_wait3A_254 : memref<128x128xf32, #tpu.memory_space<hbm>>)
      tpu.yield
    }) : () -> ()
    %mul3A_228 = arith.constant 640 : i32
    %mul3A_229 = arith.muli %arg1, %mul3A_228 : i32
    %add3A_230 = arith.constant 512 : i32
    %add3A_231 = arith.addi %mul3A_229, %add3A_230 : i32
    "tpu.region"() ({
      %run_scoped3A = tpu.sem_alloc : memref<!tpu.dma_semaphore, #tpu.memory_space<semaphore_mem>>
      %dma_start3A_243 = arith.constant 0 : i32
      %dma_start3A_244 = tpu.memref_slice %arg23[%add3A_231, %dma_start3A_243] : memref<10240x128xf32, #tpu.memory_space<vmem_shared>> -> memref<128x128xf32, #tpu.memory_space<vmem_shared>>
      %dma_start3A_245 = arith.constant 0 : i32
      %dma_start3A_246 = tpu.memref_slice %arg23[%add3A_231, %dma_start3A_245] : memref<10240x128xf32, #tpu.memory_space<vmem_shared>> -> memref<128x128xf32, #tpu.memory_space<vmem_shared>>
      tpu.enqueue_dma source(%dma_start3A_246 : memref<128x128xf32, #tpu.memory_space<vmem_shared>>) target(%arg16 : memref<128x128xf32, #tpu.memory_space<vmem>>) target_semaphore(%run_scoped3A : memref<!tpu.dma_semaphore, #tpu.memory_space<semaphore_mem>>)
      %dma_wait3A_247 = arith.constant 0 : i32
      %dma_wait3A_248 = tpu.memref_slice %arg23[%add3A_231, %dma_wait3A_247] : memref<10240x128xf32, #tpu.memory_space<vmem_shared>> -> memref<128x128xf32, #tpu.memory_space<vmem_shared>>
      %dma_wait3A_249 = arith.constant 0 : i32
      %dma_wait3A_250 = tpu.memref_slice %arg23[%add3A_231, %dma_wait3A_249] : memref<10240x128xf32, #tpu.memory_space<vmem_shared>> -> memref<128x128xf32, #tpu.memory_space<vmem_shared>>
      tpu.wait_dma2 semaphore(%run_scoped3A : memref<!tpu.dma_semaphore, #tpu.memory_space<semaphore_mem>>) src(%dma_wait3A_250 : memref<128x128xf32, #tpu.memory_space<vmem_shared>>) dst(%arg16 : memref<128x128xf32, #tpu.memory_space<vmem>>)
      tpu.yield
    }) : () -> ()
    %mul3A_232 = arith.constant 640 : i32
    %mul3A_233 = arith.muli %arg1, %mul3A_232 : i32
    %add3A_234 = arith.constant 512 : i32
    %add3A_235 = arith.addi %mul3A_233, %add3A_234 : i32
    "tpu.region"() ({
      %run_scoped3A = tpu.sem_alloc : memref<!tpu.dma_semaphore, #tpu.memory_space<semaphore_mem>>
      %dma_start3A_243 = arith.constant 0 : i32
      %dma_start3A_244 = tpu.memref_slice %arg8[%arg0, %add3A_235, %dma_start3A_243] : memref<2x10240x128xf32, #tpu.memory_space<hbm>> -> memref<1x128x128xf32, #tpu.memory_space<hbm>>
      %dma_start3A_245 = tpu.memref_squeeze %dma_start3A_244 : memref<1x128x128xf32, #tpu.memory_space<hbm>> -> memref<128x128xf32, #tpu.memory_space<hbm>>
      %dma_start3A_246 = arith.constant 0 : i32
      %dma_start3A_247 = tpu.memref_slice %arg8[%arg0, %add3A_235, %dma_start3A_246] : memref<2x10240x128xf32, #tpu.memory_space<hbm>> -> memref<1x128x128xf32, #tpu.memory_space<hbm>>
      %dma_start3A_248 = tpu.memref_squeeze %dma_start3A_247 : memref<1x128x128xf32, #tpu.memory_space<hbm>> -> memref<128x128xf32, #tpu.memory_space<hbm>>
      tpu.enqueue_dma source(%arg16 : memref<128x128xf32, #tpu.memory_space<vmem>>) target(%dma_start3A_248 : memref<128x128xf32, #tpu.memory_space<hbm>>) target_semaphore(%run_scoped3A : memref<!tpu.dma_semaphore, #tpu.memory_space<semaphore_mem>>)
      %dma_wait3A_249 = arith.constant 0 : i32
      %dma_wait3A_250 = tpu.memref_slice %arg8[%arg0, %add3A_235, %dma_wait3A_249] : memref<2x10240x128xf32, #tpu.memory_space<hbm>> -> memref<1x128x128xf32, #tpu.memory_space<hbm>>
      %dma_wait3A_251 = tpu.memref_squeeze %dma_wait3A_250 : memref<1x128x128xf32, #tpu.memory_space<hbm>> -> memref<128x128xf32, #tpu.memory_space<hbm>>
      %dma_wait3A_252 = arith.constant 0 : i32
      %dma_wait3A_253 = tpu.memref_slice %arg8[%arg0, %add3A_235, %dma_wait3A_252] : memref<2x10240x128xf32, #tpu.memory_space<hbm>> -> memref<1x128x128xf32, #tpu.memory_space<hbm>>
      %dma_wait3A_254 = tpu.memref_squeeze %dma_wait3A_253 : memref<1x128x128xf32, #tpu.memory_space<hbm>> -> memref<128x128xf32, #tpu.memory_space<hbm>>
      tpu.wait_dma2 semaphore(%run_scoped3A : memref<!tpu.dma_semaphore, #tpu.memory_space<semaphore_mem>>) src(%arg16 : memref<128x128xf32, #tpu.memory_space<vmem>>) dst(%dma_wait3A_254 : memref<128x128xf32, #tpu.memory_space<hbm>>)
      tpu.yield
    }) : () -> ()
    %mul3A_236 = arith.constant 640 : i32
    %mul3A_237 = arith.muli %arg1, %mul3A_236 : i32
    "tpu.region"() ({
      %run_scoped3A = tpu.sem_alloc : memref<!tpu.dma_semaphore, #tpu.memory_space<semaphore_mem>>
      %dma_start3A_243 = tpu.memref_slice %arg24[%mul3A_237] : memref<10240xf32, #tpu.memory_space<vmem_shared>> -> memref<640xf32, #tpu.memory_space<vmem_shared>>
      %dma_start3A_244 = tpu.memref_slice %arg24[%mul3A_237] : memref<10240xf32, #tpu.memory_space<vmem_shared>> -> memref<640xf32, #tpu.memory_space<vmem_shared>>
      tpu.enqueue_dma source(%dma_start3A_244 : memref<640xf32, #tpu.memory_space<vmem_shared>>) target(%arg22 : memref<640xf32, #tpu.memory_space<vmem>>) target_semaphore(%run_scoped3A : memref<!tpu.dma_semaphore, #tpu.memory_space<semaphore_mem>>)
      %dma_wait3A_245 = tpu.memref_slice %arg24[%mul3A_237] : memref<10240xf32, #tpu.memory_space<vmem_shared>> -> memref<640xf32, #tpu.memory_space<vmem_shared>>
      %dma_wait3A_246 = tpu.memref_slice %arg24[%mul3A_237] : memref<10240xf32, #tpu.memory_space<vmem_shared>> -> memref<640xf32, #tpu.memory_space<vmem_shared>>
      tpu.wait_dma2 semaphore(%run_scoped3A : memref<!tpu.dma_semaphore, #tpu.memory_space<semaphore_mem>>) src(%dma_wait3A_246 : memref<640xf32, #tpu.memory_space<vmem_shared>>) dst(%arg22 : memref<640xf32, #tpu.memory_space<vmem>>)
      tpu.yield
    }) : () -> ()
    %mul3A_238 = arith.constant 10240 : i32
    %mul3A_239 = arith.muli %arg0, %mul3A_238 : i32
    %mul3A_240 = arith.constant 640 : i32
    %mul3A_241 = arith.muli %arg1, %mul3A_240 : i32
    %add3A_242 = arith.addi %mul3A_239, %mul3A_241 : i32
    "tpu.region"() ({
      %run_scoped3A = tpu.sem_alloc : memref<!tpu.dma_semaphore, #tpu.memory_space<semaphore_mem>>
      %dma_start3A_243 = tpu.memref_slice %arg9[%add3A_242] : memref<20480xf32, #tpu.memory_space<hbm>> -> memref<640xf32, #tpu.memory_space<hbm>>
      %dma_start3A_244 = tpu.memref_slice %arg9[%add3A_242] : memref<20480xf32, #tpu.memory_space<hbm>> -> memref<640xf32, #tpu.memory_space<hbm>>
      tpu.enqueue_dma source(%arg22 : memref<640xf32, #tpu.memory_space<vmem>>) target(%dma_start3A_244 : memref<640xf32, #tpu.memory_space<hbm>>) target_semaphore(%run_scoped3A : memref<!tpu.dma_semaphore, #tpu.memory_space<semaphore_mem>>)
      %dma_wait3A_245 = tpu.memref_slice %arg9[%add3A_242] : memref<20480xf32, #tpu.memory_space<hbm>> -> memref<640xf32, #tpu.memory_space<hbm>>
      %dma_wait3A_246 = tpu.memref_slice %arg9[%add3A_242] : memref<20480xf32, #tpu.memory_space<hbm>> -> memref<640xf32, #tpu.memory_space<hbm>>
      tpu.wait_dma2 semaphore(%run_scoped3A : memref<!tpu.dma_semaphore, #tpu.memory_space<semaphore_mem>>) src(%arg22 : memref<640xf32, #tpu.memory_space<vmem>>) dst(%dma_wait3A_246 : memref<640xf32, #tpu.memory_space<hbm>>)
      tpu.yield
    }) : () -> ()
    return
  }
}

module attributes {stable_mosaic.version = 14 : i64} {
  func.func @_tc_body(%arg0: i32, %arg1: memref<1024x128xf32, #tpu.memory_space<vmem>>, %arg2: memref<2x1024x128xf32, #tpu.memory_space<vmem>>, %arg3: memref<1024x1xf32, #tpu.memory_space<vmem>>, %arg4: memref<1x1024xf32, #tpu.memory_space<vmem>>, %arg5: memref<1x1024xf32, #tpu.memory_space<vmem>>, %arg6: memref<128x128xf32, #tpu.memory_space<vmem>>, %arg7: memref<128x128xf32, #tpu.memory_space<vmem>>, %arg8: memref<128x128xf32, #tpu.memory_space<vmem>>, %arg9: memref<128x128xf32, #tpu.memory_space<vmem>>, %arg10: memref<128x1xf32, #tpu.memory_space<vmem>>, %arg11: memref<1x1xf32, #tpu.memory_space<vmem>>, %arg12: memref<1x128xf32, #tpu.memory_space<vmem>>, %arg13: memref<1x128xf32, #tpu.memory_space<vmem>>) attributes {dimension_semantics = [#tpu.dimension_semantics<arbitrary>], iteration_bounds = array<i64: 10>, scalar_prefetch = 0 : i64, scratch_operands = 2 : i64, tpu.core_type = #tpu.core_type<tc>, window_params = [{transform_indices = @transform_0, window_bounds = array<i64: 1024, 128>}, {transform_indices = @transform_1, window_bounds = array<i64: 2, 1024, 128>}, {transform_indices = @transform_2, window_bounds = array<i64: 1024, 1>}, {transform_indices = @transform_3, window_bounds = array<i64: 1, 1024>}, {transform_indices = @transform_4, window_bounds = array<i64: 1, 1024>}, {pipeline_mode = #tpu.pipeline_mode<synchronous>, transform_indices = @transform_5, window_bounds = array<i64: 128, 128>}, {pipeline_mode = #tpu.pipeline_mode<synchronous>, transform_indices = @transform_6, window_bounds = array<i64: 128, 128>}, {pipeline_mode = #tpu.pipeline_mode<synchronous>, transform_indices = @transform_7, window_bounds = array<i64: 128, 128>}, {pipeline_mode = #tpu.pipeline_mode<synchronous>, transform_indices = @transform_8, window_bounds = array<i64: 128, 128>}, {pipeline_mode = #tpu.pipeline_mode<synchronous>, transform_indices = @transform_9, window_bounds = array<i64: 128, 1>}, {pipeline_mode = #tpu.pipeline_mode<synchronous>, transform_indices = @transform_10, window_bounds = array<i64: 1, 1>}]} {
    %eq3A = arith.constant 0 : i32
    %eq3A_0 = arith.cmpi eq, %arg0, %eq3A : i32
    %convert_element_type3A = arith.extui %eq3A_0 : i1 to i32
    %cond3A = arith.constant 0 : i32
    %cond3A_1 = arith.cmpi ne, %convert_element_type3A, %cond3A : i32
    scf.if %cond3A_1 {
      %broadcast_in_dim3A_61 = arith.constant 0.000000e+00 : f32
      %broadcast_in_dim3A_62 = vector.broadcast %broadcast_in_dim3A_61 : f32 to vector<1x128xf32>
      %swap3A_63 = arith.constant 0 : index
      %swap3A_64 = arith.constant 0 : index
      %swap3A_65 = vector.load %arg12[%swap3A_63, %swap3A_64] : memref<1x128xf32, #tpu.memory_space<vmem>>, vector<1x128xf32>
      tpu.vector_store %arg12[%swap3A_63, %swap3A_64], %broadcast_in_dim3A_62 {strides = array<i32>} : memref<1x128xf32, #tpu.memory_space<vmem>>, vector<1x128xf32>,
      %broadcast_in_dim3A_66 = arith.constant 0.000000e+00 : f32
      %broadcast_in_dim3A_67 = vector.broadcast %broadcast_in_dim3A_66 : f32 to vector<1x128xf32>
      %swap3A_68 = arith.constant 0 : index
      %swap3A_69 = arith.constant 0 : index
      %swap3A_70 = vector.load %arg13[%swap3A_68, %swap3A_69] : memref<1x128xf32, #tpu.memory_space<vmem>>, vector<1x128xf32>
      tpu.vector_store %arg13[%swap3A_68, %swap3A_69], %broadcast_in_dim3A_67 {strides = array<i32>} : memref<1x128xf32, #tpu.memory_space<vmem>>, vector<1x128xf32>,
    } else {
    }
    %get3A = arith.constant 0 : index
    %get3A_2 = arith.constant 0 : index
    %get3A_3 = arith.constant 0 : index
    %get3A_4 = vector.load %arg2[%get3A, %get3A_2, %get3A_3] : memref<2x1024x128xf32, #tpu.memory_space<vmem>>, vector<1x1024x128xf32>
    %get3A_5 = vector.shape_cast %get3A_4 : vector<1x1024x128xf32> to vector<1024x128xf32>
    %get3A_6 = arith.constant 1 : index
    %get3A_7 = arith.constant 0 : index
    %get3A_8 = arith.constant 0 : index
    %get3A_9 = vector.load %arg2[%get3A_6, %get3A_7, %get3A_8] : memref<2x1024x128xf32, #tpu.memory_space<vmem>>, vector<1x1024x128xf32>
    %get3A_10 = vector.shape_cast %get3A_9 : vector<1x1024x128xf32> to vector<1024x128xf32>
    %add3A = arith.addf %get3A_5, %get3A_10 : vector<1024x128xf32>
    %get3A_11 = arith.constant 0 : index
    %get3A_12 = arith.constant 0 : index
    %get3A_13 = vector.load %arg3[%get3A_11, %get3A_12] : memref<1024x1xf32, #tpu.memory_space<vmem>>, vector<1024x1xf32>
    %max3A = arith.constant 1.000000e+00 : f32
    %max3A_14 = vector.broadcast %max3A : f32 to vector<1024x1xf32>
    %max3A_15 = arith.maximumf %get3A_13, %max3A_14 : vector<1024x1xf32>
    %div3A = vector.broadcast %max3A_15 : vector<1024x1xf32> to vector<1024x128xf32>
    %div3A_16 = arith.divf %add3A, %div3A : vector<1024x128xf32>
    %get3A_17 = arith.constant 0 : index
    %get3A_18 = arith.constant 0 : index
    %get3A_19 = vector.load %arg1[%get3A_17, %get3A_18] : memref<1024x128xf32, #tpu.memory_space<vmem>>, vector<1024x128xf32>
    %get3A_20 = arith.constant 0 : index
    %get3A_21 = arith.constant 0 : index
    %get3A_22 = vector.load %arg6[%get3A_20, %get3A_21] : memref<128x128xf32, #tpu.memory_space<vmem>>, vector<128x128xf32>
    %dot_general3A = arith.constant dense<0.000000e+00> : vector<1024x128xf32>
    %dot_general3A_23 = tpu.matmul %get3A_19, %get3A_22, %dot_general3A {dimension_numbers = #tpu.dot_dimension_numbers<[1], [0], [0], [1], [0, 0, 1, 1], [], []>, transpose_lhs_hint = false} : vector<1024x128xf32>, vector<128x128xf32>, vector<1024x128xf32> -> vector<1024x128xf32>
    %get3A_24 = arith.constant 0 : index
    %get3A_25 = arith.constant 0 : index
    %get3A_26 = vector.load %arg7[%get3A_24, %get3A_25] : memref<128x128xf32, #tpu.memory_space<vmem>>, vector<128x128xf32>
    %dot_general3A_27 = arith.constant dense<0.000000e+00> : vector<1024x128xf32>
    %dot_general3A_28 = tpu.matmul %div3A_16, %get3A_26, %dot_general3A_27 {dimension_numbers = #tpu.dot_dimension_numbers<[1], [0], [0], [1], [0, 0, 1, 1], [], []>, transpose_lhs_hint = false} : vector<1024x128xf32>, vector<128x128xf32>, vector<1024x128xf32> -> vector<1024x128xf32>
    %add3A_29 = arith.addf %dot_general3A_23, %dot_general3A_28 : vector<1024x128xf32>
    %max3A_30 = arith.constant 0.000000e+00 : f32
    %max3A_31 = vector.broadcast %max3A_30 : f32 to vector<1024x128xf32>
    %max3A_32 = arith.maximumf %add3A_29, %max3A_31 : vector<1024x128xf32>
    %get3A_33 = arith.constant 0 : index
    %get3A_34 = arith.constant 0 : index
    %get3A_35 = vector.load %arg4[%get3A_33, %get3A_34] : memref<1x1024xf32, #tpu.memory_space<vmem>>, vector<1x1024xf32>
    %get3A_36 = arith.constant 0 : index
    %get3A_37 = arith.constant 0 : index
    %get3A_38 = vector.load %arg5[%get3A_36, %get3A_37] : memref<1x1024xf32, #tpu.memory_space<vmem>>, vector<1x1024xf32>
    %add3A_39 = arith.addf %get3A_35, %get3A_38 : vector<1x1024xf32>
    %get3A_40 = arith.constant 0 : index
    %get3A_41 = arith.constant 0 : index
    %get3A_42 = vector.load %arg12[%get3A_40, %get3A_41] : memref<1x128xf32, #tpu.memory_space<vmem>>, vector<1x128xf32>
    %reduce_sum3A = arith.constant dense<0.000000e+00> : vector<128xf32>
    %reduce_sum3A_43 = vector.multi_reduction <add>, %max3A_32, %reduce_sum3A [0] : vector<1024x128xf32> to vector<128xf32>
    %broadcast_in_dim3A = vector.shape_cast %reduce_sum3A_43 : vector<128xf32> to vector<1x128xf32>
    %add3A_44 = arith.addf %get3A_42, %broadcast_in_dim3A : vector<1x128xf32>
    %swap3A = arith.constant 0 : index
    %swap3A_45 = arith.constant 0 : index
    %swap3A_46 = vector.load %arg12[%swap3A, %swap3A_45] : memref<1x128xf32, #tpu.memory_space<vmem>>, vector<1x128xf32>
    tpu.vector_store %arg12[%swap3A, %swap3A_45], %add3A_44 {strides = array<i32>} : memref<1x128xf32, #tpu.memory_space<vmem>>, vector<1x128xf32>,
    %get3A_47 = arith.constant 0 : index
    %get3A_48 = arith.constant 0 : index
    %get3A_49 = vector.load %arg13[%get3A_47, %get3A_48] : memref<1x128xf32, #tpu.memory_space<vmem>>, vector<1x128xf32>
    %dot_general3A_50 = arith.constant dense<0.000000e+00> : vector<1x128xf32>
    %dot_general3A_51 = tpu.matmul %add3A_39, %max3A_32, %dot_general3A_50 {dimension_numbers = #tpu.dot_dimension_numbers<[1], [0], [0], [1], [0, 0, 1, 1], [], []>, transpose_lhs_hint = false} : vector<1x1024xf32>, vector<1024x128xf32>, vector<1x128xf32> -> vector<1x128xf32>
    %add3A_52 = arith.addf %get3A_49, %dot_general3A_51 : vector<1x128xf32>
    %swap3A_53 = arith.constant 0 : index
    %swap3A_54 = arith.constant 0 : index
    %swap3A_55 = vector.load %arg13[%swap3A_53, %swap3A_54] : memref<1x128xf32, #tpu.memory_space<vmem>>, vector<1x128xf32>
    tpu.vector_store %arg13[%swap3A_53, %swap3A_54], %add3A_52 {strides = array<i32>} : memref<1x128xf32, #tpu.memory_space<vmem>>, vector<1x128xf32>,
    %eq3A_56 = arith.constant 9 : i32
    %eq3A_57 = arith.cmpi eq, %arg0, %eq3A_56 : i32
    %convert_element_type3A_58 = arith.extui %eq3A_57 : i1 to i32
    %cond3A_59 = arith.constant 0 : i32
    %cond3A_60 = arith.cmpi ne, %convert_element_type3A_58, %cond3A_59 : i32
    scf.if %cond3A_60 {
      %get3A_61 = arith.constant 0 : index
      %get3A_62 = arith.constant 0 : index
      %get3A_63 = vector.load %arg12[%get3A_61, %get3A_62] : memref<1x128xf32, #tpu.memory_space<vmem>>, vector<1x128xf32>
      %get3A_64 = arith.constant 0 : index
      %get3A_65 = arith.constant 0 : index
      %get3A_66 = vector.load %arg8[%get3A_64, %get3A_65] : memref<128x128xf32, #tpu.memory_space<vmem>>, vector<128x128xf32>
      %dot_general3A_67 = arith.constant dense<0.000000e+00> : vector<1x128xf32>
      %dot_general3A_68 = tpu.matmul %get3A_63, %get3A_66, %dot_general3A_67 {dimension_numbers = #tpu.dot_dimension_numbers<[1], [0], [0], [1], [0, 0, 1, 1], [], []>, transpose_lhs_hint = false} : vector<1x128xf32>, vector<128x128xf32>, vector<1x128xf32> -> vector<1x128xf32>
      %get3A_69 = arith.constant 0 : index
      %get3A_70 = arith.constant 0 : index
      %get3A_71 = vector.load %arg13[%get3A_69, %get3A_70] : memref<1x128xf32, #tpu.memory_space<vmem>>, vector<1x128xf32>
      %get3A_72 = arith.constant 0 : index
      %get3A_73 = arith.constant 0 : index
      %get3A_74 = vector.load %arg9[%get3A_72, %get3A_73] : memref<128x128xf32, #tpu.memory_space<vmem>>, vector<128x128xf32>
      %dot_general3A_75 = arith.constant dense<0.000000e+00> : vector<1x128xf32>
      %dot_general3A_76 = tpu.matmul %get3A_71, %get3A_74, %dot_general3A_75 {dimension_numbers = #tpu.dot_dimension_numbers<[1], [0], [0], [1], [0, 0, 1, 1], [], []>, transpose_lhs_hint = false} : vector<1x128xf32>, vector<128x128xf32>, vector<1x128xf32> -> vector<1x128xf32>
      %add3A_77 = arith.addf %dot_general3A_68, %dot_general3A_76 : vector<1x128xf32>
      %mul3A = arith.constant 9.99999974E-5 : f32
      %mul3A_78 = vector.broadcast %mul3A : f32 to vector<1x128xf32>
      %mul3A_79 = arith.mulf %add3A_77, %mul3A_78 : vector<1x128xf32>
      %get3A_80 = arith.constant 0 : index
      %get3A_81 = arith.constant 0 : index
      %get3A_82 = vector.load %arg10[%get3A_80, %get3A_81] : memref<128x1xf32, #tpu.memory_space<vmem>>, vector<128x1xf32>
      %dot_general3A_83 = arith.constant dense<0.000000e+00> : vector<1x1xf32>
      %dot_general3A_84 = tpu.matmul %mul3A_79, %get3A_82, %dot_general3A_83 {dimension_numbers = #tpu.dot_dimension_numbers<[1], [0], [0], [1], [0, 0, 1, 1], [], []>, transpose_lhs_hint = false} : vector<1x128xf32>, vector<128x1xf32>, vector<1x1xf32> -> vector<1x1xf32>
      %logistic3A = arith.negf %dot_general3A_84 : vector<1x1xf32>
      %logistic3A_85 = math.exp %logistic3A : vector<1x1xf32>
      %logistic3A_86 = arith.constant 1.000000e+00 : f32
      %logistic3A_87 = vector.broadcast %logistic3A_86 : f32 to vector<1x1xf32>
      %logistic3A_88 = arith.addf %logistic3A_87, %logistic3A_85 : vector<1x1xf32>
      %logistic3A_89 = arith.divf %logistic3A_87, %logistic3A_88 : vector<1x1xf32>
      %swap3A_90 = arith.constant 0 : index
      %swap3A_91 = arith.constant 0 : index
      %swap3A_92 = vector.load %arg11[%swap3A_90, %swap3A_91] : memref<1x1xf32, #tpu.memory_space<vmem>>, vector<1x1xf32>
      tpu.vector_store %arg11[%swap3A_90, %swap3A_91], %logistic3A_89 {strides = array<i32>} : memref<1x1xf32, #tpu.memory_space<vmem>>, vector<1x1xf32>,
    } else {
    }
    return
  }
  func.func @transform_0(%arg0: i32) -> (i32, i32) {
    %c0_i32 = arith.constant 0 : i32
    %c0_i32_0 = arith.constant 0 : i32
    return %arg0, %c0_i32 : i32, i32
  }
  func.func @transform_1(%arg0: i32) -> (i32, i32, i32) {
    %c0_i32 = arith.constant 0 : i32
    %c0_i32_0 = arith.constant 0 : i32
    %c0_i32_1 = arith.constant 0 : i32
    return %c0_i32, %arg0, %c0_i32_0 : i32, i32, i32
  }
  func.func @transform_2(%arg0: i32) -> (i32, i32) {
    %c0_i32 = arith.constant 0 : i32
    %c0_i32_0 = arith.constant 0 : i32
    return %arg0, %c0_i32 : i32, i32
  }
  func.func @transform_3(%arg0: i32) -> (i32, i32) {
    %c0_i32 = arith.constant 0 : i32
    %c0_i32_0 = arith.constant 0 : i32
    return %c0_i32, %arg0 : i32, i32
  }
  func.func @transform_4(%arg0: i32) -> (i32, i32) {
    %c0_i32 = arith.constant 0 : i32
    %c0_i32_0 = arith.constant 0 : i32
    return %c0_i32, %arg0 : i32, i32
  }
  func.func @transform_5(%arg0: i32) -> (i32, i32) {
    %c0_i32 = arith.constant 0 : i32
    %c0_i32_0 = arith.constant 0 : i32
    %c0_i32_1 = arith.constant 0 : i32
    return %c0_i32, %c0_i32_0 : i32, i32
  }
  func.func @transform_6(%arg0: i32) -> (i32, i32) {
    %c0_i32 = arith.constant 0 : i32
    %c0_i32_0 = arith.constant 0 : i32
    %c0_i32_1 = arith.constant 0 : i32
    return %c0_i32, %c0_i32_0 : i32, i32
  }
  func.func @transform_7(%arg0: i32) -> (i32, i32) {
    %c0_i32 = arith.constant 0 : i32
    %c0_i32_0 = arith.constant 0 : i32
    %c0_i32_1 = arith.constant 0 : i32
    return %c0_i32, %c0_i32_0 : i32, i32
  }
  func.func @transform_8(%arg0: i32) -> (i32, i32) {
    %c0_i32 = arith.constant 0 : i32
    %c0_i32_0 = arith.constant 0 : i32
    %c0_i32_1 = arith.constant 0 : i32
    return %c0_i32, %c0_i32_0 : i32, i32
  }
  func.func @transform_9(%arg0: i32) -> (i32, i32) {
    %c0_i32 = arith.constant 0 : i32
    %c0_i32_0 = arith.constant 0 : i32
    %c0_i32_1 = arith.constant 0 : i32
    return %c0_i32, %c0_i32_0 : i32, i32
  }
  func.func @transform_10(%arg0: i32) -> (i32, i32) {
    %c0_i32 = arith.constant 0 : i32
    %c0_i32_0 = arith.constant 0 : i32
    %c0_i32_1 = arith.constant 0 : i32
    return %c0_i32, %c0_i32_0 : i32, i32
  }
}

</mosaic_0001>

<sc_bundles>
// kernel: kernel.5.cloned.1.call-start
scs
__scs_entry_jumppad:
0x0: {  	(pc) =	sbr.rel $0x88, $3  }
0x1: {  	(tag) =	ssettag $0x0;
	lr =	simm.s32 $0x1  }
0x2: {  	[smem:$0x3F9A] =	sst lr;
	_ =	strace $0xD0000000  }
0x3: {  	_ = 	snop  }
0x4: {  	_ = 	snop  }
0x5: {  	_ = 	snop  }
0x6: {  	_ = 	snop  }
0x7: {  	_ = 	snop  }
__scs_overlays_trampoline_lowered:
0x8: {  	[smem:$0x3FA9] =	sst s0  }
0x9: {  	[smem:$0x3FAA] =	sst s1  }
0xa: {  	[smem:$0x3FAB] =	sst s2  }
0xb: {  	[smem:$0x3FAC] =	sst s3  }
0xc: {  	[smem:$0x3FAD] =	sst s4  }
0xd: {  	[smem:$0x3FAE] =	sst s5  }
0xe: {  	[smem:$0x3FAF] =	sst s6  }
0xf: {  	[smem:$0x3FB0] =	sst s7  }
0x10: {  	[smem:$0x3FB1] =	sst s8  }
0x11: {  	[smem:$0x3FB2] =	sst s9;
	s0 =	simm.s32 @!p0 $0x0  }
0x12: {  	s1 =	sld [smem:$0x3F98];
	s0 =	simm.s32 @p0 $0x1  }
0x13: {  	[smem:$0x3FB3] =	sst s0;
	s0 =	simm.s32 @!p1 $0x0  }
0x14: {  	s2 =	sld [smem:$0x3F97];
	s0 =	simm.s32 @p1 $0x1  }
0x15: {  	[smem:$0x3FB4] =	sst s0;
	s0 =	simm.s32 @!p2 $0x0  }
0x16: {  	s3 =	sld [smem:$0x3FDB];
	s0 =	simm.s32 @p2 $0x1  }
0x17: {  	s4 =	simm.s32 $0x1BF5;
	[smem:$0x3FB6] =	sst s0  }
0x18: {  	s0 =	sld [smem:$0x3F99];
	_ =	swait.ge [sflag:s4], $0x0  }
0x19: {  	s7 =	sld [smem:$0x3F9A]  }
0x1a: {  	s8 =	sadd.s32 $0xFFFFE003, lr  }
0x1b: {  	s9 =	sadd.s32 $0xFFFFFEF7, lr;
	s5 =	simm.s32 $0xFFFFFFFF;
	p2 =	slt.u32 s8, $0xFFFFF086  }
0x1c: {  	p1 =	slt.u32 s9, $0xF7A;
	s5 =	simm.s32 @!p2 $0x0  }
0x1d: {  	s5 =	simm.s32 @p1 $0x1;
	p0 =	seq.s32 s7, s2  }
0x1e: {  	s7 =	smul.u32 @!p0 $0xF7A, s2;
	p2 =	seq.s32 @!p0 s5, $0x0  }
0x1f: {  	s9 =	smul.u32 $0xF7A, s1;
	s8 =	simm.s32 @!p0 $0x1BF5;
	p2 =	por !p2, p0  }
0x20: {  	[sflag:s8] =	ssyncset.s32 @!p0 $0xFFFFF086;
	s6 =	sadd.s32 @!p0 s3, s7;
	s7 =	simm.s32 @!p0 $0x108  }
0x21: {  	s3 =	sadd.s32 s3, s9;
	s6 =	sadd.s32 @!p0 $0x88, s6;
	s7 =	simm.s32 @p2 $0x1082  }
0x22: {  	[simem:s7], [sflag:s8] =	dma.local @!p0 [hbm:s6], $0xF7A  }
0x23: {  	s9 =	sor.u32 $0xD0000000, s2;
	s6 =	simm.s32 $0x108;
	_ =	swait.ge @!p0 [sflag:s8], $0x0  }
0x24: {  	s3 =	sadd.s32 $0x88, s3;
	s6 =	simm.s32 @!p1 $0x1082;
	[sflag:s4] =	ssyncset.s32 $0xFFFFF086  }
0x25: {  	[simem:s6], [sflag:s4] =	dma.local [hbm:s3], $0xF7A  }
0x26: {  	[smem:$0x3F9A] =	sst s1;
	(tag) =	ssettag s2;
	_ =	strace s9  }
0x27: {  	s1 =	sld [smem:$0x3FAA]  }
0x28: {  	s2 =	sld [smem:$0x3FAB]  }
0x29: {  	s4 =	sld [smem:$0x3FAD]  }
0x2a: {  	p0 =	seq.s32 s5, $0x0;
	s5 =	sld [smem:$0x3FAE]  }
0x2b: {  	s6 =	sld [smem:$0x3FAF]  }
0x2c: {  	s7 =	sld [smem:$0x3FB0]  }
0x2d: {  	s3 =	simm.s32 $0x108;
	s8 =	sld [smem:$0x3FB1]  }
0x2e: {  	s3 =	simm.s32 @!p0 $0x1082;
	s9 =	sld [smem:$0x3FB2]  }
0x2f: {  	lr =	sadd.s32 s0, s3;
	s0 =	sld [smem:$0x3FA9]  }
0x30: {  	s3 =	sld [smem:$0x3FAC]  }
0x31: {  	[smem:$0x3FB5] =	sst s10  }
0x32: {  	s10 =	sld [smem:$0x3FB3];
	_ =	sdelay $0x3  }
0x33: {  	p0 =	seq.s32 s10, $0x1;
	s10 =	sld [smem:$0x3FB5];
	_ =	sdelay $0x3  }
0x34: {  	[smem:$0x3FB5] =	sst s10  }
0x35: {  	s10 =	sld [smem:$0x3FB4];
	_ =	sdelay $0x3  }
0x36: {  	p1 =	seq.s32 s10, $0x1;
	s10 =	sld [smem:$0x3FB5];
	_ =	sdelay $0x3  }
0x37: {  	[smem:$0x3FB5] =	sst s10  }
0x38: {  	s10 =	sld [smem:$0x3FB6]  }
0x39: {  	_ = 	snop;
	(pc) =	sbr.ind lr, $3  }
0x3a: {  	_ = 	snop  }
0x3b: {  	_ = 	snop  }
0x3c: {  	p2 =	seq.s32 s10, $0x1;
	s10 =	sld [smem:$0x3FB5]  }
0x3d: {  	_ =	shalt  }
0x3e: {  	_ =	shalt  }
0x3f: {  	_ =	shalt  }
0x40: {  	_ =	shalt  }
0x41: {  	_ =	shalt  }
0x42: {  	_ =	shalt  }
0x43: {  	_ =	shalt  }
0x44: {  	_ =	shalt  }
0x45: {  	_ =	shalt  }
0x46: {  	_ =	shalt  }
0x47: {  	_ =	shalt  }
0x48: {  	_ =	shalt  }
0x49: {  	_ =	shalt  }
0x4a: {  	_ =	shalt  }
0x4b: {  	_ =	shalt  }
0x4c: {  	_ =	shalt  }
0x4d: {  	_ =	shalt  }
0x4e: {  	_ =	shalt  }
0x4f: {  	_ =	shalt  }
0x50: {  	_ =	shalt  }
0x51: {  	_ =	shalt  }
0x52: {  	_ =	shalt  }
0x53: {  	_ =	shalt  }
0x54: {  	_ =	shalt  }
0x55: {  	_ =	shalt  }
0x56: {  	_ =	shalt  }
0x57: {  	_ =	shalt  }
0x58: {  	_ =	shalt  }
0x59: {  	_ =	shalt  }
0x5a: {  	_ =	shalt  }
0x5b: {  	_ =	shalt  }
0x5c: {  	_ =	shalt  }
0x5d: {  	_ =	shalt  }
0x5e: {  	_ =	shalt  }
0x5f: {  	_ =	shalt  }
0x60: {  	_ =	shalt  }
0x61: {  	_ =	shalt  }
0x62: {  	_ =	shalt  }
0x63: {  	_ =	shalt  }
0x64: {  	_ =	shalt  }
0x65: {  	_ =	shalt  }
0x66: {  	_ =	shalt  }
0x67: {  	_ =	shalt  }
0x68: {  	_ =	shalt  }
0x69: {  	_ =	shalt  }
0x6a: {  	_ =	shalt  }
0x6b: {  	_ =	shalt  }
0x6c: {  	_ =	shalt  }
0x6d: {  	_ =	shalt  }
0x6e: {  	_ =	shalt  }
0x6f: {  	_ =	shalt  }
0x70: {  	_ =	shalt  }
0x71: {  	_ =	shalt  }
0x72: {  	_ =	shalt  }
0x73: {  	_ =	shalt  }
0x74: {  	_ =	shalt  }
0x75: {  	_ =	shalt  }
0x76: {  	_ =	shalt  }
0x77: {  	_ =	shalt  }
0x78: {  	_ =	shalt  }
0x79: {  	_ =	shalt  }
0x7a: {  	_ =	shalt  }
0x7b: {  	_ =	shalt  }
0x7c: {  	_ =	shalt  }
0x7d: {  	_ =	shalt  }
0x7e: {  	_ =	shalt  }
0x7f: {  	_ =	shalt  }
0x80: {  	_ =	shalt  }
0x81: {  	_ =	shalt  }
0x82: {  	_ =	shalt  }
0x83: {  	_ =	shalt  }
0x84: {  	_ =	shalt  }
0x85: {  	_ =	shalt  }
0x86: {  	_ =	shalt  }
0x87: {  	_ =	shalt  }
.Lfunc_end0:
.L_simem_size_0:
called_computation_lowered:
.L_overlay_start_0:
0x88: {  	s0 =	sld [smem:$0x3FD9]  }
0x89: {  	s1 =	sld [smem:$0x3FFE];
	_ =	sdelay $0x3  }
0x8a: {  	s0 =	sadd.s32 s1, s0  }
0x8b: {  	[smem:$0x3FC1] =	sst s0  }
0x8c: {  	_ = 	snop  }
0x8d: {  	(tm) =	ssettm $0x1  }
0x8e: {  	s15 =	sld [smem:$0x3FFB];
	_ =	sdelay $0x3  }
0x8f: {  	_ =	strace s15  }
0x90: {  	s0 =	sld [smem:$0x3FFC];
	_ =	sdelay $0x3  }
0x91: {  	_ =	strace s0  }
0x92: {  	s0 =	sld [smem:$0x3FFD];
	_ =	sdelay $0x3  }
0x93: {  	_ =	strace s0  }
0x94: {  	_ =	strace $0x8FFFFFFF  }
0x95: {  	s16 =	sld [smem:$0x3FDB];
	_ =	sdelay $0x1  }
0x96: {  	s17 =	simm.s32 $_scs_section_size  }
0x97: {  	s2 =	simm.s32 $_size__tile_overlayer_lowered;
	s3 =	simm.s32 $_tile_overlayer_lowered  }
0x98: {  	s20 =	simm.s32 $0x1BFF;
	s19 =	sshll.u32 s3, $0x1;
	s0 =	sadd.s32 s17, s16  }
0x99: {  	s4 =	simm.s32 $0x0;
	s18 =	sshll.u32 s2, $0x1;
	s2 =	sadd.s32 s19, s0  }
0x9a: {  	[timem:s4], [sflag:s20] =	dma.local [hbm:s2], s18  }
0x9b: {  	_ =	swait.ge [sflag:s20], s18  }
0x9c: {  	s1 =	ssub.s32 $0x0, s18;
	[sflag:s20] =	ssyncset.done $0x0  }
0x9d: {  	[sflag:s20] =	ssyncadd.s32 s1;
	_ =	sdelay $0x1  }
0x9e: {  	s21 =	simm.s32 $0x1B8B  }
0x9f: {  	_ =	swait.ge [sflag:s21], $0x1  }
0xa0: {  	[sflag:s21] =	ssyncset.done $0x0  }
0xa1: {  	s23 =	simm.s32 $0x1B8E;
	s22 =	sld [smem:$0x3FFE];
	[sflag:s21] =	ssyncadd.s32 $0xFFFFFFFF  }
0xa2: {  	s24 =	simm.s32 $execute0_lowered;
	[smem:$0x3FD2] =	sst s23  }
0xa3: {  	s2 =	sshll.u32 s24, $0x1;
	_ =	strace $0x80000046;
	[dreg:$0x1] =	wrdreg $0xFFFFFFFF  }
0xa4: {  	s25 =	simm.s32 $_size_execute0_lowered;
	s0 =	sadd.s32 s0, s2;
	[dreg:$0x0] =	wrdreg $0x0  }
0xa5: {  	s2 =	sshll.u32 s25, $0x1;
	[dreg:$0x2] =	wrdreg s0  }
0xa6: {  	[dreg:$0x3] =	wrdreg s2  }
0xa7: {  	[dreg:$0x4] =	wrdreg $0xC0  }
0xa8: {  	_ =	task [dreg:s4], $0x5FFFF  }
0xa9: {  	[dreg:$0x1] =	wrdreg $0xFFFFFFFF  }
0xaa: {  	[dreg:$0x0] =	wrdreg $0x60  }
0xab: {  	[dreg:$0x2] =	wrdreg s22  }
0xac: {  	[dreg:$0x3] =	wrdreg $0x52000  }
0xad: {  	[dreg:$0x4] =	wrdreg $0x9  }
0xae: {  	_ =	task.clear_ibuf [dreg:s4], $0x5FFFF;
	_ =	strace $0x90000046  }
0xaf: {  	s26 =	simm.s32 $0x9;
	_ =	strace $0x80000048  }
0xb0: {  	_ =	swait.ge [sflag:s26], $0x1  }
0xb1: {  	[sflag:s26] =	ssyncadd.s32 $0xFFFFFFFF  }
0xb2: {  	_ =	strace $0x90000048  }
0xb3: {  	_ =	sfence  }
0xb4: {  	s28 =	sld [smem:$0x0];
	_ =	sdelay $0x1  }
0xb5: {  	s29 =	srdreg.scid  }
0xb6: {  	s30 =	sshll.u32 s29, $0xD;
	s31 =	sshrl.u32 s29, $0x2  }
0xb7: {  	s1 =	sand.u32 $0x1, s29;
	s2 =	sand.u32 $0x4000, s30;
	s0 =	sadd.s32 s31, s28  }
0xb8: {  	s1 =	sor.u32 s2, s1;
	s0 =	sshll.u32 s0, $0x11  }
0xb9: {  	s0 =	sor.u32 s0, s1  }
0xba: {  	s0 =	sadd.s32 $0x8F2B, s0  }
0xbb: {  	[sflag:s0] =	ssyncadd.remote.s32 $0x1  }
0xbc: {  	_ =	sfence.sel $0xFFFF  }
0xbd: {  	[dreg:$0x0] =	wrdreg $0xFFFFFFFF;
	(pc) =	sbr.abs _section_cstart, $3  }
0xbe: {  	[dreg:$0x1] =	wrdreg $0xFFFFFFFF  }
0xbf: {  	_ =	task.clear_ibuf [dreg:s4], $0x2FFFF;
	_ =	strace $0x9FFFFFFF  }
0xc0: {  	(tm) =	ssettm $0x7FFFFFFF  }
0xc1: {  	_ =	shalt  }
tec
execute0_lowered:
.L_overlay_start_1:
0x0: {  	(tag) =	ssettag $0x1  }
0x1: {  	s7 =	rddreg [dreg:$0x0]  }
0x2: {  	s2 =	rddreg [dreg:$0x1]  }
0x3: {  	s0 =	rddreg [dreg:$0x2];
	s4 =	simm.s32 $0x0  }
0x4: {  	[smem:$0x7FF] =	sst s4  }
0x5: {  	s5 =	simm.s32 $0x4F80;
	s1 =	sadd.s32 $0x16200, s7;
	_ =	strace $0x80000047  }
0x6: {  	[tilespmem:s5], [sflag:$0x2] =	stream.linear.gather [hbm4b:s1+s4], $0x280, $0x38;
	[tilespmem:$0x5480] =	vst v63  }
0x7: {  	s6 =	simm.s32 $0x2;
	s1 =	stileid.u32  }
0x8: {  	s8 =	smul.u32 $0x280, s1;
	_ =	swait.ge [sflag:s6], $0x280  }
0x9: {  	[sflag:s6] =	ssyncset.done $0x0  }
0xa: {  	s3 =	sadd.s32 s8, s2;
	[sflag:s6] =	ssyncadd.s32 $0xFFFFFD80  }
0xb: {  	[spmem:s3] =	stream.linear.scatter [tilespmem:s5], [sflag:$0x2], $0x280, $0x38;
	[tilespmem:$0x5480] =	vst v63  }
0xc: {  	_ =	swait.ge [sflag:s6], $0x280  }
0xd: {  	[sflag:s6] =	ssyncset.done $0x0  }
0xe: {  	v0 =	vimm.f32 $1.000000000e+00;
	[sflag:s6] =	ssyncadd.s32 $0xFFFFFD80  }
0xf: {  	[tilespmem:$0x4F00] =	vst v0  }
0x10: {  	[tilespmem:$0x4F10] =	vst v0  }
0x11: {  	[tilespmem:$0x4F20] =	vst v0  }
0x12: {  	[tilespmem:$0x4F30] =	vst v0  }
0x13: {  	[tilespmem:$0x4F40] =	vst v0  }
0x14: {  	s18 =	smul.u32 $0x9C0, s1;
	[tilespmem:$0x4F50] =	vst v0  }
0x15: {  	s9 =	sadd.s32 $0x2600, s7;
	[tilespmem:$0x4F60] =	vst v0  }
0x16: {  	p0 =	sgt.u32 s1, $0x1;
	s5 =	sadd.s32 s9, s18;
	[tilespmem:$0x4F70] =	vst v0  }
0x17: {  	[tilespmem:s4], [sflag:$0x2] =	stream.linear.gather [hbm4b:s5+s4], $0x4E00, $0x38;
	[tilespmem:$0x5480] =	vst v63  }
0x18: {  	s4 =	sshll.u32 @!p0 s1, $0x5;
	_ =	swait.ge [sflag:s6], $0x4E00  }
0x19: {  	s5 =	simm.s32 @!p0 $0x0;
	s4 =	sadd.s32 @!p0 s4, s9;
	[sflag:s6] =	ssyncset.done $0x0  }
0x1a: {  	s4 =	sadd.s32 @!p0 $0x9C00, s4;
	[sflag:s6] =	ssyncadd.s32 $0xFFFFB200;
	s6 =	simm.s32 @!p0 $0x4E00  }
0x1b: {  	[tilespmem:s6], [sflag:$0x2] =	stream.linear.gather @!p0 [hbm4b:s4+s5], $0x100, $0x38;
	[tilespmem:$0x5480] =	vst v63  }
0x1c: {  	s4 =	simm.s32 @!p0 $0x2  }
0x1d: {  	_ =	swait.ge @!p0 [sflag:s4], $0x100  }
0x1e: {  	[sflag:s4] =	ssyncset.done @!p0 $0x0  }
0x1f: {  	s19 =	simm.s32 $0x0;
	[sflag:s4] =	ssyncadd.s32 @!p0 $0xFFFFFF00  }
0x20: {  	s5 =	simm.s32 $0x80;
	s6 =	simm.s32 $0x4F00;
	[bflag:$0x0] =	sbarrier.arrive $0xFFFF  }
0x21: {  	[spmem:s2] =	stream.indirect.scatter.add.f32 [tilespmem:s6], [sflag:$0x1], $0x1, s19, s5, $0xb8;
	[tilespmem:$0x5480] =	vst v63  }
0x22: {  	s20 =	simm.s32 $0x80  }
0x23: {  	[spmem:s2] =	stream.indirect.scatter.add.f32 [tilespmem:s6], [sflag:$0x1], $0x1, s20, s5, $0xb8;
	[tilespmem:$0x5480] =	vst v63  }
0x24: {  	s21 =	simm.s32 $0x100  }
0x25: {  	[spmem:s2] =	stream.indirect.scatter.add.f32 [tilespmem:s6], [sflag:$0x1], $0x1, s21, s5, $0xb8;
	[tilespmem:$0x5480] =	vst v63  }
0x26: {  	s22 =	simm.s32 $0x180  }
0x27: {  	[spmem:s2] =	stream.indirect.scatter.add.f32 [tilespmem:s6], [sflag:$0x1], $0x1, s22, s5, $0xb8;
	[tilespmem:$0x5480] =	vst v63  }
0x28: {  	s23 =	simm.s32 $0x200  }
0x29: {  	[spmem:s2] =	stream.indirect.scatter.add.f32 [tilespmem:s6], [sflag:$0x1], $0x1, s23, s5, $0xb8;
	[tilespmem:$0x5480] =	vst v63  }
0x2a: {  	s24 =	simm.s32 $0x280  }
0x2b: {  	[spmem:s2] =	stream.indirect.scatter.add.f32 [tilespmem:s6], [sflag:$0x1], $0x1, s24, s5, $0xb8;
	[tilespmem:$0x5480] =	vst v63  }
0x2c: {  	s25 =	simm.s32 $0x300  }
0x2d: {  	[spmem:s2] =	stream.indirect.scatter.add.f32 [tilespmem:s6], [sflag:$0x1], $0x1, s25, s5, $0xb8;
	[tilespmem:$0x5480] =	vst v63  }
0x2e: {  	s26 =	simm.s32 $0x380  }
0x2f: {  	[spmem:s2] =	stream.indirect.scatter.add.f32 [tilespmem:s6], [sflag:$0x1], $0x1, s26, s5, $0xb8;
	[tilespmem:$0x5480] =	vst v63  }
0x30: {  	s28 =	simm.s32 $0x400  }
0x31: {  	[spmem:s2] =	stream.indirect.scatter.add.f32 [tilespmem:s6], [sflag:$0x1], $0x1, s28, s5, $0xb8;
	[tilespmem:$0x5480] =	vst v63  }
0x32: {  	s29 =	simm.s32 $0x480  }
0x33: {  	[spmem:s2] =	stream.indirect.scatter.add.f32 [tilespmem:s6], [sflag:$0x1], $0x1, s29, s5, $0xb8;
	[tilespmem:$0x5480] =	vst v63  }
0x34: {  	s30 =	simm.s32 $0x500  }
0x35: {  	[spmem:s2] =	stream.indirect.scatter.add.f32 [tilespmem:s6], [sflag:$0x1], $0x1, s30, s5, $0xb8;
	[tilespmem:$0x5480] =	vst v63  }
0x36: {  	s31 =	simm.s32 $0x580;
	s4 =	simm.s32 $0x1  }
0x37: {  	[spmem:s2] =	stream.indirect.scatter.add.f32 [tilespmem:s6], [sflag:$0x1], $0x1, s31, s5, $0xb8;
	[tilespmem:$0x5480] =	vst v63  }
0x38: {  	_ =	swait.ge [sflag:s4], $0x80  }
0x39: {  	[sflag:s4] =	ssyncset.done $0x0  }
0x3a: {  	[sflag:s4] =	ssyncadd.s32 $0xFFFFFF80  }
0x3b: {  	_ =	swait.ge [sflag:s4], $0x80  }
0x3c: {  	[sflag:s4] =	ssyncset.done $0x0  }
0x3d: {  	[sflag:s4] =	ssyncadd.s32 $0xFFFFFF80  }
0x3e: {  	_ =	swait.ge [sflag:s4], $0x80  }
0x3f: {  	[sflag:s4] =	ssyncset.done $0x0  }
0x40: {  	[sflag:s4] =	ssyncadd.s32 $0xFFFFFF80  }
0x41: {  	_ =	swait.ge [sflag:s4], $0x80  }
0x42: {  	[sflag:s4] =	ssyncset.done $0x0  }
0x43: {  	[sflag:s4] =	ssyncadd.s32 $0xFFFFFF80  }
0x44: {  	_ =	swait.ge [sflag:s4], $0x80  }
0x45: {  	[sflag:s4] =	ssyncset.done $0x0  }
0x46: {  	[sflag:s4] =	ssyncadd.s32 $0xFFFFFF80  }
0x47: {  	_ =	swait.ge [sflag:s4], $0x80  }
0x48: {  	[sflag:s4] =	ssyncset.done $0x0  }
0x49: {  	[sflag:s4] =	ssyncadd.s32 $0xFFFFFF80  }
0x4a: {  	_ =	swait.ge [sflag:s4], $0x80  }
0x4b: {  	[sflag:s4] =	ssyncset.done $0x0  }
0x4c: {  	[sflag:s4] =	ssyncadd.s32 $0xFFFFFF80  }
0x4d: {  	_ =	swait.ge [sflag:s4], $0x80  }
0x4e: {  	[sflag:s4] =	ssyncset.done $0x0  }
0x4f: {  	[sflag:s4] =	ssyncadd.s32 $0xFFFFFF80  }
0x50: {  	_ =	swait.ge [sflag:s4], $0x80  }
0x51: {  	[sflag:s4] =	ssyncset.done $0x0  }
0x52: {  	[sflag:s4] =	ssyncadd.s32 $0xFFFFFF80  }
0x53: {  	_ =	swait.ge [sflag:s4], $0x80  }
0x54: {  	[sflag:s4] =	ssyncset.done $0x0  }
0x55: {  	[sflag:s4] =	ssyncadd.s32 $0xFFFFFF80  }
0x56: {  	_ =	swait.ge [sflag:s4], $0x80  }
0x57: {  	[sflag:s4] =	ssyncset.done $0x0  }
0x58: {  	s8 =	sshrl.u32 s8, $0x3;
	[sflag:s4] =	ssyncadd.s32 $0xFFFFFF80  }
0x59: {  	s10 =	simm.s32 $0x3000;
	s7 =	sadd.s32 s8, s7;
	_ =	swait.ge [sflag:s4], $0x80  }
0x5a: {  	s8 =	simm.s32 $0x1800;
	s7 =	sadd.s32 $0x16400, s7;
	[sflag:s4] =	ssyncset.done $0x0  }
.LBB2_1:
0x5b: {  	s11 =	sshra.s32 s8, $0x2  }
0x5c: {  	[sflag:s4] =	ssyncadd.s32 $0xFFFFFF80;
	s8 =	smov.u32 s10;
	s9 =	sadd.s32 $0x1800, s10  }
0x5d: {  	[spmem:s2] =	stream.indirect.scatter.add.f32 [tilespmem:s6], [sflag:$0x1], $0x1, s11, s5, $0xb8;
	[tilespmem:$0x5480] =	vst v63  }
0x5e: {  	p1 =	sne.s32 s10, $0x12000;
	s10 =	sadd.s32 $0x80, s11  }
0x5f: {  	[spmem:s2] =	stream.indirect.scatter.add.f32 [tilespmem:s6], [sflag:$0x1], $0x1, s10, s5, $0xb8;
	[tilespmem:$0x5480] =	vst v63  }
0x60: {  	s10 =	sadd.s32 $0x100, s11  }
0x61: {  	[spmem:s2] =	stream.indirect.scatter.add.f32 [tilespmem:s6], [sflag:$0x1], $0x1, s10, s5, $0xb8;
	[tilespmem:$0x5480] =	vst v63  }
0x62: {  	s10 =	sadd.s32 $0x180, s11  }
0x63: {  	[spmem:s2] =	stream.indirect.scatter.add.f32 [tilespmem:s6], [sflag:$0x1], $0x1, s10, s5, $0xb8;
	[tilespmem:$0x5480] =	vst v63  }
0x64: {  	s10 =	sadd.s32 $0x200, s11  }
0x65: {  	[spmem:s2] =	stream.indirect.scatter.add.f32 [tilespmem:s6], [sflag:$0x1], $0x1, s10, s5, $0xb8;
	[tilespmem:$0x5480] =	vst v63  }
0x66: {  	s10 =	sadd.s32 $0x280, s11  }
0x67: {  	[spmem:s2] =	stream.indirect.scatter.add.f32 [tilespmem:s6], [sflag:$0x1], $0x1, s10, s5, $0xb8;
	[tilespmem:$0x5480] =	vst v63  }
0x68: {  	s10 =	sadd.s32 $0x300, s11  }
0x69: {  	[spmem:s2] =	stream.indirect.scatter.add.f32 [tilespmem:s6], [sflag:$0x1], $0x1, s10, s5, $0xb8;
	[tilespmem:$0x5480] =	vst v63  }
0x6a: {  	s10 =	sadd.s32 $0x380, s11  }
0x6b: {  	[spmem:s2] =	stream.indirect.scatter.add.f32 [tilespmem:s6], [sflag:$0x1], $0x1, s10, s5, $0xb8;
	[tilespmem:$0x5480] =	vst v63  }
0x6c: {  	s10 =	sadd.s32 $0x400, s11  }
0x6d: {  	[spmem:s2] =	stream.indirect.scatter.add.f32 [tilespmem:s6], [sflag:$0x1], $0x1, s10, s5, $0xb8;
	[tilespmem:$0x5480] =	vst v63  }
0x6e: {  	s10 =	sadd.s32 $0x480, s11  }
0x6f: {  	[spmem:s2] =	stream.indirect.scatter.add.f32 [tilespmem:s6], [sflag:$0x1], $0x1, s10, s5, $0xb8;
	[tilespmem:$0x5480] =	vst v63  }
0x70: {  	s10 =	sadd.s32 $0x500, s11  }
0x71: {  	[spmem:s2] =	stream.indirect.scatter.add.f32 [tilespmem:s6], [sflag:$0x1], $0x1, s10, s5, $0xb8;
	[tilespmem:$0x5480] =	vst v63  }
0x72: {  	s10 =	sadd.s32 $0x580, s11  }
0x73: {  	[spmem:s2] =	stream.indirect.scatter.add.f32 [tilespmem:s6], [sflag:$0x1], $0x1, s10, s5, $0xb8;
	[tilespmem:$0x5480] =	vst v63  }
0x74: {  	_ =	swait.ge [sflag:s4], $0x80  }
0x75: {  	[sflag:s4] =	ssyncset.done $0x0  }
0x76: {  	[sflag:s4] =	ssyncadd.s32 $0xFFFFFF80  }
0x77: {  	_ =	swait.ge [sflag:s4], $0x80  }
0x78: {  	[sflag:s4] =	ssyncset.done $0x0  }
0x79: {  	[sflag:s4] =	ssyncadd.s32 $0xFFFFFF80  }
0x7a: {  	_ =	swait.ge [sflag:s4], $0x80  }
0x7b: {  	[sflag:s4] =	ssyncset.done $0x0  }
0x7c: {  	[sflag:s4] =	ssyncadd.s32 $0xFFFFFF80  }
0x7d: {  	_ =	swait.ge [sflag:s4], $0x80  }
0x7e: {  	[sflag:s4] =	ssyncset.done $0x0  }
0x7f: {  	[sflag:s4] =	ssyncadd.s32 $0xFFFFFF80  }
0x80: {  	_ =	swait.ge [sflag:s4], $0x80  }
0x81: {  	[sflag:s4] =	ssyncset.done $0x0  }
0x82: {  	[sflag:s4] =	ssyncadd.s32 $0xFFFFFF80  }
0x83: {  	_ =	swait.ge [sflag:s4], $0x80  }
0x84: {  	[sflag:s4] =	ssyncset.done $0x0  }
0x85: {  	[sflag:s4] =	ssyncadd.s32 $0xFFFFFF80  }
0x86: {  	_ =	swait.ge [sflag:s4], $0x80  }
0x87: {  	[sflag:s4] =	ssyncset.done $0x0  }
0x88: {  	[sflag:s4] =	ssyncadd.s32 $0xFFFFFF80  }
0x89: {  	_ =	swait.ge [sflag:s4], $0x80  }
0x8a: {  	[sflag:s4] =	ssyncset.done $0x0  }
0x8b: {  	[sflag:s4] =	ssyncadd.s32 $0xFFFFFF80  }
0x8c: {  	_ =	swait.ge [sflag:s4], $0x80  }
0x8d: {  	[sflag:s4] =	ssyncset.done $0x0  }
0x8e: {  	[sflag:s4] =	ssyncadd.s32 $0xFFFFFF80  }
0x8f: {  	_ =	swait.ge [sflag:s4], $0x80  }
0x90: {  	[sflag:s4] =	ssyncset.done $0x0  }
0x91: {  	[sflag:s4] =	ssyncadd.s32 $0xFFFFFF80  }
.Ltmp0:
0x92: {  	_ =	swait.ge [sflag:s4], $0x80;
	(pc) =	sbr.rel @p1 .LBB2_1-.Ltmp0, $4  }
0x93: {  	[sflag:s4] =	ssyncset.done $0x0  }
0x94: {  	[sflag:s4] =	ssyncadd.s32 $0xFFFFFF80  }
0x95: {  	_ =	swait.ge [sflag:s4], $0x80  }
0x96: {  	s10 =	smov.u32 s9;
	[sflag:s4] =	ssyncset.done $0x0  }
0x97: {  	s8 =	sshra.s32 s8, $0x2;
	[sflag:s4] =	ssyncadd.s32 $0xFFFFFF80  }
0x98: {  	[spmem:s2] =	stream.indirect.scatter.add.f32 [tilespmem:s6], [sflag:$0x1], $0x1, s8, s5, $0xb8;
	[tilespmem:$0x5480] =	vst v63  }
0x99: {  	s9 =	sadd.s32 $0x80, s8  }
0x9a: {  	[spmem:s2] =	stream.indirect.scatter.add.f32 [tilespmem:s6], [sflag:$0x1], $0x1, s9, s5, $0xb8;
	[tilespmem:$0x5480] =	vst v63  }
0x9b: {  	s19 =	sadd.s32 $0x100, s8  }
0x9c: {  	[spmem:s2] =	stream.indirect.scatter.add.f32 [tilespmem:s6], [sflag:$0x1], $0x1, s19, s5, $0xb8;
	[tilespmem:$0x5480] =	vst v63  }
0x9d: {  	s20 =	sadd.s32 $0x180, s8  }
0x9e: {  	[spmem:s2] =	stream.indirect.scatter.add.f32 [tilespmem:s6], [sflag:$0x1], $0x1, s20, s5, $0xb8;
	[tilespmem:$0x5480] =	vst v63  }
0x9f: {  	s21 =	sadd.s32 $0x200, s8  }
0xa0: {  	[spmem:s2] =	stream.indirect.scatter.add.f32 [tilespmem:s6], [sflag:$0x1], $0x1, s21, s5, $0xb8;
	[tilespmem:$0x5480] =	vst v63  }
0xa1: {  	s22 =	sadd.s32 $0x280, s8  }
0xa2: {  	[spmem:s2] =	stream.indirect.scatter.add.f32 [tilespmem:s6], [sflag:$0x1], $0x1, s22, s5, $0xb8;
	[tilespmem:$0x5480] =	vst v63  }
0xa3: {  	s23 =	sadd.s32 $0x300, s8  }
0xa4: {  	[spmem:s2] =	stream.indirect.scatter.add.f32 [tilespmem:s6], [sflag:$0x1], $0x1, s23, s5, $0xb8;
	[tilespmem:$0x5480] =	vst v63  }
0xa5: {  	s24 =	sadd.s32 $0x380, s8  }
0xa6: {  	[spmem:s2] =	stream.indirect.scatter.add.f32 [tilespmem:s6], [sflag:$0x1], $0x1, s24, s5, $0xb8;
	[tilespmem:$0x5480] =	vst v63  }
0xa7: {  	s25 =	sadd.s32 $0x400, s8  }
0xa8: {  	[spmem:s2] =	stream.indirect.scatter.add.f32 [tilespmem:s6], [sflag:$0x1], $0x1, s25, s5, $0xb8;
	[tilespmem:$0x5480] =	vst v63  }
0xa9: {  	s26 =	sadd.s32 $0x480, s8  }
0xaa: {  	[spmem:s2] =	stream.indirect.scatter.add.f32 [tilespmem:s6], [sflag:$0x1], $0x1, s26, s5, $0xb8;
	[tilespmem:$0x5480] =	vst v63  }
0xab: {  	s28 =	sadd.s32 $0x500, s8  }
0xac: {  	[spmem:s2] =	stream.indirect.scatter.add.f32 [tilespmem:s6], [sflag:$0x1], $0x1, s28, s5, $0xb8;
	[tilespmem:$0x5480] =	vst v63  }
0xad: {  	s8 =	sadd.s32 $0x580, s8  }
0xae: {  	[spmem:s2] =	stream.indirect.scatter.add.f32 [tilespmem:s6], [sflag:$0x1], $0x1, s8, s5, $0xb8;
	[tilespmem:$0x5480] =	vst v63  }
0xaf: {  	_ =	swait.ge [sflag:s4], $0x80  }
0xb0: {  	[sflag:s4] =	ssyncset.done $0x0  }
0xb1: {  	[sflag:s4] =	ssyncadd.s32 $0xFFFFFF80  }
0xb2: {  	_ =	swait.ge [sflag:s4], $0x80  }
0xb3: {  	[sflag:s4] =	ssyncset.done $0x0  }
0xb4: {  	[sflag:s4] =	ssyncadd.s32 $0xFFFFFF80  }
0xb5: {  	_ =	swait.ge [sflag:s4], $0x80  }
0xb6: {  	[sflag:s4] =	ssyncset.done $0x0  }
0xb7: {  	[sflag:s4] =	ssyncadd.s32 $0xFFFFFF80  }
0xb8: {  	_ =	swait.ge [sflag:s4], $0x80  }
0xb9: {  	[sflag:s4] =	ssyncset.done $0x0  }
0xba: {  	[sflag:s4] =	ssyncadd.s32 $0xFFFFFF80  }
0xbb: {  	_ =	swait.ge [sflag:s4], $0x80  }
0xbc: {  	[sflag:s4] =	ssyncset.done $0x0  }
0xbd: {  	[sflag:s4] =	ssyncadd.s32 $0xFFFFFF80  }
0xbe: {  	_ =	swait.ge [sflag:s4], $0x80  }
0xbf: {  	[sflag:s4] =	ssyncset.done $0x0  }
0xc0: {  	[sflag:s4] =	ssyncadd.s32 $0xFFFFFF80  }
0xc1: {  	_ =	swait.ge [sflag:s4], $0x80  }
0xc2: {  	[sflag:s4] =	ssyncset.done $0x0  }
0xc3: {  	[sflag:s4] =	ssyncadd.s32 $0xFFFFFF80  }
0xc4: {  	_ =	swait.ge [sflag:s4], $0x80  }
0xc5: {  	[sflag:s4] =	ssyncset.done $0x0  }
0xc6: {  	[sflag:s4] =	ssyncadd.s32 $0xFFFFFF80  }
0xc7: {  	_ =	swait.ge [sflag:s4], $0x80  }
0xc8: {  	[sflag:s4] =	ssyncset.done $0x0  }
0xc9: {  	[sflag:s4] =	ssyncadd.s32 $0xFFFFFF80  }
0xca: {  	_ =	swait.ge [sflag:s4], $0x80  }
0xcb: {  	[sflag:s4] =	ssyncset.done $0x0  }
0xcc: {  	[sflag:s4] =	ssyncadd.s32 $0xFFFFFF80  }
0xcd: {  	_ =	swait.ge [sflag:s4], $0x80  }
0xce: {  	[sflag:s4] =	ssyncset.done $0x0  }
0xcf: {  	[sflag:s4] =	ssyncadd.s32 $0xFFFFFF80  }
0xd0: {  	_ =	swait.ge [sflag:s4], $0x80  }
0xd1: {  	s5 =	simm.s32 @!p0 $0x4E00;
	[sflag:s4] =	ssyncset.done $0x0  }
0xd2: {  	s6 =	simm.s32 @!p0 $0x4F00;
	[sflag:s4] =	ssyncadd.s32 $0xFFFFFF80;
	s4 =	simm.s32 @!p0 $0x80  }
0xd3: {  	[spmem:s2] =	stream.indirect.scatter.add.f32 @!p0 [tilespmem:s6], [sflag:$0x2], $0x1, s5, s4, $0xb8;
	[tilespmem:$0x5480] =	vst v63  }
0xd4: {  	s5 =	simm.s32 @!p0 $0x2  }
0xd5: {  	_ =	swait.ge @!p0 [sflag:s5], $0x80  }
0xd6: {  	[sflag:s5] =	ssyncset.done @!p0 $0x0  }
0xd7: {  	s8 =	simm.s32 @!p0 $0x4E80;
	[sflag:s5] =	ssyncadd.s32 @!p0 $0xFFFFFF80  }
0xd8: {  	[spmem:s2] =	stream.indirect.scatter.add.f32 @!p0 [tilespmem:s6], [sflag:$0x2], $0x1, s8, s4, $0xb8;
	[tilespmem:$0x5480] =	vst v63  }
0xd9: {  	_ =	swait.ge @!p0 [sflag:s5], $0x80  }
0xda: {  	[sflag:s5] =	ssyncset.done @!p0 $0x0  }
0xdb: {  	[sflag:s5] =	ssyncadd.s32 @!p0 $0xFFFFFF80  }
0xdc: {  	s29 =	simm.s32 $0x4F80;
	s30 =	simm.s32 $0x2;
	[bflag:$0x0] =	sbarrier.arrive $0xFFFF  }
0xdd: {  	[tilespmem:s29], [sflag:$0x2] =	stream.linear.gather [spmem:s3], $0x280, $0x38;
	[tilespmem:$0x5480] =	vst v63  }
0xde: {  	_ =	swait.ge [sflag:s30], $0x280  }
0xdf: {  	[sflag:s30] =	ssyncset.done $0x0  }
0xe0: {  	s31 =	simm.s32 $0x0;
	[sflag:s30] =	ssyncadd.s32 $0xFFFFFD80  }
0xe1: {  	[hbm4b:s7+s31] =	stream.linear.scatter [tilespmem:s29], [sflag:$0x2], $0x280, $0x38;
	[tilespmem:$0x5480] =	vst v63  }
0xe2: {  	_ =	swait.ge [sflag:s30], $0x280  }
0xe3: {  	[sflag:s30] =	ssyncset.done $0x0  }
0xe4: {  	[sflag:s30] =	ssyncadd.s32 $0xFFFFFD80  }
0xe5: {  	_ =	sfence.sel $0x180000  }
0xe6: {  	[bflag:$0x0] =	sbarrier.arrive $0xFFFF  }
0xe7: {  	p0 =	sne.s32 s1, $0x0;
	_ =	strace $0x90000047  }
0xe8: {  	s0 =	sadd.s32 @!p0 $0x100000, s0;
	[bflag:$0x2] =	sbarrier.arrive $0xFFFF  }
0xe9: {  	[sflag:s0] =	ssyncadd.tile.s32 @!p0 $0x1;
	_ =	shalt  }
.Lfunc_end2:
_tile_overlayer_lowered:
.L_overlay_start_2:
0xea: {  	(tag) =	ssettag $0x2  }
0xeb: {  	s0 =	rddreg [dreg:$0x0];
	s2 =	stileid.u32  }
0xec: {  	s1 =	rddreg [dreg:$0x1];
	p0 =	sne.s32 s2, $0x0  }
0xed: {  	s3 =	rddreg [dreg:$0x2];
	[bflag:$0x3] =	sbarrier.arrive $0xFFFF;
	s2 =	simm.s32 @!p0 $0x1C02  }
0xee: {  	[timem:s3], [sflag:s2] =	dma.local @!p0 [hbm:s0], s1  }
0xef: {  	s0 =	simm.s32 @!p0 $0x2  }
0xf0: {  	_ =	swait.ge @!p0 [sflag:s0], s1  }
0xf1: {  	s1 =	ssub.s32 @!p0 $0x0, s1;
	[sflag:s0] =	ssyncset.done @!p0 $0x0  }
0xf2: {  	[sflag:s0] =	ssyncadd.s32 @!p0 s1  }
0xf3: {  	[bflag:$0x3] =	sbarrier.arrive $0xFFFF  }
0xf4: {  	_ =	shalt  }

// kernel: kernel.8.cloned.1.call-start
scs
__scs_entry_jumppad:
0x0: {  	(pc) =	sbr.rel $0x88, $3  }
0x1: {  	(tag) =	ssettag $0x0;
	lr =	simm.s32 $0x1  }
0x2: {  	[smem:$0x3F9A] =	sst lr;
	_ =	strace $0xD0000000  }
0x3: {  	_ = 	snop  }
0x4: {  	_ = 	snop  }
0x5: {  	_ = 	snop  }
0x6: {  	_ = 	snop  }
0x7: {  	_ = 	snop  }
__scs_overlays_trampoline_lowered:
0x8: {  	[smem:$0x3FA9] =	sst s0  }
0x9: {  	[smem:$0x3FAA] =	sst s1  }
0xa: {  	[smem:$0x3FAB] =	sst s2  }
0xb: {  	[smem:$0x3FAC] =	sst s3  }
0xc: {  	[smem:$0x3FAD] =	sst s4  }
0xd: {  	[smem:$0x3FAE] =	sst s5  }
0xe: {  	[smem:$0x3FAF] =	sst s6  }
0xf: {  	[smem:$0x3FB0] =	sst s7  }
0x10: {  	[smem:$0x3FB1] =	sst s8  }
0x11: {  	[smem:$0x3FB2] =	sst s9;
	s0 =	simm.s32 @!p0 $0x0  }
0x12: {  	s1 =	sld [smem:$0x3F98];
	s0 =	simm.s32 @p0 $0x1  }
0x13: {  	[smem:$0x3FB3] =	sst s0;
	s0 =	simm.s32 @!p1 $0x0  }
0x14: {  	s2 =	sld [smem:$0x3F97];
	s0 =	simm.s32 @p1 $0x1  }
0x15: {  	[smem:$0x3FB4] =	sst s0;
	s0 =	simm.s32 @!p2 $0x0  }
0x16: {  	s3 =	sld [smem:$0x3FDB];
	s0 =	simm.s32 @p2 $0x1  }
0x17: {  	s4 =	simm.s32 $0x1BF5;
	[smem:$0x3FB6] =	sst s0  }
0x18: {  	s0 =	sld [smem:$0x3F99];
	_ =	swait.ge [sflag:s4], $0x0  }
0x19: {  	s7 =	sld [smem:$0x3F9A]  }
0x1a: {  	s8 =	sadd.s32 $0xFFFFE003, lr  }
0x1b: {  	s9 =	sadd.s32 $0xFFFFFEF7, lr;
	s5 =	simm.s32 $0xFFFFFFFF;
	p2 =	slt.u32 s8, $0xFFFFF086  }
0x1c: {  	p1 =	slt.u32 s9, $0xF7A;
	s5 =	simm.s32 @!p2 $0x0  }
0x1d: {  	s5 =	simm.s32 @p1 $0x1;
	p0 =	seq.s32 s7, s2  }
0x1e: {  	s7 =	smul.u32 @!p0 $0xF7A, s2;
	p2 =	seq.s32 @!p0 s5, $0x0  }
0x1f: {  	s9 =	smul.u32 $0xF7A, s1;
	s8 =	simm.s32 @!p0 $0x1BF5;
	p2 =	por !p2, p0  }
0x20: {  	[sflag:s8] =	ssyncset.s32 @!p0 $0xFFFFF086;
	s6 =	sadd.s32 @!p0 s3, s7;
	s7 =	simm.s32 @!p0 $0x108  }
0x21: {  	s3 =	sadd.s32 s3, s9;
	s6 =	sadd.s32 @!p0 $0x88, s6;
	s7 =	simm.s32 @p2 $0x1082  }
0x22: {  	[simem:s7], [sflag:s8] =	dma.local @!p0 [hbm:s6], $0xF7A  }
0x23: {  	s9 =	sor.u32 $0xD0000000, s2;
	s6 =	simm.s32 $0x108;
	_ =	swait.ge @!p0 [sflag:s8], $0x0  }
0x24: {  	s3 =	sadd.s32 $0x88, s3;
	s6 =	simm.s32 @!p1 $0x1082;
	[sflag:s4] =	ssyncset.s32 $0xFFFFF086  }
0x25: {  	[simem:s6], [sflag:s4] =	dma.local [hbm:s3], $0xF7A  }
0x26: {  	[smem:$0x3F9A] =	sst s1;
	(tag) =	ssettag s2;
	_ =	strace s9  }
0x27: {  	s1 =	sld [smem:$0x3FAA]  }
0x28: {  	s2 =	sld [smem:$0x3FAB]  }
0x29: {  	s4 =	sld [smem:$0x3FAD]  }
0x2a: {  	p0 =	seq.s32 s5, $0x0;
	s5 =	sld [smem:$0x3FAE]  }
0x2b: {  	s6 =	sld [smem:$0x3FAF]  }
0x2c: {  	s7 =	sld [smem:$0x3FB0]  }
0x2d: {  	s3 =	simm.s32 $0x108;
	s8 =	sld [smem:$0x3FB1]  }
0x2e: {  	s3 =	simm.s32 @!p0 $0x1082;
	s9 =	sld [smem:$0x3FB2]  }
0x2f: {  	lr =	sadd.s32 s0, s3;
	s0 =	sld [smem:$0x3FA9]  }
0x30: {  	s3 =	sld [smem:$0x3FAC]  }
0x31: {  	[smem:$0x3FB5] =	sst s10  }
0x32: {  	s10 =	sld [smem:$0x3FB3];
	_ =	sdelay $0x3  }
0x33: {  	p0 =	seq.s32 s10, $0x1;
	s10 =	sld [smem:$0x3FB5];
	_ =	sdelay $0x3  }
0x34: {  	[smem:$0x3FB5] =	sst s10  }
0x35: {  	s10 =	sld [smem:$0x3FB4];
	_ =	sdelay $0x3  }
0x36: {  	p1 =	seq.s32 s10, $0x1;
	s10 =	sld [smem:$0x3FB5];
	_ =	sdelay $0x3  }
0x37: {  	[smem:$0x3FB5] =	sst s10  }
0x38: {  	s10 =	sld [smem:$0x3FB6]  }
0x39: {  	_ = 	snop;
	(pc) =	sbr.ind lr, $3  }
0x3a: {  	_ = 	snop  }
0x3b: {  	_ = 	snop  }
0x3c: {  	p2 =	seq.s32 s10, $0x1;
	s10 =	sld [smem:$0x3FB5]  }
0x3d: {  	_ =	shalt  }
0x3e: {  	_ =	shalt  }
0x3f: {  	_ =	shalt  }
0x40: {  	_ =	shalt  }
0x41: {  	_ =	shalt  }
0x42: {  	_ =	shalt  }
0x43: {  	_ =	shalt  }
0x44: {  	_ =	shalt  }
0x45: {  	_ =	shalt  }
0x46: {  	_ =	shalt  }
0x47: {  	_ =	shalt  }
0x48: {  	_ =	shalt  }
0x49: {  	_ =	shalt  }
0x4a: {  	_ =	shalt  }
0x4b: {  	_ =	shalt  }
0x4c: {  	_ =	shalt  }
0x4d: {  	_ =	shalt  }
0x4e: {  	_ =	shalt  }
0x4f: {  	_ =	shalt  }
0x50: {  	_ =	shalt  }
0x51: {  	_ =	shalt  }
0x52: {  	_ =	shalt  }
0x53: {  	_ =	shalt  }
0x54: {  	_ =	shalt  }
0x55: {  	_ =	shalt  }
0x56: {  	_ =	shalt  }
0x57: {  	_ =	shalt  }
0x58: {  	_ =	shalt  }
0x59: {  	_ =	shalt  }
0x5a: {  	_ =	shalt  }
0x5b: {  	_ =	shalt  }
0x5c: {  	_ =	shalt  }
0x5d: {  	_ =	shalt  }
0x5e: {  	_ =	shalt  }
0x5f: {  	_ =	shalt  }
0x60: {  	_ =	shalt  }
0x61: {  	_ =	shalt  }
0x62: {  	_ =	shalt  }
0x63: {  	_ =	shalt  }
0x64: {  	_ =	shalt  }
0x65: {  	_ =	shalt  }
0x66: {  	_ =	shalt  }
0x67: {  	_ =	shalt  }
0x68: {  	_ =	shalt  }
0x69: {  	_ =	shalt  }
0x6a: {  	_ =	shalt  }
0x6b: {  	_ =	shalt  }
0x6c: {  	_ =	shalt  }
0x6d: {  	_ =	shalt  }
0x6e: {  	_ =	shalt  }
0x6f: {  	_ =	shalt  }
0x70: {  	_ =	shalt  }
0x71: {  	_ =	shalt  }
0x72: {  	_ =	shalt  }
0x73: {  	_ =	shalt  }
0x74: {  	_ =	shalt  }
0x75: {  	_ =	shalt  }
0x76: {  	_ =	shalt  }
0x77: {  	_ =	shalt  }
0x78: {  	_ =	shalt  }
0x79: {  	_ =	shalt  }
0x7a: {  	_ =	shalt  }
0x7b: {  	_ =	shalt  }
0x7c: {  	_ =	shalt  }
0x7d: {  	_ =	shalt  }
0x7e: {  	_ =	shalt  }
0x7f: {  	_ =	shalt  }
0x80: {  	_ =	shalt  }
0x81: {  	_ =	shalt  }
0x82: {  	_ =	shalt  }
0x83: {  	_ =	shalt  }
0x84: {  	_ =	shalt  }
0x85: {  	_ =	shalt  }
0x86: {  	_ =	shalt  }
0x87: {  	_ =	shalt  }
.Lfunc_end0:
.L_simem_size_0:
called_computation.1_lowered:
.L_overlay_start_0:
0x88: {  	s2 =	sld [smem:$0x3FD9]  }
0x89: {  	s3 =	sld [smem:$0x3FFE];
	_ =	sdelay $0x1  }
0x8a: {  	s1 =	srdreg.scid  }
0x8b: {  	s0 =	sand.u32 $0x1, s1  }
0x8c: {  	s17 =	sshll.u32 s0, $0xA;
	s2 =	sadd.s32 s3, s2  }
0x8d: {  	s2 =	sadd.s32 s2, s17  }
0x8e: {  	[smem:$0x3FC1] =	sst s2  }
0x8f: {  	_ = 	snop  }
0x90: {  	s2 =	sld [smem:$0x3FC9];
	(tm) =	ssettm $0x1  }
0x91: {  	s18 =	sld [smem:$0x3FFB];
	_ =	sdelay $0x3  }
0x92: {  	_ =	strace s18  }
0x93: {  	s3 =	sld [smem:$0x3FFC];
	_ =	sdelay $0x3  }
0x94: {  	_ =	strace s3  }
0x95: {  	s3 =	sld [smem:$0x3FFD];
	_ =	sdelay $0x3  }
0x96: {  	_ =	strace s3  }
0x97: {  	_ =	strace $0x8FFFFFFF  }
0x98: {  	s19 =	sld [smem:$0x3FDB];
	_ =	sdelay $0x1  }
0x99: {  	s4 =	simm.s32 $_scs_section_size  }
0x9a: {  	s5 =	simm.s32 $_size__tile_overlayer_lowered;
	s6 =	simm.s32 $_tile_overlayer_lowered  }
0x9b: {  	s22 =	simm.s32 $0x1BFF;
	s21 =	sshll.u32 s6, $0x1;
	s3 =	sadd.s32 s4, s19  }
0x9c: {  	s7 =	simm.s32 $0x0;
	s20 =	sshll.u32 s5, $0x1;
	s5 =	sadd.s32 s21, s3  }
0x9d: {  	[timem:s7], [sflag:s22] =	dma.local [hbm:s5], s20  }
0x9e: {  	_ =	swait.ge [sflag:s22], s20  }
0x9f: {  	s4 =	ssub.s32 $0x0, s20;
	[sflag:s22] =	ssyncset.done $0x0  }
0xa0: {  	[sflag:s22] =	ssyncadd.s32 s4;
	_ =	sdelay $0x1  }
0xa1: {  	s23 =	simm.s32 $0x1B8B  }
0xa2: {  	_ =	swait.ge [sflag:s23], $0x1  }
0xa3: {  	[sflag:s23] =	ssyncset.done $0x0  }
0xa4: {  	s25 =	simm.s32 $0x1B8E;
	s24 =	sld [smem:$0x3FFE];
	[sflag:s23] =	ssyncadd.s32 $0xFFFFFFFF  }
0xa5: {  	s26 =	simm.s32 $execute0_lowered;
	[smem:$0x3FD2] =	sst s25  }
0xa6: {  	s5 =	sshll.u32 s26, $0x1;
	_ =	strace $0x80000049;
	[dreg:$0x1] =	wrdreg $0xFFFFFFFF  }
0xa7: {  	s28 =	simm.s32 $_size_execute0_lowered;
	s3 =	sadd.s32 s3, s5;
	[dreg:$0x0] =	wrdreg $0x0  }
0xa8: {  	s5 =	sshll.u32 s28, $0x1;
	[dreg:$0x2] =	wrdreg s3  }
0xa9: {  	[dreg:$0x3] =	wrdreg s5  }
0xaa: {  	[dreg:$0x4] =	wrdreg $0xC0  }
0xab: {  	_ =	task [dreg:s7], $0x5FFFF  }
0xac: {  	[dreg:$0x1] =	wrdreg $0xFFFFFFFF  }
0xad: {  	[dreg:$0x0] =	wrdreg $0x60  }
0xae: {  	[dreg:$0x2] =	wrdreg s24  }
0xaf: {  	[dreg:$0x3] =	wrdreg s2  }
0xb0: {  	[dreg:$0x4] =	wrdreg $0xBA800  }
0xb1: {  	[dreg:$0x5] =	wrdreg $0x1FA800  }
0xb2: {  	[dreg:$0x6] =	wrdreg $0x9  }
0xb3: {  	_ =	task.clear_ibuf [dreg:s7], $0x7FFFF;
	_ =	strace $0x90000049  }
0xb4: {  	s29 =	simm.s32 $0x9;
	_ =	strace $0x8000004B  }
0xb5: {  	_ =	swait.ge [sflag:s29], $0x1  }
0xb6: {  	[sflag:s29] =	ssyncadd.s32 $0xFFFFFFFF  }
0xb7: {  	_ =	strace $0x9000004B  }
0xb8: {  	_ =	sfence  }
0xb9: {  	s30 =	sld [smem:$0x0];
	_ =	sdelay $0x2  }
0xba: {  	s31 =	sshll.u32 s1, $0xD;
	s1 =	sshrl.u32 s1, $0x2  }
0xbb: {  	s3 =	sand.u32 $0x4000, s31;
	s1 =	sadd.s32 s1, s30  }
0xbc: {  	s0 =	sor.u32 s3, s0;
	s1 =	sshll.u32 s1, $0x11  }
0xbd: {  	s0 =	sor.u32 s1, s0  }
0xbe: {  	s0 =	sadd.s32 $0x8F2B, s0  }
0xbf: {  	[sflag:s0] =	ssyncadd.remote.s32 $0x1  }
0xc0: {  	_ =	sfence.sel $0xFFFF  }
0xc1: {  	[dreg:$0x0] =	wrdreg $0xFFFFFFFF;
	(pc) =	sbr.abs _section_cstart, $3  }
0xc2: {  	[dreg:$0x1] =	wrdreg $0xFFFFFFFF  }
0xc3: {  	_ =	task.clear_ibuf [dreg:s7], $0x2FFFF;
	_ =	strace $0x9FFFFFFF  }
0xc4: {  	(tm) =	ssettm $0x7FFFFFFF  }
0xc5: {  	_ =	shalt  }
tec
execute0_lowered:
.L_overlay_start_1:
0x0: {  	(tag) =	ssettag $0x1  }
0x1: {  	s3 =	rddreg [dreg:$0x0];
	s1 =	srdreg.scid  }
0x2: {  	s5 =	stileid.u32;
	s0 =	rddreg [dreg:$0x1];
	s30 =	simm.s32 $0xB  }
0x3: {  	s29 =	simm.s32 $0xD00;
	s6 =	sand.u32 $0x1, s1;
	s4 =	smul.u32 $0x280, s5  }
0x4: {  	s2 =	sshll.u32 s5, $0x1;
	s1 =	rddreg [dreg:$0x2];
	s18 =	smul.u32 $0x14000, s5  }
0x5: {  	s8 =	sadd.s32 $0xC400, s3;
	s7 =	sor.u32 s6, s2;
	s13 =	smul.u32 $0x2800, s6  }
0x6: {  	s11 =	ssub.s32 $0x2, s6;
	s26 =	sshll.u32 s6, $0x5;
	s6 =	smul.u32 $0x140000, s6  }
0x7: {  	s10 =	sadd.s32 $0x2600, s3;
	s12 =	sadd.s32 $0x17C00, s3;
	s9 =	smul.u32 $0x4E0, s7  }
0x8: {  	p0 =	sne.s32 s5, $0x0;
	s2 =	rddreg [dreg:$0x3];
	s7 =	smul.u32 $0x2700, s7  }
0x9: {  	s14 =	sshrl.u32 s11, $0x1;
	s16 =	sshll.u32 s4, $0x7;
	s28 =	sadd.s32 s4, s2  }
0xa: {  	s11 =	ssub.s32 s11, s14;
	s17 =	sadd.s32 $0x8000, s16;
	s19 =	sadd.s32 $0xC000, s16  }
0xb: {  	s20 =	sadd.s32 s18, s6;
	s18 =	sadd.s32 $0x16400, s3;
	s24 =	sadd.s32 s8, s9  }
0xc: {  	s7 =	sshrl.u32 s7, $0x3;
	s9 =	sadd.s32 s10, s9;
	s21 =	sshrl.u32 s20, $0x3  }
0xd: {  	s31 =	sadd.s32 s19, s1;
	[dreg:$0x5] =	wrdreg s24;
	s25 =	sadd.s32 $0x1A0, s7  }
0xe: {  	[dreg:$0x6] =	wrdreg s9;
	s7 =	sadd.s32 $0x340, s7;
	s15 =	sadd.s32 s8, s25  }
0xf: {  	s24 =	sadd.s32 s6, s17;
	s9 =	sadd.s32 s10, s25;
	[dreg:$0x7] =	wrdreg s15  }
0x10: {  	s25 =	sshrl.u32 s24, $0x3;
	[dreg:$0x8] =	wrdreg s9;
	s15 =	sor.u32 $0x9C00, s26  }
0x11: {  	s26 =	sadd.s32 s6, s19;
	s19 =	simm.s32 $0x7;
	s14 =	sadd.s32 s8, s15  }
0x12: {  	s9 =	sadd.s32 s10, s15;
	s8 =	sadd.s32 s8, s7;
	[dreg:$0x9] =	wrdreg s14  }
0x13: {  	s7 =	sadd.s32 s10, s7;
	s10 =	sshrl.u32 s26, $0x3;
	[dreg:$0xa] =	wrdreg s9  }
0x14: {  	s26 =	sadd.s32 s17, s1;
	s17 =	simm.s32 $0x4;
	[dreg:$0xb] =	wrdreg s8  }
0x15: {  	s9 =	sadd.s32 $0x4000, s16;
	s14 =	sadd.s32 $0x10000, s16;
	[dreg:$0xc] =	wrdreg s7  }
0x16: {  	s7 =	sadd.s32 s12, s21;
	s16 =	simm.s32 $0x0;
	s21 =	sadd.s32 $0x16200, s3  }
0x17: {  	s22 =	sadd.s32 s6, s9;
	[dreg:$0xd] =	wrdreg s7;
	s6 =	sadd.s32 s6, s14  }
0x18: {  	[smem:$0x7FF] =	sst s16;
	s23 =	sshrl.u32 s22, $0x3;
	s6 =	sshrl.u32 s6, $0x3  }
0x19: {  	s7 =	sadd.s32 s12, s23;
	s6 =	sadd.s32 s12, s6;
	s23 =	smax.u32 s11, $0x1  }
0x1a: {  	s11 =	simm.s32 $0x3;
	[dreg:$0xe] =	wrdreg s7;
	s7 =	sadd.s32 s12, s25  }
0x1b: {  	[dreg:$0x11] =	wrdreg s6;
	s25 =	sadd.s32 s9, s1;
	s9 =	simm.s32 $0x1  }
0x1c: {  	[dreg:$0xf] =	wrdreg s7;
	s7 =	sadd.s32 s12, s10;
	s12 =	sadd.s32 s4, s13  }
0x1d: {  	s13 =	smul.u32 $0x50000, s5;
	s10 =	simm.s32 $0xB680;
	[dreg:$0x10] =	wrdreg s7  }
0x1e: {  	s5 =	simm.s32 $0xB780;
	_ =	strace $0x8000004A;
	[dreg:$0x12] =	wrdreg s21  }
0x1f: {  	s4 =	simm.s32 $0x0;
	s6 =	sshrl.u32 s12, $0x3;
	[dreg:$0x1a] =	wrdreg s23  }
0x20: {  	s7 =	simm.s32 $0x7600;
	s12 =	simm.s32 $0xB700;
	[dreg:$0x15] =	wrdreg s25  }
0x21: {  	s15 =	sadd.s32 s6, s3;
	s20 =	sshrl.u32 s13, $0x2;
	[dreg:$0x16] =	wrdreg s26  }
.Ltmp0:
0x22: {  	s3 =	sadd.s32 $0x16A00, s3;
	[dreg:$0x17] =	wrdreg s31;
	(pc) =	sbr.rel .LBB2_1-.Ltmp0, $4  }
0x23: {  	s21 =	sadd.s32 s14, s1;
	s13 =	simm.s32 $0x2;
	[dreg:$0x13] =	wrdreg s3  }
0x24: {  	s14 =	simm.s32 $0x5;
	s22 =	sadd.s32 $0x17200, s15;
	[dreg:$0x18] =	wrdreg s21  }
0x25: {  	s24 =	sadd.s32 s20, s1;
	s15 =	simm.s32 $0x80;
	[dreg:$0x19] =	wrdreg s22  }
0x26: {  	s3 =	simm.s32 $0x3600;
	s20 =	simm.s32 $0x8;
	[dreg:$0x14] =	wrdreg s24  }
.LBB2_9:
0x27: {  	[bflag:$0x0] =	sbarrier.arrive $0xFFFF  }
0x28: {  	s24 =	rddreg [dreg:$0x14]  }
0x29: {  	[tilespmem:s3], [sflag:$0xB] =	stream.linear.gather [spmem:s24], $0x4000, $0x38;
	[tilespmem:$0x1FD00] =	vst v63  }
0x2a: {  	_ =	swait.ge [sflag:s30], $0x4000  }
0x2b: {  	[sflag:s30] =	ssyncset.done $0x0  }
0x2c: {  	s8 =	rddreg [dreg:$0xd];
	[sflag:s30] =	ssyncadd.s32 $0xFFFFC000  }
0x2d: {  	[hbm4b:s8+s16] =	stream.linear.scatter [tilespmem:s3], [sflag:$0xB], $0x4000, $0x38;
	[tilespmem:$0x1FD00] =	vst v63  }
0x2e: {  	_ =	swait.ge [sflag:s30], $0x4000  }
0x2f: {  	[sflag:s30] =	ssyncset.done $0x0  }
0x30: {  	s25 =	rddreg [dreg:$0x15];
	[sflag:s30] =	ssyncadd.s32 $0xFFFFC000  }
0x31: {  	[tilespmem:s3], [sflag:$0xB] =	stream.linear.gather [spmem:s25], $0x4000, $0x38;
	[tilespmem:$0x1FD00] =	vst v63  }
0x32: {  	_ =	swait.ge [sflag:s30], $0x4000  }
0x33: {  	[sflag:s30] =	ssyncset.done $0x0  }
0x34: {  	s21 =	rddreg [dreg:$0xe];
	[sflag:s30] =	ssyncadd.s32 $0xFFFFC000  }
0x35: {  	[hbm4b:s21+s16] =	stream.linear.scatter [tilespmem:s3], [sflag:$0xB], $0x4000, $0x38;
	[tilespmem:$0x1FD00] =	vst v63  }
0x36: {  	_ =	swait.ge [sflag:s30], $0x4000  }
0x37: {  	[sflag:s30] =	ssyncset.done $0x0  }
0x38: {  	[sflag:s30] =	ssyncadd.s32 $0xFFFFC000  }
0x39: {  	[tilespmem:s3], [sflag:$0xB] =	stream.linear.gather [spmem:s26], $0x4000, $0x38;
	[tilespmem:$0x1FD00] =	vst v63  }
0x3a: {  	_ =	swait.ge [sflag:s30], $0x4000  }
0x3b: {  	[sflag:s30] =	ssyncset.done $0x0  }
0x3c: {  	s22 =	rddreg [dreg:$0xf];
	[sflag:s30] =	ssyncadd.s32 $0xFFFFC000  }
0x3d: {  	[hbm4b:s22+s16] =	stream.linear.scatter [tilespmem:s3], [sflag:$0xB], $0x4000, $0x38;
	[tilespmem:$0x1FD00] =	vst v63  }
0x3e: {  	_ =	swait.ge [sflag:s30], $0x4000  }
0x3f: {  	[sflag:s30] =	ssyncset.done $0x0  }
0x40: {  	s31 =	rddreg [dreg:$0x17];
	[sflag:s30] =	ssyncadd.s32 $0xFFFFC000  }
0x41: {  	[tilespmem:s3], [sflag:$0xB] =	stream.linear.gather [spmem:s31], $0x4000, $0x38;
	[tilespmem:$0x1FD00] =	vst v63  }
0x42: {  	_ =	swait.ge [sflag:s30], $0x4000  }
0x43: {  	[sflag:s30] =	ssyncset.done $0x0  }
0x44: {  	s23 =	rddreg [dreg:$0x10];
	[sflag:s30] =	ssyncadd.s32 $0xFFFFC000  }
0x45: {  	[hbm4b:s23+s16] =	stream.linear.scatter [tilespmem:s3], [sflag:$0xB], $0x4000, $0x38;
	[tilespmem:$0x1FD00] =	vst v63  }
0x46: {  	_ =	swait.ge [sflag:s30], $0x4000  }
0x47: {  	[sflag:s30] =	ssyncset.done $0x0  }
0x48: {  	s21 =	rddreg [dreg:$0x18];
	[sflag:s30] =	ssyncadd.s32 $0xFFFFC000  }
0x49: {  	[tilespmem:s3], [sflag:$0xB] =	stream.linear.gather [spmem:s21], $0x4000, $0x38;
	[tilespmem:$0x1FD00] =	vst v63  }
0x4a: {  	_ =	swait.ge [sflag:s30], $0x4000  }
0x4b: {  	[sflag:s30] =	ssyncset.done $0x0  }
0x4c: {  	s6 =	rddreg [dreg:$0x11];
	[sflag:s30] =	ssyncadd.s32 $0xFFFFC000  }
0x4d: {  	[hbm4b:s6+s16] =	stream.linear.scatter [tilespmem:s3], [sflag:$0xB], $0x4000, $0x38;
	[tilespmem:$0x1FD00] =	vst v63  }
0x4e: {  	_ =	swait.ge [sflag:s30], $0x4000  }
0x4f: {  	[sflag:s30] =	ssyncset.done $0x0  }
0x50: {  	s6 =	simm.s32 $0xB800;
	[sflag:s30] =	ssyncadd.s32 $0xFFFFC000  }
0x51: {  	[tilespmem:s6], [sflag:$0xB] =	stream.linear.gather [spmem:s28], $0x280, $0x38;
	[tilespmem:$0x1FD00] =	vst v63  }
0x52: {  	_ =	swait.ge [sflag:s30], $0x280  }
0x53: {  	[sflag:s30] =	ssyncset.done $0x0  }
0x54: {  	s22 =	rddreg [dreg:$0x19];
	[sflag:s30] =	ssyncadd.s32 $0xFFFFFD80  }
0x55: {  	[hbm4b:s22+s16] =	stream.linear.scatter [tilespmem:s6], [sflag:$0xB], $0x280, $0x38;
	[tilespmem:$0x1FD00] =	vst v63  }
0x56: {  	_ =	swait.ge [sflag:s30], $0x280  }
0x57: {  	s4 =	sadd.s32 $0x1, s4;
	s23 =	rddreg [dreg:$0x1a]  }
0x58: {  	p1 =	sne.s32 s4, s23  }
.Ltmp1:
0x59: {  	_ = 	snop;
	(pc) =	sbr.rel @!p1 .LBB2_10-.Ltmp1, $3  }
0x5a: {  	_ =	sdelay $0x1  }
0x5b: {  	[sflag:s30] =	ssyncset.done $0x0  }
0x5c: {  	[sflag:s30] =	ssyncadd.s32 $0xFFFFFD80  }
.LBB2_1:
0x5d: {  	s8 =	rddreg [dreg:$0x5]  }
0x5e: {  	[tilespmem:s16], [sflag:$0xB] =	stream.linear.gather [hbm4b:s8+s16], $0xD00, $0x38;
	[tilespmem:$0x1FD00] =	vst v63  }
0x5f: {  	_ =	swait.ge [sflag:s30], $0xD00  }
0x60: {  	[sflag:s30] =	ssyncset.done $0x0  }
0x61: {  	s22 =	rddreg [dreg:$0x6];
	[sflag:s30] =	ssyncadd.s32 $0xFFFFF300  }
0x62: {  	[tilespmem:s29], [sflag:$0xB] =	stream.linear.gather [hbm4b:s22+s16], $0xD00, $0x38;
	[tilespmem:$0x1FD00] =	vst v63  }
0x63: {  	_ =	swait.ge [sflag:s30], $0xD00  }
0x64: {  	[sflag:s30] =	ssyncset.done $0x0  }
0x65: {  	[sflag:s30] =	ssyncadd.s32 $0xFFFFF300  }
0x66: {  	[tilespmem:s3], [sflag:$0x1] =	stream.indirect.gather [hbm4b:s0+s15], $0x80, s16, s15, $0xb8;
	[tilespmem:$0x1FD00] =	vst v63  }
0x67: {  	s23 =	simm.s32 $0xB600  }
0x68: {  	[tilespmem:s23], [sflag:$0x3] =	stream.indirect.gather [hbm4b:s18+s15], $0x1, s29, s15, $0xb8;
	[tilespmem:$0x1FD00] =	vst v63  }
0x69: {  	s22 =	simm.s32 $0x1A00;
	s29 =	rddreg [dreg:$0x7]  }
0x6a: {  	[tilespmem:s22], [sflag:$0xA] =	stream.linear.gather [hbm4b:s29+s16], $0xD00, $0x38;
	[tilespmem:$0x1FD00] =	vst v63  }
0x6b: {  	s23 =	rddreg [dreg:$0x8];
	s29 =	simm.s32 $0x2700  }
0x6c: {  	[tilespmem:s29], [sflag:$0xA] =	stream.linear.gather [hbm4b:s23+s16], $0xD00, $0x38;
	[tilespmem:$0x1FD00] =	vst v63  }
0x6d: {  	s8 =	rddreg [dreg:$0x9];
	s22 =	simm.s32 @!p0 $0x3400;
	s29 =	simm.s32 @!p0 $0x0  }
0x6e: {  	[tilespmem:s22], [sflag:$0xB] =	stream.linear.gather @!p0 [hbm4b:s8+s29], $0x100, $0x38;
	[tilespmem:$0x1FD00] =	vst v63  }
0x6f: {  	s22 =	simm.s32 @!p0 $0xB  }
0x70: {  	_ =	swait.ge @!p0 [sflag:s22], $0x100  }
0x71: {  	[sflag:s22] =	ssyncset.done @!p0 $0x0  }
0x72: {  	s23 =	simm.s32 @!p0 $0x3500;
	s8 =	rddreg [dreg:$0xa];
	[sflag:s22] =	ssyncadd.s32 @!p0 $0xFFFFFF00  }
0x73: {  	[tilespmem:s23], [sflag:$0xB] =	stream.linear.gather @!p0 [hbm4b:s8+s29], $0x100, $0x38;
	[tilespmem:$0x1FD00] =	vst v63  }
0x74: {  	_ =	swait.ge @!p0 [sflag:s22], $0x100  }
0x75: {  	[sflag:s22] =	ssyncset.done @!p0 $0x0  }
0x76: {  	s23 =	rddreg [dreg:$0x13];
	[sflag:s22] =	ssyncadd.s32 @!p0 $0xFFFFFF00  }
0x77: {  	[tilespmem:s7], [sflag:$0xB] =	stream.linear.gather [hbm4b:s23+s16], $0x4000, $0x38;
	[tilespmem:$0x1FD00] =	vst v63  }
0x78: {  	_ =	swait.ge [sflag:s30], $0x4000  }
0x79: {  	[sflag:s30] =	ssyncset.done $0x0  }
0x7a: {  	[sflag:s30] =	ssyncadd.s32 $0xFFFFC000  }
0x7b: {  	[spmem:s24] =	stream.linear.scatter [tilespmem:s7], [sflag:$0xB], $0x4000, $0x38;
	[tilespmem:$0x1FD00] =	vst v63  }
0x7c: {  	_ =	swait.ge [sflag:s30], $0x4000  }
0x7d: {  	[sflag:s30] =	ssyncset.done $0x0  }
0x7e: {  	[sflag:s30] =	ssyncadd.s32 $0xFFFFC000  }
0x7f: {  	[spmem:s25] =	stream.linear.scatter [tilespmem:s7], [sflag:$0xB], $0x4000, $0x38;
	[tilespmem:$0x1FD00] =	vst v63  }
0x80: {  	_ =	swait.ge [sflag:s30], $0x4000  }
0x81: {  	[sflag:s30] =	ssyncset.done $0x0  }
0x82: {  	[sflag:s30] =	ssyncadd.s32 $0xFFFFC000  }
0x83: {  	[spmem:s26] =	stream.linear.scatter [tilespmem:s7], [sflag:$0xB], $0x4000, $0x38;
	[tilespmem:$0x1FD00] =	vst v63  }
0x84: {  	_ =	swait.ge [sflag:s30], $0x4000  }
0x85: {  	[sflag:s30] =	ssyncset.done $0x0  }
0x86: {  	[sflag:s30] =	ssyncadd.s32 $0xFFFFC000  }
0x87: {  	[spmem:s31] =	stream.linear.scatter [tilespmem:s7], [sflag:$0xB], $0x4000, $0x38;
	[tilespmem:$0x1FD00] =	vst v63  }
0x88: {  	_ =	swait.ge [sflag:s30], $0x4000  }
0x89: {  	[sflag:s30] =	ssyncset.done $0x0  }
0x8a: {  	[sflag:s30] =	ssyncadd.s32 $0xFFFFC000  }
0x8b: {  	[spmem:s21] =	stream.linear.scatter [tilespmem:s7], [sflag:$0xB], $0x4000, $0x38;
	[tilespmem:$0x1FD00] =	vst v63  }
0x8c: {  	_ =	swait.ge [sflag:s30], $0x4000  }
0x8d: {  	[sflag:s30] =	ssyncset.done $0x0  }
0x8e: {  	s6 =	simm.s32 $0xB800;
	s24 =	rddreg [dreg:$0x12];
	[sflag:s30] =	ssyncadd.s32 $0xFFFFC000  }
0x8f: {  	[tilespmem:s6], [sflag:$0xB] =	stream.linear.gather [hbm4b:s24+s16], $0x280, $0x38;
	[tilespmem:$0x1FD00] =	vst v63  }
0x90: {  	_ =	swait.ge [sflag:s30], $0x280  }
0x91: {  	[sflag:s30] =	ssyncset.done $0x0  }
0x92: {  	[sflag:s30] =	ssyncadd.s32 $0xFFFFFD80  }
0x93: {  	[spmem:s28] =	stream.linear.scatter [tilespmem:s6], [sflag:$0xB], $0x280, $0x38;
	[tilespmem:$0x1FD00] =	vst v63  }
0x94: {  	_ =	swait.ge [sflag:s30], $0x280  }
0x95: {  	[sflag:s30] =	ssyncset.done $0x0  }
0x96: {  	[sflag:s30] =	ssyncadd.s32 $0xFFFFFD80  }
0x97: {  	[bflag:$0x0] =	sbarrier.arrive $0xFFFF  }
0x98: {  	_ =	swait.ge [sflag:s9], $0x4000  }
0x99: {  	p1 =	por $0x1, $0x1;
	[sflag:s9] =	ssyncset.done $0x0  }
0x9a: {  	s21 =	simm.s32 @!p1 $0x6;
	[sflag:s9] =	ssyncadd.s32 $0xFFFFC000  }
0x9b: {  	_ =	swait.ge @!p1 [sflag:s21], $0x4000  }
0x9c: {  	[sflag:s21] =	ssyncset.done @!p1 $0x0  }
0x9d: {  	s31 =	simm.s32 $0x80;
	[sflag:s21] =	ssyncadd.s32 @!p1 $0xFFFFC000  }
0x9e: {  	[tilespmem:s7], [sflag:$0x2] =	stream.indirect.gather [hbm4b:s0+s15], $0x80, s31, s15, $0xb8;
	[tilespmem:$0x1FD00] =	vst v63  }
0x9f: {  	s25 =	simm.s32 $0xD80  }
0xa0: {  	[tilespmem:s10], [sflag:$0x4] =	stream.indirect.gather [hbm4b:s18+s15], $0x1, s25, s15, $0xb8;
	[tilespmem:$0x1FD00] =	vst v63  }
0xa1: {  	s26 =	simm.s32 $0xD00  }
0xa2: {  	[spmem:s1] =	stream.indirect.scatter.add.f32 [tilespmem:s3], [sflag:$0x5], $0x80, s26, s15, $0xb8;
	[tilespmem:$0x1FD00] =	vst v63  }
0xa3: {  	_ =	swait.ge [sflag:s11], $0x80  }
0xa4: {  	[sflag:s11] =	ssyncset.done $0x0  }
0xa5: {  	s22 =	simm.s32 @!p1 $0x7;
	[sflag:s11] =	ssyncadd.s32 $0xFFFFFF80  }
0xa6: {  	_ =	swait.ge @!p1 [sflag:s22], $0x80  }
0xa7: {  	[sflag:s22] =	ssyncset.done @!p1 $0x0  }
0xa8: {  	[sflag:s22] =	ssyncadd.s32 @!p1 $0xFFFFFF80  }
0xa9: {  	v0 =	vld [tilespmem:$0xB620]  }
0xaa: {  	v1 =	vld [tilespmem:$0xB600]  }
0xab: {  	v2 =	vld [tilespmem:$0xB650]  }
0xac: {  	v3 =	vld [tilespmem:$0xB610]  }
0xad: {  	v4 =	vld [tilespmem:$0xB670]  }
0xae: {  	v5 =	vld [tilespmem:$0xB660];
	v0 =	vmax.f32 v0, $1.000000000e+00  }
0xaf: {  	v6 =	vld [tilespmem:$0xB640];
	v1 =	vmax.f32 v1, $1.000000000e+00;
	(erf) = vrcp.f32 v0  }
0xb0: {  	v2 =	vmax.f32 v2, $1.000000000e+00;
	v0 =	vld [tilespmem:$0xB630];
	(erf) = vrcp.f32 v1  }
0xb1: {  	v1 =	vmax.f32 v3, $1.000000000e+00;
	(erf) = vrcp.f32 v2  }
0xb2: {  	v2 =	vmax.f32 v4, $1.000000000e+00;
	(erf) = vrcp.f32 v1  }
0xb3: {  	v1 =	vmax.f32 v5, $1.000000000e+00;
	(erf) = vrcp.f32 v2  }
0xb4: {  	v2 =	vmax.f32 v6, $1.000000000e+00;
	(erf) = vrcp.f32 v1  }
0xb5: {  	v0 =	vmax.f32 v0, $1.000000000e+00;
	(erf) = vrcp.f32 v2  }
0xb6: {  	(erf) = vrcp.f32 v0;
	_ =	sdelay $0x1  }
0xb7: {  	v0 =	vpop (erf)  }
0xb8: {  	[tilespmem:$0xB720] =	vst v0;
	v0 =	vpop (erf)  }
0xb9: {  	[tilespmem:$0xB700] =	vst v0;
	v0 =	vpop (erf)  }
0xba: {  	[tilespmem:$0xB750] =	vst v0;
	v0 =	vpop (erf)  }
0xbb: {  	[tilespmem:$0xB710] =	vst v0;
	v0 =	vpop (erf)  }
0xbc: {  	[tilespmem:$0xB770] =	vst v0;
	v0 =	vpop (erf)  }
0xbd: {  	[tilespmem:$0xB760] =	vst v0;
	v0 =	vpop (erf)  }
0xbe: {  	[tilespmem:$0xB740] =	vst v0;
	v0 =	vpop (erf)  }
0xbf: {  	s29 =	simm.s32 $0x0;
	[tilespmem:$0xB730] =	vst v0  }
0xc0: {  	[spmem:s2] =	stream.indirect.scatter.add.f32 [tilespmem:s12], [sflag:$0x7], $0x1, s29, s15, $0xb8;
	[tilespmem:$0x1FD00] =	vst v63  }
0xc1: {  	_ =	swait.ge [sflag:s13], $0x4000  }
0xc2: {  	[sflag:s13] =	ssyncset.done $0x0  }
0xc3: {  	[sflag:s13] =	ssyncadd.s32 $0xFFFFC000  }
0xc4: {  	p2 =	por $0x0, $0x0;
	_ =	swait.ge [sflag:s14], $0x4000  }
0xc5: {  	s23 =	simm.s32 @!p2 $0x100;
	[sflag:s14] =	ssyncset.done $0x0  }
0xc6: {  	s24 =	simm.s32 @!p2 $0x80;
	s22 =	simm.s32 @!p2 $0x3600;
	[sflag:s14] =	ssyncadd.s32 $0xFFFFC000  }
0xc7: {  	[tilespmem:s22], [sflag:$0x1] =	stream.indirect.gather @!p2 [hbm4b:s0+s24], $0x80, s23, s24, $0xb8;
	[tilespmem:$0x1FD00] =	vst v63  }
0xc8: {  	s22 =	simm.s32 @!p2 $0xE00;
	s23 =	simm.s32 @!p2 $0xB600  }
0xc9: {  	[tilespmem:s23], [sflag:$0x3] =	stream.indirect.gather @!p2 [hbm4b:s18+s24], $0x1, s22, s24, $0xb8;
	[tilespmem:$0x1FD00] =	vst v63  }
0xca: {  	_ = 	snop  }
0xcb: {  	[spmem:s1] =	stream.indirect.scatter.add.f32 [tilespmem:s7], [sflag:$0x6], $0x80, s25, s15, $0xb8;
	[tilespmem:$0x1FD00] =	vst v63  }
0xcc: {  	_ =	swait.ge [sflag:s17], $0x80  }
0xcd: {  	[sflag:s17] =	ssyncset.done $0x0  }
0xce: {  	s21 =	simm.s32 @!p1 $0x8;
	[sflag:s17] =	ssyncadd.s32 $0xFFFFFF80  }
0xcf: {  	_ =	swait.ge @!p1 [sflag:s21], $0x80  }
0xd0: {  	[sflag:s21] =	ssyncset.done @!p1 $0x0  }
0xd1: {  	[sflag:s21] =	ssyncadd.s32 @!p1 $0xFFFFFF80  }
0xd2: {  	v1 =	vld [tilespmem:$0xB680]  }
0xd3: {  	v4 =	vld [tilespmem:$0xB690]  }
0xd4: {  	v3 =	vld [tilespmem:$0xB6A0]  }
0xd5: {  	v2 =	vld [tilespmem:$0xB6B0]  }
0xd6: {  	v0 =	vld [tilespmem:$0xB6C0]  }
0xd7: {  	s21 =	simm.s32 $0x400;
	v5 =	vmax.f32 v1, $1.000000000e+00;
	v1 =	vld [tilespmem:$0xB6D0]  }
.LBB2_2:
0xd8: {  	v4 =	vmax.f32 v4, $1.000000000e+00;
	v6 =	vld [tilespmem:$0xB6E0];
	(erf) = vrcp.f32 v5;
	s22 =	smov.u32 s21;
	s21 =	sadd.s32 $0x400, s21  }
0xd9: {  	p1 =	sne.s32 s21, $0x3400;
	v3 =	vmax.f32 v3, $1.000000000e+00;
	v5 =	vld [tilespmem:$0xB6F0];
	(erf) = vrcp.f32 v4  }
0xda: {  	v2 =	vmax.f32 v2, $1.000000000e+00;
	(erf) = vrcp.f32 v3  }
0xdb: {  	v0 =	vmax.f32 v0, $1.000000000e+00;
	(erf) = vrcp.f32 v2  }
0xdc: {  	v1 =	vmax.f32 v1, $1.000000000e+00;
	(erf) = vrcp.f32 v0  }
0xdd: {  	v0 =	vmax.f32 v6, $1.000000000e+00;
	(erf) = vrcp.f32 v1  }
0xde: {  	v1 =	vmax.f32 v5, $1.000000000e+00;
	(erf) = vrcp.f32 v0  }
0xdf: {  	(erf) = vrcp.f32 v1;
	_ =	sdelay $0x1  }
0xe0: {  	v0 =	vpop (erf)  }
0xe1: {  	[tilespmem:$0xB780] =	vst v0;
	v0 =	vpop (erf)  }
0xe2: {  	[tilespmem:$0xB790] =	vst v0;
	v0 =	vpop (erf)  }
0xe3: {  	[tilespmem:$0xB7A0] =	vst v0;
	v0 =	vpop (erf)  }
0xe4: {  	[tilespmem:$0xB7B0] =	vst v0;
	v0 =	vpop (erf)  }
0xe5: {  	[tilespmem:$0xB7C0] =	vst v0;
	v0 =	vpop (erf)  }
0xe6: {  	[tilespmem:$0xB7D0] =	vst v0;
	v0 =	vpop (erf)  }
0xe7: {  	[tilespmem:$0xB7E0] =	vst v0;
	v0 =	vpop (erf)  }
0xe8: {  	[tilespmem:$0xB7F0] =	vst v0  }
0xe9: {  	[spmem:s2] =	stream.indirect.scatter.add.f32 [tilespmem:s5], [sflag:$0x8], $0x1, s31, s15, $0xb8;
	[tilespmem:$0x1FD00] =	vst v63  }
0xea: {  	_ =	swait.ge [sflag:s9], $0x4000  }
0xeb: {  	p2 =	seq.s32 s22, $0x0;
	[sflag:s9] =	ssyncset.done $0x0  }
0xec: {  	s23 =	simm.s32 @!p2 $0x6;
	[sflag:s9] =	ssyncadd.s32 $0xFFFFC000  }
0xed: {  	_ =	swait.ge @!p2 [sflag:s23], $0x4000  }
0xee: {  	s24 =	sshra.s32 s22, $0x2;
	[sflag:s23] =	ssyncset.done @!p2 $0x0  }
0xef: {  	s31 =	sadd.s32 $0x80, s24;
	[sflag:s23] =	ssyncadd.s32 @!p2 $0xFFFFC000  }
0xf0: {  	[tilespmem:s7], [sflag:$0x2] =	stream.indirect.gather [hbm4b:s0+s15], $0x80, s31, s15, $0xb8;
	[tilespmem:$0x1FD00] =	vst v63  }
0xf1: {  	s23 =	sadd.s32 $0xD80, s24  }
0xf2: {  	[tilespmem:s10], [sflag:$0x4] =	stream.indirect.gather [hbm4b:s18+s15], $0x1, s23, s15, $0xb8;
	[tilespmem:$0x1FD00] =	vst v63  }
0xf3: {  	s25 =	sadd.s32 $0xD00, s24  }
0xf4: {  	[spmem:s1] =	stream.indirect.scatter.add.f32 [tilespmem:s3], [sflag:$0x5], $0x80, s25, s15, $0xb8;
	[tilespmem:$0x1FD00] =	vst v63  }
0xf5: {  	_ =	swait.ge [sflag:s11], $0x80  }
0xf6: {  	[sflag:s11] =	ssyncset.done $0x0  }
0xf7: {  	s25 =	simm.s32 @!p2 $0x7;
	[sflag:s11] =	ssyncadd.s32 $0xFFFFFF80  }
0xf8: {  	_ =	swait.ge @!p2 [sflag:s25], $0x80  }
0xf9: {  	[sflag:s25] =	ssyncset.done @!p2 $0x0  }
0xfa: {  	[sflag:s25] =	ssyncadd.s32 @!p2 $0xFFFFFF80  }
0xfb: {  	v0 =	vld [tilespmem:$0xB630]  }
0xfc: {  	v1 =	vld [tilespmem:$0xB620]  }
0xfd: {  	v2 =	vld [tilespmem:$0xB600]  }
0xfe: {  	v3 =	vld [tilespmem:$0xB650]  }
0xff: {  	v4 =	vld [tilespmem:$0xB610]  }
0x100: {  	v5 =	vld [tilespmem:$0xB670]  }
0x101: {  	v1 =	vmax.f32 v1, $1.000000000e+00;
	v6 =	vld [tilespmem:$0xB660]  }
0x102: {  	v0 =	vmax.f32 v0, $1.000000000e+00;
	v2 =	vmax.f32 v2, $1.000000000e+00;
	v7 =	vld [tilespmem:$0xB640];
	(erf) = vrcp.f32 v1  }
0x103: {  	v1 =	vmax.f32 v3, $1.000000000e+00;
	(erf) = vrcp.f32 v2  }
0x104: {  	v2 =	vmax.f32 v4, $1.000000000e+00;
	(erf) = vrcp.f32 v1  }
0x105: {  	v1 =	vmax.f32 v5, $1.000000000e+00;
	(erf) = vrcp.f32 v2  }
0x106: {  	v2 =	vmax.f32 v6, $1.000000000e+00;
	(erf) = vrcp.f32 v1  }
0x107: {  	v1 =	vmax.f32 v7, $1.000000000e+00;
	(erf) = vrcp.f32 v2  }
0x108: {  	(erf) = vrcp.f32 v1  }
0x109: {  	(erf) = vrcp.f32 v0;
	_ =	sdelay $0x1  }
0x10a: {  	v0 =	vpop (erf)  }
0x10b: {  	[tilespmem:$0xB720] =	vst v0;
	v0 =	vpop (erf)  }
0x10c: {  	[tilespmem:$0xB700] =	vst v0;
	v0 =	vpop (erf)  }
0x10d: {  	[tilespmem:$0xB750] =	vst v0;
	v0 =	vpop (erf)  }
0x10e: {  	[tilespmem:$0xB710] =	vst v0;
	v0 =	vpop (erf)  }
0x10f: {  	[tilespmem:$0xB770] =	vst v0;
	v0 =	vpop (erf)  }
0x110: {  	[tilespmem:$0xB760] =	vst v0;
	v0 =	vpop (erf)  }
0x111: {  	[tilespmem:$0xB740] =	vst v0;
	v0 =	vpop (erf)  }
0x112: {  	[tilespmem:$0xB730] =	vst v0  }
0x113: {  	[spmem:s2] =	stream.indirect.scatter.add.f32 [tilespmem:s12], [sflag:$0x7], $0x1, s24, s15, $0xb8;
	[tilespmem:$0x1FD00] =	vst v63  }
0x114: {  	_ =	swait.ge [sflag:s13], $0x4000  }
0x115: {  	[sflag:s13] =	ssyncset.done $0x0  }
0x116: {  	[sflag:s13] =	ssyncadd.s32 $0xFFFFC000  }
0x117: {  	p3 =	seq.s32 s22, $0x3000;
	_ =	swait.ge [sflag:s14], $0x4000  }
0x118: {  	s22 =	sshra.s32 @!p3 s22, $0x2;
	s24 =	simm.s32 @!p3 $0x3600;
	[sflag:s14] =	ssyncset.done $0x0  }
0x119: {  	s26 =	simm.s32 @!p3 $0x80;
	s25 =	sadd.s32 @!p3 $0x100, s22;
	[sflag:s14] =	ssyncadd.s32 $0xFFFFC000  }
0x11a: {  	[tilespmem:s24], [sflag:$0x1] =	stream.indirect.gather @!p3 [hbm4b:s0+s26], $0x80, s25, s26, $0xb8;
	[tilespmem:$0x1FD00] =	vst v63  }
0x11b: {  	s22 =	sadd.s32 @!p3 $0xE00, s22;
	s24 =	simm.s32 @!p3 $0xB600  }
0x11c: {  	[tilespmem:s24], [sflag:$0x3] =	stream.indirect.gather @!p3 [hbm4b:s18+s26], $0x1, s22, s26, $0xb8;
	[tilespmem:$0x1FD00] =	vst v63  }
0x11d: {  	_ = 	snop  }
0x11e: {  	[spmem:s1] =	stream.indirect.scatter.add.f32 [tilespmem:s7], [sflag:$0x6], $0x80, s23, s15, $0xb8;
	[tilespmem:$0x1FD00] =	vst v63  }
0x11f: {  	_ =	swait.ge [sflag:s17], $0x80  }
0x120: {  	[sflag:s17] =	ssyncset.done $0x0  }
0x121: {  	s22 =	simm.s32 @!p2 $0x8;
	[sflag:s17] =	ssyncadd.s32 $0xFFFFFF80  }
0x122: {  	_ =	swait.ge @!p2 [sflag:s22], $0x80  }
0x123: {  	[sflag:s22] =	ssyncset.done @!p2 $0x0  }
0x124: {  	[sflag:s22] =	ssyncadd.s32 @!p2 $0xFFFFFF80  }
0x125: {  	v1 =	vld [tilespmem:$0xB680]  }
.Ltmp2:
0x126: {  	v4 =	vld [tilespmem:$0xB690];
	(pc) =	sbr.rel @p1 .LBB2_2-.Ltmp2, $4  }
0x127: {  	v3 =	vld [tilespmem:$0xB6A0]  }
0x128: {  	v2 =	vld [tilespmem:$0xB6B0]  }
0x129: {  	v0 =	vld [tilespmem:$0xB6C0]  }
0x12a: {  	v5 =	vmax.f32 v1, $1.000000000e+00;
	v1 =	vld [tilespmem:$0xB6D0]  }
0x12b: {  	v4 =	vmax.f32 v4, $1.000000000e+00;
	v6 =	vld [tilespmem:$0xB6E0];
	(erf) = vrcp.f32 v5  }
0x12c: {  	v53 =	vld [tilespmem:$0xB6F0];
	v3 =	vmax.f32 v3, $1.000000000e+00;
	(erf) = vrcp.f32 v4  }
0x12d: {  	v2 =	vmax.f32 v2, $1.000000000e+00;
	(erf) = vrcp.f32 v3  }
0x12e: {  	v0 =	vmax.f32 v0, $1.000000000e+00;
	(erf) = vrcp.f32 v2  }
0x12f: {  	v1 =	vmax.f32 v1, $1.000000000e+00;
	(erf) = vrcp.f32 v0  }
0x130: {  	v54 =	vmax.f32 v6, $1.000000000e+00;
	(erf) = vrcp.f32 v1  }
0x131: {  	v55 =	vmax.f32 v53, $1.000000000e+00;
	(erf) = vrcp.f32 v54  }
0x132: {  	(erf) = vrcp.f32 v55;
	_ =	sdelay $0x1  }
0x133: {  	v56 =	vpop (erf)  }
0x134: {  	[tilespmem:$0xB780] =	vst v56;
	v57 =	vpop (erf)  }
0x135: {  	[tilespmem:$0xB790] =	vst v57;
	v58 =	vpop (erf)  }
0x136: {  	[tilespmem:$0xB7A0] =	vst v58;
	v59 =	vpop (erf)  }
0x137: {  	[tilespmem:$0xB7B0] =	vst v59;
	v60 =	vpop (erf)  }
0x138: {  	[tilespmem:$0xB7C0] =	vst v60;
	v61 =	vpop (erf)  }
0x139: {  	[tilespmem:$0xB7D0] =	vst v61;
	v62 =	vpop (erf)  }
0x13a: {  	[tilespmem:$0xB7E0] =	vst v62;
	v63 =	vpop (erf)  }
0x13b: {  	s6 =	simm.s32 $0x6;
	[tilespmem:$0xB7F0] =	vst v63  }
0x13c: {  	[spmem:s2] =	stream.indirect.scatter.add.f32 [tilespmem:s5], [sflag:$0x8], $0x1, s31, s15, $0xb8;
	[tilespmem:$0x1FD00] =	vst v63  }
0x13d: {  	_ =	swait.ge [sflag:s6], $0x4000  }
0x13e: {  	[sflag:s6] =	ssyncset.done $0x0  }
0x13f: {  	[sflag:s6] =	ssyncadd.s32 $0xFFFFC000  }
0x140: {  	_ =	swait.ge [sflag:s19], $0x80  }
0x141: {  	[sflag:s19] =	ssyncset.done $0x0  }
0x142: {  	[sflag:s19] =	ssyncadd.s32 $0xFFFFFF80  }
0x143: {  	_ =	swait.ge [sflag:s20], $0x80  }
0x144: {  	[sflag:s20] =	ssyncset.done $0x0  }
0x145: {  	s21 =	simm.s32 $0x0;
	s8 =	rddreg [dreg:$0xb];
	[sflag:s20] =	ssyncadd.s32 $0xFFFFFF80  }
0x146: {  	[tilespmem:s21], [sflag:$0x9] =	stream.linear.gather [hbm4b:s8+s21], $0xD00, $0x38;
	[tilespmem:$0x1FD00] =	vst v63  }
0x147: {  	s29 =	simm.s32 $0xD00;
	s23 =	simm.s32 $0xA;
	s22 =	rddreg [dreg:$0xc]  }
0x148: {  	[tilespmem:s29], [sflag:$0x9] =	stream.linear.gather [hbm4b:s22+s21], $0xD00, $0x38;
	[tilespmem:$0x1FD00] =	vst v63  }
0x149: {  	_ =	swait.ge [sflag:s23], $0xD00  }
0x14a: {  	[sflag:s23] =	ssyncset.done $0x0  }
0x14b: {  	[sflag:s23] =	ssyncadd.s32 $0xFFFFF300  }
0x14c: {  	_ =	swait.ge [sflag:s23], $0xD00  }
0x14d: {  	[sflag:s23] =	ssyncset.done $0x0  }
0x14e: {  	s24 =	simm.s32 $0x1A00;
	[sflag:s23] =	ssyncadd.s32 $0xFFFFF300  }
0x14f: {  	[tilespmem:s3], [sflag:$0x1] =	stream.indirect.gather [hbm4b:s0+s15], $0x80, s24, s15, $0xb8;
	[tilespmem:$0x1FD00] =	vst v63  }
0x150: {  	s25 =	simm.s32 $0xB600;
	s22 =	simm.s32 $0x2700  }
0x151: {  	[tilespmem:s25], [sflag:$0x3] =	stream.indirect.gather [hbm4b:s18+s15], $0x1, s22, s15, $0xb8;
	[tilespmem:$0x1FD00] =	vst v63  }
0x152: {  	_ =	swait.ge [sflag:s9], $0x4000  }
0x153: {  	p1 =	por $0x1, $0x1;
	[sflag:s9] =	ssyncset.done $0x0  }
0x154: {  	s22 =	simm.s32 @!p1 $0x6;
	[sflag:s9] =	ssyncadd.s32 $0xFFFFC000  }
0x155: {  	_ =	swait.ge @!p1 [sflag:s22], $0x4000  }
0x156: {  	[sflag:s22] =	ssyncset.done @!p1 $0x0  }
0x157: {  	s31 =	simm.s32 $0x1A80;
	[sflag:s22] =	ssyncadd.s32 @!p1 $0xFFFFC000  }
0x158: {  	[tilespmem:s7], [sflag:$0x2] =	stream.indirect.gather [hbm4b:s0+s15], $0x80, s31, s15, $0xb8;
	[tilespmem:$0x1FD00] =	vst v63  }
0x159: {  	s23 =	simm.s32 $0x2780  }
0x15a: {  	[tilespmem:s10], [sflag:$0x4] =	stream.indirect.gather [hbm4b:s18+s15], $0x1, s23, s15, $0xb8;
	[tilespmem:$0x1FD00] =	vst v63  }
0x15b: {  	s26 =	simm.s32 $0x2700  }
0x15c: {  	[spmem:s1] =	stream.indirect.scatter.add.f32 [tilespmem:s3], [sflag:$0x5], $0x80, s26, s15, $0xb8;
	[tilespmem:$0x1FD00] =	vst v63  }
0x15d: {  	_ =	swait.ge [sflag:s11], $0x80  }
0x15e: {  	[sflag:s11] =	ssyncset.done $0x0  }
0x15f: {  	s26 =	simm.s32 @!p1 $0x7;
	[sflag:s11] =	ssyncadd.s32 $0xFFFFFF80  }
0x160: {  	s24 =	simm.s32 $0x0;
	s22 =	simm.s32 $0x400;
	_ =	swait.ge @!p1 [sflag:s26], $0x80  }
.LBB2_4:
0x161: {  	[sflag:s26] =	ssyncset.done @!p1 $0x0;
	s25 =	smov.u32 s22;
	s22 =	sadd.s32 $0x400, s22  }
0x162: {  	p2 =	sne.s32 s22, $0x3400;
	[sflag:s26] =	ssyncadd.s32 @!p1 $0xFFFFFF80  }
0x163: {  	v0 =	vld [tilespmem:$0xB670]  }
0x164: {  	v1 =	vld [tilespmem:$0xB660]  }
0x165: {  	v2 =	vld [tilespmem:$0xB630]  }
0x166: {  	v3 =	vld [tilespmem:$0xB620]  }
0x167: {  	v4 =	vld [tilespmem:$0xB650]  }
0x168: {  	v5 =	vld [tilespmem:$0xB640];
	v0 =	vmax.f32 v0, $1.000000000e+00  }
0x169: {  	v6 =	vld [tilespmem:$0xB600];
	v1 =	vmax.f32 v1, $1.000000000e+00;
	(erf) = vrcp.f32 v0  }
0x16a: {  	v0 =	vld [tilespmem:$0xB610];
	v2 =	vmax.f32 v2, $1.000000000e+00;
	(erf) = vrcp.f32 v1  }
0x16b: {  	v1 =	vmax.f32 v3, $1.000000000e+00;
	(erf) = vrcp.f32 v2  }
0x16c: {  	v2 =	vmax.f32 v4, $1.000000000e+00;
	(erf) = vrcp.f32 v1  }
0x16d: {  	v1 =	vmax.f32 v5, $1.000000000e+00;
	(erf) = vrcp.f32 v2  }
0x16e: {  	v2 =	vmax.f32 v6, $1.000000000e+00;
	(erf) = vrcp.f32 v1  }
0x16f: {  	v0 =	vmax.f32 v0, $1.000000000e+00;
	(erf) = vrcp.f32 v2  }
0x170: {  	(erf) = vrcp.f32 v0;
	_ =	sdelay $0x1  }
0x171: {  	v0 =	vpop (erf)  }
0x172: {  	[tilespmem:$0xB770] =	vst v0;
	v0 =	vpop (erf)  }
0x173: {  	[tilespmem:$0xB760] =	vst v0;
	v0 =	vpop (erf)  }
0x174: {  	[tilespmem:$0xB730] =	vst v0;
	v0 =	vpop (erf)  }
0x175: {  	[tilespmem:$0xB720] =	vst v0;
	v0 =	vpop (erf)  }
0x176: {  	[tilespmem:$0xB750] =	vst v0;
	v0 =	vpop (erf)  }
0x177: {  	[tilespmem:$0xB740] =	vst v0;
	v0 =	vpop (erf)  }
0x178: {  	[tilespmem:$0xB700] =	vst v0;
	v0 =	vpop (erf)  }
0x179: {  	s24 =	sadd.s32 $0x1A00, s24;
	[tilespmem:$0xB710] =	vst v0  }
0x17a: {  	[spmem:s2] =	stream.indirect.scatter.add.f32 [tilespmem:s12], [sflag:$0x7], $0x1, s24, s15, $0xb8;
	[tilespmem:$0x1FD00] =	vst v63  }
0x17b: {  	_ =	swait.ge [sflag:s13], $0x4000  }
0x17c: {  	[sflag:s13] =	ssyncset.done $0x0  }
0x17d: {  	[sflag:s13] =	ssyncadd.s32 $0xFFFFC000  }
0x17e: {  	p3 =	seq.s32 s21, $0x3000;
	_ =	swait.ge [sflag:s14], $0x4000  }
0x17f: {  	s21 =	sshra.s32 @!p3 s21, $0x2;
	s24 =	simm.s32 @!p3 $0x3600;
	[sflag:s14] =	ssyncset.done $0x0  }
0x180: {  	s8 =	simm.s32 @!p3 $0x80;
	s26 =	sadd.s32 @!p3 $0x1B00, s21;
	[sflag:s14] =	ssyncadd.s32 $0xFFFFC000  }
0x181: {  	[tilespmem:s24], [sflag:$0x1] =	stream.indirect.gather @!p3 [hbm4b:s0+s8], $0x80, s26, s8, $0xb8;
	[tilespmem:$0x1FD00] =	vst v63  }
0x182: {  	s24 =	sadd.s32 @!p3 $0x2800, s21;
	s26 =	simm.s32 @!p3 $0xB600;
	s21 =	smov.u32 s25  }
0x183: {  	[tilespmem:s26], [sflag:$0x3] =	stream.indirect.gather @!p3 [hbm4b:s18+s8], $0x1, s24, s8, $0xb8;
	[tilespmem:$0x1FD00] =	vst v63  }
0x184: {  	_ = 	snop  }
0x185: {  	[spmem:s1] =	stream.indirect.scatter.add.f32 [tilespmem:s7], [sflag:$0x6], $0x80, s23, s15, $0xb8;
	[tilespmem:$0x1FD00] =	vst v63  }
0x186: {  	_ =	swait.ge [sflag:s17], $0x80  }
0x187: {  	[sflag:s17] =	ssyncset.done $0x0  }
0x188: {  	s8 =	simm.s32 @!p1 $0x8;
	[sflag:s17] =	ssyncadd.s32 $0xFFFFFF80  }
0x189: {  	_ =	swait.ge @!p1 [sflag:s8], $0x80  }
0x18a: {  	[sflag:s8] =	ssyncset.done @!p1 $0x0  }
0x18b: {  	[sflag:s8] =	ssyncadd.s32 @!p1 $0xFFFFFF80  }
0x18c: {  	v0 =	vld [tilespmem:$0xB680]  }
0x18d: {  	v1 =	vld [tilespmem:$0xB690]  }
0x18e: {  	v2 =	vld [tilespmem:$0xB6A0]  }
0x18f: {  	v3 =	vld [tilespmem:$0xB6B0]  }
0x190: {  	v4 =	vld [tilespmem:$0xB6C0]  }
0x191: {  	v0 =	vmax.f32 v0, $1.000000000e+00;
	v5 =	vld [tilespmem:$0xB6D0]  }
0x192: {  	v1 =	vmax.f32 v1, $1.000000000e+00;
	v6 =	vld [tilespmem:$0xB6E0];
	(erf) = vrcp.f32 v0  }
0x193: {  	v0 =	vmax.f32 v2, $1.000000000e+00;
	v2 =	vld [tilespmem:$0xB6F0];
	(erf) = vrcp.f32 v1  }
0x194: {  	v1 =	vmax.f32 v3, $1.000000000e+00;
	(erf) = vrcp.f32 v0  }
0x195: {  	v0 =	vmax.f32 v4, $1.000000000e+00;
	(erf) = vrcp.f32 v1  }
0x196: {  	v1 =	vmax.f32 v5, $1.000000000e+00;
	(erf) = vrcp.f32 v0  }
0x197: {  	v0 =	vmax.f32 v6, $1.000000000e+00;
	(erf) = vrcp.f32 v1  }
0x198: {  	v1 =	vmax.f32 v2, $1.000000000e+00;
	(erf) = vrcp.f32 v0  }
0x199: {  	(erf) = vrcp.f32 v1;
	_ =	sdelay $0x1  }
0x19a: {  	v0 =	vpop (erf)  }
0x19b: {  	[tilespmem:$0xB780] =	vst v0;
	v0 =	vpop (erf)  }
0x19c: {  	[tilespmem:$0xB790] =	vst v0;
	v0 =	vpop (erf)  }
0x19d: {  	[tilespmem:$0xB7A0] =	vst v0;
	v0 =	vpop (erf)  }
0x19e: {  	[tilespmem:$0xB7B0] =	vst v0;
	v0 =	vpop (erf)  }
0x19f: {  	[tilespmem:$0xB7C0] =	vst v0;
	v0 =	vpop (erf)  }
0x1a0: {  	[tilespmem:$0xB7D0] =	vst v0;
	v0 =	vpop (erf)  }
0x1a1: {  	[tilespmem:$0xB7E0] =	vst v0;
	v0 =	vpop (erf)  }
0x1a2: {  	[tilespmem:$0xB7F0] =	vst v0  }
0x1a3: {  	[spmem:s2] =	stream.indirect.scatter.add.f32 [tilespmem:s5], [sflag:$0x8], $0x1, s31, s15, $0xb8;
	[tilespmem:$0x1FD00] =	vst v63  }
0x1a4: {  	_ =	swait.ge [sflag:s9], $0x4000  }
0x1a5: {  	p1 =	seq.s32 s21, $0x0;
	[sflag:s9] =	ssyncset.done $0x0  }
0x1a6: {  	s8 =	simm.s32 @!p1 $0x6;
	[sflag:s9] =	ssyncadd.s32 $0xFFFFC000  }
0x1a7: {  	_ =	swait.ge @!p1 [sflag:s8], $0x4000  }
0x1a8: {  	s24 =	sshra.s32 s21, $0x2;
	[sflag:s8] =	ssyncset.done @!p1 $0x0  }
0x1a9: {  	s31 =	sadd.s32 $0x1A80, s24;
	[sflag:s8] =	ssyncadd.s32 @!p1 $0xFFFFC000  }
0x1aa: {  	[tilespmem:s7], [sflag:$0x2] =	stream.indirect.gather [hbm4b:s0+s15], $0x80, s31, s15, $0xb8;
	[tilespmem:$0x1FD00] =	vst v63  }
0x1ab: {  	s23 =	sadd.s32 $0x2780, s24  }
0x1ac: {  	[tilespmem:s10], [sflag:$0x4] =	stream.indirect.gather [hbm4b:s18+s15], $0x1, s23, s15, $0xb8;
	[tilespmem:$0x1FD00] =	vst v63  }
0x1ad: {  	s8 =	sadd.s32 $0x2700, s24  }
0x1ae: {  	[spmem:s1] =	stream.indirect.scatter.add.f32 [tilespmem:s3], [sflag:$0x5], $0x80, s8, s15, $0xb8;
	[tilespmem:$0x1FD00] =	vst v63  }
.Ltmp3:
0x1af: {  	_ = 	snop;
	(pc) =	sbr.rel @p2 .LBB2_4-.Ltmp3, $4  }
0x1b0: {  	_ =	swait.ge [sflag:s11], $0x80  }
0x1b1: {  	[sflag:s11] =	ssyncset.done $0x0  }
0x1b2: {  	s26 =	simm.s32 @!p1 $0x7;
	[sflag:s11] =	ssyncadd.s32 $0xFFFFFF80  }
0x1b3: {  	_ =	swait.ge @!p1 [sflag:s26], $0x80  }
0x1b4: {  	[sflag:s26] =	ssyncset.done @!p1 $0x0  }
0x1b5: {  	[sflag:s26] =	ssyncadd.s32 @!p1 $0xFFFFFF80  }
0x1b6: {  	v0 =	vld [tilespmem:$0xB670]  }
0x1b7: {  	v1 =	vld [tilespmem:$0xB660]  }
0x1b8: {  	v2 =	vld [tilespmem:$0xB630]  }
0x1b9: {  	v3 =	vld [tilespmem:$0xB620]  }
0x1ba: {  	v4 =	vld [tilespmem:$0xB650]  }
0x1bb: {  	v5 =	vld [tilespmem:$0xB640];
	v0 =	vmax.f32 v0, $1.000000000e+00  }
0x1bc: {  	v6 =	vld [tilespmem:$0xB600];
	v1 =	vmax.f32 v1, $1.000000000e+00;
	(erf) = vrcp.f32 v0  }
0x1bd: {  	v2 =	vmax.f32 v2, $1.000000000e+00;
	v0 =	vld [tilespmem:$0xB610];
	(erf) = vrcp.f32 v1  }
0x1be: {  	v1 =	vmax.f32 v3, $1.000000000e+00;
	(erf) = vrcp.f32 v2  }
0x1bf: {  	v2 =	vmax.f32 v4, $1.000000000e+00;
	(erf) = vrcp.f32 v1  }
0x1c0: {  	v1 =	vmax.f32 v5, $1.000000000e+00;
	(erf) = vrcp.f32 v2  }
0x1c1: {  	v2 =	vmax.f32 v6, $1.000000000e+00;
	(erf) = vrcp.f32 v1  }
0x1c2: {  	v0 =	vmax.f32 v0, $1.000000000e+00;
	(erf) = vrcp.f32 v2  }
0x1c3: {  	(erf) = vrcp.f32 v0;
	_ =	sdelay $0x1  }
0x1c4: {  	v0 =	vpop (erf)  }
0x1c5: {  	[tilespmem:$0xB770] =	vst v0;
	v0 =	vpop (erf)  }
0x1c6: {  	[tilespmem:$0xB760] =	vst v0;
	v0 =	vpop (erf)  }
0x1c7: {  	[tilespmem:$0xB730] =	vst v0;
	v0 =	vpop (erf)  }
0x1c8: {  	[tilespmem:$0xB720] =	vst v0;
	v0 =	vpop (erf)  }
0x1c9: {  	[tilespmem:$0xB750] =	vst v0;
	v0 =	vpop (erf)  }
0x1ca: {  	[tilespmem:$0xB740] =	vst v0;
	v0 =	vpop (erf)  }
0x1cb: {  	[tilespmem:$0xB700] =	vst v0;
	v0 =	vpop (erf)  }
0x1cc: {  	s8 =	sadd.s32 $0x1A00, s24;
	[tilespmem:$0xB710] =	vst v0  }
0x1cd: {  	[spmem:s2] =	stream.indirect.scatter.add.f32 [tilespmem:s12], [sflag:$0x7], $0x1, s8, s15, $0xb8;
	[tilespmem:$0x1FD00] =	vst v63  }
0x1ce: {  	_ =	swait.ge [sflag:s13], $0x4000  }
0x1cf: {  	[sflag:s13] =	ssyncset.done $0x0  }
0x1d0: {  	[sflag:s13] =	ssyncadd.s32 $0xFFFFC000  }
0x1d1: {  	p2 =	seq.s32 s21, $0x3000;
	_ =	swait.ge [sflag:s14], $0x4000  }
0x1d2: {  	s24 =	simm.s32 @!p2 $0x80;
	s8 =	sshra.s32 @!p2 s21, $0x2;
	[sflag:s14] =	ssyncset.done $0x0  }
0x1d3: {  	s21 =	simm.s32 @!p2 $0x3600;
	s22 =	sadd.s32 @!p2 $0x1B00, s8;
	[sflag:s14] =	ssyncadd.s32 $0xFFFFC000  }
0x1d4: {  	[tilespmem:s21], [sflag:$0x1] =	stream.indirect.gather @!p2 [hbm4b:s0+s24], $0x80, s22, s24, $0xb8;
	[tilespmem:$0x1FD00] =	vst v63  }
0x1d5: {  	s8 =	sadd.s32 @!p2 $0x2800, s8;
	s21 =	simm.s32 @!p2 $0xB600  }
0x1d6: {  	[tilespmem:s21], [sflag:$0x3] =	stream.indirect.gather @!p2 [hbm4b:s18+s24], $0x1, s8, s24, $0xb8;
	[tilespmem:$0x1FD00] =	vst v63  }
0x1d7: {  	_ = 	snop  }
0x1d8: {  	[spmem:s1] =	stream.indirect.scatter.add.f32 [tilespmem:s7], [sflag:$0x6], $0x80, s23, s15, $0xb8;
	[tilespmem:$0x1FD00] =	vst v63  }
0x1d9: {  	_ =	swait.ge [sflag:s17], $0x80  }
0x1da: {  	[sflag:s17] =	ssyncset.done $0x0  }
0x1db: {  	s8 =	simm.s32 @!p1 $0x8;
	[sflag:s17] =	ssyncadd.s32 $0xFFFFFF80  }
0x1dc: {  	_ =	swait.ge @!p1 [sflag:s8], $0x80  }
0x1dd: {  	[sflag:s8] =	ssyncset.done @!p1 $0x0  }
0x1de: {  	[sflag:s8] =	ssyncadd.s32 @!p1 $0xFFFFFF80  }
0x1df: {  	v0 =	vld [tilespmem:$0xB680]  }
0x1e0: {  	v1 =	vld [tilespmem:$0xB690]  }
0x1e1: {  	v2 =	vld [tilespmem:$0xB6A0]  }
0x1e2: {  	v3 =	vld [tilespmem:$0xB6B0]  }
0x1e3: {  	v4 =	vld [tilespmem:$0xB6C0]  }
0x1e4: {  	v5 =	vld [tilespmem:$0xB6D0];
	v0 =	vmax.f32 v0, $1.000000000e+00  }
0x1e5: {  	v6 =	vld [tilespmem:$0xB6E0];
	v1 =	vmax.f32 v1, $1.000000000e+00;
	(erf) = vrcp.f32 v0  }
0x1e6: {  	v0 =	vmax.f32 v2, $1.000000000e+00;
	v2 =	vld [tilespmem:$0xB6F0];
	(erf) = vrcp.f32 v1  }
0x1e7: {  	v1 =	vmax.f32 v3, $1.000000000e+00;
	(erf) = vrcp.f32 v0  }
0x1e8: {  	v0 =	vmax.f32 v4, $1.000000000e+00;
	(erf) = vrcp.f32 v1  }
0x1e9: {  	v1 =	vmax.f32 v5, $1.000000000e+00;
	(erf) = vrcp.f32 v0  }
0x1ea: {  	v0 =	vmax.f32 v6, $1.000000000e+00;
	(erf) = vrcp.f32 v1  }
0x1eb: {  	v1 =	vmax.f32 v2, $1.000000000e+00;
	(erf) = vrcp.f32 v0  }
0x1ec: {  	(erf) = vrcp.f32 v1;
	_ =	sdelay $0x1  }
0x1ed: {  	v0 =	vpop (erf)  }
0x1ee: {  	[tilespmem:$0xB780] =	vst v0;
	v0 =	vpop (erf)  }
0x1ef: {  	[tilespmem:$0xB790] =	vst v0;
	v0 =	vpop (erf)  }
0x1f0: {  	[tilespmem:$0xB7A0] =	vst v0;
	v0 =	vpop (erf)  }
0x1f1: {  	[tilespmem:$0xB7B0] =	vst v0;
	v0 =	vpop (erf)  }
0x1f2: {  	[tilespmem:$0xB7C0] =	vst v0;
	v0 =	vpop (erf)  }
0x1f3: {  	[tilespmem:$0xB7D0] =	vst v0;
	v0 =	vpop (erf)  }
0x1f4: {  	[tilespmem:$0xB7E0] =	vst v0;
	v0 =	vpop (erf)  }
0x1f5: {  	[tilespmem:$0xB7F0] =	vst v0  }
0x1f6: {  	[spmem:s2] =	stream.indirect.scatter.add.f32 [tilespmem:s5], [sflag:$0x8], $0x1, s31, s15, $0xb8;
	[tilespmem:$0x1FD00] =	vst v63  }
0x1f7: {  	_ =	swait.ge [sflag:s6], $0x4000  }
0x1f8: {  	[sflag:s6] =	ssyncset.done $0x0  }
0x1f9: {  	[sflag:s6] =	ssyncadd.s32 $0xFFFFC000  }
0x1fa: {  	_ =	swait.ge [sflag:s19], $0x80  }
0x1fb: {  	[sflag:s19] =	ssyncset.done $0x0  }
0x1fc: {  	[sflag:s19] =	ssyncadd.s32 $0xFFFFFF80  }
0x1fd: {  	_ =	swait.ge [sflag:s20], $0x80  }
0x1fe: {  	[sflag:s20] =	ssyncset.done $0x0  }
0x1ff: {  	s21 =	simm.s32 $0x9;
	[sflag:s20] =	ssyncadd.s32 $0xFFFFFF80  }
0x200: {  	_ =	swait.ge [sflag:s21], $0xD00  }
0x201: {  	[sflag:s21] =	ssyncset.done $0x0  }
0x202: {  	[sflag:s21] =	ssyncadd.s32 $0xFFFFF300  }
0x203: {  	_ =	swait.ge [sflag:s21], $0xD00  }
0x204: {  	[sflag:s21] =	ssyncset.done $0x0  }
0x205: {  	s22 =	simm.s32 $0x0;
	[sflag:s21] =	ssyncadd.s32 $0xFFFFF300  }
0x206: {  	[tilespmem:s3], [sflag:$0x1] =	stream.indirect.gather [hbm4b:s0+s15], $0x80, s22, s15, $0xb8;
	[tilespmem:$0x1FD00] =	vst v63  }
0x207: {  	s23 =	simm.s32 $0xB600  }
0x208: {  	[tilespmem:s23], [sflag:$0x3] =	stream.indirect.gather [hbm4b:s18+s15], $0x1, s29, s15, $0xb8;
	[tilespmem:$0x1FD00] =	vst v63  }
0x209: {  	_ =	swait.ge [sflag:s9], $0x4000  }
0x20a: {  	p1 =	por $0x1, $0x1;
	[sflag:s9] =	ssyncset.done $0x0  }
0x20b: {  	s8 =	simm.s32 @!p1 $0x6;
	[sflag:s9] =	ssyncadd.s32 $0xFFFFC000  }
0x20c: {  	_ =	swait.ge @!p1 [sflag:s8], $0x4000  }
0x20d: {  	[sflag:s8] =	ssyncset.done @!p1 $0x0  }
0x20e: {  	s31 =	simm.s32 $0x80;
	[sflag:s8] =	ssyncadd.s32 @!p1 $0xFFFFC000  }
0x20f: {  	[tilespmem:s7], [sflag:$0x2] =	stream.indirect.gather [hbm4b:s0+s15], $0x80, s31, s15, $0xb8;
	[tilespmem:$0x1FD00] =	vst v63  }
0x210: {  	s24 =	simm.s32 $0xD80  }
0x211: {  	[tilespmem:s10], [sflag:$0x4] =	stream.indirect.gather [hbm4b:s18+s15], $0x1, s24, s15, $0xb8;
	[tilespmem:$0x1FD00] =	vst v63  }
0x212: {  	s25 =	simm.s32 $0xD00  }
0x213: {  	[spmem:s1] =	stream.indirect.scatter.add.f32 [tilespmem:s3], [sflag:$0x5], $0x80, s25, s15, $0xb8;
	[tilespmem:$0x1FD00] =	vst v63  }
0x214: {  	_ =	swait.ge [sflag:s11], $0x80  }
0x215: {  	[sflag:s11] =	ssyncset.done $0x0  }
0x216: {  	s8 =	simm.s32 @!p1 $0x7;
	[sflag:s11] =	ssyncadd.s32 $0xFFFFFF80  }
0x217: {  	_ =	swait.ge @!p1 [sflag:s8], $0x80  }
0x218: {  	[sflag:s8] =	ssyncset.done @!p1 $0x0  }
0x219: {  	[sflag:s8] =	ssyncadd.s32 @!p1 $0xFFFFFF80  }
0x21a: {  	v0 =	vld [tilespmem:$0xB620]  }
0x21b: {  	v1 =	vld [tilespmem:$0xB600]  }
0x21c: {  	v2 =	vld [tilespmem:$0xB650]  }
0x21d: {  	v3 =	vld [tilespmem:$0xB610]  }
0x21e: {  	v4 =	vld [tilespmem:$0xB670]  }
0x21f: {  	v5 =	vld [tilespmem:$0xB660];
	v0 =	vmax.f32 v0, $1.000000000e+00  }
0x220: {  	v6 =	vld [tilespmem:$0xB640];
	v1 =	vmax.f32 v1, $1.000000000e+00;
	(erf) = vrcp.f32 v0  }
0x221: {  	v2 =	vmax.f32 v2, $1.000000000e+00;
	v0 =	vld [tilespmem:$0xB630];
	(erf) = vrcp.f32 v1  }
0x222: {  	v1 =	vmax.f32 v3, $1.000000000e+00;
	(erf) = vrcp.f32 v2  }
0x223: {  	v2 =	vmax.f32 v4, $1.000000000e+00;
	(erf) = vrcp.f32 v1  }
0x224: {  	v1 =	vmax.f32 v5, $1.000000000e+00;
	(erf) = vrcp.f32 v2  }
0x225: {  	v2 =	vmax.f32 v6, $1.000000000e+00;
	(erf) = vrcp.f32 v1  }
0x226: {  	v0 =	vmax.f32 v0, $1.000000000e+00;
	(erf) = vrcp.f32 v2  }
0x227: {  	(erf) = vrcp.f32 v0;
	_ =	sdelay $0x1  }
0x228: {  	v0 =	vpop (erf)  }
0x229: {  	[tilespmem:$0xB720] =	vst v0;
	v0 =	vpop (erf)  }
0x22a: {  	[tilespmem:$0xB700] =	vst v0;
	v0 =	vpop (erf)  }
0x22b: {  	[tilespmem:$0xB750] =	vst v0;
	v0 =	vpop (erf)  }
0x22c: {  	[tilespmem:$0xB710] =	vst v0;
	v0 =	vpop (erf)  }
0x22d: {  	[tilespmem:$0xB770] =	vst v0;
	v0 =	vpop (erf)  }
0x22e: {  	[tilespmem:$0xB760] =	vst v0;
	v0 =	vpop (erf)  }
0x22f: {  	[tilespmem:$0xB740] =	vst v0;
	v0 =	vpop (erf)  }
0x230: {  	s26 =	simm.s32 $0x0;
	[tilespmem:$0xB730] =	vst v0  }
0x231: {  	[spmem:s2] =	stream.indirect.scatter.add.f32 [tilespmem:s12], [sflag:$0x7], $0x1, s26, s15, $0xb8;
	[tilespmem:$0x1FD00] =	vst v63  }
0x232: {  	_ =	swait.ge [sflag:s13], $0x4000  }
0x233: {  	[sflag:s13] =	ssyncset.done $0x0  }
0x234: {  	[sflag:s13] =	ssyncadd.s32 $0xFFFFC000  }
0x235: {  	p2 =	por $0x0, $0x0;
	_ =	swait.ge [sflag:s14], $0x4000  }
0x236: {  	s22 =	simm.s32 @!p2 $0x100;
	[sflag:s14] =	ssyncset.done $0x0  }
0x237: {  	s23 =	simm.s32 @!p2 $0x80;
	s8 =	simm.s32 @!p2 $0x3600;
	[sflag:s14] =	ssyncadd.s32 $0xFFFFC000  }
0x238: {  	[tilespmem:s8], [sflag:$0x1] =	stream.indirect.gather @!p2 [hbm4b:s0+s23], $0x80, s22, s23, $0xb8;
	[tilespmem:$0x1FD00] =	vst v63  }
0x239: {  	s8 =	simm.s32 @!p2 $0xE00;
	s22 =	simm.s32 @!p2 $0xB600  }
0x23a: {  	[tilespmem:s22], [sflag:$0x3] =	stream.indirect.gather @!p2 [hbm4b:s18+s23], $0x1, s8, s23, $0xb8;
	[tilespmem:$0x1FD00] =	vst v63  }
0x23b: {  	_ = 	snop  }
0x23c: {  	[spmem:s1] =	stream.indirect.scatter.add.f32 [tilespmem:s7], [sflag:$0x6], $0x80, s24, s15, $0xb8;
	[tilespmem:$0x1FD00] =	vst v63  }
0x23d: {  	_ =	swait.ge [sflag:s17], $0x80  }
0x23e: {  	[sflag:s17] =	ssyncset.done $0x0  }
0x23f: {  	s8 =	simm.s32 @!p1 $0x8;
	[sflag:s17] =	ssyncadd.s32 $0xFFFFFF80  }
0x240: {  	_ =	swait.ge @!p1 [sflag:s8], $0x80  }
0x241: {  	[sflag:s8] =	ssyncset.done @!p1 $0x0  }
0x242: {  	[sflag:s8] =	ssyncadd.s32 @!p1 $0xFFFFFF80  }
0x243: {  	v1 =	vld [tilespmem:$0xB680]  }
0x244: {  	v4 =	vld [tilespmem:$0xB690]  }
0x245: {  	v3 =	vld [tilespmem:$0xB6A0]  }
0x246: {  	v2 =	vld [tilespmem:$0xB6B0]  }
0x247: {  	v0 =	vld [tilespmem:$0xB6C0]  }
0x248: {  	s21 =	simm.s32 $0x400;
	v5 =	vmax.f32 v1, $1.000000000e+00;
	v1 =	vld [tilespmem:$0xB6D0]  }
.LBB2_6:
0x249: {  	v4 =	vmax.f32 v4, $1.000000000e+00;
	v6 =	vld [tilespmem:$0xB6E0];
	(erf) = vrcp.f32 v5;
	s22 =	smov.u32 s21;
	s21 =	sadd.s32 $0x400, s21  }
0x24a: {  	p1 =	sne.s32 s21, $0x3400;
	v3 =	vmax.f32 v3, $1.000000000e+00;
	v5 =	vld [tilespmem:$0xB6F0];
	(erf) = vrcp.f32 v4  }
0x24b: {  	v2 =	vmax.f32 v2, $1.000000000e+00;
	(erf) = vrcp.f32 v3  }
0x24c: {  	v0 =	vmax.f32 v0, $1.000000000e+00;
	(erf) = vrcp.f32 v2  }
0x24d: {  	v1 =	vmax.f32 v1, $1.000000000e+00;
	(erf) = vrcp.f32 v0  }
0x24e: {  	v0 =	vmax.f32 v6, $1.000000000e+00;
	(erf) = vrcp.f32 v1  }
0x24f: {  	v1 =	vmax.f32 v5, $1.000000000e+00;
	(erf) = vrcp.f32 v0  }
0x250: {  	(erf) = vrcp.f32 v1;
	_ =	sdelay $0x1  }
0x251: {  	v0 =	vpop (erf)  }
0x252: {  	[tilespmem:$0xB780] =	vst v0;
	v0 =	vpop (erf)  }
0x253: {  	[tilespmem:$0xB790] =	vst v0;
	v0 =	vpop (erf)  }
0x254: {  	[tilespmem:$0xB7A0] =	vst v0;
	v0 =	vpop (erf)  }
0x255: {  	[tilespmem:$0xB7B0] =	vst v0;
	v0 =	vpop (erf)  }
0x256: {  	[tilespmem:$0xB7C0] =	vst v0;
	v0 =	vpop (erf)  }
0x257: {  	[tilespmem:$0xB7D0] =	vst v0;
	v0 =	vpop (erf)  }
0x258: {  	[tilespmem:$0xB7E0] =	vst v0;
	v0 =	vpop (erf)  }
0x259: {  	[tilespmem:$0xB7F0] =	vst v0  }
0x25a: {  	[spmem:s2] =	stream.indirect.scatter.add.f32 [tilespmem:s5], [sflag:$0x8], $0x1, s31, s15, $0xb8;
	[tilespmem:$0x1FD00] =	vst v63  }
0x25b: {  	_ =	swait.ge [sflag:s9], $0x4000  }
0x25c: {  	p2 =	seq.s32 s22, $0x0;
	[sflag:s9] =	ssyncset.done $0x0  }
0x25d: {  	s8 =	simm.s32 @!p2 $0x6;
	[sflag:s9] =	ssyncadd.s32 $0xFFFFC000  }
0x25e: {  	_ =	swait.ge @!p2 [sflag:s8], $0x4000  }
0x25f: {  	s24 =	sshra.s32 s22, $0x2;
	[sflag:s8] =	ssyncset.done @!p2 $0x0  }
0x260: {  	s31 =	sadd.s32 $0x80, s24;
	[sflag:s8] =	ssyncadd.s32 @!p2 $0xFFFFC000  }
0x261: {  	[tilespmem:s7], [sflag:$0x2] =	stream.indirect.gather [hbm4b:s0+s15], $0x80, s31, s15, $0xb8;
	[tilespmem:$0x1FD00] =	vst v63  }
0x262: {  	s23 =	sadd.s32 $0xD80, s24  }
0x263: {  	[tilespmem:s10], [sflag:$0x4] =	stream.indirect.gather [hbm4b:s18+s15], $0x1, s23, s15, $0xb8;
	[tilespmem:$0x1FD00] =	vst v63  }
0x264: {  	s8 =	sadd.s32 $0xD00, s24  }
0x265: {  	[spmem:s1] =	stream.indirect.scatter.add.f32 [tilespmem:s3], [sflag:$0x5], $0x80, s8, s15, $0xb8;
	[tilespmem:$0x1FD00] =	vst v63  }
0x266: {  	_ =	swait.ge [sflag:s11], $0x80  }
0x267: {  	[sflag:s11] =	ssyncset.done $0x0  }
0x268: {  	s8 =	simm.s32 @!p2 $0x7;
	[sflag:s11] =	ssyncadd.s32 $0xFFFFFF80  }
0x269: {  	_ =	swait.ge @!p2 [sflag:s8], $0x80  }
0x26a: {  	[sflag:s8] =	ssyncset.done @!p2 $0x0  }
0x26b: {  	[sflag:s8] =	ssyncadd.s32 @!p2 $0xFFFFFF80  }
0x26c: {  	v0 =	vld [tilespmem:$0xB630]  }
0x26d: {  	v1 =	vld [tilespmem:$0xB620]  }
0x26e: {  	v2 =	vld [tilespmem:$0xB600]  }
0x26f: {  	v3 =	vld [tilespmem:$0xB650]  }
0x270: {  	v4 =	vld [tilespmem:$0xB610]  }
0x271: {  	v5 =	vld [tilespmem:$0xB670]  }
0x272: {  	v1 =	vmax.f32 v1, $1.000000000e+00;
	v6 =	vld [tilespmem:$0xB660]  }
0x273: {  	v0 =	vmax.f32 v0, $1.000000000e+00;
	v2 =	vmax.f32 v2, $1.000000000e+00;
	v7 =	vld [tilespmem:$0xB640];
	(erf) = vrcp.f32 v1  }
0x274: {  	v1 =	vmax.f32 v3, $1.000000000e+00;
	(erf) = vrcp.f32 v2  }
0x275: {  	v2 =	vmax.f32 v4, $1.000000000e+00;
	(erf) = vrcp.f32 v1  }
0x276: {  	v1 =	vmax.f32 v5, $1.000000000e+00;
	(erf) = vrcp.f32 v2  }
0x277: {  	v2 =	vmax.f32 v6, $1.000000000e+00;
	(erf) = vrcp.f32 v1  }
0x278: {  	v1 =	vmax.f32 v7, $1.000000000e+00;
	(erf) = vrcp.f32 v2  }
0x279: {  	(erf) = vrcp.f32 v1  }
0x27a: {  	(erf) = vrcp.f32 v0;
	_ =	sdelay $0x1  }
0x27b: {  	v0 =	vpop (erf)  }
0x27c: {  	[tilespmem:$0xB720] =	vst v0;
	v0 =	vpop (erf)  }
0x27d: {  	[tilespmem:$0xB700] =	vst v0;
	v0 =	vpop (erf)  }
0x27e: {  	[tilespmem:$0xB750] =	vst v0;
	v0 =	vpop (erf)  }
0x27f: {  	[tilespmem:$0xB710] =	vst v0;
	v0 =	vpop (erf)  }
0x280: {  	[tilespmem:$0xB770] =	vst v0;
	v0 =	vpop (erf)  }
0x281: {  	[tilespmem:$0xB760] =	vst v0;
	v0 =	vpop (erf)  }
0x282: {  	[tilespmem:$0xB740] =	vst v0;
	v0 =	vpop (erf)  }
0x283: {  	[tilespmem:$0xB730] =	vst v0  }
0x284: {  	[spmem:s2] =	stream.indirect.scatter.add.f32 [tilespmem:s12], [sflag:$0x7], $0x1, s24, s15, $0xb8;
	[tilespmem:$0x1FD00] =	vst v63  }
0x285: {  	_ =	swait.ge [sflag:s13], $0x4000  }
0x286: {  	[sflag:s13] =	ssyncset.done $0x0  }
0x287: {  	[sflag:s13] =	ssyncadd.s32 $0xFFFFC000  }
0x288: {  	p3 =	seq.s32 s22, $0x3000;
	_ =	swait.ge [sflag:s14], $0x4000  }
0x289: {  	s8 =	sshra.s32 @!p3 s22, $0x2;
	s22 =	simm.s32 @!p3 $0x3600;
	[sflag:s14] =	ssyncset.done $0x0  }
0x28a: {  	s25 =	simm.s32 @!p3 $0x80;
	s24 =	sadd.s32 @!p3 $0x100, s8;
	[sflag:s14] =	ssyncadd.s32 $0xFFFFC000  }
0x28b: {  	[tilespmem:s22], [sflag:$0x1] =	stream.indirect.gather @!p3 [hbm4b:s0+s25], $0x80, s24, s25, $0xb8;
	[tilespmem:$0x1FD00] =	vst v63  }
0x28c: {  	s8 =	sadd.s32 @!p3 $0xE00, s8;
	s22 =	simm.s32 @!p3 $0xB600  }
0x28d: {  	[tilespmem:s22], [sflag:$0x3] =	stream.indirect.gather @!p3 [hbm4b:s18+s25], $0x1, s8, s25, $0xb8;
	[tilespmem:$0x1FD00] =	vst v63  }
0x28e: {  	_ = 	snop  }
0x28f: {  	[spmem:s1] =	stream.indirect.scatter.add.f32 [tilespmem:s7], [sflag:$0x6], $0x80, s23, s15, $0xb8;
	[tilespmem:$0x1FD00] =	vst v63  }
0x290: {  	_ =	swait.ge [sflag:s17], $0x80  }
0x291: {  	[sflag:s17] =	ssyncset.done $0x0  }
0x292: {  	s8 =	simm.s32 @!p2 $0x8;
	[sflag:s17] =	ssyncadd.s32 $0xFFFFFF80  }
0x293: {  	_ =	swait.ge @!p2 [sflag:s8], $0x80  }
0x294: {  	[sflag:s8] =	ssyncset.done @!p2 $0x0  }
0x295: {  	[sflag:s8] =	ssyncadd.s32 @!p2 $0xFFFFFF80  }
0x296: {  	v1 =	vld [tilespmem:$0xB680]  }
.Ltmp4:
0x297: {  	v4 =	vld [tilespmem:$0xB690];
	(pc) =	sbr.rel @p1 .LBB2_6-.Ltmp4, $4  }
0x298: {  	v3 =	vld [tilespmem:$0xB6A0]  }
0x299: {  	v2 =	vld [tilespmem:$0xB6B0]  }
0x29a: {  	v0 =	vld [tilespmem:$0xB6C0]  }
0x29b: {  	v5 =	vmax.f32 v1, $1.000000000e+00;
	v1 =	vld [tilespmem:$0xB6D0]  }
0x29c: {  	v4 =	vmax.f32 v4, $1.000000000e+00;
	v6 =	vld [tilespmem:$0xB6E0];
	(erf) = vrcp.f32 v5  }
0x29d: {  	v53 =	vld [tilespmem:$0xB6F0];
	v3 =	vmax.f32 v3, $1.000000000e+00;
	(erf) = vrcp.f32 v4  }
0x29e: {  	v2 =	vmax.f32 v2, $1.000000000e+00;
	(erf) = vrcp.f32 v3  }
0x29f: {  	v0 =	vmax.f32 v0, $1.000000000e+00;
	(erf) = vrcp.f32 v2  }
0x2a0: {  	v1 =	vmax.f32 v1, $1.000000000e+00;
	(erf) = vrcp.f32 v0  }
0x2a1: {  	v54 =	vmax.f32 v6, $1.000000000e+00;
	(erf) = vrcp.f32 v1  }
0x2a2: {  	v55 =	vmax.f32 v53, $1.000000000e+00;
	(erf) = vrcp.f32 v54  }
0x2a3: {  	(erf) = vrcp.f32 v55;
	_ =	sdelay $0x1  }
0x2a4: {  	v56 =	vpop (erf)  }
0x2a5: {  	[tilespmem:$0xB780] =	vst v56;
	v57 =	vpop (erf)  }
0x2a6: {  	[tilespmem:$0xB790] =	vst v57;
	v58 =	vpop (erf)  }
0x2a7: {  	[tilespmem:$0xB7A0] =	vst v58;
	v59 =	vpop (erf)  }
0x2a8: {  	[tilespmem:$0xB7B0] =	vst v59;
	v60 =	vpop (erf)  }
0x2a9: {  	[tilespmem:$0xB7C0] =	vst v60;
	v61 =	vpop (erf)  }
0x2aa: {  	[tilespmem:$0xB7D0] =	vst v61;
	v62 =	vpop (erf)  }
0x2ab: {  	[tilespmem:$0xB7E0] =	vst v62;
	v63 =	vpop (erf)  }
0x2ac: {  	[tilespmem:$0xB7F0] =	vst v63  }
0x2ad: {  	[spmem:s2] =	stream.indirect.scatter.add.f32 [tilespmem:s5], [sflag:$0x8], $0x1, s31, s15, $0xb8;
	[tilespmem:$0x1FD00] =	vst v63  }
0x2ae: {  	_ =	swait.ge [sflag:s6], $0x4000  }
0x2af: {  	[sflag:s6] =	ssyncset.done $0x0  }
0x2b0: {  	[sflag:s6] =	ssyncadd.s32 $0xFFFFC000  }
0x2b1: {  	_ =	swait.ge [sflag:s19], $0x80  }
.Ltmp5:
0x2b2: {  	[sflag:s19] =	ssyncset.done $0x0;
	(pc) =	sbr.rel @p0 .LBB2_9-.Ltmp5, $4  }
0x2b3: {  	[sflag:s19] =	ssyncadd.s32 $0xFFFFFF80  }
0x2b4: {  	_ =	swait.ge [sflag:s20], $0x80  }
0x2b5: {  	[sflag:s20] =	ssyncset.done $0x0  }
0x2b6: {  	s26 =	rddreg [dreg:$0x16];
	[sflag:s20] =	ssyncadd.s32 $0xFFFFFF80  }
0x2b7: {  	s6 =	simm.s32 $0x3400  }
0x2b8: {  	[tilespmem:s3], [sflag:$0x1] =	stream.indirect.gather [hbm4b:s0+s15], $0x80, s6, s15, $0xb8;
	[tilespmem:$0x1FD00] =	vst v63  }
0x2b9: {  	s8 =	simm.s32 $0xB600;
	s21 =	simm.s32 $0x3500  }
0x2ba: {  	[tilespmem:s8], [sflag:$0x3] =	stream.indirect.gather [hbm4b:s18+s15], $0x1, s21, s15, $0xb8;
	[tilespmem:$0x1FD00] =	vst v63  }
0x2bb: {  	_ =	swait.ge [sflag:s9], $0x4000  }
0x2bc: {  	[sflag:s9] =	ssyncset.done $0x0  }
0x2bd: {  	[sflag:s9] =	ssyncadd.s32 $0xFFFFC000  }
0x2be: {  	[spmem:s1] =	stream.indirect.scatter.add.f32 [tilespmem:s3], [sflag:$0xB], $0x80, s21, s15, $0xb8;
	[tilespmem:$0x1FD00] =	vst v63  }
0x2bf: {  	_ =	swait.ge [sflag:s30], $0x4000  }
0x2c0: {  	[sflag:s30] =	ssyncset.done $0x0  }
0x2c1: {  	[sflag:s30] =	ssyncadd.s32 $0xFFFFC000  }
0x2c2: {  	_ =	swait.ge [sflag:s11], $0x80  }
0x2c3: {  	[sflag:s11] =	ssyncset.done $0x0  }
0x2c4: {  	[sflag:s11] =	ssyncadd.s32 $0xFFFFFF80  }
0x2c5: {  	v0 =	vld [tilespmem:$0xB600]  }
0x2c6: {  	v1 =	vld [tilespmem:$0xB610]  }
0x2c7: {  	v2 =	vld [tilespmem:$0xB620]  }
0x2c8: {  	v3 =	vld [tilespmem:$0xB630]  }
0x2c9: {  	v4 =	vld [tilespmem:$0xB640]  }
0x2ca: {  	v5 =	vld [tilespmem:$0xB650];
	v0 =	vmax.f32 v0, $1.000000000e+00  }
0x2cb: {  	v25 =	vld [tilespmem:$0xB660];
	v24 =	vmax.f32 v1, $1.000000000e+00;
	(erf) = vrcp.f32 v0  }
0x2cc: {  	v27 =	vld [tilespmem:$0xB670];
	v26 =	vmax.f32 v2, $1.000000000e+00;
	(erf) = vrcp.f32 v24  }
0x2cd: {  	v28 =	vmax.f32 v3, $1.000000000e+00;
	(erf) = vrcp.f32 v26  }
0x2ce: {  	v29 =	vmax.f32 v4, $1.000000000e+00;
	(erf) = vrcp.f32 v28  }
0x2cf: {  	v30 =	vmax.f32 v5, $1.000000000e+00;
	(erf) = vrcp.f32 v29  }
0x2d0: {  	v31 =	vmax.f32 v25, $1.000000000e+00;
	(erf) = vrcp.f32 v30  }
0x2d1: {  	v32 =	vmax.f32 v27, $1.000000000e+00;
	(erf) = vrcp.f32 v31  }
0x2d2: {  	(erf) = vrcp.f32 v32;
	_ =	sdelay $0x1  }
0x2d3: {  	v33 =	vpop (erf)  }
0x2d4: {  	[tilespmem:$0xB700] =	vst v33;
	v34 =	vpop (erf)  }
0x2d5: {  	[tilespmem:$0xB710] =	vst v34;
	v35 =	vpop (erf)  }
0x2d6: {  	[tilespmem:$0xB720] =	vst v35;
	v36 =	vpop (erf)  }
0x2d7: {  	[tilespmem:$0xB730] =	vst v36;
	v37 =	vpop (erf)  }
0x2d8: {  	[tilespmem:$0xB740] =	vst v37;
	v38 =	vpop (erf)  }
0x2d9: {  	[tilespmem:$0xB750] =	vst v38;
	v39 =	vpop (erf)  }
0x2da: {  	[tilespmem:$0xB760] =	vst v39;
	v40 =	vpop (erf)  }
0x2db: {  	[tilespmem:$0xB770] =	vst v40  }
0x2dc: {  	[spmem:s2] =	stream.indirect.scatter.add.f32 [tilespmem:s12], [sflag:$0xB], $0x1, s6, s15, $0xb8;
	[tilespmem:$0x1FD00] =	vst v63  }
0x2dd: {  	_ =	swait.ge [sflag:s30], $0x80  }
0x2de: {  	[sflag:s30] =	ssyncset.done $0x0  }
0x2df: {  	s25 =	simm.s32 $0x3480;
	[sflag:s30] =	ssyncadd.s32 $0xFFFFFF80  }
0x2e0: {  	[tilespmem:s3], [sflag:$0x1] =	stream.indirect.gather [hbm4b:s0+s15], $0x80, s25, s15, $0xb8;
	[tilespmem:$0x1FD00] =	vst v63  }
0x2e1: {  	s31 =	simm.s32 $0x3580  }
0x2e2: {  	[tilespmem:s8], [sflag:$0x3] =	stream.indirect.gather [hbm4b:s18+s15], $0x1, s31, s15, $0xb8;
	[tilespmem:$0x1FD00] =	vst v63  }
0x2e3: {  	_ =	swait.ge [sflag:s9], $0x4000  }
0x2e4: {  	[sflag:s9] =	ssyncset.done $0x0  }
0x2e5: {  	[sflag:s9] =	ssyncadd.s32 $0xFFFFC000  }
0x2e6: {  	[spmem:s1] =	stream.indirect.scatter.add.f32 [tilespmem:s3], [sflag:$0xB], $0x80, s31, s15, $0xb8;
	[tilespmem:$0x1FD00] =	vst v63  }
0x2e7: {  	_ =	swait.ge [sflag:s30], $0x4000  }
0x2e8: {  	[sflag:s30] =	ssyncset.done $0x0  }
0x2e9: {  	[sflag:s30] =	ssyncadd.s32 $0xFFFFC000  }
0x2ea: {  	_ =	swait.ge [sflag:s11], $0x80  }
0x2eb: {  	[sflag:s11] =	ssyncset.done $0x0  }
0x2ec: {  	[sflag:s11] =	ssyncadd.s32 $0xFFFFFF80  }
0x2ed: {  	v41 =	vld [tilespmem:$0xB600]  }
0x2ee: {  	v42 =	vld [tilespmem:$0xB610]  }
0x2ef: {  	v43 =	vld [tilespmem:$0xB620]  }
0x2f0: {  	v44 =	vld [tilespmem:$0xB630]  }
0x2f1: {  	v45 =	vld [tilespmem:$0xB640]  }
0x2f2: {  	v46 =	vld [tilespmem:$0xB650];
	v0 =	vmax.f32 v41, $1.000000000e+00  }
0x2f3: {  	v48 =	vld [tilespmem:$0xB660];
	v47 =	vmax.f32 v42, $1.000000000e+00;
	(erf) = vrcp.f32 v0  }
0x2f4: {  	v50 =	vld [tilespmem:$0xB670];
	v49 =	vmax.f32 v43, $1.000000000e+00;
	(erf) = vrcp.f32 v47  }
0x2f5: {  	v51 =	vmax.f32 v44, $1.000000000e+00;
	(erf) = vrcp.f32 v49  }
0x2f6: {  	v52 =	vmax.f32 v45, $1.000000000e+00;
	(erf) = vrcp.f32 v51  }
0x2f7: {  	v53 =	vmax.f32 v46, $1.000000000e+00;
	(erf) = vrcp.f32 v52  }
0x2f8: {  	v54 =	vmax.f32 v48, $1.000000000e+00;
	(erf) = vrcp.f32 v53  }
0x2f9: {  	v55 =	vmax.f32 v50, $1.000000000e+00;
	(erf) = vrcp.f32 v54  }
0x2fa: {  	(erf) = vrcp.f32 v55;
	_ =	sdelay $0x1  }
0x2fb: {  	v56 =	vpop (erf)  }
0x2fc: {  	v57 =	vpop (erf);
	[tilespmem:$0xB700] =	vst v56  }
0x2fd: {  	v58 =	vpop (erf);
	[tilespmem:$0xB710] =	vst v57  }
0x2fe: {  	v59 =	vpop (erf);
	[tilespmem:$0xB720] =	vst v58  }
0x2ff: {  	v60 =	vpop (erf);
	[tilespmem:$0xB730] =	vst v59  }
0x300: {  	v61 =	vpop (erf);
	[tilespmem:$0xB740] =	vst v60  }
0x301: {  	v62 =	vpop (erf);
	[tilespmem:$0xB750] =	vst v61  }
0x302: {  	[tilespmem:$0xB760] =	vst v62;
	v63 =	vpop (erf)  }
.Ltmp6:
0x303: {  	[tilespmem:$0xB770] =	vst v63;
	(pc) =	sbr.rel .LBB2_9-.Ltmp6, $4  }
0x304: {  	[spmem:s2] =	stream.indirect.scatter.add.f32 [tilespmem:s12], [sflag:$0xB], $0x1, s25, s15, $0xb8;
	[tilespmem:$0x1FD00] =	vst v63  }
0x305: {  	_ =	swait.ge [sflag:s30], $0x80  }
0x306: {  	[sflag:s30] =	ssyncset.done $0x0  }
0x307: {  	[sflag:s30] =	ssyncadd.s32 $0xFFFFFF80  }
.LBB2_10:
0x308: {  	_ =	sfence.sel $0x180000  }
0x309: {  	[bflag:$0x0] =	sbarrier.arrive $0xFFFF  }
0x30a: {  	_ =	strace $0x9000004A  }
0x30b: {  	[bflag:$0x2] =	sbarrier.arrive $0xFFFF  }
0x30c: {  	s0 =	rddreg [dreg:$0x4]  }
0x30d: {  	s0 =	sadd.s32 @!p0 $0x100000, s0  }
0x30e: {  	[sflag:s0] =	ssyncadd.tile.s32 @!p0 $0x1;
	_ =	shalt  }
.Lfunc_end2:
_tile_overlayer_lowered:
.L_overlay_start_2:
0x30f: {  	(tag) =	ssettag $0x2  }
0x310: {  	s0 =	rddreg [dreg:$0x0];
	s2 =	stileid.u32  }
0x311: {  	s1 =	rddreg [dreg:$0x1];
	p0 =	sne.s32 s2, $0x0  }
0x312: {  	s3 =	rddreg [dreg:$0x2];
	[bflag:$0x3] =	sbarrier.arrive $0xFFFF;
	s2 =	simm.s32 @!p0 $0x1C0B  }
0x313: {  	[timem:s3], [sflag:s2] =	dma.local @!p0 [hbm:s0], s1  }
0x314: {  	s0 =	simm.s32 @!p0 $0xB  }
0x315: {  	_ =	swait.ge @!p0 [sflag:s0], s1  }
0x316: {  	s1 =	ssub.s32 @!p0 $0x0, s1;
	[sflag:s0] =	ssyncset.done @!p0 $0x0  }
0x317: {  	[sflag:s0] =	ssyncadd.s32 @!p0 s1  }
0x318: {  	[bflag:$0x3] =	sbarrier.arrive $0xFFFF  }
0x319: {  	_ =	shalt  }

</sc_bundles>
